<compile_context>
chip_gen: v7x
topology: tpu7x:2x2x1
jax: 0.10.2.dev20260603
libtpu: 0.0.44.dev20260713+nightly
codegen_flags: <defaults>
</compile_context>

<pallas_src>
import functools

import jax
import jax.numpy as jnp
from jax import lax
from jax.experimental import pallas as pl
from jax.experimental.pallas import tpu as pltpu
from jax.experimental.pallas import tpu_sc as plsc

N_NODES = 100000
D_FEAT = 128
NUM_GRAPHS = 256
NUM_GLOBAL = 16
CHUNK = 400
SUB = 100
NSUB = CHUNK // SUB
NCHUNK = N_NODES // CHUNK
NW = 32
MAX_CHUNKS_PER_W = -(-NCHUNK // NW)
CW = 16


def _sc_segment_sums(x, batch_i32):
    mesh = plsc.VectorSubcoreMesh(core_axis_name="c", subcore_axis_name="s")

    @functools.partial(
        pl.kernel,
        mesh=mesh,
        out_type=(
            jax.ShapeDtypeStruct((2 * NUM_GRAPHS, D_FEAT), jnp.float32),
            jax.ShapeDtypeStruct((2 * NUM_GRAPHS, CW), jnp.float32),
        ),
        scratch_types=(
            pltpu.VMEM((CHUNK, D_FEAT), jnp.float32),
            pltpu.VMEM((CHUNK, D_FEAT), jnp.float32),
            pltpu.VMEM((NSUB, SUB), jnp.int32),
            pltpu.VMEM((NSUB, SUB), jnp.int32),
            pltpu.VMEM((SUB, CW), jnp.float32),
            pltpu.VMEM((16, D_FEAT), jnp.float32),
            pltpu.VMEM((16, CW), jnp.float32),
            pltpu.VMEM_SHARED((NUM_GRAPHS, D_FEAT), jnp.float32),
            pltpu.VMEM_SHARED((NUM_GRAPHS, CW), jnp.float32),
            pltpu.SemaphoreType.DMA,
            pltpu.SemaphoreType.DMA,
            pltpu.SemaphoreType.DMA,
            pltpu.SemaphoreType.DMA,
            pltpu.SemaphoreType.DMA,
            pltpu.SemaphoreType.DMA,
        ),
        compiler_params=pltpu.CompilerParams(use_tc_tiling_on_sc=False),
    )
    def sc_kernel(x_hbm, b_hbm, sums_hbm, cnts_hbm,
                  xbuf0, xbuf1, idxbuf0, idxbuf1, onesbuf, bounce_d, bounce_c,
                  acc_sh, cnt_sh, semx0, semx1, semi0, semi1, sems0, sems1):
        c = lax.axis_index("c")
        s = lax.axis_index("s")
        w = s * 2 + c
        xbufs = (xbuf0, xbuf1)
        idxbufs = (idxbuf0, idxbuf1)
        semxs = (semx0, semx1)
        semis = (semi0, semi1)
        semss = (sems0, sems1)

        zeros16 = jnp.zeros((16,), jnp.float32)
        ones16 = jnp.ones((16,), jnp.float32)
        for r in range(16):
            for col in range(D_FEAT // 16):
                bounce_d[r, pl.ds(col * 16, 16)] = zeros16
            bounce_c[r, :] = zeros16
        for r in range(SUB):
            onesbuf[r, :] = ones16

        pltpu.sync_copy(bounce_d, acc_sh.at[pl.ds(s * 16, 16)])
        pltpu.sync_copy(bounce_c, cnt_sh.at[pl.ds(s * 16, 16)])
        plsc.subcore_barrier()

        def fetch(j, slot):
            i = w + NW * j
            pltpu.async_copy(x_hbm.at[pl.ds(i * CHUNK, CHUNK)],
                             xbufs[slot], semxs[slot])
            pltpu.async_copy(b_hbm.at[pl.ds(i * NSUB, NSUB)],
                             idxbufs[slot], semis[slot])

        def wait_fetch(j, slot):
            i = w + NW * j
            pltpu.make_async_copy(x_hbm.at[pl.ds(i * CHUNK, CHUNK)],
                                  xbufs[slot], semxs[slot]).wait()
            pltpu.make_async_copy(b_hbm.at[pl.ds(i * NSUB, NSUB)],
                                  idxbufs[slot], semis[slot]).wait()

        def issue_scatters(slot):
            for k in range(NSUB):
                pltpu.async_copy(xbufs[slot].at[pl.ds(k * SUB, SUB)],
                                 acc_sh.at[idxbufs[slot].at[k]],
                                 semss[slot], add=True)
                pltpu.async_copy(onesbuf, cnt_sh.at[idxbufs[slot].at[k]],
                                 semss[slot], add=True)

        def wait_scatters(slot):
            for k in range(NSUB):
                pltpu.make_async_copy(xbufs[slot].at[pl.ds(k * SUB, SUB)],
                                      acc_sh.at[idxbufs[slot].at[k]],
                                      semss[slot]).wait()
                pltpu.make_async_copy(onesbuf, cnt_sh.at[idxbufs[slot].at[k]],
                                      semss[slot]).wait()

        fetch(0, 0)
        for j in range(MAX_CHUNKS_PER_W):
            slot = j % 2
            i = w + NW * j

            @pl.when(i < NCHUNK)
            def _():
                wait_fetch(j, slot)
                issue_scatters(slot)

            if j >= 1:
                @pl.when(w + NW * (j - 1) < NCHUNK)
                def _():
                    wait_scatters(1 - slot)

            if j + 1 < MAX_CHUNKS_PER_W:
                @pl.when(w + NW * (j + 1) < NCHUNK)
                def _():
                    fetch(j + 1, 1 - slot)

        last = MAX_CHUNKS_PER_W - 1

        @pl.when(w + NW * last < NCHUNK)
        def _():
            wait_scatters(last % 2)

        plsc.subcore_barrier()

        out_row = c * NUM_GRAPHS + s * 16
        pltpu.sync_copy(acc_sh.at[pl.ds(s * 16, 16)], bounce_d)
        pltpu.sync_copy(bounce_d, sums_hbm.at[pl.ds(out_row, 16)])
        pltpu.sync_copy(cnt_sh.at[pl.ds(s * 16, 16)], bounce_c)
        pltpu.sync_copy(bounce_c, cnts_hbm.at[pl.ds(out_row, 16)])

    return sc_kernel(x, batch_i32)


def _tc_mlp(sums2, cnts2, u, W1, b1, W2, b2):
    g = NUM_GRAPHS

    def body(s_ref, c_ref, u_ref, w1_ref, b1_ref, w2_ref, b2_ref, o_ref):
        sums = s_ref[0:g, :] + s_ref[g:2 * g, :]
        counts = c_ref[0:g, 0:1] + c_ref[g:2 * g, 0:1]
        mean = sums / jnp.maximum(counts, 1.0)
        h = (jnp.dot(u_ref[:], w1_ref[0:NUM_GLOBAL, :],
                     preferred_element_type=jnp.float32)
             + jnp.dot(mean, w1_ref[NUM_GLOBAL:, :],
                       preferred_element_type=jnp.float32)
             + b1_ref[:])
        h = jnp.maximum(h, 0.0)
        o_ref[:] = jnp.dot(h, w2_ref[:],
                           preferred_element_type=jnp.float32) + b2_ref[:]

    return pl.pallas_call(
        body,
        out_shape=jax.ShapeDtypeStruct((g, W2.shape[1]), jnp.float32),
    )(sums2, cnts2, u, W1, b1.reshape(1, -1), W2, b2.reshape(1, -1))


def kernel(x, edge_index, edge_attr, u, batch, W1, b1, W2, b2):
    del edge_index, edge_attr
    batch_2d = batch.astype(jnp.int32).reshape(NCHUNK * NSUB, SUB)
    sums2, cnts2 = _sc_segment_sums(x, batch_2d)
    return _tc_mlp(sums2, cnts2, u, W1, b1, W2, b2)

# --- scband reference (transcript-rebuilt; emitter-appended) ---
"""Pipeline reference for scband-global-model-17497696764458 (READ-ONLY COPY).

The authoritative reference and input builder live on the scoring server;
editing this copy changes nothing except your own understanding.
"""

import jax, jax.numpy as jnp
import numpy as np

N_NODES = 100000
N_EDGES = 1600000
D_FEAT = 128
D_EDGE = 4
NUM_GRAPHS = 256
NUM_GLOBAL = 16
HIDDEN = 128
NUM_TARGETS = 32


def setup_inputs(seed: int = 0) -> dict:
    key = jax.random.key(seed)
    ks = jax.random.split(key, 10)
    x = jax.random.normal(ks[0], (N_NODES, D_FEAT), dtype=jnp.float32)
    edge_index = jax.random.randint(ks[1], (2, N_EDGES), 0, N_NODES, dtype=jnp.int64)
    edge_attr = jax.random.normal(ks[2], (N_EDGES, D_EDGE), dtype=jnp.float32)
    u = jax.random.normal(ks[3], (NUM_GRAPHS, NUM_GLOBAL), dtype=jnp.float32)
    batch = jnp.sort(jax.random.randint(ks[4], (N_NODES,), 0, NUM_GRAPHS, dtype=jnp.int64))
    in_channels = NUM_GLOBAL + D_FEAT
    lim1 = 1.0 / np.sqrt(in_channels)
    lim2 = 1.0 / np.sqrt(HIDDEN)
    W1 = jax.random.uniform(ks[5], (in_channels, HIDDEN), minval=-lim1, maxval=lim1, dtype=jnp.float32)
    b1 = jax.random.uniform(ks[6], (HIDDEN,), minval=-lim1, maxval=lim1, dtype=jnp.float32)
    W2 = jax.random.uniform(ks[7], (HIDDEN, NUM_TARGETS), minval=-lim2, maxval=lim2, dtype=jnp.float32)
    b2 = jax.random.uniform(ks[8], (NUM_TARGETS,), minval=-lim2, maxval=lim2, dtype=jnp.float32)
    return {"x": x, "edge_index": edge_index, "edge_attr": edge_attr, "u": u, "batch": batch, "W1": W1, "b1": b1, "W2": W2, "b2": b2}


def reference(x, edge_index, edge_attr, u, batch, W1, b1, W2, b2):
    num_graphs = u.shape[0]
    # scatter_mean(x, batch, dim=0)
    sums = jax.ops.segment_sum(x, batch, num_segments=num_graphs)
    counts = jax.ops.segment_sum(jnp.ones((x.shape[0],), dtype=x.dtype), batch, num_segments=num_graphs)
    mean = sums / jnp.clip(counts, 1.0, None)[:, None]
    out = jnp.concatenate([u, mean], axis=1)
    h = jax.nn.relu(out @ W1 + b1)
    return h @ W2 + b2

if __name__ == "__main__":
    import jax
    _d = setup_inputs()
    print(jax.jit(kernel)(*tuple(_d.values())))

</pallas_src>

<mosaic_0001>
#map = affine_map<(d0, d1) -> (0, 0)>
module attributes {stable_mosaic.version = 14 : i64} {
  func.func @sc_kernel(%arg0: i32, %arg1: i32, %arg2: memref<100000x128xf32, #tpu.memory_space<hbm>>, %arg3: memref<1000x100xi32, #tpu.memory_space<hbm>>, %arg4: memref<512x128xf32, #tpu.memory_space<hbm>>, %arg5: memref<512x16xf32, #tpu.memory_space<hbm>>, %arg6: memref<400x128xf32, #tpu.memory_space<vmem>>, %arg7: memref<400x128xf32, #tpu.memory_space<vmem>>, %arg8: memref<4x100xi32, #tpu.memory_space<vmem>>, %arg9: memref<4x100xi32, #tpu.memory_space<vmem>>, %arg10: memref<100x16xf32, #tpu.memory_space<vmem>>, %arg11: memref<16x128xf32, #tpu.memory_space<vmem>>, %arg12: memref<16x16xf32, #tpu.memory_space<vmem>>, %arg13: memref<256x128xf32, #tpu.memory_space<vmem_shared>>, %arg14: memref<256x16xf32, #tpu.memory_space<vmem_shared>>, %arg15: memref<!tpu.dma_semaphore, #tpu.memory_space<semaphore_mem>>, %arg16: memref<!tpu.dma_semaphore, #tpu.memory_space<semaphore_mem>>, %arg17: memref<!tpu.dma_semaphore, #tpu.memory_space<semaphore_mem>>, %arg18: memref<!tpu.dma_semaphore, #tpu.memory_space<semaphore_mem>>, %arg19: memref<!tpu.dma_semaphore, #tpu.memory_space<semaphore_mem>>, %arg20: memref<!tpu.dma_semaphore, #tpu.memory_space<semaphore_mem>>) attributes {dimension_semantics = [#tpu.dimension_semantics<core_parallel>, #tpu.dimension_semantics<subcore_parallel>], iteration_bounds = array<i64: 2, 16>, scalar_prefetch = 0 : i64, scratch_operands = 15 : i64, tpu.core_type = #tpu.core_type<sc_vector_subcore>, window_params = [{transform_indices = #map}, {transform_indices = #map}, {transform_indices = #map}, {transform_indices = #map}]} {
    %mul3A = arith.constant 2 : i32
    %mul3A_0 = arith.muli %arg1, %mul3A : i32
    %add3A = arith.addi %mul3A_0, %arg0 : i32
    %broadcast_in_dim3A = arith.constant 0.000000e+00 : f32
    %broadcast_in_dim3A_1 = vector.broadcast %broadcast_in_dim3A : f32 to vector<16xf32>
    %broadcast_in_dim3A_2 = arith.constant 1.000000e+00 : f32
    %broadcast_in_dim3A_3 = vector.broadcast %broadcast_in_dim3A_2 : f32 to vector<16xf32>
    %swap3A = arith.constant 0 : i32
    %swap3A_4 = arith.index_cast %swap3A : i32 to index
    %swap3A_5 = arith.constant 0 : index
    %swap3A_6 = tpu.vector_load %arg11[%swap3A_4, %swap3A_5] {strides = array<i32>} : memref<16x128xf32, #tpu.memory_space<vmem>>, vector<1x16xf32>,
    %swap3A_7 = vector.shape_cast %swap3A_6 : vector<1x16xf32> to vector<16xf32>
    %swap3A_8 = vector.shape_cast %broadcast_in_dim3A_1 : vector<16xf32> to vector<1x16xf32>
    tpu.vector_store %arg11[%swap3A_4, %swap3A_5], %swap3A_8 {strides = array<i32>} : memref<16x128xf32, #tpu.memory_space<vmem>>, vector<1x16xf32>,
    %swap3A_9 = arith.constant 0 : i32
    %swap3A_10 = arith.index_cast %swap3A_9 : i32 to index
    %swap3A_11 = arith.constant 16 : index
    %swap3A_12 = tpu.vector_load %arg11[%swap3A_10, %swap3A_11] {strides = array<i32>} : memref<16x128xf32, #tpu.memory_space<vmem>>, vector<1x16xf32>,
    %swap3A_13 = vector.shape_cast %swap3A_12 : vector<1x16xf32> to vector<16xf32>
    %swap3A_14 = vector.shape_cast %broadcast_in_dim3A_1 : vector<16xf32> to vector<1x16xf32>
    tpu.vector_store %arg11[%swap3A_10, %swap3A_11], %swap3A_14 {strides = array<i32>} : memref<16x128xf32, #tpu.memory_space<vmem>>, vector<1x16xf32>,
    %swap3A_15 = arith.constant 0 : i32
    %swap3A_16 = arith.index_cast %swap3A_15 : i32 to index
    %swap3A_17 = arith.constant 32 : index
    %swap3A_18 = tpu.vector_load %arg11[%swap3A_16, %swap3A_17] {strides = array<i32>} : memref<16x128xf32, #tpu.memory_space<vmem>>, vector<1x16xf32>,
    %swap3A_19 = vector.shape_cast %swap3A_18 : vector<1x16xf32> to vector<16xf32>
    %swap3A_20 = vector.shape_cast %broadcast_in_dim3A_1 : vector<16xf32> to vector<1x16xf32>
    tpu.vector_store %arg11[%swap3A_16, %swap3A_17], %swap3A_20 {strides = array<i32>} : memref<16x128xf32, #tpu.memory_space<vmem>>, vector<1x16xf32>,
    %swap3A_21 = arith.constant 0 : i32
    %swap3A_22 = arith.index_cast %swap3A_21 : i32 to index
    %swap3A_23 = arith.constant 48 : index
    %swap3A_24 = tpu.vector_load %arg11[%swap3A_22, %swap3A_23] {strides = array<i32>} : memref<16x128xf32, #tpu.memory_space<vmem>>, vector<1x16xf32>,
    %swap3A_25 = vector.shape_cast %swap3A_24 : vector<1x16xf32> to vector<16xf32>
    %swap3A_26 = vector.shape_cast %broadcast_in_dim3A_1 : vector<16xf32> to vector<1x16xf32>
    tpu.vector_store %arg11[%swap3A_22, %swap3A_23], %swap3A_26 {strides = array<i32>} : memref<16x128xf32, #tpu.memory_space<vmem>>, vector<1x16xf32>,
    %swap3A_27 = arith.constant 0 : i32
    %swap3A_28 = arith.index_cast %swap3A_27 : i32 to index
    %swap3A_29 = arith.constant 64 : index
    %swap3A_30 = tpu.vector_load %arg11[%swap3A_28, %swap3A_29] {strides = array<i32>} : memref<16x128xf32, #tpu.memory_space<vmem>>, vector<1x16xf32>,
    %swap3A_31 = vector.shape_cast %swap3A_30 : vector<1x16xf32> to vector<16xf32>
    %swap3A_32 = vector.shape_cast %broadcast_in_dim3A_1 : vector<16xf32> to vector<1x16xf32>
    tpu.vector_store %arg11[%swap3A_28, %swap3A_29], %swap3A_32 {strides = array<i32>} : memref<16x128xf32, #tpu.memory_space<vmem>>, vector<1x16xf32>,
    %swap3A_33 = arith.constant 0 : i32
    %swap3A_34 = arith.index_cast %swap3A_33 : i32 to index
    %swap3A_35 = arith.constant 80 : index
    %swap3A_36 = tpu.vector_load %arg11[%swap3A_34, %swap3A_35] {strides = array<i32>} : memref<16x128xf32, #tpu.memory_space<vmem>>, vector<1x16xf32>,
    %swap3A_37 = vector.shape_cast %swap3A_36 : vector<1x16xf32> to vector<16xf32>
    %swap3A_38 = vector.shape_cast %broadcast_in_dim3A_1 : vector<16xf32> to vector<1x16xf32>
    tpu.vector_store %arg11[%swap3A_34, %swap3A_35], %swap3A_38 {strides = array<i32>} : memref<16x128xf32, #tpu.memory_space<vmem>>, vector<1x16xf32>,
    %swap3A_39 = arith.constant 0 : i32
    %swap3A_40 = arith.index_cast %swap3A_39 : i32 to index
    %swap3A_41 = arith.constant 96 : index
    %swap3A_42 = tpu.vector_load %arg11[%swap3A_40, %swap3A_41] {strides = array<i32>} : memref<16x128xf32, #tpu.memory_space<vmem>>, vector<1x16xf32>,
    %swap3A_43 = vector.shape_cast %swap3A_42 : vector<1x16xf32> to vector<16xf32>
    %swap3A_44 = vector.shape_cast %broadcast_in_dim3A_1 : vector<16xf32> to vector<1x16xf32>
    tpu.vector_store %arg11[%swap3A_40, %swap3A_41], %swap3A_44 {strides = array<i32>} : memref<16x128xf32, #tpu.memory_space<vmem>>, vector<1x16xf32>,
    %swap3A_45 = arith.constant 0 : i32
    %swap3A_46 = arith.index_cast %swap3A_45 : i32 to index
    %swap3A_47 = arith.constant 112 : index
    %swap3A_48 = tpu.vector_load %arg11[%swap3A_46, %swap3A_47] {strides = array<i32>} : memref<16x128xf32, #tpu.memory_space<vmem>>, vector<1x16xf32>,
    %swap3A_49 = vector.shape_cast %swap3A_48 : vector<1x16xf32> to vector<16xf32>
    %swap3A_50 = vector.shape_cast %broadcast_in_dim3A_1 : vector<16xf32> to vector<1x16xf32>
    tpu.vector_store %arg11[%swap3A_46, %swap3A_47], %swap3A_50 {strides = array<i32>} : memref<16x128xf32, #tpu.memory_space<vmem>>, vector<1x16xf32>,
    %swap3A_51 = arith.constant 0 : i32
    %swap3A_52 = arith.index_cast %swap3A_51 : i32 to index
    %swap3A_53 = arith.constant 0 : index
    %swap3A_54 = tpu.vector_load %arg12[%swap3A_52, %swap3A_53] {strides = array<i32>} : memref<16x16xf32, #tpu.memory_space<vmem>>, vector<1x16xf32>,
    %swap3A_55 = vector.shape_cast %swap3A_54 : vector<1x16xf32> to vector<16xf32>
    %swap3A_56 = vector.shape_cast %broadcast_in_dim3A_1 : vector<16xf32> to vector<1x16xf32>
    tpu.vector_store %arg12[%swap3A_52, %swap3A_53], %swap3A_56 {strides = array<i32>} : memref<16x16xf32, #tpu.memory_space<vmem>>, vector<1x16xf32>,
    %swap3A_57 = arith.constant 1 : i32
    %swap3A_58 = arith.index_cast %swap3A_57 : i32 to index
    %swap3A_59 = arith.constant 0 : index
    %swap3A_60 = tpu.vector_load %arg11[%swap3A_58, %swap3A_59] {strides = array<i32>} : memref<16x128xf32, #tpu.memory_space<vmem>>, vector<1x16xf32>,
    %swap3A_61 = vector.shape_cast %swap3A_60 : vector<1x16xf32> to vector<16xf32>
    %swap3A_62 = vector.shape_cast %broadcast_in_dim3A_1 : vector<16xf32> to vector<1x16xf32>
    tpu.vector_store %arg11[%swap3A_58, %swap3A_59], %swap3A_62 {strides = array<i32>} : memref<16x128xf32, #tpu.memory_space<vmem>>, vector<1x16xf32>,
    %swap3A_63 = arith.constant 1 : i32
    %swap3A_64 = arith.index_cast %swap3A_63 : i32 to index
    %swap3A_65 = arith.constant 16 : index
    %swap3A_66 = tpu.vector_load %arg11[%swap3A_64, %swap3A_65] {strides = array<i32>} : memref<16x128xf32, #tpu.memory_space<vmem>>, vector<1x16xf32>,
    %swap3A_67 = vector.shape_cast %swap3A_66 : vector<1x16xf32> to vector<16xf32>
    %swap3A_68 = vector.shape_cast %broadcast_in_dim3A_1 : vector<16xf32> to vector<1x16xf32>
    tpu.vector_store %arg11[%swap3A_64, %swap3A_65], %swap3A_68 {strides = array<i32>} : memref<16x128xf32, #tpu.memory_space<vmem>>, vector<1x16xf32>,
    %swap3A_69 = arith.constant 1 : i32
    %swap3A_70 = arith.index_cast %swap3A_69 : i32 to index
    %swap3A_71 = arith.constant 32 : index
    %swap3A_72 = tpu.vector_load %arg11[%swap3A_70, %swap3A_71] {strides = array<i32>} : memref<16x128xf32, #tpu.memory_space<vmem>>, vector<1x16xf32>,
    %swap3A_73 = vector.shape_cast %swap3A_72 : vector<1x16xf32> to vector<16xf32>
    %swap3A_74 = vector.shape_cast %broadcast_in_dim3A_1 : vector<16xf32> to vector<1x16xf32>
    tpu.vector_store %arg11[%swap3A_70, %swap3A_71], %swap3A_74 {strides = array<i32>} : memref<16x128xf32, #tpu.memory_space<vmem>>, vector<1x16xf32>,
    %swap3A_75 = arith.constant 1 : i32
    %swap3A_76 = arith.index_cast %swap3A_75 : i32 to index
    %swap3A_77 = arith.constant 48 : index
    %swap3A_78 = tpu.vector_load %arg11[%swap3A_76, %swap3A_77] {strides = array<i32>} : memref<16x128xf32, #tpu.memory_space<vmem>>, vector<1x16xf32>,
    %swap3A_79 = vector.shape_cast %swap3A_78 : vector<1x16xf32> to vector<16xf32>
    %swap3A_80 = vector.shape_cast %broadcast_in_dim3A_1 : vector<16xf32> to vector<1x16xf32>
    tpu.vector_store %arg11[%swap3A_76, %swap3A_77], %swap3A_80 {strides = array<i32>} : memref<16x128xf32, #tpu.memory_space<vmem>>, vector<1x16xf32>,
    %swap3A_81 = arith.constant 1 : i32
    %swap3A_82 = arith.index_cast %swap3A_81 : i32 to index
    %swap3A_83 = arith.constant 64 : index
    %swap3A_84 = tpu.vector_load %arg11[%swap3A_82, %swap3A_83] {strides = array<i32>} : memref<16x128xf32, #tpu.memory_space<vmem>>, vector<1x16xf32>,
    %swap3A_85 = vector.shape_cast %swap3A_84 : vector<1x16xf32> to vector<16xf32>
    %swap3A_86 = vector.shape_cast %broadcast_in_dim3A_1 : vector<16xf32> to vector<1x16xf32>
    tpu.vector_store %arg11[%swap3A_82, %swap3A_83], %swap3A_86 {strides = array<i32>} : memref<16x128xf32, #tpu.memory_space<vmem>>, vector<1x16xf32>,
    %swap3A_87 = arith.constant 1 : i32
    %swap3A_88 = arith.index_cast %swap3A_87 : i32 to index
    %swap3A_89 = arith.constant 80 : index
    %swap3A_90 = tpu.vector_load %arg11[%swap3A_88, %swap3A_89] {strides = array<i32>} : memref<16x128xf32, #tpu.memory_space<vmem>>, vector<1x16xf32>,
    %swap3A_91 = vector.shape_cast %swap3A_90 : vector<1x16xf32> to vector<16xf32>
    %swap3A_92 = vector.shape_cast %broadcast_in_dim3A_1 : vector<16xf32> to vector<1x16xf32>
    tpu.vector_store %arg11[%swap3A_88, %swap3A_89], %swap3A_92 {strides = array<i32>} : memref<16x128xf32, #tpu.memory_space<vmem>>, vector<1x16xf32>,
    %swap3A_93 = arith.constant 1 : i32
    %swap3A_94 = arith.index_cast %swap3A_93 : i32 to index
    %swap3A_95 = arith.constant 96 : index
    %swap3A_96 = tpu.vector_load %arg11[%swap3A_94, %swap3A_95] {strides = array<i32>} : memref<16x128xf32, #tpu.memory_space<vmem>>, vector<1x16xf32>,
    %swap3A_97 = vector.shape_cast %swap3A_96 : vector<1x16xf32> to vector<16xf32>
    %swap3A_98 = vector.shape_cast %broadcast_in_dim3A_1 : vector<16xf32> to vector<1x16xf32>
    tpu.vector_store %arg11[%swap3A_94, %swap3A_95], %swap3A_98 {strides = array<i32>} : memref<16x128xf32, #tpu.memory_space<vmem>>, vector<1x16xf32>,
    %swap3A_99 = arith.constant 1 : i32
    %swap3A_100 = arith.index_cast %swap3A_99 : i32 to index
    %swap3A_101 = arith.constant 112 : index
    %swap3A_102 = tpu.vector_load %arg11[%swap3A_100, %swap3A_101] {strides = array<i32>} : memref<16x128xf32, #tpu.memory_space<vmem>>, vector<1x16xf32>,
    %swap3A_103 = vector.shape_cast %swap3A_102 : vector<1x16xf32> to vector<16xf32>
    %swap3A_104 = vector.shape_cast %broadcast_in_dim3A_1 : vector<16xf32> to vector<1x16xf32>
    tpu.vector_store %arg11[%swap3A_100, %swap3A_101], %swap3A_104 {strides = array<i32>} : memref<16x128xf32, #tpu.memory_space<vmem>>, vector<1x16xf32>,
    %swap3A_105 = arith.constant 1 : i32
    %swap3A_106 = arith.index_cast %swap3A_105 : i32 to index
    %swap3A_107 = arith.constant 0 : index
    %swap3A_108 = tpu.vector_load %arg12[%swap3A_106, %swap3A_107] {strides = array<i32>} : memref<16x16xf32, #tpu.memory_space<vmem>>, vector<1x16xf32>,
    %swap3A_109 = vector.shape_cast %swap3A_108 : vector<1x16xf32> to vector<16xf32>
    %swap3A_110 = vector.shape_cast %broadcast_in_dim3A_1 : vector<16xf32> to vector<1x16xf32>
    tpu.vector_store %arg12[%swap3A_106, %swap3A_107], %swap3A_110 {strides = array<i32>} : memref<16x16xf32, #tpu.memory_space<vmem>>, vector<1x16xf32>,
    %swap3A_111 = arith.constant 2 : i32
    %swap3A_112 = arith.index_cast %swap3A_111 : i32 to index
    %swap3A_113 = arith.constant 0 : index
    %swap3A_114 = tpu.vector_load %arg11[%swap3A_112, %swap3A_113] {strides = array<i32>} : memref<16x128xf32, #tpu.memory_space<vmem>>, vector<1x16xf32>,
    %swap3A_115 = vector.shape_cast %swap3A_114 : vector<1x16xf32> to vector<16xf32>
    %swap3A_116 = vector.shape_cast %broadcast_in_dim3A_1 : vector<16xf32> to vector<1x16xf32>
    tpu.vector_store %arg11[%swap3A_112, %swap3A_113], %swap3A_116 {strides = array<i32>} : memref<16x128xf32, #tpu.memory_space<vmem>>, vector<1x16xf32>,
    %swap3A_117 = arith.constant 2 : i32
    %swap3A_118 = arith.index_cast %swap3A_117 : i32 to index
    %swap3A_119 = arith.constant 16 : index
    %swap3A_120 = tpu.vector_load %arg11[%swap3A_118, %swap3A_119] {strides = array<i32>} : memref<16x128xf32, #tpu.memory_space<vmem>>, vector<1x16xf32>,
    %swap3A_121 = vector.shape_cast %swap3A_120 : vector<1x16xf32> to vector<16xf32>
    %swap3A_122 = vector.shape_cast %broadcast_in_dim3A_1 : vector<16xf32> to vector<1x16xf32>
    tpu.vector_store %arg11[%swap3A_118, %swap3A_119], %swap3A_122 {strides = array<i32>} : memref<16x128xf32, #tpu.memory_space<vmem>>, vector<1x16xf32>,
    %swap3A_123 = arith.constant 2 : i32
    %swap3A_124 = arith.index_cast %swap3A_123 : i32 to index
    %swap3A_125 = arith.constant 32 : index
    %swap3A_126 = tpu.vector_load %arg11[%swap3A_124, %swap3A_125] {strides = array<i32>} : memref<16x128xf32, #tpu.memory_space<vmem>>, vector<1x16xf32>,
    %swap3A_127 = vector.shape_cast %swap3A_126 : vector<1x16xf32> to vector<16xf32>
    %swap3A_128 = vector.shape_cast %broadcast_in_dim3A_1 : vector<16xf32> to vector<1x16xf32>
    tpu.vector_store %arg11[%swap3A_124, %swap3A_125], %swap3A_128 {strides = array<i32>} : memref<16x128xf32, #tpu.memory_space<vmem>>, vector<1x16xf32>,
    %swap3A_129 = arith.constant 2 : i32
    %swap3A_130 = arith.index_cast %swap3A_129 : i32 to index
    %swap3A_131 = arith.constant 48 : index
    %swap3A_132 = tpu.vector_load %arg11[%swap3A_130, %swap3A_131] {strides = array<i32>} : memref<16x128xf32, #tpu.memory_space<vmem>>, vector<1x16xf32>,
    %swap3A_133 = vector.shape_cast %swap3A_132 : vector<1x16xf32> to vector<16xf32>
    %swap3A_134 = vector.shape_cast %broadcast_in_dim3A_1 : vector<16xf32> to vector<1x16xf32>
    tpu.vector_store %arg11[%swap3A_130, %swap3A_131], %swap3A_134 {strides = array<i32>} : memref<16x128xf32, #tpu.memory_space<vmem>>, vector<1x16xf32>,
    %swap3A_135 = arith.constant 2 : i32
    %swap3A_136 = arith.index_cast %swap3A_135 : i32 to index
    %swap3A_137 = arith.constant 64 : index
    %swap3A_138 = tpu.vector_load %arg11[%swap3A_136, %swap3A_137] {strides = array<i32>} : memref<16x128xf32, #tpu.memory_space<vmem>>, vector<1x16xf32>,
    %swap3A_139 = vector.shape_cast %swap3A_138 : vector<1x16xf32> to vector<16xf32>
    %swap3A_140 = vector.shape_cast %broadcast_in_dim3A_1 : vector<16xf32> to vector<1x16xf32>
    tpu.vector_store %arg11[%swap3A_136, %swap3A_137], %swap3A_140 {strides = array<i32>} : memref<16x128xf32, #tpu.memory_space<vmem>>, vector<1x16xf32>,
    %swap3A_141 = arith.constant 2 : i32
    %swap3A_142 = arith.index_cast %swap3A_141 : i32 to index
    %swap3A_143 = arith.constant 80 : index
    %swap3A_144 = tpu.vector_load %arg11[%swap3A_142, %swap3A_143] {strides = array<i32>} : memref<16x128xf32, #tpu.memory_space<vmem>>, vector<1x16xf32>,
    %swap3A_145 = vector.shape_cast %swap3A_144 : vector<1x16xf32> to vector<16xf32>
    %swap3A_146 = vector.shape_cast %broadcast_in_dim3A_1 : vector<16xf32> to vector<1x16xf32>
    tpu.vector_store %arg11[%swap3A_142, %swap3A_143], %swap3A_146 {strides = array<i32>} : memref<16x128xf32, #tpu.memory_space<vmem>>, vector<1x16xf32>,
    %swap3A_147 = arith.constant 2 : i32
    %swap3A_148 = arith.index_cast %swap3A_147 : i32 to index
    %swap3A_149 = arith.constant 96 : index
    %swap3A_150 = tpu.vector_load %arg11[%swap3A_148, %swap3A_149] {strides = array<i32>} : memref<16x128xf32, #tpu.memory_space<vmem>>, vector<1x16xf32>,
    %swap3A_151 = vector.shape_cast %swap3A_150 : vector<1x16xf32> to vector<16xf32>
    %swap3A_152 = vector.shape_cast %broadcast_in_dim3A_1 : vector<16xf32> to vector<1x16xf32>
    tpu.vector_store %arg11[%swap3A_148, %swap3A_149], %swap3A_152 {strides = array<i32>} : memref<16x128xf32, #tpu.memory_space<vmem>>, vector<1x16xf32>,
    %swap3A_153 = arith.constant 2 : i32
    %swap3A_154 = arith.index_cast %swap3A_153 : i32 to index
    %swap3A_155 = arith.constant 112 : index
    %swap3A_156 = tpu.vector_load %arg11[%swap3A_154, %swap3A_155] {strides = array<i32>} : memref<16x128xf32, #tpu.memory_space<vmem>>, vector<1x16xf32>,
    %swap3A_157 = vector.shape_cast %swap3A_156 : vector<1x16xf32> to vector<16xf32>
    %swap3A_158 = vector.shape_cast %broadcast_in_dim3A_1 : vector<16xf32> to vector<1x16xf32>
    tpu.vector_store %arg11[%swap3A_154, %swap3A_155], %swap3A_158 {strides = array<i32>} : memref<16x128xf32, #tpu.memory_space<vmem>>, vector<1x16xf32>,
    %swap3A_159 = arith.constant 2 : i32
    %swap3A_160 = arith.index_cast %swap3A_159 : i32 to index
    %swap3A_161 = arith.constant 0 : index
    %swap3A_162 = tpu.vector_load %arg12[%swap3A_160, %swap3A_161] {strides = array<i32>} : memref<16x16xf32, #tpu.memory_space<vmem>>, vector<1x16xf32>,
    %swap3A_163 = vector.shape_cast %swap3A_162 : vector<1x16xf32> to vector<16xf32>
    %swap3A_164 = vector.shape_cast %broadcast_in_dim3A_1 : vector<16xf32> to vector<1x16xf32>
    tpu.vector_store %arg12[%swap3A_160, %swap3A_161], %swap3A_164 {strides = array<i32>} : memref<16x16xf32, #tpu.memory_space<vmem>>, vector<1x16xf32>,
    %swap3A_165 = arith.constant 3 : i32
    %swap3A_166 = arith.index_cast %swap3A_165 : i32 to index
    %swap3A_167 = arith.constant 0 : index
    %swap3A_168 = tpu.vector_load %arg11[%swap3A_166, %swap3A_167] {strides = array<i32>} : memref<16x128xf32, #tpu.memory_space<vmem>>, vector<1x16xf32>,
    %swap3A_169 = vector.shape_cast %swap3A_168 : vector<1x16xf32> to vector<16xf32>
    %swap3A_170 = vector.shape_cast %broadcast_in_dim3A_1 : vector<16xf32> to vector<1x16xf32>
    tpu.vector_store %arg11[%swap3A_166, %swap3A_167], %swap3A_170 {strides = array<i32>} : memref<16x128xf32, #tpu.memory_space<vmem>>, vector<1x16xf32>,
    %swap3A_171 = arith.constant 3 : i32
    %swap3A_172 = arith.index_cast %swap3A_171 : i32 to index
    %swap3A_173 = arith.constant 16 : index
    %swap3A_174 = tpu.vector_load %arg11[%swap3A_172, %swap3A_173] {strides = array<i32>} : memref<16x128xf32, #tpu.memory_space<vmem>>, vector<1x16xf32>,
    %swap3A_175 = vector.shape_cast %swap3A_174 : vector<1x16xf32> to vector<16xf32>
    %swap3A_176 = vector.shape_cast %broadcast_in_dim3A_1 : vector<16xf32> to vector<1x16xf32>
    tpu.vector_store %arg11[%swap3A_172, %swap3A_173], %swap3A_176 {strides = array<i32>} : memref<16x128xf32, #tpu.memory_space<vmem>>, vector<1x16xf32>,
    %swap3A_177 = arith.constant 3 : i32
    %swap3A_178 = arith.index_cast %swap3A_177 : i32 to index
    %swap3A_179 = arith.constant 32 : index
    %swap3A_180 = tpu.vector_load %arg11[%swap3A_178, %swap3A_179] {strides = array<i32>} : memref<16x128xf32, #tpu.memory_space<vmem>>, vector<1x16xf32>,
    %swap3A_181 = vector.shape_cast %swap3A_180 : vector<1x16xf32> to vector<16xf32>
    %swap3A_182 = vector.shape_cast %broadcast_in_dim3A_1 : vector<16xf32> to vector<1x16xf32>
    tpu.vector_store %arg11[%swap3A_178, %swap3A_179], %swap3A_182 {strides = array<i32>} : memref<16x128xf32, #tpu.memory_space<vmem>>, vector<1x16xf32>,
    %swap3A_183 = arith.constant 3 : i32
    %swap3A_184 = arith.index_cast %swap3A_183 : i32 to index
    %swap3A_185 = arith.constant 48 : index
    %swap3A_186 = tpu.vector_load %arg11[%swap3A_184, %swap3A_185] {strides = array<i32>} : memref<16x128xf32, #tpu.memory_space<vmem>>, vector<1x16xf32>,
    %swap3A_187 = vector.shape_cast %swap3A_186 : vector<1x16xf32> to vector<16xf32>
    %swap3A_188 = vector.shape_cast %broadcast_in_dim3A_1 : vector<16xf32> to vector<1x16xf32>
    tpu.vector_store %arg11[%swap3A_184, %swap3A_185], %swap3A_188 {strides = array<i32>} : memref<16x128xf32, #tpu.memory_space<vmem>>, vector<1x16xf32>,
    %swap3A_189 = arith.constant 3 : i32
    %swap3A_190 = arith.index_cast %swap3A_189 : i32 to index
    %swap3A_191 = arith.constant 64 : index
    %swap3A_192 = tpu.vector_load %arg11[%swap3A_190, %swap3A_191] {strides = array<i32>} : memref<16x128xf32, #tpu.memory_space<vmem>>, vector<1x16xf32>,
    %swap3A_193 = vector.shape_cast %swap3A_192 : vector<1x16xf32> to vector<16xf32>
    %swap3A_194 = vector.shape_cast %broadcast_in_dim3A_1 : vector<16xf32> to vector<1x16xf32>
    tpu.vector_store %arg11[%swap3A_190, %swap3A_191], %swap3A_194 {strides = array<i32>} : memref<16x128xf32, #tpu.memory_space<vmem>>, vector<1x16xf32>,
    %swap3A_195 = arith.constant 3 : i32
    %swap3A_196 = arith.index_cast %swap3A_195 : i32 to index
    %swap3A_197 = arith.constant 80 : index
    %swap3A_198 = tpu.vector_load %arg11[%swap3A_196, %swap3A_197] {strides = array<i32>} : memref<16x128xf32, #tpu.memory_space<vmem>>, vector<1x16xf32>,
    %swap3A_199 = vector.shape_cast %swap3A_198 : vector<1x16xf32> to vector<16xf32>
    %swap3A_200 = vector.shape_cast %broadcast_in_dim3A_1 : vector<16xf32> to vector<1x16xf32>
    tpu.vector_store %arg11[%swap3A_196, %swap3A_197], %swap3A_200 {strides = array<i32>} : memref<16x128xf32, #tpu.memory_space<vmem>>, vector<1x16xf32>,
    %swap3A_201 = arith.constant 3 : i32
    %swap3A_202 = arith.index_cast %swap3A_201 : i32 to index
    %swap3A_203 = arith.constant 96 : index
    %swap3A_204 = tpu.vector_load %arg11[%swap3A_202, %swap3A_203] {strides = array<i32>} : memref<16x128xf32, #tpu.memory_space<vmem>>, vector<1x16xf32>,
    %swap3A_205 = vector.shape_cast %swap3A_204 : vector<1x16xf32> to vector<16xf32>
    %swap3A_206 = vector.shape_cast %broadcast_in_dim3A_1 : vector<16xf32> to vector<1x16xf32>
    tpu.vector_store %arg11[%swap3A_202, %swap3A_203], %swap3A_206 {strides = array<i32>} : memref<16x128xf32, #tpu.memory_space<vmem>>, vector<1x16xf32>,
    %swap3A_207 = arith.constant 3 : i32
    %swap3A_208 = arith.index_cast %swap3A_207 : i32 to index
    %swap3A_209 = arith.constant 112 : index
    %swap3A_210 = tpu.vector_load %arg11[%swap3A_208, %swap3A_209] {strides = array<i32>} : memref<16x128xf32, #tpu.memory_space<vmem>>, vector<1x16xf32>,
    %swap3A_211 = vector.shape_cast %swap3A_210 : vector<1x16xf32> to vector<16xf32>
    %swap3A_212 = vector.shape_cast %broadcast_in_dim3A_1 : vector<16xf32> to vector<1x16xf32>
    tpu.vector_store %arg11[%swap3A_208, %swap3A_209], %swap3A_212 {strides = array<i32>} : memref<16x128xf32, #tpu.memory_space<vmem>>, vector<1x16xf32>,
    %swap3A_213 = arith.constant 3 : i32
    %swap3A_214 = arith.index_cast %swap3A_213 : i32 to index
    %swap3A_215 = arith.constant 0 : index
    %swap3A_216 = tpu.vector_load %arg12[%swap3A_214, %swap3A_215] {strides = array<i32>} : memref<16x16xf32, #tpu.memory_space<vmem>>, vector<1x16xf32>,
    %swap3A_217 = vector.shape_cast %swap3A_216 : vector<1x16xf32> to vector<16xf32>
    %swap3A_218 = vector.shape_cast %broadcast_in_dim3A_1 : vector<16xf32> to vector<1x16xf32>
    tpu.vector_store %arg12[%swap3A_214, %swap3A_215], %swap3A_218 {strides = array<i32>} : memref<16x16xf32, #tpu.memory_space<vmem>>, vector<1x16xf32>,
    %swap3A_219 = arith.constant 4 : i32
    %swap3A_220 = arith.index_cast %swap3A_219 : i32 to index
    %swap3A_221 = arith.constant 0 : index
    %swap3A_222 = tpu.vector_load %arg11[%swap3A_220, %swap3A_221] {strides = array<i32>} : memref<16x128xf32, #tpu.memory_space<vmem>>, vector<1x16xf32>,
    %swap3A_223 = vector.shape_cast %swap3A_222 : vector<1x16xf32> to vector<16xf32>
    %swap3A_224 = vector.shape_cast %broadcast_in_dim3A_1 : vector<16xf32> to vector<1x16xf32>
    tpu.vector_store %arg11[%swap3A_220, %swap3A_221], %swap3A_224 {strides = array<i32>} : memref<16x128xf32, #tpu.memory_space<vmem>>, vector<1x16xf32>,
    %swap3A_225 = arith.constant 4 : i32
    %swap3A_226 = arith.index_cast %swap3A_225 : i32 to index
    %swap3A_227 = arith.constant 16 : index
    %swap3A_228 = tpu.vector_load %arg11[%swap3A_226, %swap3A_227] {strides = array<i32>} : memref<16x128xf32, #tpu.memory_space<vmem>>, vector<1x16xf32>,
    %swap3A_229 = vector.shape_cast %swap3A_228 : vector<1x16xf32> to vector<16xf32>
    %swap3A_230 = vector.shape_cast %broadcast_in_dim3A_1 : vector<16xf32> to vector<1x16xf32>
    tpu.vector_store %arg11[%swap3A_226, %swap3A_227], %swap3A_230 {strides = array<i32>} : memref<16x128xf32, #tpu.memory_space<vmem>>, vector<1x16xf32>,
    %swap3A_231 = arith.constant 4 : i32
    %swap3A_232 = arith.index_cast %swap3A_231 : i32 to index
    %swap3A_233 = arith.constant 32 : index
    %swap3A_234 = tpu.vector_load %arg11[%swap3A_232, %swap3A_233] {strides = array<i32>} : memref<16x128xf32, #tpu.memory_space<vmem>>, vector<1x16xf32>,
    %swap3A_235 = vector.shape_cast %swap3A_234 : vector<1x16xf32> to vector<16xf32>
    %swap3A_236 = vector.shape_cast %broadcast_in_dim3A_1 : vector<16xf32> to vector<1x16xf32>
    tpu.vector_store %arg11[%swap3A_232, %swap3A_233], %swap3A_236 {strides = array<i32>} : memref<16x128xf32, #tpu.memory_space<vmem>>, vector<1x16xf32>,
    %swap3A_237 = arith.constant 4 : i32
    %swap3A_238 = arith.index_cast %swap3A_237 : i32 to index
    %swap3A_239 = arith.constant 48 : index
    %swap3A_240 = tpu.vector_load %arg11[%swap3A_238, %swap3A_239] {strides = array<i32>} : memref<16x128xf32, #tpu.memory_space<vmem>>, vector<1x16xf32>,
    %swap3A_241 = vector.shape_cast %swap3A_240 : vector<1x16xf32> to vector<16xf32>
    %swap3A_242 = vector.shape_cast %broadcast_in_dim3A_1 : vector<16xf32> to vector<1x16xf32>
    tpu.vector_store %arg11[%swap3A_238, %swap3A_239], %swap3A_242 {strides = array<i32>} : memref<16x128xf32, #tpu.memory_space<vmem>>, vector<1x16xf32>,
    %swap3A_243 = arith.constant 4 : i32
    %swap3A_244 = arith.index_cast %swap3A_243 : i32 to index
    %swap3A_245 = arith.constant 64 : index
    %swap3A_246 = tpu.vector_load %arg11[%swap3A_244, %swap3A_245] {strides = array<i32>} : memref<16x128xf32, #tpu.memory_space<vmem>>, vector<1x16xf32>,
    %swap3A_247 = vector.shape_cast %swap3A_246 : vector<1x16xf32> to vector<16xf32>
    %swap3A_248 = vector.shape_cast %broadcast_in_dim3A_1 : vector<16xf32> to vector<1x16xf32>
    tpu.vector_store %arg11[%swap3A_244, %swap3A_245], %swap3A_248 {strides = array<i32>} : memref<16x128xf32, #tpu.memory_space<vmem>>, vector<1x16xf32>,
    %swap3A_249 = arith.constant 4 : i32
    %swap3A_250 = arith.index_cast %swap3A_249 : i32 to index
    %swap3A_251 = arith.constant 80 : index
    %swap3A_252 = tpu.vector_load %arg11[%swap3A_250, %swap3A_251] {strides = array<i32>} : memref<16x128xf32, #tpu.memory_space<vmem>>, vector<1x16xf32>,
    %swap3A_253 = vector.shape_cast %swap3A_252 : vector<1x16xf32> to vector<16xf32>
    %swap3A_254 = vector.shape_cast %broadcast_in_dim3A_1 : vector<16xf32> to vector<1x16xf32>
    tpu.vector_store %arg11[%swap3A_250, %swap3A_251], %swap3A_254 {strides = array<i32>} : memref<16x128xf32, #tpu.memory_space<vmem>>, vector<1x16xf32>,
    %swap3A_255 = arith.constant 4 : i32
    %swap3A_256 = arith.index_cast %swap3A_255 : i32 to index
    %swap3A_257 = arith.constant 96 : index
    %swap3A_258 = tpu.vector_load %arg11[%swap3A_256, %swap3A_257] {strides = array<i32>} : memref<16x128xf32, #tpu.memory_space<vmem>>, vector<1x16xf32>,
    %swap3A_259 = vector.shape_cast %swap3A_258 : vector<1x16xf32> to vector<16xf32>
    %swap3A_260 = vector.shape_cast %broadcast_in_dim3A_1 : vector<16xf32> to vector<1x16xf32>
    tpu.vector_store %arg11[%swap3A_256, %swap3A_257], %swap3A_260 {strides = array<i32>} : memref<16x128xf32, #tpu.memory_space<vmem>>, vector<1x16xf32>,
    %swap3A_261 = arith.constant 4 : i32
    %swap3A_262 = arith.index_cast %swap3A_261 : i32 to index
    %swap3A_263 = arith.constant 112 : index
    %swap3A_264 = tpu.vector_load %arg11[%swap3A_262, %swap3A_263] {strides = array<i32>} : memref<16x128xf32, #tpu.memory_space<vmem>>, vector<1x16xf32>,
    %swap3A_265 = vector.shape_cast %swap3A_264 : vector<1x16xf32> to vector<16xf32>
    %swap3A_266 = vector.shape_cast %broadcast_in_dim3A_1 : vector<16xf32> to vector<1x16xf32>
    tpu.vector_store %arg11[%swap3A_262, %swap3A_263], %swap3A_266 {strides = array<i32>} : memref<16x128xf32, #tpu.memory_space<vmem>>, vector<1x16xf32>,
    %swap3A_267 = arith.constant 4 : i32
    %swap3A_268 = arith.index_cast %swap3A_267 : i32 to index
    %swap3A_269 = arith.constant 0 : index
    %swap3A_270 = tpu.vector_load %arg12[%swap3A_268, %swap3A_269] {strides = array<i32>} : memref<16x16xf32, #tpu.memory_space<vmem>>, vector<1x16xf32>,
    %swap3A_271 = vector.shape_cast %swap3A_270 : vector<1x16xf32> to vector<16xf32>
    %swap3A_272 = vector.shape_cast %broadcast_in_dim3A_1 : vector<16xf32> to vector<1x16xf32>
    tpu.vector_store %arg12[%swap3A_268, %swap3A_269], %swap3A_272 {strides = array<i32>} : memref<16x16xf32, #tpu.memory_space<vmem>>, vector<1x16xf32>,
    %swap3A_273 = arith.constant 5 : i32
    %swap3A_274 = arith.index_cast %swap3A_273 : i32 to index
    %swap3A_275 = arith.constant 0 : index
    %swap3A_276 = tpu.vector_load %arg11[%swap3A_274, %swap3A_275] {strides = array<i32>} : memref<16x128xf32, #tpu.memory_space<vmem>>, vector<1x16xf32>,
    %swap3A_277 = vector.shape_cast %swap3A_276 : vector<1x16xf32> to vector<16xf32>
    %swap3A_278 = vector.shape_cast %broadcast_in_dim3A_1 : vector<16xf32> to vector<1x16xf32>
    tpu.vector_store %arg11[%swap3A_274, %swap3A_275], %swap3A_278 {strides = array<i32>} : memref<16x128xf32, #tpu.memory_space<vmem>>, vector<1x16xf32>,
    %swap3A_279 = arith.constant 5 : i32
    %swap3A_280 = arith.index_cast %swap3A_279 : i32 to index
    %swap3A_281 = arith.constant 16 : index
    %swap3A_282 = tpu.vector_load %arg11[%swap3A_280, %swap3A_281] {strides = array<i32>} : memref<16x128xf32, #tpu.memory_space<vmem>>, vector<1x16xf32>,
    %swap3A_283 = vector.shape_cast %swap3A_282 : vector<1x16xf32> to vector<16xf32>
    %swap3A_284 = vector.shape_cast %broadcast_in_dim3A_1 : vector<16xf32> to vector<1x16xf32>
    tpu.vector_store %arg11[%swap3A_280, %swap3A_281], %swap3A_284 {strides = array<i32>} : memref<16x128xf32, #tpu.memory_space<vmem>>, vector<1x16xf32>,
    %swap3A_285 = arith.constant 5 : i32
    %swap3A_286 = arith.index_cast %swap3A_285 : i32 to index
    %swap3A_287 = arith.constant 32 : index
    %swap3A_288 = tpu.vector_load %arg11[%swap3A_286, %swap3A_287] {strides = array<i32>} : memref<16x128xf32, #tpu.memory_space<vmem>>, vector<1x16xf32>,
    %swap3A_289 = vector.shape_cast %swap3A_288 : vector<1x16xf32> to vector<16xf32>
    %swap3A_290 = vector.shape_cast %broadcast_in_dim3A_1 : vector<16xf32> to vector<1x16xf32>
    tpu.vector_store %arg11[%swap3A_286, %swap3A_287], %swap3A_290 {strides = array<i32>} : memref<16x128xf32, #tpu.memory_space<vmem>>, vector<1x16xf32>,
    %swap3A_291 = arith.constant 5 : i32
    %swap3A_292 = arith.index_cast %swap3A_291 : i32 to index
    %swap3A_293 = arith.constant 48 : index
    %swap3A_294 = tpu.vector_load %arg11[%swap3A_292, %swap3A_293] {strides = array<i32>} : memref<16x128xf32, #tpu.memory_space<vmem>>, vector<1x16xf32>,
    %swap3A_295 = vector.shape_cast %swap3A_294 : vector<1x16xf32> to vector<16xf32>
    %swap3A_296 = vector.shape_cast %broadcast_in_dim3A_1 : vector<16xf32> to vector<1x16xf32>
    tpu.vector_store %arg11[%swap3A_292, %swap3A_293], %swap3A_296 {strides = array<i32>} : memref<16x128xf32, #tpu.memory_space<vmem>>, vector<1x16xf32>,
    %swap3A_297 = arith.constant 5 : i32
    %swap3A_298 = arith.index_cast %swap3A_297 : i32 to index
    %swap3A_299 = arith.constant 64 : index
    %swap3A_300 = tpu.vector_load %arg11[%swap3A_298, %swap3A_299] {strides = array<i32>} : memref<16x128xf32, #tpu.memory_space<vmem>>, vector<1x16xf32>,
    %swap3A_301 = vector.shape_cast %swap3A_300 : vector<1x16xf32> to vector<16xf32>
    %swap3A_302 = vector.shape_cast %broadcast_in_dim3A_1 : vector<16xf32> to vector<1x16xf32>
    tpu.vector_store %arg11[%swap3A_298, %swap3A_299], %swap3A_302 {strides = array<i32>} : memref<16x128xf32, #tpu.memory_space<vmem>>, vector<1x16xf32>,
    %swap3A_303 = arith.constant 5 : i32
    %swap3A_304 = arith.index_cast %swap3A_303 : i32 to index
    %swap3A_305 = arith.constant 80 : index
    %swap3A_306 = tpu.vector_load %arg11[%swap3A_304, %swap3A_305] {strides = array<i32>} : memref<16x128xf32, #tpu.memory_space<vmem>>, vector<1x16xf32>,
    %swap3A_307 = vector.shape_cast %swap3A_306 : vector<1x16xf32> to vector<16xf32>
    %swap3A_308 = vector.shape_cast %broadcast_in_dim3A_1 : vector<16xf32> to vector<1x16xf32>
    tpu.vector_store %arg11[%swap3A_304, %swap3A_305], %swap3A_308 {strides = array<i32>} : memref<16x128xf32, #tpu.memory_space<vmem>>, vector<1x16xf32>,
    %swap3A_309 = arith.constant 5 : i32
    %swap3A_310 = arith.index_cast %swap3A_309 : i32 to index
    %swap3A_311 = arith.constant 96 : index
    %swap3A_312 = tpu.vector_load %arg11[%swap3A_310, %swap3A_311] {strides = array<i32>} : memref<16x128xf32, #tpu.memory_space<vmem>>, vector<1x16xf32>,
    %swap3A_313 = vector.shape_cast %swap3A_312 : vector<1x16xf32> to vector<16xf32>
    %swap3A_314 = vector.shape_cast %broadcast_in_dim3A_1 : vector<16xf32> to vector<1x16xf32>
    tpu.vector_store %arg11[%swap3A_310, %swap3A_311], %swap3A_314 {strides = array<i32>} : memref<16x128xf32, #tpu.memory_space<vmem>>, vector<1x16xf32>,
    %swap3A_315 = arith.constant 5 : i32
    %swap3A_316 = arith.index_cast %swap3A_315 : i32 to index
    %swap3A_317 = arith.constant 112 : index
    %swap3A_318 = tpu.vector_load %arg11[%swap3A_316, %swap3A_317] {strides = array<i32>} : memref<16x128xf32, #tpu.memory_space<vmem>>, vector<1x16xf32>,
    %swap3A_319 = vector.shape_cast %swap3A_318 : vector<1x16xf32> to vector<16xf32>
    %swap3A_320 = vector.shape_cast %broadcast_in_dim3A_1 : vector<16xf32> to vector<1x16xf32>
    tpu.vector_store %arg11[%swap3A_316, %swap3A_317], %swap3A_320 {strides = array<i32>} : memref<16x128xf32, #tpu.memory_space<vmem>>, vector<1x16xf32>,
    %swap3A_321 = arith.constant 5 : i32
    %swap3A_322 = arith.index_cast %swap3A_321 : i32 to index
    %swap3A_323 = arith.constant 0 : index
    %swap3A_324 = tpu.vector_load %arg12[%swap3A_322, %swap3A_323] {strides = array<i32>} : memref<16x16xf32, #tpu.memory_space<vmem>>, vector<1x16xf32>,
    %swap3A_325 = vector.shape_cast %swap3A_324 : vector<1x16xf32> to vector<16xf32>
    %swap3A_326 = vector.shape_cast %broadcast_in_dim3A_1 : vector<16xf32> to vector<1x16xf32>
    tpu.vector_store %arg12[%swap3A_322, %swap3A_323], %swap3A_326 {strides = array<i32>} : memref<16x16xf32, #tpu.memory_space<vmem>>, vector<1x16xf32>,
    %swap3A_327 = arith.constant 6 : i32
    %swap3A_328 = arith.index_cast %swap3A_327 : i32 to index
    %swap3A_329 = arith.constant 0 : index
    %swap3A_330 = tpu.vector_load %arg11[%swap3A_328, %swap3A_329] {strides = array<i32>} : memref<16x128xf32, #tpu.memory_space<vmem>>, vector<1x16xf32>,
    %swap3A_331 = vector.shape_cast %swap3A_330 : vector<1x16xf32> to vector<16xf32>
    %swap3A_332 = vector.shape_cast %broadcast_in_dim3A_1 : vector<16xf32> to vector<1x16xf32>
    tpu.vector_store %arg11[%swap3A_328, %swap3A_329], %swap3A_332 {strides = array<i32>} : memref<16x128xf32, #tpu.memory_space<vmem>>, vector<1x16xf32>,
    %swap3A_333 = arith.constant 6 : i32
    %swap3A_334 = arith.index_cast %swap3A_333 : i32 to index
    %swap3A_335 = arith.constant 16 : index
    %swap3A_336 = tpu.vector_load %arg11[%swap3A_334, %swap3A_335] {strides = array<i32>} : memref<16x128xf32, #tpu.memory_space<vmem>>, vector<1x16xf32>,
    %swap3A_337 = vector.shape_cast %swap3A_336 : vector<1x16xf32> to vector<16xf32>
    %swap3A_338 = vector.shape_cast %broadcast_in_dim3A_1 : vector<16xf32> to vector<1x16xf32>
    tpu.vector_store %arg11[%swap3A_334, %swap3A_335], %swap3A_338 {strides = array<i32>} : memref<16x128xf32, #tpu.memory_space<vmem>>, vector<1x16xf32>,
    %swap3A_339 = arith.constant 6 : i32
    %swap3A_340 = arith.index_cast %swap3A_339 : i32 to index
    %swap3A_341 = arith.constant 32 : index
    %swap3A_342 = tpu.vector_load %arg11[%swap3A_340, %swap3A_341] {strides = array<i32>} : memref<16x128xf32, #tpu.memory_space<vmem>>, vector<1x16xf32>,
    %swap3A_343 = vector.shape_cast %swap3A_342 : vector<1x16xf32> to vector<16xf32>
    %swap3A_344 = vector.shape_cast %broadcast_in_dim3A_1 : vector<16xf32> to vector<1x16xf32>
    tpu.vector_store %arg11[%swap3A_340, %swap3A_341], %swap3A_344 {strides = array<i32>} : memref<16x128xf32, #tpu.memory_space<vmem>>, vector<1x16xf32>,
    %swap3A_345 = arith.constant 6 : i32
    %swap3A_346 = arith.index_cast %swap3A_345 : i32 to index
    %swap3A_347 = arith.constant 48 : index
    %swap3A_348 = tpu.vector_load %arg11[%swap3A_346, %swap3A_347] {strides = array<i32>} : memref<16x128xf32, #tpu.memory_space<vmem>>, vector<1x16xf32>,
    %swap3A_349 = vector.shape_cast %swap3A_348 : vector<1x16xf32> to vector<16xf32>
    %swap3A_350 = vector.shape_cast %broadcast_in_dim3A_1 : vector<16xf32> to vector<1x16xf32>
    tpu.vector_store %arg11[%swap3A_346, %swap3A_347], %swap3A_350 {strides = array<i32>} : memref<16x128xf32, #tpu.memory_space<vmem>>, vector<1x16xf32>,
    %swap3A_351 = arith.constant 6 : i32
    %swap3A_352 = arith.index_cast %swap3A_351 : i32 to index
    %swap3A_353 = arith.constant 64 : index
    %swap3A_354 = tpu.vector_load %arg11[%swap3A_352, %swap3A_353] {strides = array<i32>} : memref<16x128xf32, #tpu.memory_space<vmem>>, vector<1x16xf32>,
    %swap3A_355 = vector.shape_cast %swap3A_354 : vector<1x16xf32> to vector<16xf32>
    %swap3A_356 = vector.shape_cast %broadcast_in_dim3A_1 : vector<16xf32> to vector<1x16xf32>
    tpu.vector_store %arg11[%swap3A_352, %swap3A_353], %swap3A_356 {strides = array<i32>} : memref<16x128xf32, #tpu.memory_space<vmem>>, vector<1x16xf32>,
    %swap3A_357 = arith.constant 6 : i32
    %swap3A_358 = arith.index_cast %swap3A_357 : i32 to index
    %swap3A_359 = arith.constant 80 : index
    %swap3A_360 = tpu.vector_load %arg11[%swap3A_358, %swap3A_359] {strides = array<i32>} : memref<16x128xf32, #tpu.memory_space<vmem>>, vector<1x16xf32>,
    %swap3A_361 = vector.shape_cast %swap3A_360 : vector<1x16xf32> to vector<16xf32>
    %swap3A_362 = vector.shape_cast %broadcast_in_dim3A_1 : vector<16xf32> to vector<1x16xf32>
    tpu.vector_store %arg11[%swap3A_358, %swap3A_359], %swap3A_362 {strides = array<i32>} : memref<16x128xf32, #tpu.memory_space<vmem>>, vector<1x16xf32>,
    %swap3A_363 = arith.constant 6 : i32
    %swap3A_364 = arith.index_cast %swap3A_363 : i32 to index
    %swap3A_365 = arith.constant 96 : index
    %swap3A_366 = tpu.vector_load %arg11[%swap3A_364, %swap3A_365] {strides = array<i32>} : memref<16x128xf32, #tpu.memory_space<vmem>>, vector<1x16xf32>,
    %swap3A_367 = vector.shape_cast %swap3A_366 : vector<1x16xf32> to vector<16xf32>
    %swap3A_368 = vector.shape_cast %broadcast_in_dim3A_1 : vector<16xf32> to vector<1x16xf32>
    tpu.vector_store %arg11[%swap3A_364, %swap3A_365], %swap3A_368 {strides = array<i32>} : memref<16x128xf32, #tpu.memory_space<vmem>>, vector<1x16xf32>,
    %swap3A_369 = arith.constant 6 : i32
    %swap3A_370 = arith.index_cast %swap3A_369 : i32 to index
    %swap3A_371 = arith.constant 112 : index
    %swap3A_372 = tpu.vector_load %arg11[%swap3A_370, %swap3A_371] {strides = array<i32>} : memref<16x128xf32, #tpu.memory_space<vmem>>, vector<1x16xf32>,
    %swap3A_373 = vector.shape_cast %swap3A_372 : vector<1x16xf32> to vector<16xf32>
    %swap3A_374 = vector.shape_cast %broadcast_in_dim3A_1 : vector<16xf32> to vector<1x16xf32>
    tpu.vector_store %arg11[%swap3A_370, %swap3A_371], %swap3A_374 {strides = array<i32>} : memref<16x128xf32, #tpu.memory_space<vmem>>, vector<1x16xf32>,
    %swap3A_375 = arith.constant 6 : i32
    %swap3A_376 = arith.index_cast %swap3A_375 : i32 to index
    %swap3A_377 = arith.constant 0 : index
    %swap3A_378 = tpu.vector_load %arg12[%swap3A_376, %swap3A_377] {strides = array<i32>} : memref<16x16xf32, #tpu.memory_space<vmem>>, vector<1x16xf32>,
    %swap3A_379 = vector.shape_cast %swap3A_378 : vector<1x16xf32> to vector<16xf32>
    %swap3A_380 = vector.shape_cast %broadcast_in_dim3A_1 : vector<16xf32> to vector<1x16xf32>
    tpu.vector_store %arg12[%swap3A_376, %swap3A_377], %swap3A_380 {strides = array<i32>} : memref<16x16xf32, #tpu.memory_space<vmem>>, vector<1x16xf32>,
    %swap3A_381 = arith.constant 7 : i32
    %swap3A_382 = arith.index_cast %swap3A_381 : i32 to index
    %swap3A_383 = arith.constant 0 : index
    %swap3A_384 = tpu.vector_load %arg11[%swap3A_382, %swap3A_383] {strides = array<i32>} : memref<16x128xf32, #tpu.memory_space<vmem>>, vector<1x16xf32>,
    %swap3A_385 = vector.shape_cast %swap3A_384 : vector<1x16xf32> to vector<16xf32>
    %swap3A_386 = vector.shape_cast %broadcast_in_dim3A_1 : vector<16xf32> to vector<1x16xf32>
    tpu.vector_store %arg11[%swap3A_382, %swap3A_383], %swap3A_386 {strides = array<i32>} : memref<16x128xf32, #tpu.memory_space<vmem>>, vector<1x16xf32>,
    %swap3A_387 = arith.constant 7 : i32
    %swap3A_388 = arith.index_cast %swap3A_387 : i32 to index
    %swap3A_389 = arith.constant 16 : index
    %swap3A_390 = tpu.vector_load %arg11[%swap3A_388, %swap3A_389] {strides = array<i32>} : memref<16x128xf32, #tpu.memory_space<vmem>>, vector<1x16xf32>,
    %swap3A_391 = vector.shape_cast %swap3A_390 : vector<1x16xf32> to vector<16xf32>
    %swap3A_392 = vector.shape_cast %broadcast_in_dim3A_1 : vector<16xf32> to vector<1x16xf32>
    tpu.vector_store %arg11[%swap3A_388, %swap3A_389], %swap3A_392 {strides = array<i32>} : memref<16x128xf32, #tpu.memory_space<vmem>>, vector<1x16xf32>,
    %swap3A_393 = arith.constant 7 : i32
    %swap3A_394 = arith.index_cast %swap3A_393 : i32 to index
    %swap3A_395 = arith.constant 32 : index
    %swap3A_396 = tpu.vector_load %arg11[%swap3A_394, %swap3A_395] {strides = array<i32>} : memref<16x128xf32, #tpu.memory_space<vmem>>, vector<1x16xf32>,
    %swap3A_397 = vector.shape_cast %swap3A_396 : vector<1x16xf32> to vector<16xf32>
    %swap3A_398 = vector.shape_cast %broadcast_in_dim3A_1 : vector<16xf32> to vector<1x16xf32>
    tpu.vector_store %arg11[%swap3A_394, %swap3A_395], %swap3A_398 {strides = array<i32>} : memref<16x128xf32, #tpu.memory_space<vmem>>, vector<1x16xf32>,
    %swap3A_399 = arith.constant 7 : i32
    %swap3A_400 = arith.index_cast %swap3A_399 : i32 to index
    %swap3A_401 = arith.constant 48 : index
    %swap3A_402 = tpu.vector_load %arg11[%swap3A_400, %swap3A_401] {strides = array<i32>} : memref<16x128xf32, #tpu.memory_space<vmem>>, vector<1x16xf32>,
    %swap3A_403 = vector.shape_cast %swap3A_402 : vector<1x16xf32> to vector<16xf32>
    %swap3A_404 = vector.shape_cast %broadcast_in_dim3A_1 : vector<16xf32> to vector<1x16xf32>
    tpu.vector_store %arg11[%swap3A_400, %swap3A_401], %swap3A_404 {strides = array<i32>} : memref<16x128xf32, #tpu.memory_space<vmem>>, vector<1x16xf32>,
    %swap3A_405 = arith.constant 7 : i32
    %swap3A_406 = arith.index_cast %swap3A_405 : i32 to index
    %swap3A_407 = arith.constant 64 : index
    %swap3A_408 = tpu.vector_load %arg11[%swap3A_406, %swap3A_407] {strides = array<i32>} : memref<16x128xf32, #tpu.memory_space<vmem>>, vector<1x16xf32>,
    %swap3A_409 = vector.shape_cast %swap3A_408 : vector<1x16xf32> to vector<16xf32>
    %swap3A_410 = vector.shape_cast %broadcast_in_dim3A_1 : vector<16xf32> to vector<1x16xf32>
    tpu.vector_store %arg11[%swap3A_406, %swap3A_407], %swap3A_410 {strides = array<i32>} : memref<16x128xf32, #tpu.memory_space<vmem>>, vector<1x16xf32>,
    %swap3A_411 = arith.constant 7 : i32
    %swap3A_412 = arith.index_cast %swap3A_411 : i32 to index
    %swap3A_413 = arith.constant 80 : index
    %swap3A_414 = tpu.vector_load %arg11[%swap3A_412, %swap3A_413] {strides = array<i32>} : memref<16x128xf32, #tpu.memory_space<vmem>>, vector<1x16xf32>,
    %swap3A_415 = vector.shape_cast %swap3A_414 : vector<1x16xf32> to vector<16xf32>
    %swap3A_416 = vector.shape_cast %broadcast_in_dim3A_1 : vector<16xf32> to vector<1x16xf32>
    tpu.vector_store %arg11[%swap3A_412, %swap3A_413], %swap3A_416 {strides = array<i32>} : memref<16x128xf32, #tpu.memory_space<vmem>>, vector<1x16xf32>,
    %swap3A_417 = arith.constant 7 : i32
    %swap3A_418 = arith.index_cast %swap3A_417 : i32 to index
    %swap3A_419 = arith.constant 96 : index
    %swap3A_420 = tpu.vector_load %arg11[%swap3A_418, %swap3A_419] {strides = array<i32>} : memref<16x128xf32, #tpu.memory_space<vmem>>, vector<1x16xf32>,
    %swap3A_421 = vector.shape_cast %swap3A_420 : vector<1x16xf32> to vector<16xf32>
    %swap3A_422 = vector.shape_cast %broadcast_in_dim3A_1 : vector<16xf32> to vector<1x16xf32>
    tpu.vector_store %arg11[%swap3A_418, %swap3A_419], %swap3A_422 {strides = array<i32>} : memref<16x128xf32, #tpu.memory_space<vmem>>, vector<1x16xf32>,
    %swap3A_423 = arith.constant 7 : i32
    %swap3A_424 = arith.index_cast %swap3A_423 : i32 to index
    %swap3A_425 = arith.constant 112 : index
    %swap3A_426 = tpu.vector_load %arg11[%swap3A_424, %swap3A_425] {strides = array<i32>} : memref<16x128xf32, #tpu.memory_space<vmem>>, vector<1x16xf32>,
    %swap3A_427 = vector.shape_cast %swap3A_426 : vector<1x16xf32> to vector<16xf32>
    %swap3A_428 = vector.shape_cast %broadcast_in_dim3A_1 : vector<16xf32> to vector<1x16xf32>
    tpu.vector_store %arg11[%swap3A_424, %swap3A_425], %swap3A_428 {strides = array<i32>} : memref<16x128xf32, #tpu.memory_space<vmem>>, vector<1x16xf32>,
    %swap3A_429 = arith.constant 7 : i32
    %swap3A_430 = arith.index_cast %swap3A_429 : i32 to index
    %swap3A_431 = arith.constant 0 : index
    %swap3A_432 = tpu.vector_load %arg12[%swap3A_430, %swap3A_431] {strides = array<i32>} : memref<16x16xf32, #tpu.memory_space<vmem>>, vector<1x16xf32>,
    %swap3A_433 = vector.shape_cast %swap3A_432 : vector<1x16xf32> to vector<16xf32>
    %swap3A_434 = vector.shape_cast %broadcast_in_dim3A_1 : vector<16xf32> to vector<1x16xf32>
    tpu.vector_store %arg12[%swap3A_430, %swap3A_431], %swap3A_434 {strides = array<i32>} : memref<16x16xf32, #tpu.memory_space<vmem>>, vector<1x16xf32>,
    %swap3A_435 = arith.constant 8 : i32
    %swap3A_436 = arith.index_cast %swap3A_435 : i32 to index
    %swap3A_437 = arith.constant 0 : index
    %swap3A_438 = tpu.vector_load %arg11[%swap3A_436, %swap3A_437] {strides = array<i32>} : memref<16x128xf32, #tpu.memory_space<vmem>>, vector<1x16xf32>,
    %swap3A_439 = vector.shape_cast %swap3A_438 : vector<1x16xf32> to vector<16xf32>
    %swap3A_440 = vector.shape_cast %broadcast_in_dim3A_1 : vector<16xf32> to vector<1x16xf32>
    tpu.vector_store %arg11[%swap3A_436, %swap3A_437], %swap3A_440 {strides = array<i32>} : memref<16x128xf32, #tpu.memory_space<vmem>>, vector<1x16xf32>,
    %swap3A_441 = arith.constant 8 : i32
    %swap3A_442 = arith.index_cast %swap3A_441 : i32 to index
    %swap3A_443 = arith.constant 16 : index
    %swap3A_444 = tpu.vector_load %arg11[%swap3A_442, %swap3A_443] {strides = array<i32>} : memref<16x128xf32, #tpu.memory_space<vmem>>, vector<1x16xf32>,
    %swap3A_445 = vector.shape_cast %swap3A_444 : vector<1x16xf32> to vector<16xf32>
    %swap3A_446 = vector.shape_cast %broadcast_in_dim3A_1 : vector<16xf32> to vector<1x16xf32>
    tpu.vector_store %arg11[%swap3A_442, %swap3A_443], %swap3A_446 {strides = array<i32>} : memref<16x128xf32, #tpu.memory_space<vmem>>, vector<1x16xf32>,
    %swap3A_447 = arith.constant 8 : i32
    %swap3A_448 = arith.index_cast %swap3A_447 : i32 to index
    %swap3A_449 = arith.constant 32 : index
    %swap3A_450 = tpu.vector_load %arg11[%swap3A_448, %swap3A_449] {strides = array<i32>} : memref<16x128xf32, #tpu.memory_space<vmem>>, vector<1x16xf32>,
    %swap3A_451 = vector.shape_cast %swap3A_450 : vector<1x16xf32> to vector<16xf32>
    %swap3A_452 = vector.shape_cast %broadcast_in_dim3A_1 : vector<16xf32> to vector<1x16xf32>
    tpu.vector_store %arg11[%swap3A_448, %swap3A_449], %swap3A_452 {strides = array<i32>} : memref<16x128xf32, #tpu.memory_space<vmem>>, vector<1x16xf32>,
    %swap3A_453 = arith.constant 8 : i32
    %swap3A_454 = arith.index_cast %swap3A_453 : i32 to index
    %swap3A_455 = arith.constant 48 : index
    %swap3A_456 = tpu.vector_load %arg11[%swap3A_454, %swap3A_455] {strides = array<i32>} : memref<16x128xf32, #tpu.memory_space<vmem>>, vector<1x16xf32>,
    %swap3A_457 = vector.shape_cast %swap3A_456 : vector<1x16xf32> to vector<16xf32>
    %swap3A_458 = vector.shape_cast %broadcast_in_dim3A_1 : vector<16xf32> to vector<1x16xf32>
    tpu.vector_store %arg11[%swap3A_454, %swap3A_455], %swap3A_458 {strides = array<i32>} : memref<16x128xf32, #tpu.memory_space<vmem>>, vector<1x16xf32>,
    %swap3A_459 = arith.constant 8 : i32
    %swap3A_460 = arith.index_cast %swap3A_459 : i32 to index
    %swap3A_461 = arith.constant 64 : index
    %swap3A_462 = tpu.vector_load %arg11[%swap3A_460, %swap3A_461] {strides = array<i32>} : memref<16x128xf32, #tpu.memory_space<vmem>>, vector<1x16xf32>,
    %swap3A_463 = vector.shape_cast %swap3A_462 : vector<1x16xf32> to vector<16xf32>
    %swap3A_464 = vector.shape_cast %broadcast_in_dim3A_1 : vector<16xf32> to vector<1x16xf32>
    tpu.vector_store %arg11[%swap3A_460, %swap3A_461], %swap3A_464 {strides = array<i32>} : memref<16x128xf32, #tpu.memory_space<vmem>>, vector<1x16xf32>,
    %swap3A_465 = arith.constant 8 : i32
    %swap3A_466 = arith.index_cast %swap3A_465 : i32 to index
    %swap3A_467 = arith.constant 80 : index
    %swap3A_468 = tpu.vector_load %arg11[%swap3A_466, %swap3A_467] {strides = array<i32>} : memref<16x128xf32, #tpu.memory_space<vmem>>, vector<1x16xf32>,
    %swap3A_469 = vector.shape_cast %swap3A_468 : vector<1x16xf32> to vector<16xf32>
    %swap3A_470 = vector.shape_cast %broadcast_in_dim3A_1 : vector<16xf32> to vector<1x16xf32>
    tpu.vector_store %arg11[%swap3A_466, %swap3A_467], %swap3A_470 {strides = array<i32>} : memref<16x128xf32, #tpu.memory_space<vmem>>, vector<1x16xf32>,
    %swap3A_471 = arith.constant 8 : i32
    %swap3A_472 = arith.index_cast %swap3A_471 : i32 to index
    %swap3A_473 = arith.constant 96 : index
    %swap3A_474 = tpu.vector_load %arg11[%swap3A_472, %swap3A_473] {strides = array<i32>} : memref<16x128xf32, #tpu.memory_space<vmem>>, vector<1x16xf32>,
    %swap3A_475 = vector.shape_cast %swap3A_474 : vector<1x16xf32> to vector<16xf32>
    %swap3A_476 = vector.shape_cast %broadcast_in_dim3A_1 : vector<16xf32> to vector<1x16xf32>
    tpu.vector_store %arg11[%swap3A_472, %swap3A_473], %swap3A_476 {strides = array<i32>} : memref<16x128xf32, #tpu.memory_space<vmem>>, vector<1x16xf32>,
    %swap3A_477 = arith.constant 8 : i32
    %swap3A_478 = arith.index_cast %swap3A_477 : i32 to index
    %swap3A_479 = arith.constant 112 : index
    %swap3A_480 = tpu.vector_load %arg11[%swap3A_478, %swap3A_479] {strides = array<i32>} : memref<16x128xf32, #tpu.memory_space<vmem>>, vector<1x16xf32>,
    %swap3A_481 = vector.shape_cast %swap3A_480 : vector<1x16xf32> to vector<16xf32>
    %swap3A_482 = vector.shape_cast %broadcast_in_dim3A_1 : vector<16xf32> to vector<1x16xf32>
    tpu.vector_store %arg11[%swap3A_478, %swap3A_479], %swap3A_482 {strides = array<i32>} : memref<16x128xf32, #tpu.memory_space<vmem>>, vector<1x16xf32>,
    %swap3A_483 = arith.constant 8 : i32
    %swap3A_484 = arith.index_cast %swap3A_483 : i32 to index
    %swap3A_485 = arith.constant 0 : index
    %swap3A_486 = tpu.vector_load %arg12[%swap3A_484, %swap3A_485] {strides = array<i32>} : memref<16x16xf32, #tpu.memory_space<vmem>>, vector<1x16xf32>,
    %swap3A_487 = vector.shape_cast %swap3A_486 : vector<1x16xf32> to vector<16xf32>
    %swap3A_488 = vector.shape_cast %broadcast_in_dim3A_1 : vector<16xf32> to vector<1x16xf32>
    tpu.vector_store %arg12[%swap3A_484, %swap3A_485], %swap3A_488 {strides = array<i32>} : memref<16x16xf32, #tpu.memory_space<vmem>>, vector<1x16xf32>,
    %swap3A_489 = arith.constant 9 : i32
    %swap3A_490 = arith.index_cast %swap3A_489 : i32 to index
    %swap3A_491 = arith.constant 0 : index
    %swap3A_492 = tpu.vector_load %arg11[%swap3A_490, %swap3A_491] {strides = array<i32>} : memref<16x128xf32, #tpu.memory_space<vmem>>, vector<1x16xf32>,
    %swap3A_493 = vector.shape_cast %swap3A_492 : vector<1x16xf32> to vector<16xf32>
    %swap3A_494 = vector.shape_cast %broadcast_in_dim3A_1 : vector<16xf32> to vector<1x16xf32>
    tpu.vector_store %arg11[%swap3A_490, %swap3A_491], %swap3A_494 {strides = array<i32>} : memref<16x128xf32, #tpu.memory_space<vmem>>, vector<1x16xf32>,
    %swap3A_495 = arith.constant 9 : i32
    %swap3A_496 = arith.index_cast %swap3A_495 : i32 to index
    %swap3A_497 = arith.constant 16 : index
    %swap3A_498 = tpu.vector_load %arg11[%swap3A_496, %swap3A_497] {strides = array<i32>} : memref<16x128xf32, #tpu.memory_space<vmem>>, vector<1x16xf32>,
    %swap3A_499 = vector.shape_cast %swap3A_498 : vector<1x16xf32> to vector<16xf32>
    %swap3A_500 = vector.shape_cast %broadcast_in_dim3A_1 : vector<16xf32> to vector<1x16xf32>
    tpu.vector_store %arg11[%swap3A_496, %swap3A_497], %swap3A_500 {strides = array<i32>} : memref<16x128xf32, #tpu.memory_space<vmem>>, vector<1x16xf32>,
    %swap3A_501 = arith.constant 9 : i32
    %swap3A_502 = arith.index_cast %swap3A_501 : i32 to index
    %swap3A_503 = arith.constant 32 : index
    %swap3A_504 = tpu.vector_load %arg11[%swap3A_502, %swap3A_503] {strides = array<i32>} : memref<16x128xf32, #tpu.memory_space<vmem>>, vector<1x16xf32>,
    %swap3A_505 = vector.shape_cast %swap3A_504 : vector<1x16xf32> to vector<16xf32>
    %swap3A_506 = vector.shape_cast %broadcast_in_dim3A_1 : vector<16xf32> to vector<1x16xf32>
    tpu.vector_store %arg11[%swap3A_502, %swap3A_503], %swap3A_506 {strides = array<i32>} : memref<16x128xf32, #tpu.memory_space<vmem>>, vector<1x16xf32>,
    %swap3A_507 = arith.constant 9 : i32
    %swap3A_508 = arith.index_cast %swap3A_507 : i32 to index
    %swap3A_509 = arith.constant 48 : index
    %swap3A_510 = tpu.vector_load %arg11[%swap3A_508, %swap3A_509] {strides = array<i32>} : memref<16x128xf32, #tpu.memory_space<vmem>>, vector<1x16xf32>,
    %swap3A_511 = vector.shape_cast %swap3A_510 : vector<1x16xf32> to vector<16xf32>
    %swap3A_512 = vector.shape_cast %broadcast_in_dim3A_1 : vector<16xf32> to vector<1x16xf32>
    tpu.vector_store %arg11[%swap3A_508, %swap3A_509], %swap3A_512 {strides = array<i32>} : memref<16x128xf32, #tpu.memory_space<vmem>>, vector<1x16xf32>,
    %swap3A_513 = arith.constant 9 : i32
    %swap3A_514 = arith.index_cast %swap3A_513 : i32 to index
    %swap3A_515 = arith.constant 64 : index
    %swap3A_516 = tpu.vector_load %arg11[%swap3A_514, %swap3A_515] {strides = array<i32>} : memref<16x128xf32, #tpu.memory_space<vmem>>, vector<1x16xf32>,
    %swap3A_517 = vector.shape_cast %swap3A_516 : vector<1x16xf32> to vector<16xf32>
    %swap3A_518 = vector.shape_cast %broadcast_in_dim3A_1 : vector<16xf32> to vector<1x16xf32>
    tpu.vector_store %arg11[%swap3A_514, %swap3A_515], %swap3A_518 {strides = array<i32>} : memref<16x128xf32, #tpu.memory_space<vmem>>, vector<1x16xf32>,
    %swap3A_519 = arith.constant 9 : i32
    %swap3A_520 = arith.index_cast %swap3A_519 : i32 to index
    %swap3A_521 = arith.constant 80 : index
    %swap3A_522 = tpu.vector_load %arg11[%swap3A_520, %swap3A_521] {strides = array<i32>} : memref<16x128xf32, #tpu.memory_space<vmem>>, vector<1x16xf32>,
    %swap3A_523 = vector.shape_cast %swap3A_522 : vector<1x16xf32> to vector<16xf32>
    %swap3A_524 = vector.shape_cast %broadcast_in_dim3A_1 : vector<16xf32> to vector<1x16xf32>
    tpu.vector_store %arg11[%swap3A_520, %swap3A_521], %swap3A_524 {strides = array<i32>} : memref<16x128xf32, #tpu.memory_space<vmem>>, vector<1x16xf32>,
    %swap3A_525 = arith.constant 9 : i32
    %swap3A_526 = arith.index_cast %swap3A_525 : i32 to index
    %swap3A_527 = arith.constant 96 : index
    %swap3A_528 = tpu.vector_load %arg11[%swap3A_526, %swap3A_527] {strides = array<i32>} : memref<16x128xf32, #tpu.memory_space<vmem>>, vector<1x16xf32>,
    %swap3A_529 = vector.shape_cast %swap3A_528 : vector<1x16xf32> to vector<16xf32>
    %swap3A_530 = vector.shape_cast %broadcast_in_dim3A_1 : vector<16xf32> to vector<1x16xf32>
    tpu.vector_store %arg11[%swap3A_526, %swap3A_527], %swap3A_530 {strides = array<i32>} : memref<16x128xf32, #tpu.memory_space<vmem>>, vector<1x16xf32>,
    %swap3A_531 = arith.constant 9 : i32
    %swap3A_532 = arith.index_cast %swap3A_531 : i32 to index
    %swap3A_533 = arith.constant 112 : index
    %swap3A_534 = tpu.vector_load %arg11[%swap3A_532, %swap3A_533] {strides = array<i32>} : memref<16x128xf32, #tpu.memory_space<vmem>>, vector<1x16xf32>,
    %swap3A_535 = vector.shape_cast %swap3A_534 : vector<1x16xf32> to vector<16xf32>
    %swap3A_536 = vector.shape_cast %broadcast_in_dim3A_1 : vector<16xf32> to vector<1x16xf32>
    tpu.vector_store %arg11[%swap3A_532, %swap3A_533], %swap3A_536 {strides = array<i32>} : memref<16x128xf32, #tpu.memory_space<vmem>>, vector<1x16xf32>,
    %swap3A_537 = arith.constant 9 : i32
    %swap3A_538 = arith.index_cast %swap3A_537 : i32 to index
    %swap3A_539 = arith.constant 0 : index
    %swap3A_540 = tpu.vector_load %arg12[%swap3A_538, %swap3A_539] {strides = array<i32>} : memref<16x16xf32, #tpu.memory_space<vmem>>, vector<1x16xf32>,
    %swap3A_541 = vector.shape_cast %swap3A_540 : vector<1x16xf32> to vector<16xf32>
    %swap3A_542 = vector.shape_cast %broadcast_in_dim3A_1 : vector<16xf32> to vector<1x16xf32>
    tpu.vector_store %arg12[%swap3A_538, %swap3A_539], %swap3A_542 {strides = array<i32>} : memref<16x16xf32, #tpu.memory_space<vmem>>, vector<1x16xf32>,
    %swap3A_543 = arith.constant 10 : i32
    %swap3A_544 = arith.index_cast %swap3A_543 : i32 to index
    %swap3A_545 = arith.constant 0 : index
    %swap3A_546 = tpu.vector_load %arg11[%swap3A_544, %swap3A_545] {strides = array<i32>} : memref<16x128xf32, #tpu.memory_space<vmem>>, vector<1x16xf32>,
    %swap3A_547 = vector.shape_cast %swap3A_546 : vector<1x16xf32> to vector<16xf32>
    %swap3A_548 = vector.shape_cast %broadcast_in_dim3A_1 : vector<16xf32> to vector<1x16xf32>
    tpu.vector_store %arg11[%swap3A_544, %swap3A_545], %swap3A_548 {strides = array<i32>} : memref<16x128xf32, #tpu.memory_space<vmem>>, vector<1x16xf32>,
    %swap3A_549 = arith.constant 10 : i32
    %swap3A_550 = arith.index_cast %swap3A_549 : i32 to index
    %swap3A_551 = arith.constant 16 : index
    %swap3A_552 = tpu.vector_load %arg11[%swap3A_550, %swap3A_551] {strides = array<i32>} : memref<16x128xf32, #tpu.memory_space<vmem>>, vector<1x16xf32>,
    %swap3A_553 = vector.shape_cast %swap3A_552 : vector<1x16xf32> to vector<16xf32>
    %swap3A_554 = vector.shape_cast %broadcast_in_dim3A_1 : vector<16xf32> to vector<1x16xf32>
    tpu.vector_store %arg11[%swap3A_550, %swap3A_551], %swap3A_554 {strides = array<i32>} : memref<16x128xf32, #tpu.memory_space<vmem>>, vector<1x16xf32>,
    %swap3A_555 = arith.constant 10 : i32
    %swap3A_556 = arith.index_cast %swap3A_555 : i32 to index
    %swap3A_557 = arith.constant 32 : index
    %swap3A_558 = tpu.vector_load %arg11[%swap3A_556, %swap3A_557] {strides = array<i32>} : memref<16x128xf32, #tpu.memory_space<vmem>>, vector<1x16xf32>,
    %swap3A_559 = vector.shape_cast %swap3A_558 : vector<1x16xf32> to vector<16xf32>
    %swap3A_560 = vector.shape_cast %broadcast_in_dim3A_1 : vector<16xf32> to vector<1x16xf32>
    tpu.vector_store %arg11[%swap3A_556, %swap3A_557], %swap3A_560 {strides = array<i32>} : memref<16x128xf32, #tpu.memory_space<vmem>>, vector<1x16xf32>,
    %swap3A_561 = arith.constant 10 : i32
    %swap3A_562 = arith.index_cast %swap3A_561 : i32 to index
    %swap3A_563 = arith.constant 48 : index
    %swap3A_564 = tpu.vector_load %arg11[%swap3A_562, %swap3A_563] {strides = array<i32>} : memref<16x128xf32, #tpu.memory_space<vmem>>, vector<1x16xf32>,
    %swap3A_565 = vector.shape_cast %swap3A_564 : vector<1x16xf32> to vector<16xf32>
    %swap3A_566 = vector.shape_cast %broadcast_in_dim3A_1 : vector<16xf32> to vector<1x16xf32>
    tpu.vector_store %arg11[%swap3A_562, %swap3A_563], %swap3A_566 {strides = array<i32>} : memref<16x128xf32, #tpu.memory_space<vmem>>, vector<1x16xf32>,
    %swap3A_567 = arith.constant 10 : i32
    %swap3A_568 = arith.index_cast %swap3A_567 : i32 to index
    %swap3A_569 = arith.constant 64 : index
    %swap3A_570 = tpu.vector_load %arg11[%swap3A_568, %swap3A_569] {strides = array<i32>} : memref<16x128xf32, #tpu.memory_space<vmem>>, vector<1x16xf32>,
    %swap3A_571 = vector.shape_cast %swap3A_570 : vector<1x16xf32> to vector<16xf32>
    %swap3A_572 = vector.shape_cast %broadcast_in_dim3A_1 : vector<16xf32> to vector<1x16xf32>
    tpu.vector_store %arg11[%swap3A_568, %swap3A_569], %swap3A_572 {strides = array<i32>} : memref<16x128xf32, #tpu.memory_space<vmem>>, vector<1x16xf32>,
    %swap3A_573 = arith.constant 10 : i32
    %swap3A_574 = arith.index_cast %swap3A_573 : i32 to index
    %swap3A_575 = arith.constant 80 : index
    %swap3A_576 = tpu.vector_load %arg11[%swap3A_574, %swap3A_575] {strides = array<i32>} : memref<16x128xf32, #tpu.memory_space<vmem>>, vector<1x16xf32>,
    %swap3A_577 = vector.shape_cast %swap3A_576 : vector<1x16xf32> to vector<16xf32>
    %swap3A_578 = vector.shape_cast %broadcast_in_dim3A_1 : vector<16xf32> to vector<1x16xf32>
    tpu.vector_store %arg11[%swap3A_574, %swap3A_575], %swap3A_578 {strides = array<i32>} : memref<16x128xf32, #tpu.memory_space<vmem>>, vector<1x16xf32>,
    %swap3A_579 = arith.constant 10 : i32
    %swap3A_580 = arith.index_cast %swap3A_579 : i32 to index
    %swap3A_581 = arith.constant 96 : index
    %swap3A_582 = tpu.vector_load %arg11[%swap3A_580, %swap3A_581] {strides = array<i32>} : memref<16x128xf32, #tpu.memory_space<vmem>>, vector<1x16xf32>,
    %swap3A_583 = vector.shape_cast %swap3A_582 : vector<1x16xf32> to vector<16xf32>
    %swap3A_584 = vector.shape_cast %broadcast_in_dim3A_1 : vector<16xf32> to vector<1x16xf32>
    tpu.vector_store %arg11[%swap3A_580, %swap3A_581], %swap3A_584 {strides = array<i32>} : memref<16x128xf32, #tpu.memory_space<vmem>>, vector<1x16xf32>,
    %swap3A_585 = arith.constant 10 : i32
    %swap3A_586 = arith.index_cast %swap3A_585 : i32 to index
    %swap3A_587 = arith.constant 112 : index
    %swap3A_588 = tpu.vector_load %arg11[%swap3A_586, %swap3A_587] {strides = array<i32>} : memref<16x128xf32, #tpu.memory_space<vmem>>, vector<1x16xf32>,
    %swap3A_589 = vector.shape_cast %swap3A_588 : vector<1x16xf32> to vector<16xf32>
    %swap3A_590 = vector.shape_cast %broadcast_in_dim3A_1 : vector<16xf32> to vector<1x16xf32>
    tpu.vector_store %arg11[%swap3A_586, %swap3A_587], %swap3A_590 {strides = array<i32>} : memref<16x128xf32, #tpu.memory_space<vmem>>, vector<1x16xf32>,
    %swap3A_591 = arith.constant 10 : i32
    %swap3A_592 = arith.index_cast %swap3A_591 : i32 to index
    %swap3A_593 = arith.constant 0 : index
    %swap3A_594 = tpu.vector_load %arg12[%swap3A_592, %swap3A_593] {strides = array<i32>} : memref<16x16xf32, #tpu.memory_space<vmem>>, vector<1x16xf32>,
    %swap3A_595 = vector.shape_cast %swap3A_594 : vector<1x16xf32> to vector<16xf32>
    %swap3A_596 = vector.shape_cast %broadcast_in_dim3A_1 : vector<16xf32> to vector<1x16xf32>
    tpu.vector_store %arg12[%swap3A_592, %swap3A_593], %swap3A_596 {strides = array<i32>} : memref<16x16xf32, #tpu.memory_space<vmem>>, vector<1x16xf32>,
    %swap3A_597 = arith.constant 11 : i32
    %swap3A_598 = arith.index_cast %swap3A_597 : i32 to index
    %swap3A_599 = arith.constant 0 : index
    %swap3A_600 = tpu.vector_load %arg11[%swap3A_598, %swap3A_599] {strides = array<i32>} : memref<16x128xf32, #tpu.memory_space<vmem>>, vector<1x16xf32>,
    %swap3A_601 = vector.shape_cast %swap3A_600 : vector<1x16xf32> to vector<16xf32>
    %swap3A_602 = vector.shape_cast %broadcast_in_dim3A_1 : vector<16xf32> to vector<1x16xf32>
    tpu.vector_store %arg11[%swap3A_598, %swap3A_599], %swap3A_602 {strides = array<i32>} : memref<16x128xf32, #tpu.memory_space<vmem>>, vector<1x16xf32>,
    %swap3A_603 = arith.constant 11 : i32
    %swap3A_604 = arith.index_cast %swap3A_603 : i32 to index
    %swap3A_605 = arith.constant 16 : index
    %swap3A_606 = tpu.vector_load %arg11[%swap3A_604, %swap3A_605] {strides = array<i32>} : memref<16x128xf32, #tpu.memory_space<vmem>>, vector<1x16xf32>,
    %swap3A_607 = vector.shape_cast %swap3A_606 : vector<1x16xf32> to vector<16xf32>
    %swap3A_608 = vector.shape_cast %broadcast_in_dim3A_1 : vector<16xf32> to vector<1x16xf32>
    tpu.vector_store %arg11[%swap3A_604, %swap3A_605], %swap3A_608 {strides = array<i32>} : memref<16x128xf32, #tpu.memory_space<vmem>>, vector<1x16xf32>,
    %swap3A_609 = arith.constant 11 : i32
    %swap3A_610 = arith.index_cast %swap3A_609 : i32 to index
    %swap3A_611 = arith.constant 32 : index
    %swap3A_612 = tpu.vector_load %arg11[%swap3A_610, %swap3A_611] {strides = array<i32>} : memref<16x128xf32, #tpu.memory_space<vmem>>, vector<1x16xf32>,
    %swap3A_613 = vector.shape_cast %swap3A_612 : vector<1x16xf32> to vector<16xf32>
    %swap3A_614 = vector.shape_cast %broadcast_in_dim3A_1 : vector<16xf32> to vector<1x16xf32>
    tpu.vector_store %arg11[%swap3A_610, %swap3A_611], %swap3A_614 {strides = array<i32>} : memref<16x128xf32, #tpu.memory_space<vmem>>, vector<1x16xf32>,
    %swap3A_615 = arith.constant 11 : i32
    %swap3A_616 = arith.index_cast %swap3A_615 : i32 to index
    %swap3A_617 = arith.constant 48 : index
    %swap3A_618 = tpu.vector_load %arg11[%swap3A_616, %swap3A_617] {strides = array<i32>} : memref<16x128xf32, #tpu.memory_space<vmem>>, vector<1x16xf32>,
    %swap3A_619 = vector.shape_cast %swap3A_618 : vector<1x16xf32> to vector<16xf32>
    %swap3A_620 = vector.shape_cast %broadcast_in_dim3A_1 : vector<16xf32> to vector<1x16xf32>
    tpu.vector_store %arg11[%swap3A_616, %swap3A_617], %swap3A_620 {strides = array<i32>} : memref<16x128xf32, #tpu.memory_space<vmem>>, vector<1x16xf32>,
    %swap3A_621 = arith.constant 11 : i32
    %swap3A_622 = arith.index_cast %swap3A_621 : i32 to index
    %swap3A_623 = arith.constant 64 : index
    %swap3A_624 = tpu.vector_load %arg11[%swap3A_622, %swap3A_623] {strides = array<i32>} : memref<16x128xf32, #tpu.memory_space<vmem>>, vector<1x16xf32>,
    %swap3A_625 = vector.shape_cast %swap3A_624 : vector<1x16xf32> to vector<16xf32>
    %swap3A_626 = vector.shape_cast %broadcast_in_dim3A_1 : vector<16xf32> to vector<1x16xf32>
    tpu.vector_store %arg11[%swap3A_622, %swap3A_623], %swap3A_626 {strides = array<i32>} : memref<16x128xf32, #tpu.memory_space<vmem>>, vector<1x16xf32>,
    %swap3A_627 = arith.constant 11 : i32
    %swap3A_628 = arith.index_cast %swap3A_627 : i32 to index
    %swap3A_629 = arith.constant 80 : index
    %swap3A_630 = tpu.vector_load %arg11[%swap3A_628, %swap3A_629] {strides = array<i32>} : memref<16x128xf32, #tpu.memory_space<vmem>>, vector<1x16xf32>,
    %swap3A_631 = vector.shape_cast %swap3A_630 : vector<1x16xf32> to vector<16xf32>
    %swap3A_632 = vector.shape_cast %broadcast_in_dim3A_1 : vector<16xf32> to vector<1x16xf32>
    tpu.vector_store %arg11[%swap3A_628, %swap3A_629], %swap3A_632 {strides = array<i32>} : memref<16x128xf32, #tpu.memory_space<vmem>>, vector<1x16xf32>,
    %swap3A_633 = arith.constant 11 : i32
    %swap3A_634 = arith.index_cast %swap3A_633 : i32 to index
    %swap3A_635 = arith.constant 96 : index
    %swap3A_636 = tpu.vector_load %arg11[%swap3A_634, %swap3A_635] {strides = array<i32>} : memref<16x128xf32, #tpu.memory_space<vmem>>, vector<1x16xf32>,
    %swap3A_637 = vector.shape_cast %swap3A_636 : vector<1x16xf32> to vector<16xf32>
    %swap3A_638 = vector.shape_cast %broadcast_in_dim3A_1 : vector<16xf32> to vector<1x16xf32>
    tpu.vector_store %arg11[%swap3A_634, %swap3A_635], %swap3A_638 {strides = array<i32>} : memref<16x128xf32, #tpu.memory_space<vmem>>, vector<1x16xf32>,
    %swap3A_639 = arith.constant 11 : i32
    %swap3A_640 = arith.index_cast %swap3A_639 : i32 to index
    %swap3A_641 = arith.constant 112 : index
    %swap3A_642 = tpu.vector_load %arg11[%swap3A_640, %swap3A_641] {strides = array<i32>} : memref<16x128xf32, #tpu.memory_space<vmem>>, vector<1x16xf32>,
    %swap3A_643 = vector.shape_cast %swap3A_642 : vector<1x16xf32> to vector<16xf32>
    %swap3A_644 = vector.shape_cast %broadcast_in_dim3A_1 : vector<16xf32> to vector<1x16xf32>
    tpu.vector_store %arg11[%swap3A_640, %swap3A_641], %swap3A_644 {strides = array<i32>} : memref<16x128xf32, #tpu.memory_space<vmem>>, vector<1x16xf32>,
    %swap3A_645 = arith.constant 11 : i32
    %swap3A_646 = arith.index_cast %swap3A_645 : i32 to index
    %swap3A_647 = arith.constant 0 : index
    %swap3A_648 = tpu.vector_load %arg12[%swap3A_646, %swap3A_647] {strides = array<i32>} : memref<16x16xf32, #tpu.memory_space<vmem>>, vector<1x16xf32>,
    %swap3A_649 = vector.shape_cast %swap3A_648 : vector<1x16xf32> to vector<16xf32>
    %swap3A_650 = vector.shape_cast %broadcast_in_dim3A_1 : vector<16xf32> to vector<1x16xf32>
    tpu.vector_store %arg12[%swap3A_646, %swap3A_647], %swap3A_650 {strides = array<i32>} : memref<16x16xf32, #tpu.memory_space<vmem>>, vector<1x16xf32>,
    %swap3A_651 = arith.constant 12 : i32
    %swap3A_652 = arith.index_cast %swap3A_651 : i32 to index
    %swap3A_653 = arith.constant 0 : index
    %swap3A_654 = tpu.vector_load %arg11[%swap3A_652, %swap3A_653] {strides = array<i32>} : memref<16x128xf32, #tpu.memory_space<vmem>>, vector<1x16xf32>,
    %swap3A_655 = vector.shape_cast %swap3A_654 : vector<1x16xf32> to vector<16xf32>
    %swap3A_656 = vector.shape_cast %broadcast_in_dim3A_1 : vector<16xf32> to vector<1x16xf32>
    tpu.vector_store %arg11[%swap3A_652, %swap3A_653], %swap3A_656 {strides = array<i32>} : memref<16x128xf32, #tpu.memory_space<vmem>>, vector<1x16xf32>,
    %swap3A_657 = arith.constant 12 : i32
    %swap3A_658 = arith.index_cast %swap3A_657 : i32 to index
    %swap3A_659 = arith.constant 16 : index
    %swap3A_660 = tpu.vector_load %arg11[%swap3A_658, %swap3A_659] {strides = array<i32>} : memref<16x128xf32, #tpu.memory_space<vmem>>, vector<1x16xf32>,
    %swap3A_661 = vector.shape_cast %swap3A_660 : vector<1x16xf32> to vector<16xf32>
    %swap3A_662 = vector.shape_cast %broadcast_in_dim3A_1 : vector<16xf32> to vector<1x16xf32>
    tpu.vector_store %arg11[%swap3A_658, %swap3A_659], %swap3A_662 {strides = array<i32>} : memref<16x128xf32, #tpu.memory_space<vmem>>, vector<1x16xf32>,
    %swap3A_663 = arith.constant 12 : i32
    %swap3A_664 = arith.index_cast %swap3A_663 : i32 to index
    %swap3A_665 = arith.constant 32 : index
    %swap3A_666 = tpu.vector_load %arg11[%swap3A_664, %swap3A_665] {strides = array<i32>} : memref<16x128xf32, #tpu.memory_space<vmem>>, vector<1x16xf32>,
    %swap3A_667 = vector.shape_cast %swap3A_666 : vector<1x16xf32> to vector<16xf32>
    %swap3A_668 = vector.shape_cast %broadcast_in_dim3A_1 : vector<16xf32> to vector<1x16xf32>
    tpu.vector_store %arg11[%swap3A_664, %swap3A_665], %swap3A_668 {strides = array<i32>} : memref<16x128xf32, #tpu.memory_space<vmem>>, vector<1x16xf32>,
    %swap3A_669 = arith.constant 12 : i32
    %swap3A_670 = arith.index_cast %swap3A_669 : i32 to index
    %swap3A_671 = arith.constant 48 : index
    %swap3A_672 = tpu.vector_load %arg11[%swap3A_670, %swap3A_671] {strides = array<i32>} : memref<16x128xf32, #tpu.memory_space<vmem>>, vector<1x16xf32>,
    %swap3A_673 = vector.shape_cast %swap3A_672 : vector<1x16xf32> to vector<16xf32>
    %swap3A_674 = vector.shape_cast %broadcast_in_dim3A_1 : vector<16xf32> to vector<1x16xf32>
    tpu.vector_store %arg11[%swap3A_670, %swap3A_671], %swap3A_674 {strides = array<i32>} : memref<16x128xf32, #tpu.memory_space<vmem>>, vector<1x16xf32>,
    %swap3A_675 = arith.constant 12 : i32
    %swap3A_676 = arith.index_cast %swap3A_675 : i32 to index
    %swap3A_677 = arith.constant 64 : index
    %swap3A_678 = tpu.vector_load %arg11[%swap3A_676, %swap3A_677] {strides = array<i32>} : memref<16x128xf32, #tpu.memory_space<vmem>>, vector<1x16xf32>,
    %swap3A_679 = vector.shape_cast %swap3A_678 : vector<1x16xf32> to vector<16xf32>
    %swap3A_680 = vector.shape_cast %broadcast_in_dim3A_1 : vector<16xf32> to vector<1x16xf32>
    tpu.vector_store %arg11[%swap3A_676, %swap3A_677], %swap3A_680 {strides = array<i32>} : memref<16x128xf32, #tpu.memory_space<vmem>>, vector<1x16xf32>,
    %swap3A_681 = arith.constant 12 : i32
    %swap3A_682 = arith.index_cast %swap3A_681 : i32 to index
    %swap3A_683 = arith.constant 80 : index
    %swap3A_684 = tpu.vector_load %arg11[%swap3A_682, %swap3A_683] {strides = array<i32>} : memref<16x128xf32, #tpu.memory_space<vmem>>, vector<1x16xf32>,
    %swap3A_685 = vector.shape_cast %swap3A_684 : vector<1x16xf32> to vector<16xf32>
    %swap3A_686 = vector.shape_cast %broadcast_in_dim3A_1 : vector<16xf32> to vector<1x16xf32>
    tpu.vector_store %arg11[%swap3A_682, %swap3A_683], %swap3A_686 {strides = array<i32>} : memref<16x128xf32, #tpu.memory_space<vmem>>, vector<1x16xf32>,
    %swap3A_687 = arith.constant 12 : i32
    %swap3A_688 = arith.index_cast %swap3A_687 : i32 to index
    %swap3A_689 = arith.constant 96 : index
    %swap3A_690 = tpu.vector_load %arg11[%swap3A_688, %swap3A_689] {strides = array<i32>} : memref<16x128xf32, #tpu.memory_space<vmem>>, vector<1x16xf32>,
    %swap3A_691 = vector.shape_cast %swap3A_690 : vector<1x16xf32> to vector<16xf32>
    %swap3A_692 = vector.shape_cast %broadcast_in_dim3A_1 : vector<16xf32> to vector<1x16xf32>
    tpu.vector_store %arg11[%swap3A_688, %swap3A_689], %swap3A_692 {strides = array<i32>} : memref<16x128xf32, #tpu.memory_space<vmem>>, vector<1x16xf32>,
    %swap3A_693 = arith.constant 12 : i32
    %swap3A_694 = arith.index_cast %swap3A_693 : i32 to index
    %swap3A_695 = arith.constant 112 : index
    %swap3A_696 = tpu.vector_load %arg11[%swap3A_694, %swap3A_695] {strides = array<i32>} : memref<16x128xf32, #tpu.memory_space<vmem>>, vector<1x16xf32>,
    %swap3A_697 = vector.shape_cast %swap3A_696 : vector<1x16xf32> to vector<16xf32>
    %swap3A_698 = vector.shape_cast %broadcast_in_dim3A_1 : vector<16xf32> to vector<1x16xf32>
    tpu.vector_store %arg11[%swap3A_694, %swap3A_695], %swap3A_698 {strides = array<i32>} : memref<16x128xf32, #tpu.memory_space<vmem>>, vector<1x16xf32>,
    %swap3A_699 = arith.constant 12 : i32
    %swap3A_700 = arith.index_cast %swap3A_699 : i32 to index
    %swap3A_701 = arith.constant 0 : index
    %swap3A_702 = tpu.vector_load %arg12[%swap3A_700, %swap3A_701] {strides = array<i32>} : memref<16x16xf32, #tpu.memory_space<vmem>>, vector<1x16xf32>,
    %swap3A_703 = vector.shape_cast %swap3A_702 : vector<1x16xf32> to vector<16xf32>
    %swap3A_704 = vector.shape_cast %broadcast_in_dim3A_1 : vector<16xf32> to vector<1x16xf32>
    tpu.vector_store %arg12[%swap3A_700, %swap3A_701], %swap3A_704 {strides = array<i32>} : memref<16x16xf32, #tpu.memory_space<vmem>>, vector<1x16xf32>,
    %swap3A_705 = arith.constant 13 : i32
    %swap3A_706 = arith.index_cast %swap3A_705 : i32 to index
    %swap3A_707 = arith.constant 0 : index
    %swap3A_708 = tpu.vector_load %arg11[%swap3A_706, %swap3A_707] {strides = array<i32>} : memref<16x128xf32, #tpu.memory_space<vmem>>, vector<1x16xf32>,
    %swap3A_709 = vector.shape_cast %swap3A_708 : vector<1x16xf32> to vector<16xf32>
    %swap3A_710 = vector.shape_cast %broadcast_in_dim3A_1 : vector<16xf32> to vector<1x16xf32>
    tpu.vector_store %arg11[%swap3A_706, %swap3A_707], %swap3A_710 {strides = array<i32>} : memref<16x128xf32, #tpu.memory_space<vmem>>, vector<1x16xf32>,
    %swap3A_711 = arith.constant 13 : i32
    %swap3A_712 = arith.index_cast %swap3A_711 : i32 to index
    %swap3A_713 = arith.constant 16 : index
    %swap3A_714 = tpu.vector_load %arg11[%swap3A_712, %swap3A_713] {strides = array<i32>} : memref<16x128xf32, #tpu.memory_space<vmem>>, vector<1x16xf32>,
    %swap3A_715 = vector.shape_cast %swap3A_714 : vector<1x16xf32> to vector<16xf32>
    %swap3A_716 = vector.shape_cast %broadcast_in_dim3A_1 : vector<16xf32> to vector<1x16xf32>
    tpu.vector_store %arg11[%swap3A_712, %swap3A_713], %swap3A_716 {strides = array<i32>} : memref<16x128xf32, #tpu.memory_space<vmem>>, vector<1x16xf32>,
    %swap3A_717 = arith.constant 13 : i32
    %swap3A_718 = arith.index_cast %swap3A_717 : i32 to index
    %swap3A_719 = arith.constant 32 : index
    %swap3A_720 = tpu.vector_load %arg11[%swap3A_718, %swap3A_719] {strides = array<i32>} : memref<16x128xf32, #tpu.memory_space<vmem>>, vector<1x16xf32>,
    %swap3A_721 = vector.shape_cast %swap3A_720 : vector<1x16xf32> to vector<16xf32>
    %swap3A_722 = vector.shape_cast %broadcast_in_dim3A_1 : vector<16xf32> to vector<1x16xf32>
    tpu.vector_store %arg11[%swap3A_718, %swap3A_719], %swap3A_722 {strides = array<i32>} : memref<16x128xf32, #tpu.memory_space<vmem>>, vector<1x16xf32>,
    %swap3A_723 = arith.constant 13 : i32
    %swap3A_724 = arith.index_cast %swap3A_723 : i32 to index
    %swap3A_725 = arith.constant 48 : index
    %swap3A_726 = tpu.vector_load %arg11[%swap3A_724, %swap3A_725] {strides = array<i32>} : memref<16x128xf32, #tpu.memory_space<vmem>>, vector<1x16xf32>,
    %swap3A_727 = vector.shape_cast %swap3A_726 : vector<1x16xf32> to vector<16xf32>
    %swap3A_728 = vector.shape_cast %broadcast_in_dim3A_1 : vector<16xf32> to vector<1x16xf32>
    tpu.vector_store %arg11[%swap3A_724, %swap3A_725], %swap3A_728 {strides = array<i32>} : memref<16x128xf32, #tpu.memory_space<vmem>>, vector<1x16xf32>,
    %swap3A_729 = arith.constant 13 : i32
    %swap3A_730 = arith.index_cast %swap3A_729 : i32 to index
    %swap3A_731 = arith.constant 64 : index
    %swap3A_732 = tpu.vector_load %arg11[%swap3A_730, %swap3A_731] {strides = array<i32>} : memref<16x128xf32, #tpu.memory_space<vmem>>, vector<1x16xf32>,
    %swap3A_733 = vector.shape_cast %swap3A_732 : vector<1x16xf32> to vector<16xf32>
    %swap3A_734 = vector.shape_cast %broadcast_in_dim3A_1 : vector<16xf32> to vector<1x16xf32>
    tpu.vector_store %arg11[%swap3A_730, %swap3A_731], %swap3A_734 {strides = array<i32>} : memref<16x128xf32, #tpu.memory_space<vmem>>, vector<1x16xf32>,
    %swap3A_735 = arith.constant 13 : i32
    %swap3A_736 = arith.index_cast %swap3A_735 : i32 to index
    %swap3A_737 = arith.constant 80 : index
    %swap3A_738 = tpu.vector_load %arg11[%swap3A_736, %swap3A_737] {strides = array<i32>} : memref<16x128xf32, #tpu.memory_space<vmem>>, vector<1x16xf32>,
    %swap3A_739 = vector.shape_cast %swap3A_738 : vector<1x16xf32> to vector<16xf32>
    %swap3A_740 = vector.shape_cast %broadcast_in_dim3A_1 : vector<16xf32> to vector<1x16xf32>
    tpu.vector_store %arg11[%swap3A_736, %swap3A_737], %swap3A_740 {strides = array<i32>} : memref<16x128xf32, #tpu.memory_space<vmem>>, vector<1x16xf32>,
    %swap3A_741 = arith.constant 13 : i32
    %swap3A_742 = arith.index_cast %swap3A_741 : i32 to index
    %swap3A_743 = arith.constant 96 : index
    %swap3A_744 = tpu.vector_load %arg11[%swap3A_742, %swap3A_743] {strides = array<i32>} : memref<16x128xf32, #tpu.memory_space<vmem>>, vector<1x16xf32>,
    %swap3A_745 = vector.shape_cast %swap3A_744 : vector<1x16xf32> to vector<16xf32>
    %swap3A_746 = vector.shape_cast %broadcast_in_dim3A_1 : vector<16xf32> to vector<1x16xf32>
    tpu.vector_store %arg11[%swap3A_742, %swap3A_743], %swap3A_746 {strides = array<i32>} : memref<16x128xf32, #tpu.memory_space<vmem>>, vector<1x16xf32>,
    %swap3A_747 = arith.constant 13 : i32
    %swap3A_748 = arith.index_cast %swap3A_747 : i32 to index
    %swap3A_749 = arith.constant 112 : index
    %swap3A_750 = tpu.vector_load %arg11[%swap3A_748, %swap3A_749] {strides = array<i32>} : memref<16x128xf32, #tpu.memory_space<vmem>>, vector<1x16xf32>,
    %swap3A_751 = vector.shape_cast %swap3A_750 : vector<1x16xf32> to vector<16xf32>
    %swap3A_752 = vector.shape_cast %broadcast_in_dim3A_1 : vector<16xf32> to vector<1x16xf32>
    tpu.vector_store %arg11[%swap3A_748, %swap3A_749], %swap3A_752 {strides = array<i32>} : memref<16x128xf32, #tpu.memory_space<vmem>>, vector<1x16xf32>,
    %swap3A_753 = arith.constant 13 : i32
    %swap3A_754 = arith.index_cast %swap3A_753 : i32 to index
    %swap3A_755 = arith.constant 0 : index
    %swap3A_756 = tpu.vector_load %arg12[%swap3A_754, %swap3A_755] {strides = array<i32>} : memref<16x16xf32, #tpu.memory_space<vmem>>, vector<1x16xf32>,
    %swap3A_757 = vector.shape_cast %swap3A_756 : vector<1x16xf32> to vector<16xf32>
    %swap3A_758 = vector.shape_cast %broadcast_in_dim3A_1 : vector<16xf32> to vector<1x16xf32>
    tpu.vector_store %arg12[%swap3A_754, %swap3A_755], %swap3A_758 {strides = array<i32>} : memref<16x16xf32, #tpu.memory_space<vmem>>, vector<1x16xf32>,
    %swap3A_759 = arith.constant 14 : i32
    %swap3A_760 = arith.index_cast %swap3A_759 : i32 to index
    %swap3A_761 = arith.constant 0 : index
    %swap3A_762 = tpu.vector_load %arg11[%swap3A_760, %swap3A_761] {strides = array<i32>} : memref<16x128xf32, #tpu.memory_space<vmem>>, vector<1x16xf32>,
    %swap3A_763 = vector.shape_cast %swap3A_762 : vector<1x16xf32> to vector<16xf32>
    %swap3A_764 = vector.shape_cast %broadcast_in_dim3A_1 : vector<16xf32> to vector<1x16xf32>
    tpu.vector_store %arg11[%swap3A_760, %swap3A_761], %swap3A_764 {strides = array<i32>} : memref<16x128xf32, #tpu.memory_space<vmem>>, vector<1x16xf32>,
    %swap3A_765 = arith.constant 14 : i32
    %swap3A_766 = arith.index_cast %swap3A_765 : i32 to index
    %swap3A_767 = arith.constant 16 : index
    %swap3A_768 = tpu.vector_load %arg11[%swap3A_766, %swap3A_767] {strides = array<i32>} : memref<16x128xf32, #tpu.memory_space<vmem>>, vector<1x16xf32>,
    %swap3A_769 = vector.shape_cast %swap3A_768 : vector<1x16xf32> to vector<16xf32>
    %swap3A_770 = vector.shape_cast %broadcast_in_dim3A_1 : vector<16xf32> to vector<1x16xf32>
    tpu.vector_store %arg11[%swap3A_766, %swap3A_767], %swap3A_770 {strides = array<i32>} : memref<16x128xf32, #tpu.memory_space<vmem>>, vector<1x16xf32>,
    %swap3A_771 = arith.constant 14 : i32
    %swap3A_772 = arith.index_cast %swap3A_771 : i32 to index
    %swap3A_773 = arith.constant 32 : index
    %swap3A_774 = tpu.vector_load %arg11[%swap3A_772, %swap3A_773] {strides = array<i32>} : memref<16x128xf32, #tpu.memory_space<vmem>>, vector<1x16xf32>,
    %swap3A_775 = vector.shape_cast %swap3A_774 : vector<1x16xf32> to vector<16xf32>
    %swap3A_776 = vector.shape_cast %broadcast_in_dim3A_1 : vector<16xf32> to vector<1x16xf32>
    tpu.vector_store %arg11[%swap3A_772, %swap3A_773], %swap3A_776 {strides = array<i32>} : memref<16x128xf32, #tpu.memory_space<vmem>>, vector<1x16xf32>,
    %swap3A_777 = arith.constant 14 : i32
    %swap3A_778 = arith.index_cast %swap3A_777 : i32 to index
    %swap3A_779 = arith.constant 48 : index
    %swap3A_780 = tpu.vector_load %arg11[%swap3A_778, %swap3A_779] {strides = array<i32>} : memref<16x128xf32, #tpu.memory_space<vmem>>, vector<1x16xf32>,
    %swap3A_781 = vector.shape_cast %swap3A_780 : vector<1x16xf32> to vector<16xf32>
    %swap3A_782 = vector.shape_cast %broadcast_in_dim3A_1 : vector<16xf32> to vector<1x16xf32>
    tpu.vector_store %arg11[%swap3A_778, %swap3A_779], %swap3A_782 {strides = array<i32>} : memref<16x128xf32, #tpu.memory_space<vmem>>, vector<1x16xf32>,
    %swap3A_783 = arith.constant 14 : i32
    %swap3A_784 = arith.index_cast %swap3A_783 : i32 to index
    %swap3A_785 = arith.constant 64 : index
    %swap3A_786 = tpu.vector_load %arg11[%swap3A_784, %swap3A_785] {strides = array<i32>} : memref<16x128xf32, #tpu.memory_space<vmem>>, vector<1x16xf32>,
    %swap3A_787 = vector.shape_cast %swap3A_786 : vector<1x16xf32> to vector<16xf32>
    %swap3A_788 = vector.shape_cast %broadcast_in_dim3A_1 : vector<16xf32> to vector<1x16xf32>
    tpu.vector_store %arg11[%swap3A_784, %swap3A_785], %swap3A_788 {strides = array<i32>} : memref<16x128xf32, #tpu.memory_space<vmem>>, vector<1x16xf32>,
    %swap3A_789 = arith.constant 14 : i32
    %swap3A_790 = arith.index_cast %swap3A_789 : i32 to index
    %swap3A_791 = arith.constant 80 : index
    %swap3A_792 = tpu.vector_load %arg11[%swap3A_790, %swap3A_791] {strides = array<i32>} : memref<16x128xf32, #tpu.memory_space<vmem>>, vector<1x16xf32>,
    %swap3A_793 = vector.shape_cast %swap3A_792 : vector<1x16xf32> to vector<16xf32>
    %swap3A_794 = vector.shape_cast %broadcast_in_dim3A_1 : vector<16xf32> to vector<1x16xf32>
    tpu.vector_store %arg11[%swap3A_790, %swap3A_791], %swap3A_794 {strides = array<i32>} : memref<16x128xf32, #tpu.memory_space<vmem>>, vector<1x16xf32>,
    %swap3A_795 = arith.constant 14 : i32
    %swap3A_796 = arith.index_cast %swap3A_795 : i32 to index
    %swap3A_797 = arith.constant 96 : index
    %swap3A_798 = tpu.vector_load %arg11[%swap3A_796, %swap3A_797] {strides = array<i32>} : memref<16x128xf32, #tpu.memory_space<vmem>>, vector<1x16xf32>,
    %swap3A_799 = vector.shape_cast %swap3A_798 : vector<1x16xf32> to vector<16xf32>
    %swap3A_800 = vector.shape_cast %broadcast_in_dim3A_1 : vector<16xf32> to vector<1x16xf32>
    tpu.vector_store %arg11[%swap3A_796, %swap3A_797], %swap3A_800 {strides = array<i32>} : memref<16x128xf32, #tpu.memory_space<vmem>>, vector<1x16xf32>,
    %swap3A_801 = arith.constant 14 : i32
    %swap3A_802 = arith.index_cast %swap3A_801 : i32 to index
    %swap3A_803 = arith.constant 112 : index
    %swap3A_804 = tpu.vector_load %arg11[%swap3A_802, %swap3A_803] {strides = array<i32>} : memref<16x128xf32, #tpu.memory_space<vmem>>, vector<1x16xf32>,
    %swap3A_805 = vector.shape_cast %swap3A_804 : vector<1x16xf32> to vector<16xf32>
    %swap3A_806 = vector.shape_cast %broadcast_in_dim3A_1 : vector<16xf32> to vector<1x16xf32>
    tpu.vector_store %arg11[%swap3A_802, %swap3A_803], %swap3A_806 {strides = array<i32>} : memref<16x128xf32, #tpu.memory_space<vmem>>, vector<1x16xf32>,
    %swap3A_807 = arith.constant 14 : i32
    %swap3A_808 = arith.index_cast %swap3A_807 : i32 to index
    %swap3A_809 = arith.constant 0 : index
    %swap3A_810 = tpu.vector_load %arg12[%swap3A_808, %swap3A_809] {strides = array<i32>} : memref<16x16xf32, #tpu.memory_space<vmem>>, vector<1x16xf32>,
    %swap3A_811 = vector.shape_cast %swap3A_810 : vector<1x16xf32> to vector<16xf32>
    %swap3A_812 = vector.shape_cast %broadcast_in_dim3A_1 : vector<16xf32> to vector<1x16xf32>
    tpu.vector_store %arg12[%swap3A_808, %swap3A_809], %swap3A_812 {strides = array<i32>} : memref<16x16xf32, #tpu.memory_space<vmem>>, vector<1x16xf32>,
    %swap3A_813 = arith.constant 15 : i32
    %swap3A_814 = arith.index_cast %swap3A_813 : i32 to index
    %swap3A_815 = arith.constant 0 : index
    %swap3A_816 = tpu.vector_load %arg11[%swap3A_814, %swap3A_815] {strides = array<i32>} : memref<16x128xf32, #tpu.memory_space<vmem>>, vector<1x16xf32>,
    %swap3A_817 = vector.shape_cast %swap3A_816 : vector<1x16xf32> to vector<16xf32>
    %swap3A_818 = vector.shape_cast %broadcast_in_dim3A_1 : vector<16xf32> to vector<1x16xf32>
    tpu.vector_store %arg11[%swap3A_814, %swap3A_815], %swap3A_818 {strides = array<i32>} : memref<16x128xf32, #tpu.memory_space<vmem>>, vector<1x16xf32>,
    %swap3A_819 = arith.constant 15 : i32
    %swap3A_820 = arith.index_cast %swap3A_819 : i32 to index
    %swap3A_821 = arith.constant 16 : index
    %swap3A_822 = tpu.vector_load %arg11[%swap3A_820, %swap3A_821] {strides = array<i32>} : memref<16x128xf32, #tpu.memory_space<vmem>>, vector<1x16xf32>,
    %swap3A_823 = vector.shape_cast %swap3A_822 : vector<1x16xf32> to vector<16xf32>
    %swap3A_824 = vector.shape_cast %broadcast_in_dim3A_1 : vector<16xf32> to vector<1x16xf32>
    tpu.vector_store %arg11[%swap3A_820, %swap3A_821], %swap3A_824 {strides = array<i32>} : memref<16x128xf32, #tpu.memory_space<vmem>>, vector<1x16xf32>,
    %swap3A_825 = arith.constant 15 : i32
    %swap3A_826 = arith.index_cast %swap3A_825 : i32 to index
    %swap3A_827 = arith.constant 32 : index
    %swap3A_828 = tpu.vector_load %arg11[%swap3A_826, %swap3A_827] {strides = array<i32>} : memref<16x128xf32, #tpu.memory_space<vmem>>, vector<1x16xf32>,
    %swap3A_829 = vector.shape_cast %swap3A_828 : vector<1x16xf32> to vector<16xf32>
    %swap3A_830 = vector.shape_cast %broadcast_in_dim3A_1 : vector<16xf32> to vector<1x16xf32>
    tpu.vector_store %arg11[%swap3A_826, %swap3A_827], %swap3A_830 {strides = array<i32>} : memref<16x128xf32, #tpu.memory_space<vmem>>, vector<1x16xf32>,
    %swap3A_831 = arith.constant 15 : i32
    %swap3A_832 = arith.index_cast %swap3A_831 : i32 to index
    %swap3A_833 = arith.constant 48 : index
    %swap3A_834 = tpu.vector_load %arg11[%swap3A_832, %swap3A_833] {strides = array<i32>} : memref<16x128xf32, #tpu.memory_space<vmem>>, vector<1x16xf32>,
    %swap3A_835 = vector.shape_cast %swap3A_834 : vector<1x16xf32> to vector<16xf32>
    %swap3A_836 = vector.shape_cast %broadcast_in_dim3A_1 : vector<16xf32> to vector<1x16xf32>
    tpu.vector_store %arg11[%swap3A_832, %swap3A_833], %swap3A_836 {strides = array<i32>} : memref<16x128xf32, #tpu.memory_space<vmem>>, vector<1x16xf32>,
    %swap3A_837 = arith.constant 15 : i32
    %swap3A_838 = arith.index_cast %swap3A_837 : i32 to index
    %swap3A_839 = arith.constant 64 : index
    %swap3A_840 = tpu.vector_load %arg11[%swap3A_838, %swap3A_839] {strides = array<i32>} : memref<16x128xf32, #tpu.memory_space<vmem>>, vector<1x16xf32>,
    %swap3A_841 = vector.shape_cast %swap3A_840 : vector<1x16xf32> to vector<16xf32>
    %swap3A_842 = vector.shape_cast %broadcast_in_dim3A_1 : vector<16xf32> to vector<1x16xf32>
    tpu.vector_store %arg11[%swap3A_838, %swap3A_839], %swap3A_842 {strides = array<i32>} : memref<16x128xf32, #tpu.memory_space<vmem>>, vector<1x16xf32>,
    %swap3A_843 = arith.constant 15 : i32
    %swap3A_844 = arith.index_cast %swap3A_843 : i32 to index
    %swap3A_845 = arith.constant 80 : index
    %swap3A_846 = tpu.vector_load %arg11[%swap3A_844, %swap3A_845] {strides = array<i32>} : memref<16x128xf32, #tpu.memory_space<vmem>>, vector<1x16xf32>,
    %swap3A_847 = vector.shape_cast %swap3A_846 : vector<1x16xf32> to vector<16xf32>
    %swap3A_848 = vector.shape_cast %broadcast_in_dim3A_1 : vector<16xf32> to vector<1x16xf32>
    tpu.vector_store %arg11[%swap3A_844, %swap3A_845], %swap3A_848 {strides = array<i32>} : memref<16x128xf32, #tpu.memory_space<vmem>>, vector<1x16xf32>,
    %swap3A_849 = arith.constant 15 : i32
    %swap3A_850 = arith.index_cast %swap3A_849 : i32 to index
    %swap3A_851 = arith.constant 96 : index
    %swap3A_852 = tpu.vector_load %arg11[%swap3A_850, %swap3A_851] {strides = array<i32>} : memref<16x128xf32, #tpu.memory_space<vmem>>, vector<1x16xf32>,
    %swap3A_853 = vector.shape_cast %swap3A_852 : vector<1x16xf32> to vector<16xf32>
    %swap3A_854 = vector.shape_cast %broadcast_in_dim3A_1 : vector<16xf32> to vector<1x16xf32>
    tpu.vector_store %arg11[%swap3A_850, %swap3A_851], %swap3A_854 {strides = array<i32>} : memref<16x128xf32, #tpu.memory_space<vmem>>, vector<1x16xf32>,
    %swap3A_855 = arith.constant 15 : i32
    %swap3A_856 = arith.index_cast %swap3A_855 : i32 to index
    %swap3A_857 = arith.constant 112 : index
    %swap3A_858 = tpu.vector_load %arg11[%swap3A_856, %swap3A_857] {strides = array<i32>} : memref<16x128xf32, #tpu.memory_space<vmem>>, vector<1x16xf32>,
    %swap3A_859 = vector.shape_cast %swap3A_858 : vector<1x16xf32> to vector<16xf32>
    %swap3A_860 = vector.shape_cast %broadcast_in_dim3A_1 : vector<16xf32> to vector<1x16xf32>
    tpu.vector_store %arg11[%swap3A_856, %swap3A_857], %swap3A_860 {strides = array<i32>} : memref<16x128xf32, #tpu.memory_space<vmem>>, vector<1x16xf32>,
    %swap3A_861 = arith.constant 15 : i32
    %swap3A_862 = arith.index_cast %swap3A_861 : i32 to index
    %swap3A_863 = arith.constant 0 : index
    %swap3A_864 = tpu.vector_load %arg12[%swap3A_862, %swap3A_863] {strides = array<i32>} : memref<16x16xf32, #tpu.memory_space<vmem>>, vector<1x16xf32>,
    %swap3A_865 = vector.shape_cast %swap3A_864 : vector<1x16xf32> to vector<16xf32>
    %swap3A_866 = vector.shape_cast %broadcast_in_dim3A_1 : vector<16xf32> to vector<1x16xf32>
    tpu.vector_store %arg12[%swap3A_862, %swap3A_863], %swap3A_866 {strides = array<i32>} : memref<16x16xf32, #tpu.memory_space<vmem>>, vector<1x16xf32>,
    %swap3A_867 = arith.constant 0 : i32
    %swap3A_868 = arith.index_cast %swap3A_867 : i32 to index
    %swap3A_869 = arith.constant 0 : index
    %swap3A_870 = tpu.vector_load %arg10[%swap3A_868, %swap3A_869] {strides = array<i32>} : memref<100x16xf32, #tpu.memory_space<vmem>>, vector<1x16xf32>,
    %swap3A_871 = vector.shape_cast %swap3A_870 : vector<1x16xf32> to vector<16xf32>
    %swap3A_872 = vector.shape_cast %broadcast_in_dim3A_3 : vector<16xf32> to vector<1x16xf32>
    tpu.vector_store %arg10[%swap3A_868, %swap3A_869], %swap3A_872 {strides = array<i32>} : memref<100x16xf32, #tpu.memory_space<vmem>>, vector<1x16xf32>,
    %swap3A_873 = arith.constant 1 : i32
    %swap3A_874 = arith.index_cast %swap3A_873 : i32 to index
    %swap3A_875 = arith.constant 0 : index
    %swap3A_876 = tpu.vector_load %arg10[%swap3A_874, %swap3A_875] {strides = array<i32>} : memref<100x16xf32, #tpu.memory_space<vmem>>, vector<1x16xf32>,
    %swap3A_877 = vector.shape_cast %swap3A_876 : vector<1x16xf32> to vector<16xf32>
    %swap3A_878 = vector.shape_cast %broadcast_in_dim3A_3 : vector<16xf32> to vector<1x16xf32>
    tpu.vector_store %arg10[%swap3A_874, %swap3A_875], %swap3A_878 {strides = array<i32>} : memref<100x16xf32, #tpu.memory_space<vmem>>, vector<1x16xf32>,
    %swap3A_879 = arith.constant 2 : i32
    %swap3A_880 = arith.index_cast %swap3A_879 : i32 to index
    %swap3A_881 = arith.constant 0 : index
    %swap3A_882 = tpu.vector_load %arg10[%swap3A_880, %swap3A_881] {strides = array<i32>} : memref<100x16xf32, #tpu.memory_space<vmem>>, vector<1x16xf32>,
    %swap3A_883 = vector.shape_cast %swap3A_882 : vector<1x16xf32> to vector<16xf32>
    %swap3A_884 = vector.shape_cast %broadcast_in_dim3A_3 : vector<16xf32> to vector<1x16xf32>
    tpu.vector_store %arg10[%swap3A_880, %swap3A_881], %swap3A_884 {strides = array<i32>} : memref<100x16xf32, #tpu.memory_space<vmem>>, vector<1x16xf32>,
    %swap3A_885 = arith.constant 3 : i32
    %swap3A_886 = arith.index_cast %swap3A_885 : i32 to index
    %swap3A_887 = arith.constant 0 : index
    %swap3A_888 = tpu.vector_load %arg10[%swap3A_886, %swap3A_887] {strides = array<i32>} : memref<100x16xf32, #tpu.memory_space<vmem>>, vector<1x16xf32>,
    %swap3A_889 = vector.shape_cast %swap3A_888 : vector<1x16xf32> to vector<16xf32>
    %swap3A_890 = vector.shape_cast %broadcast_in_dim3A_3 : vector<16xf32> to vector<1x16xf32>
    tpu.vector_store %arg10[%swap3A_886, %swap3A_887], %swap3A_890 {strides = array<i32>} : memref<100x16xf32, #tpu.memory_space<vmem>>, vector<1x16xf32>,
    %swap3A_891 = arith.constant 4 : i32
    %swap3A_892 = arith.index_cast %swap3A_891 : i32 to index
    %swap3A_893 = arith.constant 0 : index
    %swap3A_894 = tpu.vector_load %arg10[%swap3A_892, %swap3A_893] {strides = array<i32>} : memref<100x16xf32, #tpu.memory_space<vmem>>, vector<1x16xf32>,
    %swap3A_895 = vector.shape_cast %swap3A_894 : vector<1x16xf32> to vector<16xf32>
    %swap3A_896 = vector.shape_cast %broadcast_in_dim3A_3 : vector<16xf32> to vector<1x16xf32>
    tpu.vector_store %arg10[%swap3A_892, %swap3A_893], %swap3A_896 {strides = array<i32>} : memref<100x16xf32, #tpu.memory_space<vmem>>, vector<1x16xf32>,
    %swap3A_897 = arith.constant 5 : i32
    %swap3A_898 = arith.index_cast %swap3A_897 : i32 to index
    %swap3A_899 = arith.constant 0 : index
    %swap3A_900 = tpu.vector_load %arg10[%swap3A_898, %swap3A_899] {strides = array<i32>} : memref<100x16xf32, #tpu.memory_space<vmem>>, vector<1x16xf32>,
    %swap3A_901 = vector.shape_cast %swap3A_900 : vector<1x16xf32> to vector<16xf32>
    %swap3A_902 = vector.shape_cast %broadcast_in_dim3A_3 : vector<16xf32> to vector<1x16xf32>
    tpu.vector_store %arg10[%swap3A_898, %swap3A_899], %swap3A_902 {strides = array<i32>} : memref<100x16xf32, #tpu.memory_space<vmem>>, vector<1x16xf32>,
    %swap3A_903 = arith.constant 6 : i32
    %swap3A_904 = arith.index_cast %swap3A_903 : i32 to index
    %swap3A_905 = arith.constant 0 : index
    %swap3A_906 = tpu.vector_load %arg10[%swap3A_904, %swap3A_905] {strides = array<i32>} : memref<100x16xf32, #tpu.memory_space<vmem>>, vector<1x16xf32>,
    %swap3A_907 = vector.shape_cast %swap3A_906 : vector<1x16xf32> to vector<16xf32>
    %swap3A_908 = vector.shape_cast %broadcast_in_dim3A_3 : vector<16xf32> to vector<1x16xf32>
    tpu.vector_store %arg10[%swap3A_904, %swap3A_905], %swap3A_908 {strides = array<i32>} : memref<100x16xf32, #tpu.memory_space<vmem>>, vector<1x16xf32>,
    %swap3A_909 = arith.constant 7 : i32
    %swap3A_910 = arith.index_cast %swap3A_909 : i32 to index
    %swap3A_911 = arith.constant 0 : index
    %swap3A_912 = tpu.vector_load %arg10[%swap3A_910, %swap3A_911] {strides = array<i32>} : memref<100x16xf32, #tpu.memory_space<vmem>>, vector<1x16xf32>,
    %swap3A_913 = vector.shape_cast %swap3A_912 : vector<1x16xf32> to vector<16xf32>
    %swap3A_914 = vector.shape_cast %broadcast_in_dim3A_3 : vector<16xf32> to vector<1x16xf32>
    tpu.vector_store %arg10[%swap3A_910, %swap3A_911], %swap3A_914 {strides = array<i32>} : memref<100x16xf32, #tpu.memory_space<vmem>>, vector<1x16xf32>,
    %swap3A_915 = arith.constant 8 : i32
    %swap3A_916 = arith.index_cast %swap3A_915 : i32 to index
    %swap3A_917 = arith.constant 0 : index
    %swap3A_918 = tpu.vector_load %arg10[%swap3A_916, %swap3A_917] {strides = array<i32>} : memref<100x16xf32, #tpu.memory_space<vmem>>, vector<1x16xf32>,
    %swap3A_919 = vector.shape_cast %swap3A_918 : vector<1x16xf32> to vector<16xf32>
    %swap3A_920 = vector.shape_cast %broadcast_in_dim3A_3 : vector<16xf32> to vector<1x16xf32>
    tpu.vector_store %arg10[%swap3A_916, %swap3A_917], %swap3A_920 {strides = array<i32>} : memref<100x16xf32, #tpu.memory_space<vmem>>, vector<1x16xf32>,
    %swap3A_921 = arith.constant 9 : i32
    %swap3A_922 = arith.index_cast %swap3A_921 : i32 to index
    %swap3A_923 = arith.constant 0 : index
    %swap3A_924 = tpu.vector_load %arg10[%swap3A_922, %swap3A_923] {strides = array<i32>} : memref<100x16xf32, #tpu.memory_space<vmem>>, vector<1x16xf32>,
    %swap3A_925 = vector.shape_cast %swap3A_924 : vector<1x16xf32> to vector<16xf32>
    %swap3A_926 = vector.shape_cast %broadcast_in_dim3A_3 : vector<16xf32> to vector<1x16xf32>
    tpu.vector_store %arg10[%swap3A_922, %swap3A_923], %swap3A_926 {strides = array<i32>} : memref<100x16xf32, #tpu.memory_space<vmem>>, vector<1x16xf32>,
    %swap3A_927 = arith.constant 10 : i32
    %swap3A_928 = arith.index_cast %swap3A_927 : i32 to index
    %swap3A_929 = arith.constant 0 : index
    %swap3A_930 = tpu.vector_load %arg10[%swap3A_928, %swap3A_929] {strides = array<i32>} : memref<100x16xf32, #tpu.memory_space<vmem>>, vector<1x16xf32>,
    %swap3A_931 = vector.shape_cast %swap3A_930 : vector<1x16xf32> to vector<16xf32>
    %swap3A_932 = vector.shape_cast %broadcast_in_dim3A_3 : vector<16xf32> to vector<1x16xf32>
    tpu.vector_store %arg10[%swap3A_928, %swap3A_929], %swap3A_932 {strides = array<i32>} : memref<100x16xf32, #tpu.memory_space<vmem>>, vector<1x16xf32>,
    %swap3A_933 = arith.constant 11 : i32
    %swap3A_934 = arith.index_cast %swap3A_933 : i32 to index
    %swap3A_935 = arith.constant 0 : index
    %swap3A_936 = tpu.vector_load %arg10[%swap3A_934, %swap3A_935] {strides = array<i32>} : memref<100x16xf32, #tpu.memory_space<vmem>>, vector<1x16xf32>,
    %swap3A_937 = vector.shape_cast %swap3A_936 : vector<1x16xf32> to vector<16xf32>
    %swap3A_938 = vector.shape_cast %broadcast_in_dim3A_3 : vector<16xf32> to vector<1x16xf32>
    tpu.vector_store %arg10[%swap3A_934, %swap3A_935], %swap3A_938 {strides = array<i32>} : memref<100x16xf32, #tpu.memory_space<vmem>>, vector<1x16xf32>,
    %swap3A_939 = arith.constant 12 : i32
    %swap3A_940 = arith.index_cast %swap3A_939 : i32 to index
    %swap3A_941 = arith.constant 0 : index
    %swap3A_942 = tpu.vector_load %arg10[%swap3A_940, %swap3A_941] {strides = array<i32>} : memref<100x16xf32, #tpu.memory_space<vmem>>, vector<1x16xf32>,
    %swap3A_943 = vector.shape_cast %swap3A_942 : vector<1x16xf32> to vector<16xf32>
    %swap3A_944 = vector.shape_cast %broadcast_in_dim3A_3 : vector<16xf32> to vector<1x16xf32>
    tpu.vector_store %arg10[%swap3A_940, %swap3A_941], %swap3A_944 {strides = array<i32>} : memref<100x16xf32, #tpu.memory_space<vmem>>, vector<1x16xf32>,
    %swap3A_945 = arith.constant 13 : i32
    %swap3A_946 = arith.index_cast %swap3A_945 : i32 to index
    %swap3A_947 = arith.constant 0 : index
    %swap3A_948 = tpu.vector_load %arg10[%swap3A_946, %swap3A_947] {strides = array<i32>} : memref<100x16xf32, #tpu.memory_space<vmem>>, vector<1x16xf32>,
    %swap3A_949 = vector.shape_cast %swap3A_948 : vector<1x16xf32> to vector<16xf32>
    %swap3A_950 = vector.shape_cast %broadcast_in_dim3A_3 : vector<16xf32> to vector<1x16xf32>
    tpu.vector_store %arg10[%swap3A_946, %swap3A_947], %swap3A_950 {strides = array<i32>} : memref<100x16xf32, #tpu.memory_space<vmem>>, vector<1x16xf32>,
    %swap3A_951 = arith.constant 14 : i32
    %swap3A_952 = arith.index_cast %swap3A_951 : i32 to index
    %swap3A_953 = arith.constant 0 : index
    %swap3A_954 = tpu.vector_load %arg10[%swap3A_952, %swap3A_953] {strides = array<i32>} : memref<100x16xf32, #tpu.memory_space<vmem>>, vector<1x16xf32>,
    %swap3A_955 = vector.shape_cast %swap3A_954 : vector<1x16xf32> to vector<16xf32>
    %swap3A_956 = vector.shape_cast %broadcast_in_dim3A_3 : vector<16xf32> to vector<1x16xf32>
    tpu.vector_store %arg10[%swap3A_952, %swap3A_953], %swap3A_956 {strides = array<i32>} : memref<100x16xf32, #tpu.memory_space<vmem>>, vector<1x16xf32>,
    %swap3A_957 = arith.constant 15 : i32
    %swap3A_958 = arith.index_cast %swap3A_957 : i32 to index
    %swap3A_959 = arith.constant 0 : index
    %swap3A_960 = tpu.vector_load %arg10[%swap3A_958, %swap3A_959] {strides = array<i32>} : memref<100x16xf32, #tpu.memory_space<vmem>>, vector<1x16xf32>,
    %swap3A_961 = vector.shape_cast %swap3A_960 : vector<1x16xf32> to vector<16xf32>
    %swap3A_962 = vector.shape_cast %broadcast_in_dim3A_3 : vector<16xf32> to vector<1x16xf32>
    tpu.vector_store %arg10[%swap3A_958, %swap3A_959], %swap3A_962 {strides = array<i32>} : memref<100x16xf32, #tpu.memory_space<vmem>>, vector<1x16xf32>,
    %swap3A_963 = arith.constant 16 : i32
    %swap3A_964 = arith.index_cast %swap3A_963 : i32 to index
    %swap3A_965 = arith.constant 0 : index
    %swap3A_966 = tpu.vector_load %arg10[%swap3A_964, %swap3A_965] {strides = array<i32>} : memref<100x16xf32, #tpu.memory_space<vmem>>, vector<1x16xf32>,
    %swap3A_967 = vector.shape_cast %swap3A_966 : vector<1x16xf32> to vector<16xf32>
    %swap3A_968 = vector.shape_cast %broadcast_in_dim3A_3 : vector<16xf32> to vector<1x16xf32>
    tpu.vector_store %arg10[%swap3A_964, %swap3A_965], %swap3A_968 {strides = array<i32>} : memref<100x16xf32, #tpu.memory_space<vmem>>, vector<1x16xf32>,
    %swap3A_969 = arith.constant 17 : i32
    %swap3A_970 = arith.index_cast %swap3A_969 : i32 to index
    %swap3A_971 = arith.constant 0 : index
    %swap3A_972 = tpu.vector_load %arg10[%swap3A_970, %swap3A_971] {strides = array<i32>} : memref<100x16xf32, #tpu.memory_space<vmem>>, vector<1x16xf32>,
    %swap3A_973 = vector.shape_cast %swap3A_972 : vector<1x16xf32> to vector<16xf32>
    %swap3A_974 = vector.shape_cast %broadcast_in_dim3A_3 : vector<16xf32> to vector<1x16xf32>
    tpu.vector_store %arg10[%swap3A_970, %swap3A_971], %swap3A_974 {strides = array<i32>} : memref<100x16xf32, #tpu.memory_space<vmem>>, vector<1x16xf32>,
    %swap3A_975 = arith.constant 18 : i32
    %swap3A_976 = arith.index_cast %swap3A_975 : i32 to index
    %swap3A_977 = arith.constant 0 : index
    %swap3A_978 = tpu.vector_load %arg10[%swap3A_976, %swap3A_977] {strides = array<i32>} : memref<100x16xf32, #tpu.memory_space<vmem>>, vector<1x16xf32>,
    %swap3A_979 = vector.shape_cast %swap3A_978 : vector<1x16xf32> to vector<16xf32>
    %swap3A_980 = vector.shape_cast %broadcast_in_dim3A_3 : vector<16xf32> to vector<1x16xf32>
    tpu.vector_store %arg10[%swap3A_976, %swap3A_977], %swap3A_980 {strides = array<i32>} : memref<100x16xf32, #tpu.memory_space<vmem>>, vector<1x16xf32>,
    %swap3A_981 = arith.constant 19 : i32
    %swap3A_982 = arith.index_cast %swap3A_981 : i32 to index
    %swap3A_983 = arith.constant 0 : index
    %swap3A_984 = tpu.vector_load %arg10[%swap3A_982, %swap3A_983] {strides = array<i32>} : memref<100x16xf32, #tpu.memory_space<vmem>>, vector<1x16xf32>,
    %swap3A_985 = vector.shape_cast %swap3A_984 : vector<1x16xf32> to vector<16xf32>
    %swap3A_986 = vector.shape_cast %broadcast_in_dim3A_3 : vector<16xf32> to vector<1x16xf32>
    tpu.vector_store %arg10[%swap3A_982, %swap3A_983], %swap3A_986 {strides = array<i32>} : memref<100x16xf32, #tpu.memory_space<vmem>>, vector<1x16xf32>,
    %swap3A_987 = arith.constant 20 : i32
    %swap3A_988 = arith.index_cast %swap3A_987 : i32 to index
    %swap3A_989 = arith.constant 0 : index
    %swap3A_990 = tpu.vector_load %arg10[%swap3A_988, %swap3A_989] {strides = array<i32>} : memref<100x16xf32, #tpu.memory_space<vmem>>, vector<1x16xf32>,
    %swap3A_991 = vector.shape_cast %swap3A_990 : vector<1x16xf32> to vector<16xf32>
    %swap3A_992 = vector.shape_cast %broadcast_in_dim3A_3 : vector<16xf32> to vector<1x16xf32>
    tpu.vector_store %arg10[%swap3A_988, %swap3A_989], %swap3A_992 {strides = array<i32>} : memref<100x16xf32, #tpu.memory_space<vmem>>, vector<1x16xf32>,
    %swap3A_993 = arith.constant 21 : i32
    %swap3A_994 = arith.index_cast %swap3A_993 : i32 to index
    %swap3A_995 = arith.constant 0 : index
    %swap3A_996 = tpu.vector_load %arg10[%swap3A_994, %swap3A_995] {strides = array<i32>} : memref<100x16xf32, #tpu.memory_space<vmem>>, vector<1x16xf32>,
    %swap3A_997 = vector.shape_cast %swap3A_996 : vector<1x16xf32> to vector<16xf32>
    %swap3A_998 = vector.shape_cast %broadcast_in_dim3A_3 : vector<16xf32> to vector<1x16xf32>
    tpu.vector_store %arg10[%swap3A_994, %swap3A_995], %swap3A_998 {strides = array<i32>} : memref<100x16xf32, #tpu.memory_space<vmem>>, vector<1x16xf32>,
    %swap3A_999 = arith.constant 22 : i32
    %swap3A_1000 = arith.index_cast %swap3A_999 : i32 to index
    %swap3A_1001 = arith.constant 0 : index
    %swap3A_1002 = tpu.vector_load %arg10[%swap3A_1000, %swap3A_1001] {strides = array<i32>} : memref<100x16xf32, #tpu.memory_space<vmem>>, vector<1x16xf32>,
    %swap3A_1003 = vector.shape_cast %swap3A_1002 : vector<1x16xf32> to vector<16xf32>
    %swap3A_1004 = vector.shape_cast %broadcast_in_dim3A_3 : vector<16xf32> to vector<1x16xf32>
    tpu.vector_store %arg10[%swap3A_1000, %swap3A_1001], %swap3A_1004 {strides = array<i32>} : memref<100x16xf32, #tpu.memory_space<vmem>>, vector<1x16xf32>,
    %swap3A_1005 = arith.constant 23 : i32
    %swap3A_1006 = arith.index_cast %swap3A_1005 : i32 to index
    %swap3A_1007 = arith.constant 0 : index
    %swap3A_1008 = tpu.vector_load %arg10[%swap3A_1006, %swap3A_1007] {strides = array<i32>} : memref<100x16xf32, #tpu.memory_space<vmem>>, vector<1x16xf32>,
    %swap3A_1009 = vector.shape_cast %swap3A_1008 : vector<1x16xf32> to vector<16xf32>
    %swap3A_1010 = vector.shape_cast %broadcast_in_dim3A_3 : vector<16xf32> to vector<1x16xf32>
    tpu.vector_store %arg10[%swap3A_1006, %swap3A_1007], %swap3A_1010 {strides = array<i32>} : memref<100x16xf32, #tpu.memory_space<vmem>>, vector<1x16xf32>,
    %swap3A_1011 = arith.constant 24 : i32
    %swap3A_1012 = arith.index_cast %swap3A_1011 : i32 to index
    %swap3A_1013 = arith.constant 0 : index
    %swap3A_1014 = tpu.vector_load %arg10[%swap3A_1012, %swap3A_1013] {strides = array<i32>} : memref<100x16xf32, #tpu.memory_space<vmem>>, vector<1x16xf32>,
    %swap3A_1015 = vector.shape_cast %swap3A_1014 : vector<1x16xf32> to vector<16xf32>
    %swap3A_1016 = vector.shape_cast %broadcast_in_dim3A_3 : vector<16xf32> to vector<1x16xf32>
    tpu.vector_store %arg10[%swap3A_1012, %swap3A_1013], %swap3A_1016 {strides = array<i32>} : memref<100x16xf32, #tpu.memory_space<vmem>>, vector<1x16xf32>,
    %swap3A_1017 = arith.constant 25 : i32
    %swap3A_1018 = arith.index_cast %swap3A_1017 : i32 to index
    %swap3A_1019 = arith.constant 0 : index
    %swap3A_1020 = tpu.vector_load %arg10[%swap3A_1018, %swap3A_1019] {strides = array<i32>} : memref<100x16xf32, #tpu.memory_space<vmem>>, vector<1x16xf32>,
    %swap3A_1021 = vector.shape_cast %swap3A_1020 : vector<1x16xf32> to vector<16xf32>
    %swap3A_1022 = vector.shape_cast %broadcast_in_dim3A_3 : vector<16xf32> to vector<1x16xf32>
    tpu.vector_store %arg10[%swap3A_1018, %swap3A_1019], %swap3A_1022 {strides = array<i32>} : memref<100x16xf32, #tpu.memory_space<vmem>>, vector<1x16xf32>,
    %swap3A_1023 = arith.constant 26 : i32
    %swap3A_1024 = arith.index_cast %swap3A_1023 : i32 to index
    %swap3A_1025 = arith.constant 0 : index
    %swap3A_1026 = tpu.vector_load %arg10[%swap3A_1024, %swap3A_1025] {strides = array<i32>} : memref<100x16xf32, #tpu.memory_space<vmem>>, vector<1x16xf32>,
    %swap3A_1027 = vector.shape_cast %swap3A_1026 : vector<1x16xf32> to vector<16xf32>
    %swap3A_1028 = vector.shape_cast %broadcast_in_dim3A_3 : vector<16xf32> to vector<1x16xf32>
    tpu.vector_store %arg10[%swap3A_1024, %swap3A_1025], %swap3A_1028 {strides = array<i32>} : memref<100x16xf32, #tpu.memory_space<vmem>>, vector<1x16xf32>,
    %swap3A_1029 = arith.constant 27 : i32
    %swap3A_1030 = arith.index_cast %swap3A_1029 : i32 to index
    %swap3A_1031 = arith.constant 0 : index
    %swap3A_1032 = tpu.vector_load %arg10[%swap3A_1030, %swap3A_1031] {strides = array<i32>} : memref<100x16xf32, #tpu.memory_space<vmem>>, vector<1x16xf32>,
    %swap3A_1033 = vector.shape_cast %swap3A_1032 : vector<1x16xf32> to vector<16xf32>
    %swap3A_1034 = vector.shape_cast %broadcast_in_dim3A_3 : vector<16xf32> to vector<1x16xf32>
    tpu.vector_store %arg10[%swap3A_1030, %swap3A_1031], %swap3A_1034 {strides = array<i32>} : memref<100x16xf32, #tpu.memory_space<vmem>>, vector<1x16xf32>,
    %swap3A_1035 = arith.constant 28 : i32
    %swap3A_1036 = arith.index_cast %swap3A_1035 : i32 to index
    %swap3A_1037 = arith.constant 0 : index
    %swap3A_1038 = tpu.vector_load %arg10[%swap3A_1036, %swap3A_1037] {strides = array<i32>} : memref<100x16xf32, #tpu.memory_space<vmem>>, vector<1x16xf32>,
    %swap3A_1039 = vector.shape_cast %swap3A_1038 : vector<1x16xf32> to vector<16xf32>
    %swap3A_1040 = vector.shape_cast %broadcast_in_dim3A_3 : vector<16xf32> to vector<1x16xf32>
    tpu.vector_store %arg10[%swap3A_1036, %swap3A_1037], %swap3A_1040 {strides = array<i32>} : memref<100x16xf32, #tpu.memory_space<vmem>>, vector<1x16xf32>,
    %swap3A_1041 = arith.constant 29 : i32
    %swap3A_1042 = arith.index_cast %swap3A_1041 : i32 to index
    %swap3A_1043 = arith.constant 0 : index
    %swap3A_1044 = tpu.vector_load %arg10[%swap3A_1042, %swap3A_1043] {strides = array<i32>} : memref<100x16xf32, #tpu.memory_space<vmem>>, vector<1x16xf32>,
    %swap3A_1045 = vector.shape_cast %swap3A_1044 : vector<1x16xf32> to vector<16xf32>
    %swap3A_1046 = vector.shape_cast %broadcast_in_dim3A_3 : vector<16xf32> to vector<1x16xf32>
    tpu.vector_store %arg10[%swap3A_1042, %swap3A_1043], %swap3A_1046 {strides = array<i32>} : memref<100x16xf32, #tpu.memory_space<vmem>>, vector<1x16xf32>,
    %swap3A_1047 = arith.constant 30 : i32
    %swap3A_1048 = arith.index_cast %swap3A_1047 : i32 to index
    %swap3A_1049 = arith.constant 0 : index
    %swap3A_1050 = tpu.vector_load %arg10[%swap3A_1048, %swap3A_1049] {strides = array<i32>} : memref<100x16xf32, #tpu.memory_space<vmem>>, vector<1x16xf32>,
    %swap3A_1051 = vector.shape_cast %swap3A_1050 : vector<1x16xf32> to vector<16xf32>
    %swap3A_1052 = vector.shape_cast %broadcast_in_dim3A_3 : vector<16xf32> to vector<1x16xf32>
    tpu.vector_store %arg10[%swap3A_1048, %swap3A_1049], %swap3A_1052 {strides = array<i32>} : memref<100x16xf32, #tpu.memory_space<vmem>>, vector<1x16xf32>,
    %swap3A_1053 = arith.constant 31 : i32
    %swap3A_1054 = arith.index_cast %swap3A_1053 : i32 to index
    %swap3A_1055 = arith.constant 0 : index
    %swap3A_1056 = tpu.vector_load %arg10[%swap3A_1054, %swap3A_1055] {strides = array<i32>} : memref<100x16xf32, #tpu.memory_space<vmem>>, vector<1x16xf32>,
    %swap3A_1057 = vector.shape_cast %swap3A_1056 : vector<1x16xf32> to vector<16xf32>
    %swap3A_1058 = vector.shape_cast %broadcast_in_dim3A_3 : vector<16xf32> to vector<1x16xf32>
    tpu.vector_store %arg10[%swap3A_1054, %swap3A_1055], %swap3A_1058 {strides = array<i32>} : memref<100x16xf32, #tpu.memory_space<vmem>>, vector<1x16xf32>,
    %swap3A_1059 = arith.constant 32 : i32
    %swap3A_1060 = arith.index_cast %swap3A_1059 : i32 to index
    %swap3A_1061 = arith.constant 0 : index
    %swap3A_1062 = tpu.vector_load %arg10[%swap3A_1060, %swap3A_1061] {strides = array<i32>} : memref<100x16xf32, #tpu.memory_space<vmem>>, vector<1x16xf32>,
    %swap3A_1063 = vector.shape_cast %swap3A_1062 : vector<1x16xf32> to vector<16xf32>
    %swap3A_1064 = vector.shape_cast %broadcast_in_dim3A_3 : vector<16xf32> to vector<1x16xf32>
    tpu.vector_store %arg10[%swap3A_1060, %swap3A_1061], %swap3A_1064 {strides = array<i32>} : memref<100x16xf32, #tpu.memory_space<vmem>>, vector<1x16xf32>,
    %swap3A_1065 = arith.constant 33 : i32
    %swap3A_1066 = arith.index_cast %swap3A_1065 : i32 to index
    %swap3A_1067 = arith.constant 0 : index
    %swap3A_1068 = tpu.vector_load %arg10[%swap3A_1066, %swap3A_1067] {strides = array<i32>} : memref<100x16xf32, #tpu.memory_space<vmem>>, vector<1x16xf32>,
    %swap3A_1069 = vector.shape_cast %swap3A_1068 : vector<1x16xf32> to vector<16xf32>
    %swap3A_1070 = vector.shape_cast %broadcast_in_dim3A_3 : vector<16xf32> to vector<1x16xf32>
    tpu.vector_store %arg10[%swap3A_1066, %swap3A_1067], %swap3A_1070 {strides = array<i32>} : memref<100x16xf32, #tpu.memory_space<vmem>>, vector<1x16xf32>,
    %swap3A_1071 = arith.constant 34 : i32
    %swap3A_1072 = arith.index_cast %swap3A_1071 : i32 to index
    %swap3A_1073 = arith.constant 0 : index
    %swap3A_1074 = tpu.vector_load %arg10[%swap3A_1072, %swap3A_1073] {strides = array<i32>} : memref<100x16xf32, #tpu.memory_space<vmem>>, vector<1x16xf32>,
    %swap3A_1075 = vector.shape_cast %swap3A_1074 : vector<1x16xf32> to vector<16xf32>
    %swap3A_1076 = vector.shape_cast %broadcast_in_dim3A_3 : vector<16xf32> to vector<1x16xf32>
    tpu.vector_store %arg10[%swap3A_1072, %swap3A_1073], %swap3A_1076 {strides = array<i32>} : memref<100x16xf32, #tpu.memory_space<vmem>>, vector<1x16xf32>,
    %swap3A_1077 = arith.constant 35 : i32
    %swap3A_1078 = arith.index_cast %swap3A_1077 : i32 to index
    %swap3A_1079 = arith.constant 0 : index
    %swap3A_1080 = tpu.vector_load %arg10[%swap3A_1078, %swap3A_1079] {strides = array<i32>} : memref<100x16xf32, #tpu.memory_space<vmem>>, vector<1x16xf32>,
    %swap3A_1081 = vector.shape_cast %swap3A_1080 : vector<1x16xf32> to vector<16xf32>
    %swap3A_1082 = vector.shape_cast %broadcast_in_dim3A_3 : vector<16xf32> to vector<1x16xf32>
    tpu.vector_store %arg10[%swap3A_1078, %swap3A_1079], %swap3A_1082 {strides = array<i32>} : memref<100x16xf32, #tpu.memory_space<vmem>>, vector<1x16xf32>,
    %swap3A_1083 = arith.constant 36 : i32
    %swap3A_1084 = arith.index_cast %swap3A_1083 : i32 to index
    %swap3A_1085 = arith.constant 0 : index
    %swap3A_1086 = tpu.vector_load %arg10[%swap3A_1084, %swap3A_1085] {strides = array<i32>} : memref<100x16xf32, #tpu.memory_space<vmem>>, vector<1x16xf32>,
    %swap3A_1087 = vector.shape_cast %swap3A_1086 : vector<1x16xf32> to vector<16xf32>
    %swap3A_1088 = vector.shape_cast %broadcast_in_dim3A_3 : vector<16xf32> to vector<1x16xf32>
    tpu.vector_store %arg10[%swap3A_1084, %swap3A_1085], %swap3A_1088 {strides = array<i32>} : memref<100x16xf32, #tpu.memory_space<vmem>>, vector<1x16xf32>,
    %swap3A_1089 = arith.constant 37 : i32
    %swap3A_1090 = arith.index_cast %swap3A_1089 : i32 to index
    %swap3A_1091 = arith.constant 0 : index
    %swap3A_1092 = tpu.vector_load %arg10[%swap3A_1090, %swap3A_1091] {strides = array<i32>} : memref<100x16xf32, #tpu.memory_space<vmem>>, vector<1x16xf32>,
    %swap3A_1093 = vector.shape_cast %swap3A_1092 : vector<1x16xf32> to vector<16xf32>
    %swap3A_1094 = vector.shape_cast %broadcast_in_dim3A_3 : vector<16xf32> to vector<1x16xf32>
    tpu.vector_store %arg10[%swap3A_1090, %swap3A_1091], %swap3A_1094 {strides = array<i32>} : memref<100x16xf32, #tpu.memory_space<vmem>>, vector<1x16xf32>,
    %swap3A_1095 = arith.constant 38 : i32
    %swap3A_1096 = arith.index_cast %swap3A_1095 : i32 to index
    %swap3A_1097 = arith.constant 0 : index
    %swap3A_1098 = tpu.vector_load %arg10[%swap3A_1096, %swap3A_1097] {strides = array<i32>} : memref<100x16xf32, #tpu.memory_space<vmem>>, vector<1x16xf32>,
    %swap3A_1099 = vector.shape_cast %swap3A_1098 : vector<1x16xf32> to vector<16xf32>
    %swap3A_1100 = vector.shape_cast %broadcast_in_dim3A_3 : vector<16xf32> to vector<1x16xf32>
    tpu.vector_store %arg10[%swap3A_1096, %swap3A_1097], %swap3A_1100 {strides = array<i32>} : memref<100x16xf32, #tpu.memory_space<vmem>>, vector<1x16xf32>,
    %swap3A_1101 = arith.constant 39 : i32
    %swap3A_1102 = arith.index_cast %swap3A_1101 : i32 to index
    %swap3A_1103 = arith.constant 0 : index
    %swap3A_1104 = tpu.vector_load %arg10[%swap3A_1102, %swap3A_1103] {strides = array<i32>} : memref<100x16xf32, #tpu.memory_space<vmem>>, vector<1x16xf32>,
    %swap3A_1105 = vector.shape_cast %swap3A_1104 : vector<1x16xf32> to vector<16xf32>
    %swap3A_1106 = vector.shape_cast %broadcast_in_dim3A_3 : vector<16xf32> to vector<1x16xf32>
    tpu.vector_store %arg10[%swap3A_1102, %swap3A_1103], %swap3A_1106 {strides = array<i32>} : memref<100x16xf32, #tpu.memory_space<vmem>>, vector<1x16xf32>,
    %swap3A_1107 = arith.constant 40 : i32
    %swap3A_1108 = arith.index_cast %swap3A_1107 : i32 to index
    %swap3A_1109 = arith.constant 0 : index
    %swap3A_1110 = tpu.vector_load %arg10[%swap3A_1108, %swap3A_1109] {strides = array<i32>} : memref<100x16xf32, #tpu.memory_space<vmem>>, vector<1x16xf32>,
    %swap3A_1111 = vector.shape_cast %swap3A_1110 : vector<1x16xf32> to vector<16xf32>
    %swap3A_1112 = vector.shape_cast %broadcast_in_dim3A_3 : vector<16xf32> to vector<1x16xf32>
    tpu.vector_store %arg10[%swap3A_1108, %swap3A_1109], %swap3A_1112 {strides = array<i32>} : memref<100x16xf32, #tpu.memory_space<vmem>>, vector<1x16xf32>,
    %swap3A_1113 = arith.constant 41 : i32
    %swap3A_1114 = arith.index_cast %swap3A_1113 : i32 to index
    %swap3A_1115 = arith.constant 0 : index
    %swap3A_1116 = tpu.vector_load %arg10[%swap3A_1114, %swap3A_1115] {strides = array<i32>} : memref<100x16xf32, #tpu.memory_space<vmem>>, vector<1x16xf32>,
    %swap3A_1117 = vector.shape_cast %swap3A_1116 : vector<1x16xf32> to vector<16xf32>
    %swap3A_1118 = vector.shape_cast %broadcast_in_dim3A_3 : vector<16xf32> to vector<1x16xf32>
    tpu.vector_store %arg10[%swap3A_1114, %swap3A_1115], %swap3A_1118 {strides = array<i32>} : memref<100x16xf32, #tpu.memory_space<vmem>>, vector<1x16xf32>,
    %swap3A_1119 = arith.constant 42 : i32
    %swap3A_1120 = arith.index_cast %swap3A_1119 : i32 to index
    %swap3A_1121 = arith.constant 0 : index
    %swap3A_1122 = tpu.vector_load %arg10[%swap3A_1120, %swap3A_1121] {strides = array<i32>} : memref<100x16xf32, #tpu.memory_space<vmem>>, vector<1x16xf32>,
    %swap3A_1123 = vector.shape_cast %swap3A_1122 : vector<1x16xf32> to vector<16xf32>
    %swap3A_1124 = vector.shape_cast %broadcast_in_dim3A_3 : vector<16xf32> to vector<1x16xf32>
    tpu.vector_store %arg10[%swap3A_1120, %swap3A_1121], %swap3A_1124 {strides = array<i32>} : memref<100x16xf32, #tpu.memory_space<vmem>>, vector<1x16xf32>,
    %swap3A_1125 = arith.constant 43 : i32
    %swap3A_1126 = arith.index_cast %swap3A_1125 : i32 to index
    %swap3A_1127 = arith.constant 0 : index
    %swap3A_1128 = tpu.vector_load %arg10[%swap3A_1126, %swap3A_1127] {strides = array<i32>} : memref<100x16xf32, #tpu.memory_space<vmem>>, vector<1x16xf32>,
    %swap3A_1129 = vector.shape_cast %swap3A_1128 : vector<1x16xf32> to vector<16xf32>
    %swap3A_1130 = vector.shape_cast %broadcast_in_dim3A_3 : vector<16xf32> to vector<1x16xf32>
    tpu.vector_store %arg10[%swap3A_1126, %swap3A_1127], %swap3A_1130 {strides = array<i32>} : memref<100x16xf32, #tpu.memory_space<vmem>>, vector<1x16xf32>,
    %swap3A_1131 = arith.constant 44 : i32
    %swap3A_1132 = arith.index_cast %swap3A_1131 : i32 to index
    %swap3A_1133 = arith.constant 0 : index
    %swap3A_1134 = tpu.vector_load %arg10[%swap3A_1132, %swap3A_1133] {strides = array<i32>} : memref<100x16xf32, #tpu.memory_space<vmem>>, vector<1x16xf32>,
    %swap3A_1135 = vector.shape_cast %swap3A_1134 : vector<1x16xf32> to vector<16xf32>
    %swap3A_1136 = vector.shape_cast %broadcast_in_dim3A_3 : vector<16xf32> to vector<1x16xf32>
    tpu.vector_store %arg10[%swap3A_1132, %swap3A_1133], %swap3A_1136 {strides = array<i32>} : memref<100x16xf32, #tpu.memory_space<vmem>>, vector<1x16xf32>,
    %swap3A_1137 = arith.constant 45 : i32
    %swap3A_1138 = arith.index_cast %swap3A_1137 : i32 to index
    %swap3A_1139 = arith.constant 0 : index
    %swap3A_1140 = tpu.vector_load %arg10[%swap3A_1138, %swap3A_1139] {strides = array<i32>} : memref<100x16xf32, #tpu.memory_space<vmem>>, vector<1x16xf32>,
    %swap3A_1141 = vector.shape_cast %swap3A_1140 : vector<1x16xf32> to vector<16xf32>
    %swap3A_1142 = vector.shape_cast %broadcast_in_dim3A_3 : vector<16xf32> to vector<1x16xf32>
    tpu.vector_store %arg10[%swap3A_1138, %swap3A_1139], %swap3A_1142 {strides = array<i32>} : memref<100x16xf32, #tpu.memory_space<vmem>>, vector<1x16xf32>,
    %swap3A_1143 = arith.constant 46 : i32
    %swap3A_1144 = arith.index_cast %swap3A_1143 : i32 to index
    %swap3A_1145 = arith.constant 0 : index
    %swap3A_1146 = tpu.vector_load %arg10[%swap3A_1144, %swap3A_1145] {strides = array<i32>} : memref<100x16xf32, #tpu.memory_space<vmem>>, vector<1x16xf32>,
    %swap3A_1147 = vector.shape_cast %swap3A_1146 : vector<1x16xf32> to vector<16xf32>
    %swap3A_1148 = vector.shape_cast %broadcast_in_dim3A_3 : vector<16xf32> to vector<1x16xf32>
    tpu.vector_store %arg10[%swap3A_1144, %swap3A_1145], %swap3A_1148 {strides = array<i32>} : memref<100x16xf32, #tpu.memory_space<vmem>>, vector<1x16xf32>,
    %swap3A_1149 = arith.constant 47 : i32
    %swap3A_1150 = arith.index_cast %swap3A_1149 : i32 to index
    %swap3A_1151 = arith.constant 0 : index
    %swap3A_1152 = tpu.vector_load %arg10[%swap3A_1150, %swap3A_1151] {strides = array<i32>} : memref<100x16xf32, #tpu.memory_space<vmem>>, vector<1x16xf32>,
    %swap3A_1153 = vector.shape_cast %swap3A_1152 : vector<1x16xf32> to vector<16xf32>
    %swap3A_1154 = vector.shape_cast %broadcast_in_dim3A_3 : vector<16xf32> to vector<1x16xf32>
    tpu.vector_store %arg10[%swap3A_1150, %swap3A_1151], %swap3A_1154 {strides = array<i32>} : memref<100x16xf32, #tpu.memory_space<vmem>>, vector<1x16xf32>,
    %swap3A_1155 = arith.constant 48 : i32
    %swap3A_1156 = arith.index_cast %swap3A_1155 : i32 to index
    %swap3A_1157 = arith.constant 0 : index
    %swap3A_1158 = tpu.vector_load %arg10[%swap3A_1156, %swap3A_1157] {strides = array<i32>} : memref<100x16xf32, #tpu.memory_space<vmem>>, vector<1x16xf32>,
    %swap3A_1159 = vector.shape_cast %swap3A_1158 : vector<1x16xf32> to vector<16xf32>
    %swap3A_1160 = vector.shape_cast %broadcast_in_dim3A_3 : vector<16xf32> to vector<1x16xf32>
    tpu.vector_store %arg10[%swap3A_1156, %swap3A_1157], %swap3A_1160 {strides = array<i32>} : memref<100x16xf32, #tpu.memory_space<vmem>>, vector<1x16xf32>,
    %swap3A_1161 = arith.constant 49 : i32
    %swap3A_1162 = arith.index_cast %swap3A_1161 : i32 to index
    %swap3A_1163 = arith.constant 0 : index
    %swap3A_1164 = tpu.vector_load %arg10[%swap3A_1162, %swap3A_1163] {strides = array<i32>} : memref<100x16xf32, #tpu.memory_space<vmem>>, vector<1x16xf32>,
    %swap3A_1165 = vector.shape_cast %swap3A_1164 : vector<1x16xf32> to vector<16xf32>
    %swap3A_1166 = vector.shape_cast %broadcast_in_dim3A_3 : vector<16xf32> to vector<1x16xf32>
    tpu.vector_store %arg10[%swap3A_1162, %swap3A_1163], %swap3A_1166 {strides = array<i32>} : memref<100x16xf32, #tpu.memory_space<vmem>>, vector<1x16xf32>,
    %swap3A_1167 = arith.constant 50 : i32
    %swap3A_1168 = arith.index_cast %swap3A_1167 : i32 to index
    %swap3A_1169 = arith.constant 0 : index
    %swap3A_1170 = tpu.vector_load %arg10[%swap3A_1168, %swap3A_1169] {strides = array<i32>} : memref<100x16xf32, #tpu.memory_space<vmem>>, vector<1x16xf32>,
    %swap3A_1171 = vector.shape_cast %swap3A_1170 : vector<1x16xf32> to vector<16xf32>
    %swap3A_1172 = vector.shape_cast %broadcast_in_dim3A_3 : vector<16xf32> to vector<1x16xf32>
    tpu.vector_store %arg10[%swap3A_1168, %swap3A_1169], %swap3A_1172 {strides = array<i32>} : memref<100x16xf32, #tpu.memory_space<vmem>>, vector<1x16xf32>,
    %swap3A_1173 = arith.constant 51 : i32
    %swap3A_1174 = arith.index_cast %swap3A_1173 : i32 to index
    %swap3A_1175 = arith.constant 0 : index
    %swap3A_1176 = tpu.vector_load %arg10[%swap3A_1174, %swap3A_1175] {strides = array<i32>} : memref<100x16xf32, #tpu.memory_space<vmem>>, vector<1x16xf32>,
    %swap3A_1177 = vector.shape_cast %swap3A_1176 : vector<1x16xf32> to vector<16xf32>
    %swap3A_1178 = vector.shape_cast %broadcast_in_dim3A_3 : vector<16xf32> to vector<1x16xf32>
    tpu.vector_store %arg10[%swap3A_1174, %swap3A_1175], %swap3A_1178 {strides = array<i32>} : memref<100x16xf32, #tpu.memory_space<vmem>>, vector<1x16xf32>,
    %swap3A_1179 = arith.constant 52 : i32
    %swap3A_1180 = arith.index_cast %swap3A_1179 : i32 to index
    %swap3A_1181 = arith.constant 0 : index
    %swap3A_1182 = tpu.vector_load %arg10[%swap3A_1180, %swap3A_1181] {strides = array<i32>} : memref<100x16xf32, #tpu.memory_space<vmem>>, vector<1x16xf32>,
    %swap3A_1183 = vector.shape_cast %swap3A_1182 : vector<1x16xf32> to vector<16xf32>
    %swap3A_1184 = vector.shape_cast %broadcast_in_dim3A_3 : vector<16xf32> to vector<1x16xf32>
    tpu.vector_store %arg10[%swap3A_1180, %swap3A_1181], %swap3A_1184 {strides = array<i32>} : memref<100x16xf32, #tpu.memory_space<vmem>>, vector<1x16xf32>,
    %swap3A_1185 = arith.constant 53 : i32
    %swap3A_1186 = arith.index_cast %swap3A_1185 : i32 to index
    %swap3A_1187 = arith.constant 0 : index
    %swap3A_1188 = tpu.vector_load %arg10[%swap3A_1186, %swap3A_1187] {strides = array<i32>} : memref<100x16xf32, #tpu.memory_space<vmem>>, vector<1x16xf32>,
    %swap3A_1189 = vector.shape_cast %swap3A_1188 : vector<1x16xf32> to vector<16xf32>
    %swap3A_1190 = vector.shape_cast %broadcast_in_dim3A_3 : vector<16xf32> to vector<1x16xf32>
    tpu.vector_store %arg10[%swap3A_1186, %swap3A_1187], %swap3A_1190 {strides = array<i32>} : memref<100x16xf32, #tpu.memory_space<vmem>>, vector<1x16xf32>,
    %swap3A_1191 = arith.constant 54 : i32
    %swap3A_1192 = arith.index_cast %swap3A_1191 : i32 to index
    %swap3A_1193 = arith.constant 0 : index
    %swap3A_1194 = tpu.vector_load %arg10[%swap3A_1192, %swap3A_1193] {strides = array<i32>} : memref<100x16xf32, #tpu.memory_space<vmem>>, vector<1x16xf32>,
    %swap3A_1195 = vector.shape_cast %swap3A_1194 : vector<1x16xf32> to vector<16xf32>
    %swap3A_1196 = vector.shape_cast %broadcast_in_dim3A_3 : vector<16xf32> to vector<1x16xf32>
    tpu.vector_store %arg10[%swap3A_1192, %swap3A_1193], %swap3A_1196 {strides = array<i32>} : memref<100x16xf32, #tpu.memory_space<vmem>>, vector<1x16xf32>,
    %swap3A_1197 = arith.constant 55 : i32
    %swap3A_1198 = arith.index_cast %swap3A_1197 : i32 to index
    %swap3A_1199 = arith.constant 0 : index
    %swap3A_1200 = tpu.vector_load %arg10[%swap3A_1198, %swap3A_1199] {strides = array<i32>} : memref<100x16xf32, #tpu.memory_space<vmem>>, vector<1x16xf32>,
    %swap3A_1201 = vector.shape_cast %swap3A_1200 : vector<1x16xf32> to vector<16xf32>
    %swap3A_1202 = vector.shape_cast %broadcast_in_dim3A_3 : vector<16xf32> to vector<1x16xf32>
    tpu.vector_store %arg10[%swap3A_1198, %swap3A_1199], %swap3A_1202 {strides = array<i32>} : memref<100x16xf32, #tpu.memory_space<vmem>>, vector<1x16xf32>,
    %swap3A_1203 = arith.constant 56 : i32
    %swap3A_1204 = arith.index_cast %swap3A_1203 : i32 to index
    %swap3A_1205 = arith.constant 0 : index
    %swap3A_1206 = tpu.vector_load %arg10[%swap3A_1204, %swap3A_1205] {strides = array<i32>} : memref<100x16xf32, #tpu.memory_space<vmem>>, vector<1x16xf32>,
    %swap3A_1207 = vector.shape_cast %swap3A_1206 : vector<1x16xf32> to vector<16xf32>
    %swap3A_1208 = vector.shape_cast %broadcast_in_dim3A_3 : vector<16xf32> to vector<1x16xf32>
    tpu.vector_store %arg10[%swap3A_1204, %swap3A_1205], %swap3A_1208 {strides = array<i32>} : memref<100x16xf32, #tpu.memory_space<vmem>>, vector<1x16xf32>,
    %swap3A_1209 = arith.constant 57 : i32
    %swap3A_1210 = arith.index_cast %swap3A_1209 : i32 to index
    %swap3A_1211 = arith.constant 0 : index
    %swap3A_1212 = tpu.vector_load %arg10[%swap3A_1210, %swap3A_1211] {strides = array<i32>} : memref<100x16xf32, #tpu.memory_space<vmem>>, vector<1x16xf32>,
    %swap3A_1213 = vector.shape_cast %swap3A_1212 : vector<1x16xf32> to vector<16xf32>
    %swap3A_1214 = vector.shape_cast %broadcast_in_dim3A_3 : vector<16xf32> to vector<1x16xf32>
    tpu.vector_store %arg10[%swap3A_1210, %swap3A_1211], %swap3A_1214 {strides = array<i32>} : memref<100x16xf32, #tpu.memory_space<vmem>>, vector<1x16xf32>,
    %swap3A_1215 = arith.constant 58 : i32
    %swap3A_1216 = arith.index_cast %swap3A_1215 : i32 to index
    %swap3A_1217 = arith.constant 0 : index
    %swap3A_1218 = tpu.vector_load %arg10[%swap3A_1216, %swap3A_1217] {strides = array<i32>} : memref<100x16xf32, #tpu.memory_space<vmem>>, vector<1x16xf32>,
    %swap3A_1219 = vector.shape_cast %swap3A_1218 : vector<1x16xf32> to vector<16xf32>
    %swap3A_1220 = vector.shape_cast %broadcast_in_dim3A_3 : vector<16xf32> to vector<1x16xf32>
    tpu.vector_store %arg10[%swap3A_1216, %swap3A_1217], %swap3A_1220 {strides = array<i32>} : memref<100x16xf32, #tpu.memory_space<vmem>>, vector<1x16xf32>,
    %swap3A_1221 = arith.constant 59 : i32
    %swap3A_1222 = arith.index_cast %swap3A_1221 : i32 to index
    %swap3A_1223 = arith.constant 0 : index
    %swap3A_1224 = tpu.vector_load %arg10[%swap3A_1222, %swap3A_1223] {strides = array<i32>} : memref<100x16xf32, #tpu.memory_space<vmem>>, vector<1x16xf32>,
    %swap3A_1225 = vector.shape_cast %swap3A_1224 : vector<1x16xf32> to vector<16xf32>
    %swap3A_1226 = vector.shape_cast %broadcast_in_dim3A_3 : vector<16xf32> to vector<1x16xf32>
    tpu.vector_store %arg10[%swap3A_1222, %swap3A_1223], %swap3A_1226 {strides = array<i32>} : memref<100x16xf32, #tpu.memory_space<vmem>>, vector<1x16xf32>,
    %swap3A_1227 = arith.constant 60 : i32
    %swap3A_1228 = arith.index_cast %swap3A_1227 : i32 to index
    %swap3A_1229 = arith.constant 0 : index
    %swap3A_1230 = tpu.vector_load %arg10[%swap3A_1228, %swap3A_1229] {strides = array<i32>} : memref<100x16xf32, #tpu.memory_space<vmem>>, vector<1x16xf32>,
    %swap3A_1231 = vector.shape_cast %swap3A_1230 : vector<1x16xf32> to vector<16xf32>
    %swap3A_1232 = vector.shape_cast %broadcast_in_dim3A_3 : vector<16xf32> to vector<1x16xf32>
    tpu.vector_store %arg10[%swap3A_1228, %swap3A_1229], %swap3A_1232 {strides = array<i32>} : memref<100x16xf32, #tpu.memory_space<vmem>>, vector<1x16xf32>,
    %swap3A_1233 = arith.constant 61 : i32
    %swap3A_1234 = arith.index_cast %swap3A_1233 : i32 to index
    %swap3A_1235 = arith.constant 0 : index
    %swap3A_1236 = tpu.vector_load %arg10[%swap3A_1234, %swap3A_1235] {strides = array<i32>} : memref<100x16xf32, #tpu.memory_space<vmem>>, vector<1x16xf32>,
    %swap3A_1237 = vector.shape_cast %swap3A_1236 : vector<1x16xf32> to vector<16xf32>
    %swap3A_1238 = vector.shape_cast %broadcast_in_dim3A_3 : vector<16xf32> to vector<1x16xf32>
    tpu.vector_store %arg10[%swap3A_1234, %swap3A_1235], %swap3A_1238 {strides = array<i32>} : memref<100x16xf32, #tpu.memory_space<vmem>>, vector<1x16xf32>,
    %swap3A_1239 = arith.constant 62 : i32
    %swap3A_1240 = arith.index_cast %swap3A_1239 : i32 to index
    %swap3A_1241 = arith.constant 0 : index
    %swap3A_1242 = tpu.vector_load %arg10[%swap3A_1240, %swap3A_1241] {strides = array<i32>} : memref<100x16xf32, #tpu.memory_space<vmem>>, vector<1x16xf32>,
    %swap3A_1243 = vector.shape_cast %swap3A_1242 : vector<1x16xf32> to vector<16xf32>
    %swap3A_1244 = vector.shape_cast %broadcast_in_dim3A_3 : vector<16xf32> to vector<1x16xf32>
    tpu.vector_store %arg10[%swap3A_1240, %swap3A_1241], %swap3A_1244 {strides = array<i32>} : memref<100x16xf32, #tpu.memory_space<vmem>>, vector<1x16xf32>,
    %swap3A_1245 = arith.constant 63 : i32
    %swap3A_1246 = arith.index_cast %swap3A_1245 : i32 to index
    %swap3A_1247 = arith.constant 0 : index
    %swap3A_1248 = tpu.vector_load %arg10[%swap3A_1246, %swap3A_1247] {strides = array<i32>} : memref<100x16xf32, #tpu.memory_space<vmem>>, vector<1x16xf32>,
    %swap3A_1249 = vector.shape_cast %swap3A_1248 : vector<1x16xf32> to vector<16xf32>
    %swap3A_1250 = vector.shape_cast %broadcast_in_dim3A_3 : vector<16xf32> to vector<1x16xf32>
    tpu.vector_store %arg10[%swap3A_1246, %swap3A_1247], %swap3A_1250 {strides = array<i32>} : memref<100x16xf32, #tpu.memory_space<vmem>>, vector<1x16xf32>,
    %swap3A_1251 = arith.constant 64 : i32
    %swap3A_1252 = arith.index_cast %swap3A_1251 : i32 to index
    %swap3A_1253 = arith.constant 0 : index
    %swap3A_1254 = tpu.vector_load %arg10[%swap3A_1252, %swap3A_1253] {strides = array<i32>} : memref<100x16xf32, #tpu.memory_space<vmem>>, vector<1x16xf32>,
    %swap3A_1255 = vector.shape_cast %swap3A_1254 : vector<1x16xf32> to vector<16xf32>
    %swap3A_1256 = vector.shape_cast %broadcast_in_dim3A_3 : vector<16xf32> to vector<1x16xf32>
    tpu.vector_store %arg10[%swap3A_1252, %swap3A_1253], %swap3A_1256 {strides = array<i32>} : memref<100x16xf32, #tpu.memory_space<vmem>>, vector<1x16xf32>,
    %swap3A_1257 = arith.constant 65 : i32
    %swap3A_1258 = arith.index_cast %swap3A_1257 : i32 to index
    %swap3A_1259 = arith.constant 0 : index
    %swap3A_1260 = tpu.vector_load %arg10[%swap3A_1258, %swap3A_1259] {strides = array<i32>} : memref<100x16xf32, #tpu.memory_space<vmem>>, vector<1x16xf32>,
    %swap3A_1261 = vector.shape_cast %swap3A_1260 : vector<1x16xf32> to vector<16xf32>
    %swap3A_1262 = vector.shape_cast %broadcast_in_dim3A_3 : vector<16xf32> to vector<1x16xf32>
    tpu.vector_store %arg10[%swap3A_1258, %swap3A_1259], %swap3A_1262 {strides = array<i32>} : memref<100x16xf32, #tpu.memory_space<vmem>>, vector<1x16xf32>,
    %swap3A_1263 = arith.constant 66 : i32
    %swap3A_1264 = arith.index_cast %swap3A_1263 : i32 to index
    %swap3A_1265 = arith.constant 0 : index
    %swap3A_1266 = tpu.vector_load %arg10[%swap3A_1264, %swap3A_1265] {strides = array<i32>} : memref<100x16xf32, #tpu.memory_space<vmem>>, vector<1x16xf32>,
    %swap3A_1267 = vector.shape_cast %swap3A_1266 : vector<1x16xf32> to vector<16xf32>
    %swap3A_1268 = vector.shape_cast %broadcast_in_dim3A_3 : vector<16xf32> to vector<1x16xf32>
    tpu.vector_store %arg10[%swap3A_1264, %swap3A_1265], %swap3A_1268 {strides = array<i32>} : memref<100x16xf32, #tpu.memory_space<vmem>>, vector<1x16xf32>,
    %swap3A_1269 = arith.constant 67 : i32
    %swap3A_1270 = arith.index_cast %swap3A_1269 : i32 to index
    %swap3A_1271 = arith.constant 0 : index
    %swap3A_1272 = tpu.vector_load %arg10[%swap3A_1270, %swap3A_1271] {strides = array<i32>} : memref<100x16xf32, #tpu.memory_space<vmem>>, vector<1x16xf32>,
    %swap3A_1273 = vector.shape_cast %swap3A_1272 : vector<1x16xf32> to vector<16xf32>
    %swap3A_1274 = vector.shape_cast %broadcast_in_dim3A_3 : vector<16xf32> to vector<1x16xf32>
    tpu.vector_store %arg10[%swap3A_1270, %swap3A_1271], %swap3A_1274 {strides = array<i32>} : memref<100x16xf32, #tpu.memory_space<vmem>>, vector<1x16xf32>,
    %swap3A_1275 = arith.constant 68 : i32
    %swap3A_1276 = arith.index_cast %swap3A_1275 : i32 to index
    %swap3A_1277 = arith.constant 0 : index
    %swap3A_1278 = tpu.vector_load %arg10[%swap3A_1276, %swap3A_1277] {strides = array<i32>} : memref<100x16xf32, #tpu.memory_space<vmem>>, vector<1x16xf32>,
    %swap3A_1279 = vector.shape_cast %swap3A_1278 : vector<1x16xf32> to vector<16xf32>
    %swap3A_1280 = vector.shape_cast %broadcast_in_dim3A_3 : vector<16xf32> to vector<1x16xf32>
    tpu.vector_store %arg10[%swap3A_1276, %swap3A_1277], %swap3A_1280 {strides = array<i32>} : memref<100x16xf32, #tpu.memory_space<vmem>>, vector<1x16xf32>,
    %swap3A_1281 = arith.constant 69 : i32
    %swap3A_1282 = arith.index_cast %swap3A_1281 : i32 to index
    %swap3A_1283 = arith.constant 0 : index
    %swap3A_1284 = tpu.vector_load %arg10[%swap3A_1282, %swap3A_1283] {strides = array<i32>} : memref<100x16xf32, #tpu.memory_space<vmem>>, vector<1x16xf32>,
    %swap3A_1285 = vector.shape_cast %swap3A_1284 : vector<1x16xf32> to vector<16xf32>
    %swap3A_1286 = vector.shape_cast %broadcast_in_dim3A_3 : vector<16xf32> to vector<1x16xf32>
    tpu.vector_store %arg10[%swap3A_1282, %swap3A_1283], %swap3A_1286 {strides = array<i32>} : memref<100x16xf32, #tpu.memory_space<vmem>>, vector<1x16xf32>,
    %swap3A_1287 = arith.constant 70 : i32
    %swap3A_1288 = arith.index_cast %swap3A_1287 : i32 to index
    %swap3A_1289 = arith.constant 0 : index
    %swap3A_1290 = tpu.vector_load %arg10[%swap3A_1288, %swap3A_1289] {strides = array<i32>} : memref<100x16xf32, #tpu.memory_space<vmem>>, vector<1x16xf32>,
    %swap3A_1291 = vector.shape_cast %swap3A_1290 : vector<1x16xf32> to vector<16xf32>
    %swap3A_1292 = vector.shape_cast %broadcast_in_dim3A_3 : vector<16xf32> to vector<1x16xf32>
    tpu.vector_store %arg10[%swap3A_1288, %swap3A_1289], %swap3A_1292 {strides = array<i32>} : memref<100x16xf32, #tpu.memory_space<vmem>>, vector<1x16xf32>,
    %swap3A_1293 = arith.constant 71 : i32
    %swap3A_1294 = arith.index_cast %swap3A_1293 : i32 to index
    %swap3A_1295 = arith.constant 0 : index
    %swap3A_1296 = tpu.vector_load %arg10[%swap3A_1294, %swap3A_1295] {strides = array<i32>} : memref<100x16xf32, #tpu.memory_space<vmem>>, vector<1x16xf32>,
    %swap3A_1297 = vector.shape_cast %swap3A_1296 : vector<1x16xf32> to vector<16xf32>
    %swap3A_1298 = vector.shape_cast %broadcast_in_dim3A_3 : vector<16xf32> to vector<1x16xf32>
    tpu.vector_store %arg10[%swap3A_1294, %swap3A_1295], %swap3A_1298 {strides = array<i32>} : memref<100x16xf32, #tpu.memory_space<vmem>>, vector<1x16xf32>,
    %swap3A_1299 = arith.constant 72 : i32
    %swap3A_1300 = arith.index_cast %swap3A_1299 : i32 to index
    %swap3A_1301 = arith.constant 0 : index
    %swap3A_1302 = tpu.vector_load %arg10[%swap3A_1300, %swap3A_1301] {strides = array<i32>} : memref<100x16xf32, #tpu.memory_space<vmem>>, vector<1x16xf32>,
    %swap3A_1303 = vector.shape_cast %swap3A_1302 : vector<1x16xf32> to vector<16xf32>
    %swap3A_1304 = vector.shape_cast %broadcast_in_dim3A_3 : vector<16xf32> to vector<1x16xf32>
    tpu.vector_store %arg10[%swap3A_1300, %swap3A_1301], %swap3A_1304 {strides = array<i32>} : memref<100x16xf32, #tpu.memory_space<vmem>>, vector<1x16xf32>,
    %swap3A_1305 = arith.constant 73 : i32
    %swap3A_1306 = arith.index_cast %swap3A_1305 : i32 to index
    %swap3A_1307 = arith.constant 0 : index
    %swap3A_1308 = tpu.vector_load %arg10[%swap3A_1306, %swap3A_1307] {strides = array<i32>} : memref<100x16xf32, #tpu.memory_space<vmem>>, vector<1x16xf32>,
    %swap3A_1309 = vector.shape_cast %swap3A_1308 : vector<1x16xf32> to vector<16xf32>
    %swap3A_1310 = vector.shape_cast %broadcast_in_dim3A_3 : vector<16xf32> to vector<1x16xf32>
    tpu.vector_store %arg10[%swap3A_1306, %swap3A_1307], %swap3A_1310 {strides = array<i32>} : memref<100x16xf32, #tpu.memory_space<vmem>>, vector<1x16xf32>,
    %swap3A_1311 = arith.constant 74 : i32
    %swap3A_1312 = arith.index_cast %swap3A_1311 : i32 to index
    %swap3A_1313 = arith.constant 0 : index
    %swap3A_1314 = tpu.vector_load %arg10[%swap3A_1312, %swap3A_1313] {strides = array<i32>} : memref<100x16xf32, #tpu.memory_space<vmem>>, vector<1x16xf32>,
    %swap3A_1315 = vector.shape_cast %swap3A_1314 : vector<1x16xf32> to vector<16xf32>
    %swap3A_1316 = vector.shape_cast %broadcast_in_dim3A_3 : vector<16xf32> to vector<1x16xf32>
    tpu.vector_store %arg10[%swap3A_1312, %swap3A_1313], %swap3A_1316 {strides = array<i32>} : memref<100x16xf32, #tpu.memory_space<vmem>>, vector<1x16xf32>,
    %swap3A_1317 = arith.constant 75 : i32
    %swap3A_1318 = arith.index_cast %swap3A_1317 : i32 to index
    %swap3A_1319 = arith.constant 0 : index
    %swap3A_1320 = tpu.vector_load %arg10[%swap3A_1318, %swap3A_1319] {strides = array<i32>} : memref<100x16xf32, #tpu.memory_space<vmem>>, vector<1x16xf32>,
    %swap3A_1321 = vector.shape_cast %swap3A_1320 : vector<1x16xf32> to vector<16xf32>
    %swap3A_1322 = vector.shape_cast %broadcast_in_dim3A_3 : vector<16xf32> to vector<1x16xf32>
    tpu.vector_store %arg10[%swap3A_1318, %swap3A_1319], %swap3A_1322 {strides = array<i32>} : memref<100x16xf32, #tpu.memory_space<vmem>>, vector<1x16xf32>,
    %swap3A_1323 = arith.constant 76 : i32
    %swap3A_1324 = arith.index_cast %swap3A_1323 : i32 to index
    %swap3A_1325 = arith.constant 0 : index
    %swap3A_1326 = tpu.vector_load %arg10[%swap3A_1324, %swap3A_1325] {strides = array<i32>} : memref<100x16xf32, #tpu.memory_space<vmem>>, vector<1x16xf32>,
    %swap3A_1327 = vector.shape_cast %swap3A_1326 : vector<1x16xf32> to vector<16xf32>
    %swap3A_1328 = vector.shape_cast %broadcast_in_dim3A_3 : vector<16xf32> to vector<1x16xf32>
    tpu.vector_store %arg10[%swap3A_1324, %swap3A_1325], %swap3A_1328 {strides = array<i32>} : memref<100x16xf32, #tpu.memory_space<vmem>>, vector<1x16xf32>,
    %swap3A_1329 = arith.constant 77 : i32
    %swap3A_1330 = arith.index_cast %swap3A_1329 : i32 to index
    %swap3A_1331 = arith.constant 0 : index
    %swap3A_1332 = tpu.vector_load %arg10[%swap3A_1330, %swap3A_1331] {strides = array<i32>} : memref<100x16xf32, #tpu.memory_space<vmem>>, vector<1x16xf32>,
    %swap3A_1333 = vector.shape_cast %swap3A_1332 : vector<1x16xf32> to vector<16xf32>
    %swap3A_1334 = vector.shape_cast %broadcast_in_dim3A_3 : vector<16xf32> to vector<1x16xf32>
    tpu.vector_store %arg10[%swap3A_1330, %swap3A_1331], %swap3A_1334 {strides = array<i32>} : memref<100x16xf32, #tpu.memory_space<vmem>>, vector<1x16xf32>,
    %swap3A_1335 = arith.constant 78 : i32
    %swap3A_1336 = arith.index_cast %swap3A_1335 : i32 to index
    %swap3A_1337 = arith.constant 0 : index
    %swap3A_1338 = tpu.vector_load %arg10[%swap3A_1336, %swap3A_1337] {strides = array<i32>} : memref<100x16xf32, #tpu.memory_space<vmem>>, vector<1x16xf32>,
    %swap3A_1339 = vector.shape_cast %swap3A_1338 : vector<1x16xf32> to vector<16xf32>
    %swap3A_1340 = vector.shape_cast %broadcast_in_dim3A_3 : vector<16xf32> to vector<1x16xf32>
    tpu.vector_store %arg10[%swap3A_1336, %swap3A_1337], %swap3A_1340 {strides = array<i32>} : memref<100x16xf32, #tpu.memory_space<vmem>>, vector<1x16xf32>,
    %swap3A_1341 = arith.constant 79 : i32
    %swap3A_1342 = arith.index_cast %swap3A_1341 : i32 to index
    %swap3A_1343 = arith.constant 0 : index
    %swap3A_1344 = tpu.vector_load %arg10[%swap3A_1342, %swap3A_1343] {strides = array<i32>} : memref<100x16xf32, #tpu.memory_space<vmem>>, vector<1x16xf32>,
    %swap3A_1345 = vector.shape_cast %swap3A_1344 : vector<1x16xf32> to vector<16xf32>
    %swap3A_1346 = vector.shape_cast %broadcast_in_dim3A_3 : vector<16xf32> to vector<1x16xf32>
    tpu.vector_store %arg10[%swap3A_1342, %swap3A_1343], %swap3A_1346 {strides = array<i32>} : memref<100x16xf32, #tpu.memory_space<vmem>>, vector<1x16xf32>,
    %swap3A_1347 = arith.constant 80 : i32
    %swap3A_1348 = arith.index_cast %swap3A_1347 : i32 to index
    %swap3A_1349 = arith.constant 0 : index
    %swap3A_1350 = tpu.vector_load %arg10[%swap3A_1348, %swap3A_1349] {strides = array<i32>} : memref<100x16xf32, #tpu.memory_space<vmem>>, vector<1x16xf32>,
    %swap3A_1351 = vector.shape_cast %swap3A_1350 : vector<1x16xf32> to vector<16xf32>
    %swap3A_1352 = vector.shape_cast %broadcast_in_dim3A_3 : vector<16xf32> to vector<1x16xf32>
    tpu.vector_store %arg10[%swap3A_1348, %swap3A_1349], %swap3A_1352 {strides = array<i32>} : memref<100x16xf32, #tpu.memory_space<vmem>>, vector<1x16xf32>,
    %swap3A_1353 = arith.constant 81 : i32
    %swap3A_1354 = arith.index_cast %swap3A_1353 : i32 to index
    %swap3A_1355 = arith.constant 0 : index
    %swap3A_1356 = tpu.vector_load %arg10[%swap3A_1354, %swap3A_1355] {strides = array<i32>} : memref<100x16xf32, #tpu.memory_space<vmem>>, vector<1x16xf32>,
    %swap3A_1357 = vector.shape_cast %swap3A_1356 : vector<1x16xf32> to vector<16xf32>
    %swap3A_1358 = vector.shape_cast %broadcast_in_dim3A_3 : vector<16xf32> to vector<1x16xf32>
    tpu.vector_store %arg10[%swap3A_1354, %swap3A_1355], %swap3A_1358 {strides = array<i32>} : memref<100x16xf32, #tpu.memory_space<vmem>>, vector<1x16xf32>,
    %swap3A_1359 = arith.constant 82 : i32
    %swap3A_1360 = arith.index_cast %swap3A_1359 : i32 to index
    %swap3A_1361 = arith.constant 0 : index
    %swap3A_1362 = tpu.vector_load %arg10[%swap3A_1360, %swap3A_1361] {strides = array<i32>} : memref<100x16xf32, #tpu.memory_space<vmem>>, vector<1x16xf32>,
    %swap3A_1363 = vector.shape_cast %swap3A_1362 : vector<1x16xf32> to vector<16xf32>
    %swap3A_1364 = vector.shape_cast %broadcast_in_dim3A_3 : vector<16xf32> to vector<1x16xf32>
    tpu.vector_store %arg10[%swap3A_1360, %swap3A_1361], %swap3A_1364 {strides = array<i32>} : memref<100x16xf32, #tpu.memory_space<vmem>>, vector<1x16xf32>,
    %swap3A_1365 = arith.constant 83 : i32
    %swap3A_1366 = arith.index_cast %swap3A_1365 : i32 to index
    %swap3A_1367 = arith.constant 0 : index
    %swap3A_1368 = tpu.vector_load %arg10[%swap3A_1366, %swap3A_1367] {strides = array<i32>} : memref<100x16xf32, #tpu.memory_space<vmem>>, vector<1x16xf32>,
    %swap3A_1369 = vector.shape_cast %swap3A_1368 : vector<1x16xf32> to vector<16xf32>
    %swap3A_1370 = vector.shape_cast %broadcast_in_dim3A_3 : vector<16xf32> to vector<1x16xf32>
    tpu.vector_store %arg10[%swap3A_1366, %swap3A_1367], %swap3A_1370 {strides = array<i32>} : memref<100x16xf32, #tpu.memory_space<vmem>>, vector<1x16xf32>,
    %swap3A_1371 = arith.constant 84 : i32
    %swap3A_1372 = arith.index_cast %swap3A_1371 : i32 to index
    %swap3A_1373 = arith.constant 0 : index
    %swap3A_1374 = tpu.vector_load %arg10[%swap3A_1372, %swap3A_1373] {strides = array<i32>} : memref<100x16xf32, #tpu.memory_space<vmem>>, vector<1x16xf32>,
    %swap3A_1375 = vector.shape_cast %swap3A_1374 : vector<1x16xf32> to vector<16xf32>
    %swap3A_1376 = vector.shape_cast %broadcast_in_dim3A_3 : vector<16xf32> to vector<1x16xf32>
    tpu.vector_store %arg10[%swap3A_1372, %swap3A_1373], %swap3A_1376 {strides = array<i32>} : memref<100x16xf32, #tpu.memory_space<vmem>>, vector<1x16xf32>,
    %swap3A_1377 = arith.constant 85 : i32
    %swap3A_1378 = arith.index_cast %swap3A_1377 : i32 to index
    %swap3A_1379 = arith.constant 0 : index
    %swap3A_1380 = tpu.vector_load %arg10[%swap3A_1378, %swap3A_1379] {strides = array<i32>} : memref<100x16xf32, #tpu.memory_space<vmem>>, vector<1x16xf32>,
    %swap3A_1381 = vector.shape_cast %swap3A_1380 : vector<1x16xf32> to vector<16xf32>
    %swap3A_1382 = vector.shape_cast %broadcast_in_dim3A_3 : vector<16xf32> to vector<1x16xf32>
    tpu.vector_store %arg10[%swap3A_1378, %swap3A_1379], %swap3A_1382 {strides = array<i32>} : memref<100x16xf32, #tpu.memory_space<vmem>>, vector<1x16xf32>,
    %swap3A_1383 = arith.constant 86 : i32
    %swap3A_1384 = arith.index_cast %swap3A_1383 : i32 to index
    %swap3A_1385 = arith.constant 0 : index
    %swap3A_1386 = tpu.vector_load %arg10[%swap3A_1384, %swap3A_1385] {strides = array<i32>} : memref<100x16xf32, #tpu.memory_space<vmem>>, vector<1x16xf32>,
    %swap3A_1387 = vector.shape_cast %swap3A_1386 : vector<1x16xf32> to vector<16xf32>
    %swap3A_1388 = vector.shape_cast %broadcast_in_dim3A_3 : vector<16xf32> to vector<1x16xf32>
    tpu.vector_store %arg10[%swap3A_1384, %swap3A_1385], %swap3A_1388 {strides = array<i32>} : memref<100x16xf32, #tpu.memory_space<vmem>>, vector<1x16xf32>,
    %swap3A_1389 = arith.constant 87 : i32
    %swap3A_1390 = arith.index_cast %swap3A_1389 : i32 to index
    %swap3A_1391 = arith.constant 0 : index
    %swap3A_1392 = tpu.vector_load %arg10[%swap3A_1390, %swap3A_1391] {strides = array<i32>} : memref<100x16xf32, #tpu.memory_space<vmem>>, vector<1x16xf32>,
    %swap3A_1393 = vector.shape_cast %swap3A_1392 : vector<1x16xf32> to vector<16xf32>
    %swap3A_1394 = vector.shape_cast %broadcast_in_dim3A_3 : vector<16xf32> to vector<1x16xf32>
    tpu.vector_store %arg10[%swap3A_1390, %swap3A_1391], %swap3A_1394 {strides = array<i32>} : memref<100x16xf32, #tpu.memory_space<vmem>>, vector<1x16xf32>,
    %swap3A_1395 = arith.constant 88 : i32
    %swap3A_1396 = arith.index_cast %swap3A_1395 : i32 to index
    %swap3A_1397 = arith.constant 0 : index
    %swap3A_1398 = tpu.vector_load %arg10[%swap3A_1396, %swap3A_1397] {strides = array<i32>} : memref<100x16xf32, #tpu.memory_space<vmem>>, vector<1x16xf32>,
    %swap3A_1399 = vector.shape_cast %swap3A_1398 : vector<1x16xf32> to vector<16xf32>
    %swap3A_1400 = vector.shape_cast %broadcast_in_dim3A_3 : vector<16xf32> to vector<1x16xf32>
    tpu.vector_store %arg10[%swap3A_1396, %swap3A_1397], %swap3A_1400 {strides = array<i32>} : memref<100x16xf32, #tpu.memory_space<vmem>>, vector<1x16xf32>,
    %swap3A_1401 = arith.constant 89 : i32
    %swap3A_1402 = arith.index_cast %swap3A_1401 : i32 to index
    %swap3A_1403 = arith.constant 0 : index
    %swap3A_1404 = tpu.vector_load %arg10[%swap3A_1402, %swap3A_1403] {strides = array<i32>} : memref<100x16xf32, #tpu.memory_space<vmem>>, vector<1x16xf32>,
    %swap3A_1405 = vector.shape_cast %swap3A_1404 : vector<1x16xf32> to vector<16xf32>
    %swap3A_1406 = vector.shape_cast %broadcast_in_dim3A_3 : vector<16xf32> to vector<1x16xf32>
    tpu.vector_store %arg10[%swap3A_1402, %swap3A_1403], %swap3A_1406 {strides = array<i32>} : memref<100x16xf32, #tpu.memory_space<vmem>>, vector<1x16xf32>,
    %swap3A_1407 = arith.constant 90 : i32
    %swap3A_1408 = arith.index_cast %swap3A_1407 : i32 to index
    %swap3A_1409 = arith.constant 0 : index
    %swap3A_1410 = tpu.vector_load %arg10[%swap3A_1408, %swap3A_1409] {strides = array<i32>} : memref<100x16xf32, #tpu.memory_space<vmem>>, vector<1x16xf32>,
    %swap3A_1411 = vector.shape_cast %swap3A_1410 : vector<1x16xf32> to vector<16xf32>
    %swap3A_1412 = vector.shape_cast %broadcast_in_dim3A_3 : vector<16xf32> to vector<1x16xf32>
    tpu.vector_store %arg10[%swap3A_1408, %swap3A_1409], %swap3A_1412 {strides = array<i32>} : memref<100x16xf32, #tpu.memory_space<vmem>>, vector<1x16xf32>,
    %swap3A_1413 = arith.constant 91 : i32
    %swap3A_1414 = arith.index_cast %swap3A_1413 : i32 to index
    %swap3A_1415 = arith.constant 0 : index
    %swap3A_1416 = tpu.vector_load %arg10[%swap3A_1414, %swap3A_1415] {strides = array<i32>} : memref<100x16xf32, #tpu.memory_space<vmem>>, vector<1x16xf32>,
    %swap3A_1417 = vector.shape_cast %swap3A_1416 : vector<1x16xf32> to vector<16xf32>
    %swap3A_1418 = vector.shape_cast %broadcast_in_dim3A_3 : vector<16xf32> to vector<1x16xf32>
    tpu.vector_store %arg10[%swap3A_1414, %swap3A_1415], %swap3A_1418 {strides = array<i32>} : memref<100x16xf32, #tpu.memory_space<vmem>>, vector<1x16xf32>,
    %swap3A_1419 = arith.constant 92 : i32
    %swap3A_1420 = arith.index_cast %swap3A_1419 : i32 to index
    %swap3A_1421 = arith.constant 0 : index
    %swap3A_1422 = tpu.vector_load %arg10[%swap3A_1420, %swap3A_1421] {strides = array<i32>} : memref<100x16xf32, #tpu.memory_space<vmem>>, vector<1x16xf32>,
    %swap3A_1423 = vector.shape_cast %swap3A_1422 : vector<1x16xf32> to vector<16xf32>
    %swap3A_1424 = vector.shape_cast %broadcast_in_dim3A_3 : vector<16xf32> to vector<1x16xf32>
    tpu.vector_store %arg10[%swap3A_1420, %swap3A_1421], %swap3A_1424 {strides = array<i32>} : memref<100x16xf32, #tpu.memory_space<vmem>>, vector<1x16xf32>,
    %swap3A_1425 = arith.constant 93 : i32
    %swap3A_1426 = arith.index_cast %swap3A_1425 : i32 to index
    %swap3A_1427 = arith.constant 0 : index
    %swap3A_1428 = tpu.vector_load %arg10[%swap3A_1426, %swap3A_1427] {strides = array<i32>} : memref<100x16xf32, #tpu.memory_space<vmem>>, vector<1x16xf32>,
    %swap3A_1429 = vector.shape_cast %swap3A_1428 : vector<1x16xf32> to vector<16xf32>
    %swap3A_1430 = vector.shape_cast %broadcast_in_dim3A_3 : vector<16xf32> to vector<1x16xf32>
    tpu.vector_store %arg10[%swap3A_1426, %swap3A_1427], %swap3A_1430 {strides = array<i32>} : memref<100x16xf32, #tpu.memory_space<vmem>>, vector<1x16xf32>,
    %swap3A_1431 = arith.constant 94 : i32
    %swap3A_1432 = arith.index_cast %swap3A_1431 : i32 to index
    %swap3A_1433 = arith.constant 0 : index
    %swap3A_1434 = tpu.vector_load %arg10[%swap3A_1432, %swap3A_1433] {strides = array<i32>} : memref<100x16xf32, #tpu.memory_space<vmem>>, vector<1x16xf32>,
    %swap3A_1435 = vector.shape_cast %swap3A_1434 : vector<1x16xf32> to vector<16xf32>
    %swap3A_1436 = vector.shape_cast %broadcast_in_dim3A_3 : vector<16xf32> to vector<1x16xf32>
    tpu.vector_store %arg10[%swap3A_1432, %swap3A_1433], %swap3A_1436 {strides = array<i32>} : memref<100x16xf32, #tpu.memory_space<vmem>>, vector<1x16xf32>,
    %swap3A_1437 = arith.constant 95 : i32
    %swap3A_1438 = arith.index_cast %swap3A_1437 : i32 to index
    %swap3A_1439 = arith.constant 0 : index
    %swap3A_1440 = tpu.vector_load %arg10[%swap3A_1438, %swap3A_1439] {strides = array<i32>} : memref<100x16xf32, #tpu.memory_space<vmem>>, vector<1x16xf32>,
    %swap3A_1441 = vector.shape_cast %swap3A_1440 : vector<1x16xf32> to vector<16xf32>
    %swap3A_1442 = vector.shape_cast %broadcast_in_dim3A_3 : vector<16xf32> to vector<1x16xf32>
    tpu.vector_store %arg10[%swap3A_1438, %swap3A_1439], %swap3A_1442 {strides = array<i32>} : memref<100x16xf32, #tpu.memory_space<vmem>>, vector<1x16xf32>,
    %swap3A_1443 = arith.constant 96 : i32
    %swap3A_1444 = arith.index_cast %swap3A_1443 : i32 to index
    %swap3A_1445 = arith.constant 0 : index
    %swap3A_1446 = tpu.vector_load %arg10[%swap3A_1444, %swap3A_1445] {strides = array<i32>} : memref<100x16xf32, #tpu.memory_space<vmem>>, vector<1x16xf32>,
    %swap3A_1447 = vector.shape_cast %swap3A_1446 : vector<1x16xf32> to vector<16xf32>
    %swap3A_1448 = vector.shape_cast %broadcast_in_dim3A_3 : vector<16xf32> to vector<1x16xf32>
    tpu.vector_store %arg10[%swap3A_1444, %swap3A_1445], %swap3A_1448 {strides = array<i32>} : memref<100x16xf32, #tpu.memory_space<vmem>>, vector<1x16xf32>,
    %swap3A_1449 = arith.constant 97 : i32
    %swap3A_1450 = arith.index_cast %swap3A_1449 : i32 to index
    %swap3A_1451 = arith.constant 0 : index
    %swap3A_1452 = tpu.vector_load %arg10[%swap3A_1450, %swap3A_1451] {strides = array<i32>} : memref<100x16xf32, #tpu.memory_space<vmem>>, vector<1x16xf32>,
    %swap3A_1453 = vector.shape_cast %swap3A_1452 : vector<1x16xf32> to vector<16xf32>
    %swap3A_1454 = vector.shape_cast %broadcast_in_dim3A_3 : vector<16xf32> to vector<1x16xf32>
    tpu.vector_store %arg10[%swap3A_1450, %swap3A_1451], %swap3A_1454 {strides = array<i32>} : memref<100x16xf32, #tpu.memory_space<vmem>>, vector<1x16xf32>,
    %swap3A_1455 = arith.constant 98 : i32
    %swap3A_1456 = arith.index_cast %swap3A_1455 : i32 to index
    %swap3A_1457 = arith.constant 0 : index
    %swap3A_1458 = tpu.vector_load %arg10[%swap3A_1456, %swap3A_1457] {strides = array<i32>} : memref<100x16xf32, #tpu.memory_space<vmem>>, vector<1x16xf32>,
    %swap3A_1459 = vector.shape_cast %swap3A_1458 : vector<1x16xf32> to vector<16xf32>
    %swap3A_1460 = vector.shape_cast %broadcast_in_dim3A_3 : vector<16xf32> to vector<1x16xf32>
    tpu.vector_store %arg10[%swap3A_1456, %swap3A_1457], %swap3A_1460 {strides = array<i32>} : memref<100x16xf32, #tpu.memory_space<vmem>>, vector<1x16xf32>,
    %swap3A_1461 = arith.constant 99 : i32
    %swap3A_1462 = arith.index_cast %swap3A_1461 : i32 to index
    %swap3A_1463 = arith.constant 0 : index
    %swap3A_1464 = tpu.vector_load %arg10[%swap3A_1462, %swap3A_1463] {strides = array<i32>} : memref<100x16xf32, #tpu.memory_space<vmem>>, vector<1x16xf32>,
    %swap3A_1465 = vector.shape_cast %swap3A_1464 : vector<1x16xf32> to vector<16xf32>
    %swap3A_1466 = vector.shape_cast %broadcast_in_dim3A_3 : vector<16xf32> to vector<1x16xf32>
    tpu.vector_store %arg10[%swap3A_1462, %swap3A_1463], %swap3A_1466 {strides = array<i32>} : memref<100x16xf32, #tpu.memory_space<vmem>>, vector<1x16xf32>,
    %mul3A_1467 = arith.constant 16 : i32
    %mul3A_1468 = arith.muli %arg1, %mul3A_1467 : i32
    "tpu.region"() ({
      %run_scoped3A = tpu.sem_alloc : memref<!tpu.dma_semaphore, #tpu.memory_space<semaphore_mem>>
      %dma_start3A_1652 = arith.constant 0 : i32
      %dma_start3A_1653 = tpu.memref_slice %arg13[%mul3A_1468, %dma_start3A_1652] : memref<256x128xf32, #tpu.memory_space<vmem_shared>> -> memref<16x128xf32, #tpu.memory_space<vmem_shared>>
      %dma_start3A_1654 = arith.constant 0 : i32
      %dma_start3A_1655 = tpu.memref_slice %arg13[%mul3A_1468, %dma_start3A_1654] : memref<256x128xf32, #tpu.memory_space<vmem_shared>> -> memref<16x128xf32, #tpu.memory_space<vmem_shared>>
      tpu.enqueue_dma source(%arg11 : memref<16x128xf32, #tpu.memory_space<vmem>>) target(%dma_start3A_1655 : memref<16x128xf32, #tpu.memory_space<vmem_shared>>) target_semaphore(%run_scoped3A : memref<!tpu.dma_semaphore, #tpu.memory_space<semaphore_mem>>)
      %dma_wait3A = arith.constant 0 : i32
      %dma_wait3A_1656 = tpu.memref_slice %arg13[%mul3A_1468, %dma_wait3A] : memref<256x128xf32, #tpu.memory_space<vmem_shared>> -> memref<16x128xf32, #tpu.memory_space<vmem_shared>>
      %dma_wait3A_1657 = arith.constant 0 : i32
      %dma_wait3A_1658 = tpu.memref_slice %arg13[%mul3A_1468, %dma_wait3A_1657] : memref<256x128xf32, #tpu.memory_space<vmem_shared>> -> memref<16x128xf32, #tpu.memory_space<vmem_shared>>
      tpu.wait_dma2 semaphore(%run_scoped3A : memref<!tpu.dma_semaphore, #tpu.memory_space<semaphore_mem>>) src(%arg11 : memref<16x128xf32, #tpu.memory_space<vmem>>) dst(%dma_wait3A_1658 : memref<16x128xf32, #tpu.memory_space<vmem_shared>>)
      tpu.yield
    }) : () -> ()
    %mul3A_1469 = arith.constant 16 : i32
    %mul3A_1470 = arith.muli %arg1, %mul3A_1469 : i32
    "tpu.region"() ({
      %run_scoped3A = tpu.sem_alloc : memref<!tpu.dma_semaphore, #tpu.memory_space<semaphore_mem>>
      %dma_start3A_1652 = arith.constant 0 : i32
      %dma_start3A_1653 = tpu.memref_slice %arg14[%mul3A_1470, %dma_start3A_1652] : memref<256x16xf32, #tpu.memory_space<vmem_shared>> -> memref<16x16xf32, #tpu.memory_space<vmem_shared>>
      %dma_start3A_1654 = arith.constant 0 : i32
      %dma_start3A_1655 = tpu.memref_slice %arg14[%mul3A_1470, %dma_start3A_1654] : memref<256x16xf32, #tpu.memory_space<vmem_shared>> -> memref<16x16xf32, #tpu.memory_space<vmem_shared>>
      tpu.enqueue_dma source(%arg12 : memref<16x16xf32, #tpu.memory_space<vmem>>) target(%dma_start3A_1655 : memref<16x16xf32, #tpu.memory_space<vmem_shared>>) target_semaphore(%run_scoped3A : memref<!tpu.dma_semaphore, #tpu.memory_space<semaphore_mem>>)
      %dma_wait3A = arith.constant 0 : i32
      %dma_wait3A_1656 = tpu.memref_slice %arg14[%mul3A_1470, %dma_wait3A] : memref<256x16xf32, #tpu.memory_space<vmem_shared>> -> memref<16x16xf32, #tpu.memory_space<vmem_shared>>
      %dma_wait3A_1657 = arith.constant 0 : i32
      %dma_wait3A_1658 = tpu.memref_slice %arg14[%mul3A_1470, %dma_wait3A_1657] : memref<256x16xf32, #tpu.memory_space<vmem_shared>> -> memref<16x16xf32, #tpu.memory_space<vmem_shared>>
      tpu.wait_dma2 semaphore(%run_scoped3A : memref<!tpu.dma_semaphore, #tpu.memory_space<semaphore_mem>>) src(%arg12 : memref<16x16xf32, #tpu.memory_space<vmem>>) dst(%dma_wait3A_1658 : memref<16x16xf32, #tpu.memory_space<vmem_shared>>)
      tpu.yield
    }) : () -> ()
    %barrier3A = arith.constant 0 : index
    tpu.barrier barrier_id(%barrier3A)
    %add3A_1471 = arith.constant 0 : i32
    %add3A_1472 = arith.addi %add3A, %add3A_1471 : i32
    %mul3A_1473 = arith.constant 400 : i32
    %mul3A_1474 = arith.muli %add3A_1472, %mul3A_1473 : i32
    %dma_start3A = arith.constant 0 : i32
    %dma_start3A_1475 = tpu.memref_slice %arg2[%mul3A_1474, %dma_start3A] : memref<100000x128xf32, #tpu.memory_space<hbm>> -> memref<400x128xf32, #tpu.memory_space<hbm>>
    %dma_start3A_1476 = arith.constant 0 : i32
    %dma_start3A_1477 = tpu.memref_slice %arg2[%mul3A_1474, %dma_start3A_1476] : memref<100000x128xf32, #tpu.memory_space<hbm>> -> memref<400x128xf32, #tpu.memory_space<hbm>>
    tpu.enqueue_dma source(%dma_start3A_1477 : memref<400x128xf32, #tpu.memory_space<hbm>>) target(%arg6 : memref<400x128xf32, #tpu.memory_space<vmem>>) target_semaphore(%arg15 : memref<!tpu.dma_semaphore, #tpu.memory_space<semaphore_mem>>)
    %mul3A_1478 = arith.constant 4 : i32
    %mul3A_1479 = arith.muli %add3A_1472, %mul3A_1478 : i32
    %dma_start3A_1480 = arith.constant 0 : i32
    %dma_start3A_1481 = tpu.memref_slice %arg3[%mul3A_1479, %dma_start3A_1480] : memref<1000x100xi32, #tpu.memory_space<hbm>> -> memref<4x100xi32, #tpu.memory_space<hbm>>
    %dma_start3A_1482 = arith.constant 0 : i32
    %dma_start3A_1483 = tpu.memref_slice %arg3[%mul3A_1479, %dma_start3A_1482] : memref<1000x100xi32, #tpu.memory_space<hbm>> -> memref<4x100xi32, #tpu.memory_space<hbm>>
    tpu.enqueue_dma source(%dma_start3A_1483 : memref<4x100xi32, #tpu.memory_space<hbm>>) target(%arg8 : memref<4x100xi32, #tpu.memory_space<vmem>>) target_semaphore(%arg17 : memref<!tpu.dma_semaphore, #tpu.memory_space<semaphore_mem>>)
    %add3A_1484 = arith.constant 0 : i32
    %add3A_1485 = arith.addi %add3A, %add3A_1484 : i32
    %lt3A = arith.constant 250 : i32
    %lt3A_1486 = arith.cmpi slt, %add3A_1485, %lt3A : i32
    %convert_element_type3A = arith.extui %lt3A_1486 : i1 to i32
    %cond3A = arith.constant 0 : i32
    %cond3A_1487 = arith.cmpi ne, %convert_element_type3A, %cond3A : i32
    scf.if %cond3A_1487 {
      %add3A_1652 = arith.constant 0 : i32
      %add3A_1653 = arith.addi %add3A, %add3A_1652 : i32
      %mul3A_1654 = arith.constant 400 : i32
      %mul3A_1655 = arith.muli %add3A_1653, %mul3A_1654 : i32
      %dma_wait3A = arith.constant 0 : i32
      %dma_wait3A_1656 = tpu.memref_slice %arg2[%mul3A_1655, %dma_wait3A] : memref<100000x128xf32, #tpu.memory_space<hbm>> -> memref<400x128xf32, #tpu.memory_space<hbm>>
      %dma_wait3A_1657 = arith.constant 0 : i32
      %dma_wait3A_1658 = tpu.memref_slice %arg2[%mul3A_1655, %dma_wait3A_1657] : memref<100000x128xf32, #tpu.memory_space<hbm>> -> memref<400x128xf32, #tpu.memory_space<hbm>>
      tpu.wait_dma2 semaphore(%arg15 : memref<!tpu.dma_semaphore, #tpu.memory_space<semaphore_mem>>) src(%dma_wait3A_1658 : memref<400x128xf32, #tpu.memory_space<hbm>>) dst(%arg6 : memref<400x128xf32, #tpu.memory_space<vmem>>)
      %mul3A_1659 = arith.constant 4 : i32
      %mul3A_1660 = arith.muli %add3A_1653, %mul3A_1659 : i32
      %dma_wait3A_1661 = arith.constant 0 : i32
      %dma_wait3A_1662 = tpu.memref_slice %arg3[%mul3A_1660, %dma_wait3A_1661] : memref<1000x100xi32, #tpu.memory_space<hbm>> -> memref<4x100xi32, #tpu.memory_space<hbm>>
      %dma_wait3A_1663 = arith.constant 0 : i32
      %dma_wait3A_1664 = tpu.memref_slice %arg3[%mul3A_1660, %dma_wait3A_1663] : memref<1000x100xi32, #tpu.memory_space<hbm>> -> memref<4x100xi32, #tpu.memory_space<hbm>>
      tpu.wait_dma2 semaphore(%arg17 : memref<!tpu.dma_semaphore, #tpu.memory_space<semaphore_mem>>) src(%dma_wait3A_1664 : memref<4x100xi32, #tpu.memory_space<hbm>>) dst(%arg8 : memref<4x100xi32, #tpu.memory_space<vmem>>)
      %dma_start3A_1665 = arith.constant 0 : i32
      %dma_start3A_1666 = arith.constant 0 : i32
      %dma_start3A_1667 = arith.constant 0 : i32
      %dma_start3A_1668 = tpu.memref_slice %arg6[%dma_start3A_1666, %dma_start3A_1667] : memref<400x128xf32, #tpu.memory_space<vmem>> -> memref<100x128xf32, #tpu.memory_space<vmem>>
      %dma_start3A_1669 = arith.constant 0 : i32
      %dma_start3A_1670 = tpu.memref_slice %arg8[%dma_start3A_1665, %dma_start3A_1669] : memref<4x100xi32, #tpu.memory_space<vmem>> -> memref<1x100xi32, #tpu.memory_space<vmem>>
      %dma_start3A_1671 = tpu.memref_squeeze %dma_start3A_1670 : memref<1x100xi32, #tpu.memory_space<vmem>> -> memref<100xi32, #tpu.memory_space<vmem>>
      %dma_start3A_1672 = arith.constant 0 : i32
      %dma_start3A_1673 = arith.constant 0 : i32
      %dma_start3A_1674 = tpu.memref_slice %arg13[%dma_start3A_1672, %dma_start3A_1673] : memref<256x128xf32, #tpu.memory_space<vmem_shared>> -> memref<256x128xf32, #tpu.memory_space<vmem_shared>>
      tpu.enqueue_indirect_dma source(%dma_start3A_1668 : memref<100x128xf32, #tpu.memory_space<vmem>>) target(%dma_start3A_1674 : memref<256x128xf32, #tpu.memory_space<vmem_shared>>) offsets(%dma_start3A_1671 : memref<100xi32, #tpu.memory_space<vmem>>) semaphore(%arg19 : memref<!tpu.dma_semaphore, #tpu.memory_space<semaphore_mem>>) {add = true}
      %dma_start3A_1675 = arith.constant 0 : i32
      %dma_start3A_1676 = arith.constant 0 : i32
      %dma_start3A_1677 = tpu.memref_slice %arg8[%dma_start3A_1675, %dma_start3A_1676] : memref<4x100xi32, #tpu.memory_space<vmem>> -> memref<1x100xi32, #tpu.memory_space<vmem>>
      %dma_start3A_1678 = tpu.memref_squeeze %dma_start3A_1677 : memref<1x100xi32, #tpu.memory_space<vmem>> -> memref<100xi32, #tpu.memory_space<vmem>>
      %dma_start3A_1679 = arith.constant 0 : i32
      %dma_start3A_1680 = arith.constant 0 : i32
      %dma_start3A_1681 = tpu.memref_slice %arg14[%dma_start3A_1679, %dma_start3A_1680] : memref<256x16xf32, #tpu.memory_space<vmem_shared>> -> memref<256x16xf32, #tpu.memory_space<vmem_shared>>
      tpu.enqueue_indirect_dma source(%arg10 : memref<100x16xf32, #tpu.memory_space<vmem>>) target(%dma_start3A_1681 : memref<256x16xf32, #tpu.memory_space<vmem_shared>>) offsets(%dma_start3A_1678 : memref<100xi32, #tpu.memory_space<vmem>>) semaphore(%arg19 : memref<!tpu.dma_semaphore, #tpu.memory_space<semaphore_mem>>) {add = true}
      %dma_start3A_1682 = arith.constant 1 : i32
      %dma_start3A_1683 = arith.constant 100 : i32
      %dma_start3A_1684 = arith.constant 0 : i32
      %dma_start3A_1685 = tpu.memref_slice %arg6[%dma_start3A_1683, %dma_start3A_1684] : memref<400x128xf32, #tpu.memory_space<vmem>> -> memref<100x128xf32, #tpu.memory_space<vmem>>
      %dma_start3A_1686 = arith.constant 0 : i32
      %dma_start3A_1687 = tpu.memref_slice %arg8[%dma_start3A_1682, %dma_start3A_1686] : memref<4x100xi32, #tpu.memory_space<vmem>> -> memref<1x100xi32, #tpu.memory_space<vmem>>
      %dma_start3A_1688 = tpu.memref_squeeze %dma_start3A_1687 : memref<1x100xi32, #tpu.memory_space<vmem>> -> memref<100xi32, #tpu.memory_space<vmem>>
      %dma_start3A_1689 = arith.constant 0 : i32
      %dma_start3A_1690 = arith.constant 0 : i32
      %dma_start3A_1691 = tpu.memref_slice %arg13[%dma_start3A_1689, %dma_start3A_1690] : memref<256x128xf32, #tpu.memory_space<vmem_shared>> -> memref<256x128xf32, #tpu.memory_space<vmem_shared>>
      tpu.enqueue_indirect_dma source(%dma_start3A_1685 : memref<100x128xf32, #tpu.memory_space<vmem>>) target(%dma_start3A_1691 : memref<256x128xf32, #tpu.memory_space<vmem_shared>>) offsets(%dma_start3A_1688 : memref<100xi32, #tpu.memory_space<vmem>>) semaphore(%arg19 : memref<!tpu.dma_semaphore, #tpu.memory_space<semaphore_mem>>) {add = true}
      %dma_start3A_1692 = arith.constant 1 : i32
      %dma_start3A_1693 = arith.constant 0 : i32
      %dma_start3A_1694 = tpu.memref_slice %arg8[%dma_start3A_1692, %dma_start3A_1693] : memref<4x100xi32, #tpu.memory_space<vmem>> -> memref<1x100xi32, #tpu.memory_space<vmem>>
      %dma_start3A_1695 = tpu.memref_squeeze %dma_start3A_1694 : memref<1x100xi32, #tpu.memory_space<vmem>> -> memref<100xi32, #tpu.memory_space<vmem>>
      %dma_start3A_1696 = arith.constant 0 : i32
      %dma_start3A_1697 = arith.constant 0 : i32
      %dma_start3A_1698 = tpu.memref_slice %arg14[%dma_start3A_1696, %dma_start3A_1697] : memref<256x16xf32, #tpu.memory_space<vmem_shared>> -> memref<256x16xf32, #tpu.memory_space<vmem_shared>>
      tpu.enqueue_indirect_dma source(%arg10 : memref<100x16xf32, #tpu.memory_space<vmem>>) target(%dma_start3A_1698 : memref<256x16xf32, #tpu.memory_space<vmem_shared>>) offsets(%dma_start3A_1695 : memref<100xi32, #tpu.memory_space<vmem>>) semaphore(%arg19 : memref<!tpu.dma_semaphore, #tpu.memory_space<semaphore_mem>>) {add = true}
      %dma_start3A_1699 = arith.constant 2 : i32
      %dma_start3A_1700 = arith.constant 200 : i32
      %dma_start3A_1701 = arith.constant 0 : i32
      %dma_start3A_1702 = tpu.memref_slice %arg6[%dma_start3A_1700, %dma_start3A_1701] : memref<400x128xf32, #tpu.memory_space<vmem>> -> memref<100x128xf32, #tpu.memory_space<vmem>>
      %dma_start3A_1703 = arith.constant 0 : i32
      %dma_start3A_1704 = tpu.memref_slice %arg8[%dma_start3A_1699, %dma_start3A_1703] : memref<4x100xi32, #tpu.memory_space<vmem>> -> memref<1x100xi32, #tpu.memory_space<vmem>>
      %dma_start3A_1705 = tpu.memref_squeeze %dma_start3A_1704 : memref<1x100xi32, #tpu.memory_space<vmem>> -> memref<100xi32, #tpu.memory_space<vmem>>
      %dma_start3A_1706 = arith.constant 0 : i32
      %dma_start3A_1707 = arith.constant 0 : i32
      %dma_start3A_1708 = tpu.memref_slice %arg13[%dma_start3A_1706, %dma_start3A_1707] : memref<256x128xf32, #tpu.memory_space<vmem_shared>> -> memref<256x128xf32, #tpu.memory_space<vmem_shared>>
      tpu.enqueue_indirect_dma source(%dma_start3A_1702 : memref<100x128xf32, #tpu.memory_space<vmem>>) target(%dma_start3A_1708 : memref<256x128xf32, #tpu.memory_space<vmem_shared>>) offsets(%dma_start3A_1705 : memref<100xi32, #tpu.memory_space<vmem>>) semaphore(%arg19 : memref<!tpu.dma_semaphore, #tpu.memory_space<semaphore_mem>>) {add = true}
      %dma_start3A_1709 = arith.constant 2 : i32
      %dma_start3A_1710 = arith.constant 0 : i32
      %dma_start3A_1711 = tpu.memref_slice %arg8[%dma_start3A_1709, %dma_start3A_1710] : memref<4x100xi32, #tpu.memory_space<vmem>> -> memref<1x100xi32, #tpu.memory_space<vmem>>
      %dma_start3A_1712 = tpu.memref_squeeze %dma_start3A_1711 : memref<1x100xi32, #tpu.memory_space<vmem>> -> memref<100xi32, #tpu.memory_space<vmem>>
      %dma_start3A_1713 = arith.constant 0 : i32
      %dma_start3A_1714 = arith.constant 0 : i32
      %dma_start3A_1715 = tpu.memref_slice %arg14[%dma_start3A_1713, %dma_start3A_1714] : memref<256x16xf32, #tpu.memory_space<vmem_shared>> -> memref<256x16xf32, #tpu.memory_space<vmem_shared>>
      tpu.enqueue_indirect_dma source(%arg10 : memref<100x16xf32, #tpu.memory_space<vmem>>) target(%dma_start3A_1715 : memref<256x16xf32, #tpu.memory_space<vmem_shared>>) offsets(%dma_start3A_1712 : memref<100xi32, #tpu.memory_space<vmem>>) semaphore(%arg19 : memref<!tpu.dma_semaphore, #tpu.memory_space<semaphore_mem>>) {add = true}
      %dma_start3A_1716 = arith.constant 3 : i32
      %dma_start3A_1717 = arith.constant 300 : i32
      %dma_start3A_1718 = arith.constant 0 : i32
      %dma_start3A_1719 = tpu.memref_slice %arg6[%dma_start3A_1717, %dma_start3A_1718] : memref<400x128xf32, #tpu.memory_space<vmem>> -> memref<100x128xf32, #tpu.memory_space<vmem>>
      %dma_start3A_1720 = arith.constant 0 : i32
      %dma_start3A_1721 = tpu.memref_slice %arg8[%dma_start3A_1716, %dma_start3A_1720] : memref<4x100xi32, #tpu.memory_space<vmem>> -> memref<1x100xi32, #tpu.memory_space<vmem>>
      %dma_start3A_1722 = tpu.memref_squeeze %dma_start3A_1721 : memref<1x100xi32, #tpu.memory_space<vmem>> -> memref<100xi32, #tpu.memory_space<vmem>>
      %dma_start3A_1723 = arith.constant 0 : i32
      %dma_start3A_1724 = arith.constant 0 : i32
      %dma_start3A_1725 = tpu.memref_slice %arg13[%dma_start3A_1723, %dma_start3A_1724] : memref<256x128xf32, #tpu.memory_space<vmem_shared>> -> memref<256x128xf32, #tpu.memory_space<vmem_shared>>
      tpu.enqueue_indirect_dma source(%dma_start3A_1719 : memref<100x128xf32, #tpu.memory_space<vmem>>) target(%dma_start3A_1725 : memref<256x128xf32, #tpu.memory_space<vmem_shared>>) offsets(%dma_start3A_1722 : memref<100xi32, #tpu.memory_space<vmem>>) semaphore(%arg19 : memref<!tpu.dma_semaphore, #tpu.memory_space<semaphore_mem>>) {add = true}
      %dma_start3A_1726 = arith.constant 3 : i32
      %dma_start3A_1727 = arith.constant 0 : i32
      %dma_start3A_1728 = tpu.memref_slice %arg8[%dma_start3A_1726, %dma_start3A_1727] : memref<4x100xi32, #tpu.memory_space<vmem>> -> memref<1x100xi32, #tpu.memory_space<vmem>>
      %dma_start3A_1729 = tpu.memref_squeeze %dma_start3A_1728 : memref<1x100xi32, #tpu.memory_space<vmem>> -> memref<100xi32, #tpu.memory_space<vmem>>
      %dma_start3A_1730 = arith.constant 0 : i32
      %dma_start3A_1731 = arith.constant 0 : i32
      %dma_start3A_1732 = tpu.memref_slice %arg14[%dma_start3A_1730, %dma_start3A_1731] : memref<256x16xf32, #tpu.memory_space<vmem_shared>> -> memref<256x16xf32, #tpu.memory_space<vmem_shared>>
      tpu.enqueue_indirect_dma source(%arg10 : memref<100x16xf32, #tpu.memory_space<vmem>>) target(%dma_start3A_1732 : memref<256x16xf32, #tpu.memory_space<vmem_shared>>) offsets(%dma_start3A_1729 : memref<100xi32, #tpu.memory_space<vmem>>) semaphore(%arg19 : memref<!tpu.dma_semaphore, #tpu.memory_space<semaphore_mem>>) {add = true}
    } else {
    }
    %add3A_1488 = arith.constant 32 : i32
    %add3A_1489 = arith.addi %add3A, %add3A_1488 : i32
    %lt3A_1490 = arith.constant 250 : i32
    %lt3A_1491 = arith.cmpi slt, %add3A_1489, %lt3A_1490 : i32
    %convert_element_type3A_1492 = arith.extui %lt3A_1491 : i1 to i32
    %cond3A_1493 = arith.constant 0 : i32
    %cond3A_1494 = arith.cmpi ne, %convert_element_type3A_1492, %cond3A_1493 : i32
    scf.if %cond3A_1494 {
      %add3A_1652 = arith.constant 32 : i32
      %add3A_1653 = arith.addi %add3A, %add3A_1652 : i32
      %mul3A_1654 = arith.constant 400 : i32
      %mul3A_1655 = arith.muli %add3A_1653, %mul3A_1654 : i32
      %dma_start3A_1656 = arith.constant 0 : i32
      %dma_start3A_1657 = tpu.memref_slice %arg2[%mul3A_1655, %dma_start3A_1656] : memref<100000x128xf32, #tpu.memory_space<hbm>> -> memref<400x128xf32, #tpu.memory_space<hbm>>
      %dma_start3A_1658 = arith.constant 0 : i32
      %dma_start3A_1659 = tpu.memref_slice %arg2[%mul3A_1655, %dma_start3A_1658] : memref<100000x128xf32, #tpu.memory_space<hbm>> -> memref<400x128xf32, #tpu.memory_space<hbm>>
      tpu.enqueue_dma source(%dma_start3A_1659 : memref<400x128xf32, #tpu.memory_space<hbm>>) target(%arg7 : memref<400x128xf32, #tpu.memory_space<vmem>>) target_semaphore(%arg16 : memref<!tpu.dma_semaphore, #tpu.memory_space<semaphore_mem>>)
      %mul3A_1660 = arith.constant 4 : i32
      %mul3A_1661 = arith.muli %add3A_1653, %mul3A_1660 : i32
      %dma_start3A_1662 = arith.constant 0 : i32
      %dma_start3A_1663 = tpu.memref_slice %arg3[%mul3A_1661, %dma_start3A_1662] : memref<1000x100xi32, #tpu.memory_space<hbm>> -> memref<4x100xi32, #tpu.memory_space<hbm>>
      %dma_start3A_1664 = arith.constant 0 : i32
      %dma_start3A_1665 = tpu.memref_slice %arg3[%mul3A_1661, %dma_start3A_1664] : memref<1000x100xi32, #tpu.memory_space<hbm>> -> memref<4x100xi32, #tpu.memory_space<hbm>>
      tpu.enqueue_dma source(%dma_start3A_1665 : memref<4x100xi32, #tpu.memory_space<hbm>>) target(%arg9 : memref<4x100xi32, #tpu.memory_space<vmem>>) target_semaphore(%arg18 : memref<!tpu.dma_semaphore, #tpu.memory_space<semaphore_mem>>)
    } else {
    }
    %add3A_1495 = arith.constant 32 : i32
    %add3A_1496 = arith.addi %add3A, %add3A_1495 : i32
    %lt3A_1497 = arith.constant 250 : i32
    %lt3A_1498 = arith.cmpi slt, %add3A_1496, %lt3A_1497 : i32
    %convert_element_type3A_1499 = arith.extui %lt3A_1498 : i1 to i32
    %cond3A_1500 = arith.constant 0 : i32
    %cond3A_1501 = arith.cmpi ne, %convert_element_type3A_1499, %cond3A_1500 : i32
    scf.if %cond3A_1501 {
      %add3A_1652 = arith.constant 32 : i32
      %add3A_1653 = arith.addi %add3A, %add3A_1652 : i32
      %mul3A_1654 = arith.constant 400 : i32
      %mul3A_1655 = arith.muli %add3A_1653, %mul3A_1654 : i32
      %dma_wait3A = arith.constant 0 : i32
      %dma_wait3A_1656 = tpu.memref_slice %arg2[%mul3A_1655, %dma_wait3A] : memref<100000x128xf32, #tpu.memory_space<hbm>> -> memref<400x128xf32, #tpu.memory_space<hbm>>
      %dma_wait3A_1657 = arith.constant 0 : i32
      %dma_wait3A_1658 = tpu.memref_slice %arg2[%mul3A_1655, %dma_wait3A_1657] : memref<100000x128xf32, #tpu.memory_space<hbm>> -> memref<400x128xf32, #tpu.memory_space<hbm>>
      tpu.wait_dma2 semaphore(%arg16 : memref<!tpu.dma_semaphore, #tpu.memory_space<semaphore_mem>>) src(%dma_wait3A_1658 : memref<400x128xf32, #tpu.memory_space<hbm>>) dst(%arg7 : memref<400x128xf32, #tpu.memory_space<vmem>>)
      %mul3A_1659 = arith.constant 4 : i32
      %mul3A_1660 = arith.muli %add3A_1653, %mul3A_1659 : i32
      %dma_wait3A_1661 = arith.constant 0 : i32
      %dma_wait3A_1662 = tpu.memref_slice %arg3[%mul3A_1660, %dma_wait3A_1661] : memref<1000x100xi32, #tpu.memory_space<hbm>> -> memref<4x100xi32, #tpu.memory_space<hbm>>
      %dma_wait3A_1663 = arith.constant 0 : i32
      %dma_wait3A_1664 = tpu.memref_slice %arg3[%mul3A_1660, %dma_wait3A_1663] : memref<1000x100xi32, #tpu.memory_space<hbm>> -> memref<4x100xi32, #tpu.memory_space<hbm>>
      tpu.wait_dma2 semaphore(%arg18 : memref<!tpu.dma_semaphore, #tpu.memory_space<semaphore_mem>>) src(%dma_wait3A_1664 : memref<4x100xi32, #tpu.memory_space<hbm>>) dst(%arg9 : memref<4x100xi32, #tpu.memory_space<vmem>>)
      %dma_start3A_1665 = arith.constant 0 : i32
      %dma_start3A_1666 = arith.constant 0 : i32
      %dma_start3A_1667 = arith.constant 0 : i32
      %dma_start3A_1668 = tpu.memref_slice %arg7[%dma_start3A_1666, %dma_start3A_1667] : memref<400x128xf32, #tpu.memory_space<vmem>> -> memref<100x128xf32, #tpu.memory_space<vmem>>
      %dma_start3A_1669 = arith.constant 0 : i32
      %dma_start3A_1670 = tpu.memref_slice %arg9[%dma_start3A_1665, %dma_start3A_1669] : memref<4x100xi32, #tpu.memory_space<vmem>> -> memref<1x100xi32, #tpu.memory_space<vmem>>
      %dma_start3A_1671 = tpu.memref_squeeze %dma_start3A_1670 : memref<1x100xi32, #tpu.memory_space<vmem>> -> memref<100xi32, #tpu.memory_space<vmem>>
      %dma_start3A_1672 = arith.constant 0 : i32
      %dma_start3A_1673 = arith.constant 0 : i32
      %dma_start3A_1674 = tpu.memref_slice %arg13[%dma_start3A_1672, %dma_start3A_1673] : memref<256x128xf32, #tpu.memory_space<vmem_shared>> -> memref<256x128xf32, #tpu.memory_space<vmem_shared>>
      tpu.enqueue_indirect_dma source(%dma_start3A_1668 : memref<100x128xf32, #tpu.memory_space<vmem>>) target(%dma_start3A_1674 : memref<256x128xf32, #tpu.memory_space<vmem_shared>>) offsets(%dma_start3A_1671 : memref<100xi32, #tpu.memory_space<vmem>>) semaphore(%arg20 : memref<!tpu.dma_semaphore, #tpu.memory_space<semaphore_mem>>) {add = true}
      %dma_start3A_1675 = arith.constant 0 : i32
      %dma_start3A_1676 = arith.constant 0 : i32
      %dma_start3A_1677 = tpu.memref_slice %arg9[%dma_start3A_1675, %dma_start3A_1676] : memref<4x100xi32, #tpu.memory_space<vmem>> -> memref<1x100xi32, #tpu.memory_space<vmem>>
      %dma_start3A_1678 = tpu.memref_squeeze %dma_start3A_1677 : memref<1x100xi32, #tpu.memory_space<vmem>> -> memref<100xi32, #tpu.memory_space<vmem>>
      %dma_start3A_1679 = arith.constant 0 : i32
      %dma_start3A_1680 = arith.constant 0 : i32
      %dma_start3A_1681 = tpu.memref_slice %arg14[%dma_start3A_1679, %dma_start3A_1680] : memref<256x16xf32, #tpu.memory_space<vmem_shared>> -> memref<256x16xf32, #tpu.memory_space<vmem_shared>>
      tpu.enqueue_indirect_dma source(%arg10 : memref<100x16xf32, #tpu.memory_space<vmem>>) target(%dma_start3A_1681 : memref<256x16xf32, #tpu.memory_space<vmem_shared>>) offsets(%dma_start3A_1678 : memref<100xi32, #tpu.memory_space<vmem>>) semaphore(%arg20 : memref<!tpu.dma_semaphore, #tpu.memory_space<semaphore_mem>>) {add = true}
      %dma_start3A_1682 = arith.constant 1 : i32
      %dma_start3A_1683 = arith.constant 100 : i32
      %dma_start3A_1684 = arith.constant 0 : i32
      %dma_start3A_1685 = tpu.memref_slice %arg7[%dma_start3A_1683, %dma_start3A_1684] : memref<400x128xf32, #tpu.memory_space<vmem>> -> memref<100x128xf32, #tpu.memory_space<vmem>>
      %dma_start3A_1686 = arith.constant 0 : i32
      %dma_start3A_1687 = tpu.memref_slice %arg9[%dma_start3A_1682, %dma_start3A_1686] : memref<4x100xi32, #tpu.memory_space<vmem>> -> memref<1x100xi32, #tpu.memory_space<vmem>>
      %dma_start3A_1688 = tpu.memref_squeeze %dma_start3A_1687 : memref<1x100xi32, #tpu.memory_space<vmem>> -> memref<100xi32, #tpu.memory_space<vmem>>
      %dma_start3A_1689 = arith.constant 0 : i32
      %dma_start3A_1690 = arith.constant 0 : i32
      %dma_start3A_1691 = tpu.memref_slice %arg13[%dma_start3A_1689, %dma_start3A_1690] : memref<256x128xf32, #tpu.memory_space<vmem_shared>> -> memref<256x128xf32, #tpu.memory_space<vmem_shared>>
      tpu.enqueue_indirect_dma source(%dma_start3A_1685 : memref<100x128xf32, #tpu.memory_space<vmem>>) target(%dma_start3A_1691 : memref<256x128xf32, #tpu.memory_space<vmem_shared>>) offsets(%dma_start3A_1688 : memref<100xi32, #tpu.memory_space<vmem>>) semaphore(%arg20 : memref<!tpu.dma_semaphore, #tpu.memory_space<semaphore_mem>>) {add = true}
      %dma_start3A_1692 = arith.constant 1 : i32
      %dma_start3A_1693 = arith.constant 0 : i32
      %dma_start3A_1694 = tpu.memref_slice %arg9[%dma_start3A_1692, %dma_start3A_1693] : memref<4x100xi32, #tpu.memory_space<vmem>> -> memref<1x100xi32, #tpu.memory_space<vmem>>
      %dma_start3A_1695 = tpu.memref_squeeze %dma_start3A_1694 : memref<1x100xi32, #tpu.memory_space<vmem>> -> memref<100xi32, #tpu.memory_space<vmem>>
      %dma_start3A_1696 = arith.constant 0 : i32
      %dma_start3A_1697 = arith.constant 0 : i32
      %dma_start3A_1698 = tpu.memref_slice %arg14[%dma_start3A_1696, %dma_start3A_1697] : memref<256x16xf32, #tpu.memory_space<vmem_shared>> -> memref<256x16xf32, #tpu.memory_space<vmem_shared>>
      tpu.enqueue_indirect_dma source(%arg10 : memref<100x16xf32, #tpu.memory_space<vmem>>) target(%dma_start3A_1698 : memref<256x16xf32, #tpu.memory_space<vmem_shared>>) offsets(%dma_start3A_1695 : memref<100xi32, #tpu.memory_space<vmem>>) semaphore(%arg20 : memref<!tpu.dma_semaphore, #tpu.memory_space<semaphore_mem>>) {add = true}
      %dma_start3A_1699 = arith.constant 2 : i32
      %dma_start3A_1700 = arith.constant 200 : i32
      %dma_start3A_1701 = arith.constant 0 : i32
      %dma_start3A_1702 = tpu.memref_slice %arg7[%dma_start3A_1700, %dma_start3A_1701] : memref<400x128xf32, #tpu.memory_space<vmem>> -> memref<100x128xf32, #tpu.memory_space<vmem>>
      %dma_start3A_1703 = arith.constant 0 : i32
      %dma_start3A_1704 = tpu.memref_slice %arg9[%dma_start3A_1699, %dma_start3A_1703] : memref<4x100xi32, #tpu.memory_space<vmem>> -> memref<1x100xi32, #tpu.memory_space<vmem>>
      %dma_start3A_1705 = tpu.memref_squeeze %dma_start3A_1704 : memref<1x100xi32, #tpu.memory_space<vmem>> -> memref<100xi32, #tpu.memory_space<vmem>>
      %dma_start3A_1706 = arith.constant 0 : i32
      %dma_start3A_1707 = arith.constant 0 : i32
      %dma_start3A_1708 = tpu.memref_slice %arg13[%dma_start3A_1706, %dma_start3A_1707] : memref<256x128xf32, #tpu.memory_space<vmem_shared>> -> memref<256x128xf32, #tpu.memory_space<vmem_shared>>
      tpu.enqueue_indirect_dma source(%dma_start3A_1702 : memref<100x128xf32, #tpu.memory_space<vmem>>) target(%dma_start3A_1708 : memref<256x128xf32, #tpu.memory_space<vmem_shared>>) offsets(%dma_start3A_1705 : memref<100xi32, #tpu.memory_space<vmem>>) semaphore(%arg20 : memref<!tpu.dma_semaphore, #tpu.memory_space<semaphore_mem>>) {add = true}
      %dma_start3A_1709 = arith.constant 2 : i32
      %dma_start3A_1710 = arith.constant 0 : i32
      %dma_start3A_1711 = tpu.memref_slice %arg9[%dma_start3A_1709, %dma_start3A_1710] : memref<4x100xi32, #tpu.memory_space<vmem>> -> memref<1x100xi32, #tpu.memory_space<vmem>>
      %dma_start3A_1712 = tpu.memref_squeeze %dma_start3A_1711 : memref<1x100xi32, #tpu.memory_space<vmem>> -> memref<100xi32, #tpu.memory_space<vmem>>
      %dma_start3A_1713 = arith.constant 0 : i32
      %dma_start3A_1714 = arith.constant 0 : i32
      %dma_start3A_1715 = tpu.memref_slice %arg14[%dma_start3A_1713, %dma_start3A_1714] : memref<256x16xf32, #tpu.memory_space<vmem_shared>> -> memref<256x16xf32, #tpu.memory_space<vmem_shared>>
      tpu.enqueue_indirect_dma source(%arg10 : memref<100x16xf32, #tpu.memory_space<vmem>>) target(%dma_start3A_1715 : memref<256x16xf32, #tpu.memory_space<vmem_shared>>) offsets(%dma_start3A_1712 : memref<100xi32, #tpu.memory_space<vmem>>) semaphore(%arg20 : memref<!tpu.dma_semaphore, #tpu.memory_space<semaphore_mem>>) {add = true}
      %dma_start3A_1716 = arith.constant 3 : i32
      %dma_start3A_1717 = arith.constant 300 : i32
      %dma_start3A_1718 = arith.constant 0 : i32
      %dma_start3A_1719 = tpu.memref_slice %arg7[%dma_start3A_1717, %dma_start3A_1718] : memref<400x128xf32, #tpu.memory_space<vmem>> -> memref<100x128xf32, #tpu.memory_space<vmem>>
      %dma_start3A_1720 = arith.constant 0 : i32
      %dma_start3A_1721 = tpu.memref_slice %arg9[%dma_start3A_1716, %dma_start3A_1720] : memref<4x100xi32, #tpu.memory_space<vmem>> -> memref<1x100xi32, #tpu.memory_space<vmem>>
      %dma_start3A_1722 = tpu.memref_squeeze %dma_start3A_1721 : memref<1x100xi32, #tpu.memory_space<vmem>> -> memref<100xi32, #tpu.memory_space<vmem>>
      %dma_start3A_1723 = arith.constant 0 : i32
      %dma_start3A_1724 = arith.constant 0 : i32
      %dma_start3A_1725 = tpu.memref_slice %arg13[%dma_start3A_1723, %dma_start3A_1724] : memref<256x128xf32, #tpu.memory_space<vmem_shared>> -> memref<256x128xf32, #tpu.memory_space<vmem_shared>>
      tpu.enqueue_indirect_dma source(%dma_start3A_1719 : memref<100x128xf32, #tpu.memory_space<vmem>>) target(%dma_start3A_1725 : memref<256x128xf32, #tpu.memory_space<vmem_shared>>) offsets(%dma_start3A_1722 : memref<100xi32, #tpu.memory_space<vmem>>) semaphore(%arg20 : memref<!tpu.dma_semaphore, #tpu.memory_space<semaphore_mem>>) {add = true}
      %dma_start3A_1726 = arith.constant 3 : i32
      %dma_start3A_1727 = arith.constant 0 : i32
      %dma_start3A_1728 = tpu.memref_slice %arg9[%dma_start3A_1726, %dma_start3A_1727] : memref<4x100xi32, #tpu.memory_space<vmem>> -> memref<1x100xi32, #tpu.memory_space<vmem>>
      %dma_start3A_1729 = tpu.memref_squeeze %dma_start3A_1728 : memref<1x100xi32, #tpu.memory_space<vmem>> -> memref<100xi32, #tpu.memory_space<vmem>>
      %dma_start3A_1730 = arith.constant 0 : i32
      %dma_start3A_1731 = arith.constant 0 : i32
      %dma_start3A_1732 = tpu.memref_slice %arg14[%dma_start3A_1730, %dma_start3A_1731] : memref<256x16xf32, #tpu.memory_space<vmem_shared>> -> memref<256x16xf32, #tpu.memory_space<vmem_shared>>
      tpu.enqueue_indirect_dma source(%arg10 : memref<100x16xf32, #tpu.memory_space<vmem>>) target(%dma_start3A_1732 : memref<256x16xf32, #tpu.memory_space<vmem_shared>>) offsets(%dma_start3A_1729 : memref<100xi32, #tpu.memory_space<vmem>>) semaphore(%arg20 : memref<!tpu.dma_semaphore, #tpu.memory_space<semaphore_mem>>) {add = true}
    } else {
    }
    %add3A_1502 = arith.constant 0 : i32
    %add3A_1503 = arith.addi %add3A, %add3A_1502 : i32
    %lt3A_1504 = arith.constant 250 : i32
    %lt3A_1505 = arith.cmpi slt, %add3A_1503, %lt3A_1504 : i32
    %convert_element_type3A_1506 = arith.extui %lt3A_1505 : i1 to i32
    %cond3A_1507 = arith.constant 0 : i32
    %cond3A_1508 = arith.cmpi ne, %convert_element_type3A_1506, %cond3A_1507 : i32
    scf.if %cond3A_1508 {
      %dma_wait3A = arith.constant 0 : i32
      %dma_wait3A_1652 = arith.constant 0 : i32
      %dma_wait3A_1653 = arith.constant 0 : i32
      %dma_wait3A_1654 = tpu.memref_slice %arg6[%dma_wait3A_1652, %dma_wait3A_1653] : memref<400x128xf32, #tpu.memory_space<vmem>> -> memref<100x128xf32, #tpu.memory_space<vmem>>
      %dma_wait3A_1655 = arith.constant 0 : i32
      %dma_wait3A_1656 = tpu.memref_slice %arg8[%dma_wait3A, %dma_wait3A_1655] : memref<4x100xi32, #tpu.memory_space<vmem>> -> memref<1x100xi32, #tpu.memory_space<vmem>>
      %dma_wait3A_1657 = tpu.memref_squeeze %dma_wait3A_1656 : memref<1x100xi32, #tpu.memory_space<vmem>> -> memref<100xi32, #tpu.memory_space<vmem>>
      %dma_wait3A_1658 = arith.constant 0 : i32
      %dma_wait3A_1659 = arith.constant 0 : i32
      %dma_wait3A_1660 = tpu.memref_slice %arg13[%dma_wait3A_1658, %dma_wait3A_1659] : memref<256x128xf32, #tpu.memory_space<vmem_shared>> -> memref<256x128xf32, #tpu.memory_space<vmem_shared>>
      tpu.wait_indirect_dma semaphore(%arg19 : memref<!tpu.dma_semaphore, #tpu.memory_space<semaphore_mem>>) src(%dma_wait3A_1654 : memref<100x128xf32, #tpu.memory_space<vmem>>) dst(%dma_wait3A_1660 : memref<256x128xf32, #tpu.memory_space<vmem_shared>>)
      %dma_wait3A_1661 = arith.constant 0 : i32
      %dma_wait3A_1662 = arith.constant 0 : i32
      %dma_wait3A_1663 = tpu.memref_slice %arg8[%dma_wait3A_1661, %dma_wait3A_1662] : memref<4x100xi32, #tpu.memory_space<vmem>> -> memref<1x100xi32, #tpu.memory_space<vmem>>
      %dma_wait3A_1664 = tpu.memref_squeeze %dma_wait3A_1663 : memref<1x100xi32, #tpu.memory_space<vmem>> -> memref<100xi32, #tpu.memory_space<vmem>>
      %dma_wait3A_1665 = arith.constant 0 : i32
      %dma_wait3A_1666 = arith.constant 0 : i32
      %dma_wait3A_1667 = tpu.memref_slice %arg14[%dma_wait3A_1665, %dma_wait3A_1666] : memref<256x16xf32, #tpu.memory_space<vmem_shared>> -> memref<256x16xf32, #tpu.memory_space<vmem_shared>>
      tpu.wait_indirect_dma semaphore(%arg19 : memref<!tpu.dma_semaphore, #tpu.memory_space<semaphore_mem>>) src(%arg10 : memref<100x16xf32, #tpu.memory_space<vmem>>) dst(%dma_wait3A_1667 : memref<256x16xf32, #tpu.memory_space<vmem_shared>>)
      %dma_wait3A_1668 = arith.constant 1 : i32
      %dma_wait3A_1669 = arith.constant 100 : i32
      %dma_wait3A_1670 = arith.constant 0 : i32
      %dma_wait3A_1671 = tpu.memref_slice %arg6[%dma_wait3A_1669, %dma_wait3A_1670] : memref<400x128xf32, #tpu.memory_space<vmem>> -> memref<100x128xf32, #tpu.memory_space<vmem>>
      %dma_wait3A_1672 = arith.constant 0 : i32
      %dma_wait3A_1673 = tpu.memref_slice %arg8[%dma_wait3A_1668, %dma_wait3A_1672] : memref<4x100xi32, #tpu.memory_space<vmem>> -> memref<1x100xi32, #tpu.memory_space<vmem>>
      %dma_wait3A_1674 = tpu.memref_squeeze %dma_wait3A_1673 : memref<1x100xi32, #tpu.memory_space<vmem>> -> memref<100xi32, #tpu.memory_space<vmem>>
      %dma_wait3A_1675 = arith.constant 0 : i32
      %dma_wait3A_1676 = arith.constant 0 : i32
      %dma_wait3A_1677 = tpu.memref_slice %arg13[%dma_wait3A_1675, %dma_wait3A_1676] : memref<256x128xf32, #tpu.memory_space<vmem_shared>> -> memref<256x128xf32, #tpu.memory_space<vmem_shared>>
      tpu.wait_indirect_dma semaphore(%arg19 : memref<!tpu.dma_semaphore, #tpu.memory_space<semaphore_mem>>) src(%dma_wait3A_1671 : memref<100x128xf32, #tpu.memory_space<vmem>>) dst(%dma_wait3A_1677 : memref<256x128xf32, #tpu.memory_space<vmem_shared>>)
      %dma_wait3A_1678 = arith.constant 1 : i32
      %dma_wait3A_1679 = arith.constant 0 : i32
      %dma_wait3A_1680 = tpu.memref_slice %arg8[%dma_wait3A_1678, %dma_wait3A_1679] : memref<4x100xi32, #tpu.memory_space<vmem>> -> memref<1x100xi32, #tpu.memory_space<vmem>>
      %dma_wait3A_1681 = tpu.memref_squeeze %dma_wait3A_1680 : memref<1x100xi32, #tpu.memory_space<vmem>> -> memref<100xi32, #tpu.memory_space<vmem>>
      %dma_wait3A_1682 = arith.constant 0 : i32
      %dma_wait3A_1683 = arith.constant 0 : i32
      %dma_wait3A_1684 = tpu.memref_slice %arg14[%dma_wait3A_1682, %dma_wait3A_1683] : memref<256x16xf32, #tpu.memory_space<vmem_shared>> -> memref<256x16xf32, #tpu.memory_space<vmem_shared>>
      tpu.wait_indirect_dma semaphore(%arg19 : memref<!tpu.dma_semaphore, #tpu.memory_space<semaphore_mem>>) src(%arg10 : memref<100x16xf32, #tpu.memory_space<vmem>>) dst(%dma_wait3A_1684 : memref<256x16xf32, #tpu.memory_space<vmem_shared>>)
      %dma_wait3A_1685 = arith.constant 2 : i32
      %dma_wait3A_1686 = arith.constant 200 : i32
      %dma_wait3A_1687 = arith.constant 0 : i32
      %dma_wait3A_1688 = tpu.memref_slice %arg6[%dma_wait3A_1686, %dma_wait3A_1687] : memref<400x128xf32, #tpu.memory_space<vmem>> -> memref<100x128xf32, #tpu.memory_space<vmem>>
      %dma_wait3A_1689 = arith.constant 0 : i32
      %dma_wait3A_1690 = tpu.memref_slice %arg8[%dma_wait3A_1685, %dma_wait3A_1689] : memref<4x100xi32, #tpu.memory_space<vmem>> -> memref<1x100xi32, #tpu.memory_space<vmem>>
      %dma_wait3A_1691 = tpu.memref_squeeze %dma_wait3A_1690 : memref<1x100xi32, #tpu.memory_space<vmem>> -> memref<100xi32, #tpu.memory_space<vmem>>
      %dma_wait3A_1692 = arith.constant 0 : i32
      %dma_wait3A_1693 = arith.constant 0 : i32
      %dma_wait3A_1694 = tpu.memref_slice %arg13[%dma_wait3A_1692, %dma_wait3A_1693] : memref<256x128xf32, #tpu.memory_space<vmem_shared>> -> memref<256x128xf32, #tpu.memory_space<vmem_shared>>
      tpu.wait_indirect_dma semaphore(%arg19 : memref<!tpu.dma_semaphore, #tpu.memory_space<semaphore_mem>>) src(%dma_wait3A_1688 : memref<100x128xf32, #tpu.memory_space<vmem>>) dst(%dma_wait3A_1694 : memref<256x128xf32, #tpu.memory_space<vmem_shared>>)
      %dma_wait3A_1695 = arith.constant 2 : i32
      %dma_wait3A_1696 = arith.constant 0 : i32
      %dma_wait3A_1697 = tpu.memref_slice %arg8[%dma_wait3A_1695, %dma_wait3A_1696] : memref<4x100xi32, #tpu.memory_space<vmem>> -> memref<1x100xi32, #tpu.memory_space<vmem>>
      %dma_wait3A_1698 = tpu.memref_squeeze %dma_wait3A_1697 : memref<1x100xi32, #tpu.memory_space<vmem>> -> memref<100xi32, #tpu.memory_space<vmem>>
      %dma_wait3A_1699 = arith.constant 0 : i32
      %dma_wait3A_1700 = arith.constant 0 : i32
      %dma_wait3A_1701 = tpu.memref_slice %arg14[%dma_wait3A_1699, %dma_wait3A_1700] : memref<256x16xf32, #tpu.memory_space<vmem_shared>> -> memref<256x16xf32, #tpu.memory_space<vmem_shared>>
      tpu.wait_indirect_dma semaphore(%arg19 : memref<!tpu.dma_semaphore, #tpu.memory_space<semaphore_mem>>) src(%arg10 : memref<100x16xf32, #tpu.memory_space<vmem>>) dst(%dma_wait3A_1701 : memref<256x16xf32, #tpu.memory_space<vmem_shared>>)
      %dma_wait3A_1702 = arith.constant 3 : i32
      %dma_wait3A_1703 = arith.constant 300 : i32
      %dma_wait3A_1704 = arith.constant 0 : i32
      %dma_wait3A_1705 = tpu.memref_slice %arg6[%dma_wait3A_1703, %dma_wait3A_1704] : memref<400x128xf32, #tpu.memory_space<vmem>> -> memref<100x128xf32, #tpu.memory_space<vmem>>
      %dma_wait3A_1706 = arith.constant 0 : i32
      %dma_wait3A_1707 = tpu.memref_slice %arg8[%dma_wait3A_1702, %dma_wait3A_1706] : memref<4x100xi32, #tpu.memory_space<vmem>> -> memref<1x100xi32, #tpu.memory_space<vmem>>
      %dma_wait3A_1708 = tpu.memref_squeeze %dma_wait3A_1707 : memref<1x100xi32, #tpu.memory_space<vmem>> -> memref<100xi32, #tpu.memory_space<vmem>>
      %dma_wait3A_1709 = arith.constant 0 : i32
      %dma_wait3A_1710 = arith.constant 0 : i32
      %dma_wait3A_1711 = tpu.memref_slice %arg13[%dma_wait3A_1709, %dma_wait3A_1710] : memref<256x128xf32, #tpu.memory_space<vmem_shared>> -> memref<256x128xf32, #tpu.memory_space<vmem_shared>>
      tpu.wait_indirect_dma semaphore(%arg19 : memref<!tpu.dma_semaphore, #tpu.memory_space<semaphore_mem>>) src(%dma_wait3A_1705 : memref<100x128xf32, #tpu.memory_space<vmem>>) dst(%dma_wait3A_1711 : memref<256x128xf32, #tpu.memory_space<vmem_shared>>)
      %dma_wait3A_1712 = arith.constant 3 : i32
      %dma_wait3A_1713 = arith.constant 0 : i32
      %dma_wait3A_1714 = tpu.memref_slice %arg8[%dma_wait3A_1712, %dma_wait3A_1713] : memref<4x100xi32, #tpu.memory_space<vmem>> -> memref<1x100xi32, #tpu.memory_space<vmem>>
      %dma_wait3A_1715 = tpu.memref_squeeze %dma_wait3A_1714 : memref<1x100xi32, #tpu.memory_space<vmem>> -> memref<100xi32, #tpu.memory_space<vmem>>
      %dma_wait3A_1716 = arith.constant 0 : i32
      %dma_wait3A_1717 = arith.constant 0 : i32
      %dma_wait3A_1718 = tpu.memref_slice %arg14[%dma_wait3A_1716, %dma_wait3A_1717] : memref<256x16xf32, #tpu.memory_space<vmem_shared>> -> memref<256x16xf32, #tpu.memory_space<vmem_shared>>
      tpu.wait_indirect_dma semaphore(%arg19 : memref<!tpu.dma_semaphore, #tpu.memory_space<semaphore_mem>>) src(%arg10 : memref<100x16xf32, #tpu.memory_space<vmem>>) dst(%dma_wait3A_1718 : memref<256x16xf32, #tpu.memory_space<vmem_shared>>)
    } else {
    }
    %add3A_1509 = arith.constant 64 : i32
    %add3A_1510 = arith.addi %add3A, %add3A_1509 : i32
    %lt3A_1511 = arith.constant 250 : i32
    %lt3A_1512 = arith.cmpi slt, %add3A_1510, %lt3A_1511 : i32
    %convert_element_type3A_1513 = arith.extui %lt3A_1512 : i1 to i32
    %cond3A_1514 = arith.constant 0 : i32
    %cond3A_1515 = arith.cmpi ne, %convert_element_type3A_1513, %cond3A_1514 : i32
    scf.if %cond3A_1515 {
      %add3A_1652 = arith.constant 64 : i32
      %add3A_1653 = arith.addi %add3A, %add3A_1652 : i32
      %mul3A_1654 = arith.constant 400 : i32
      %mul3A_1655 = arith.muli %add3A_1653, %mul3A_1654 : i32
      %dma_start3A_1656 = arith.constant 0 : i32
      %dma_start3A_1657 = tpu.memref_slice %arg2[%mul3A_1655, %dma_start3A_1656] : memref<100000x128xf32, #tpu.memory_space<hbm>> -> memref<400x128xf32, #tpu.memory_space<hbm>>
      %dma_start3A_1658 = arith.constant 0 : i32
      %dma_start3A_1659 = tpu.memref_slice %arg2[%mul3A_1655, %dma_start3A_1658] : memref<100000x128xf32, #tpu.memory_space<hbm>> -> memref<400x128xf32, #tpu.memory_space<hbm>>
      tpu.enqueue_dma source(%dma_start3A_1659 : memref<400x128xf32, #tpu.memory_space<hbm>>) target(%arg6 : memref<400x128xf32, #tpu.memory_space<vmem>>) target_semaphore(%arg15 : memref<!tpu.dma_semaphore, #tpu.memory_space<semaphore_mem>>)
      %mul3A_1660 = arith.constant 4 : i32
      %mul3A_1661 = arith.muli %add3A_1653, %mul3A_1660 : i32
      %dma_start3A_1662 = arith.constant 0 : i32
      %dma_start3A_1663 = tpu.memref_slice %arg3[%mul3A_1661, %dma_start3A_1662] : memref<1000x100xi32, #tpu.memory_space<hbm>> -> memref<4x100xi32, #tpu.memory_space<hbm>>
      %dma_start3A_1664 = arith.constant 0 : i32
      %dma_start3A_1665 = tpu.memref_slice %arg3[%mul3A_1661, %dma_start3A_1664] : memref<1000x100xi32, #tpu.memory_space<hbm>> -> memref<4x100xi32, #tpu.memory_space<hbm>>
      tpu.enqueue_dma source(%dma_start3A_1665 : memref<4x100xi32, #tpu.memory_space<hbm>>) target(%arg8 : memref<4x100xi32, #tpu.memory_space<vmem>>) target_semaphore(%arg17 : memref<!tpu.dma_semaphore, #tpu.memory_space<semaphore_mem>>)
    } else {
    }
    %add3A_1516 = arith.constant 64 : i32
    %add3A_1517 = arith.addi %add3A, %add3A_1516 : i32
    %lt3A_1518 = arith.constant 250 : i32
    %lt3A_1519 = arith.cmpi slt, %add3A_1517, %lt3A_1518 : i32
    %convert_element_type3A_1520 = arith.extui %lt3A_1519 : i1 to i32
    %cond3A_1521 = arith.constant 0 : i32
    %cond3A_1522 = arith.cmpi ne, %convert_element_type3A_1520, %cond3A_1521 : i32
    scf.if %cond3A_1522 {
      %add3A_1652 = arith.constant 64 : i32
      %add3A_1653 = arith.addi %add3A, %add3A_1652 : i32
      %mul3A_1654 = arith.constant 400 : i32
      %mul3A_1655 = arith.muli %add3A_1653, %mul3A_1654 : i32
      %dma_wait3A = arith.constant 0 : i32
      %dma_wait3A_1656 = tpu.memref_slice %arg2[%mul3A_1655, %dma_wait3A] : memref<100000x128xf32, #tpu.memory_space<hbm>> -> memref<400x128xf32, #tpu.memory_space<hbm>>
      %dma_wait3A_1657 = arith.constant 0 : i32
      %dma_wait3A_1658 = tpu.memref_slice %arg2[%mul3A_1655, %dma_wait3A_1657] : memref<100000x128xf32, #tpu.memory_space<hbm>> -> memref<400x128xf32, #tpu.memory_space<hbm>>
      tpu.wait_dma2 semaphore(%arg15 : memref<!tpu.dma_semaphore, #tpu.memory_space<semaphore_mem>>) src(%dma_wait3A_1658 : memref<400x128xf32, #tpu.memory_space<hbm>>) dst(%arg6 : memref<400x128xf32, #tpu.memory_space<vmem>>)
      %mul3A_1659 = arith.constant 4 : i32
      %mul3A_1660 = arith.muli %add3A_1653, %mul3A_1659 : i32
      %dma_wait3A_1661 = arith.constant 0 : i32
      %dma_wait3A_1662 = tpu.memref_slice %arg3[%mul3A_1660, %dma_wait3A_1661] : memref<1000x100xi32, #tpu.memory_space<hbm>> -> memref<4x100xi32, #tpu.memory_space<hbm>>
      %dma_wait3A_1663 = arith.constant 0 : i32
      %dma_wait3A_1664 = tpu.memref_slice %arg3[%mul3A_1660, %dma_wait3A_1663] : memref<1000x100xi32, #tpu.memory_space<hbm>> -> memref<4x100xi32, #tpu.memory_space<hbm>>
      tpu.wait_dma2 semaphore(%arg17 : memref<!tpu.dma_semaphore, #tpu.memory_space<semaphore_mem>>) src(%dma_wait3A_1664 : memref<4x100xi32, #tpu.memory_space<hbm>>) dst(%arg8 : memref<4x100xi32, #tpu.memory_space<vmem>>)
      %dma_start3A_1665 = arith.constant 0 : i32
      %dma_start3A_1666 = arith.constant 0 : i32
      %dma_start3A_1667 = arith.constant 0 : i32
      %dma_start3A_1668 = tpu.memref_slice %arg6[%dma_start3A_1666, %dma_start3A_1667] : memref<400x128xf32, #tpu.memory_space<vmem>> -> memref<100x128xf32, #tpu.memory_space<vmem>>
      %dma_start3A_1669 = arith.constant 0 : i32
      %dma_start3A_1670 = tpu.memref_slice %arg8[%dma_start3A_1665, %dma_start3A_1669] : memref<4x100xi32, #tpu.memory_space<vmem>> -> memref<1x100xi32, #tpu.memory_space<vmem>>
      %dma_start3A_1671 = tpu.memref_squeeze %dma_start3A_1670 : memref<1x100xi32, #tpu.memory_space<vmem>> -> memref<100xi32, #tpu.memory_space<vmem>>
      %dma_start3A_1672 = arith.constant 0 : i32
      %dma_start3A_1673 = arith.constant 0 : i32
      %dma_start3A_1674 = tpu.memref_slice %arg13[%dma_start3A_1672, %dma_start3A_1673] : memref<256x128xf32, #tpu.memory_space<vmem_shared>> -> memref<256x128xf32, #tpu.memory_space<vmem_shared>>
      tpu.enqueue_indirect_dma source(%dma_start3A_1668 : memref<100x128xf32, #tpu.memory_space<vmem>>) target(%dma_start3A_1674 : memref<256x128xf32, #tpu.memory_space<vmem_shared>>) offsets(%dma_start3A_1671 : memref<100xi32, #tpu.memory_space<vmem>>) semaphore(%arg19 : memref<!tpu.dma_semaphore, #tpu.memory_space<semaphore_mem>>) {add = true}
      %dma_start3A_1675 = arith.constant 0 : i32
      %dma_start3A_1676 = arith.constant 0 : i32
      %dma_start3A_1677 = tpu.memref_slice %arg8[%dma_start3A_1675, %dma_start3A_1676] : memref<4x100xi32, #tpu.memory_space<vmem>> -> memref<1x100xi32, #tpu.memory_space<vmem>>
      %dma_start3A_1678 = tpu.memref_squeeze %dma_start3A_1677 : memref<1x100xi32, #tpu.memory_space<vmem>> -> memref<100xi32, #tpu.memory_space<vmem>>
      %dma_start3A_1679 = arith.constant 0 : i32
      %dma_start3A_1680 = arith.constant 0 : i32
      %dma_start3A_1681 = tpu.memref_slice %arg14[%dma_start3A_1679, %dma_start3A_1680] : memref<256x16xf32, #tpu.memory_space<vmem_shared>> -> memref<256x16xf32, #tpu.memory_space<vmem_shared>>
      tpu.enqueue_indirect_dma source(%arg10 : memref<100x16xf32, #tpu.memory_space<vmem>>) target(%dma_start3A_1681 : memref<256x16xf32, #tpu.memory_space<vmem_shared>>) offsets(%dma_start3A_1678 : memref<100xi32, #tpu.memory_space<vmem>>) semaphore(%arg19 : memref<!tpu.dma_semaphore, #tpu.memory_space<semaphore_mem>>) {add = true}
      %dma_start3A_1682 = arith.constant 1 : i32
      %dma_start3A_1683 = arith.constant 100 : i32
      %dma_start3A_1684 = arith.constant 0 : i32
      %dma_start3A_1685 = tpu.memref_slice %arg6[%dma_start3A_1683, %dma_start3A_1684] : memref<400x128xf32, #tpu.memory_space<vmem>> -> memref<100x128xf32, #tpu.memory_space<vmem>>
      %dma_start3A_1686 = arith.constant 0 : i32
      %dma_start3A_1687 = tpu.memref_slice %arg8[%dma_start3A_1682, %dma_start3A_1686] : memref<4x100xi32, #tpu.memory_space<vmem>> -> memref<1x100xi32, #tpu.memory_space<vmem>>
      %dma_start3A_1688 = tpu.memref_squeeze %dma_start3A_1687 : memref<1x100xi32, #tpu.memory_space<vmem>> -> memref<100xi32, #tpu.memory_space<vmem>>
      %dma_start3A_1689 = arith.constant 0 : i32
      %dma_start3A_1690 = arith.constant 0 : i32
      %dma_start3A_1691 = tpu.memref_slice %arg13[%dma_start3A_1689, %dma_start3A_1690] : memref<256x128xf32, #tpu.memory_space<vmem_shared>> -> memref<256x128xf32, #tpu.memory_space<vmem_shared>>
      tpu.enqueue_indirect_dma source(%dma_start3A_1685 : memref<100x128xf32, #tpu.memory_space<vmem>>) target(%dma_start3A_1691 : memref<256x128xf32, #tpu.memory_space<vmem_shared>>) offsets(%dma_start3A_1688 : memref<100xi32, #tpu.memory_space<vmem>>) semaphore(%arg19 : memref<!tpu.dma_semaphore, #tpu.memory_space<semaphore_mem>>) {add = true}
      %dma_start3A_1692 = arith.constant 1 : i32
      %dma_start3A_1693 = arith.constant 0 : i32
      %dma_start3A_1694 = tpu.memref_slice %arg8[%dma_start3A_1692, %dma_start3A_1693] : memref<4x100xi32, #tpu.memory_space<vmem>> -> memref<1x100xi32, #tpu.memory_space<vmem>>
      %dma_start3A_1695 = tpu.memref_squeeze %dma_start3A_1694 : memref<1x100xi32, #tpu.memory_space<vmem>> -> memref<100xi32, #tpu.memory_space<vmem>>
      %dma_start3A_1696 = arith.constant 0 : i32
      %dma_start3A_1697 = arith.constant 0 : i32
      %dma_start3A_1698 = tpu.memref_slice %arg14[%dma_start3A_1696, %dma_start3A_1697] : memref<256x16xf32, #tpu.memory_space<vmem_shared>> -> memref<256x16xf32, #tpu.memory_space<vmem_shared>>
      tpu.enqueue_indirect_dma source(%arg10 : memref<100x16xf32, #tpu.memory_space<vmem>>) target(%dma_start3A_1698 : memref<256x16xf32, #tpu.memory_space<vmem_shared>>) offsets(%dma_start3A_1695 : memref<100xi32, #tpu.memory_space<vmem>>) semaphore(%arg19 : memref<!tpu.dma_semaphore, #tpu.memory_space<semaphore_mem>>) {add = true}
      %dma_start3A_1699 = arith.constant 2 : i32
      %dma_start3A_1700 = arith.constant 200 : i32
      %dma_start3A_1701 = arith.constant 0 : i32
      %dma_start3A_1702 = tpu.memref_slice %arg6[%dma_start3A_1700, %dma_start3A_1701] : memref<400x128xf32, #tpu.memory_space<vmem>> -> memref<100x128xf32, #tpu.memory_space<vmem>>
      %dma_start3A_1703 = arith.constant 0 : i32
      %dma_start3A_1704 = tpu.memref_slice %arg8[%dma_start3A_1699, %dma_start3A_1703] : memref<4x100xi32, #tpu.memory_space<vmem>> -> memref<1x100xi32, #tpu.memory_space<vmem>>
      %dma_start3A_1705 = tpu.memref_squeeze %dma_start3A_1704 : memref<1x100xi32, #tpu.memory_space<vmem>> -> memref<100xi32, #tpu.memory_space<vmem>>
      %dma_start3A_1706 = arith.constant 0 : i32
      %dma_start3A_1707 = arith.constant 0 : i32
      %dma_start3A_1708 = tpu.memref_slice %arg13[%dma_start3A_1706, %dma_start3A_1707] : memref<256x128xf32, #tpu.memory_space<vmem_shared>> -> memref<256x128xf32, #tpu.memory_space<vmem_shared>>
      tpu.enqueue_indirect_dma source(%dma_start3A_1702 : memref<100x128xf32, #tpu.memory_space<vmem>>) target(%dma_start3A_1708 : memref<256x128xf32, #tpu.memory_space<vmem_shared>>) offsets(%dma_start3A_1705 : memref<100xi32, #tpu.memory_space<vmem>>) semaphore(%arg19 : memref<!tpu.dma_semaphore, #tpu.memory_space<semaphore_mem>>) {add = true}
      %dma_start3A_1709 = arith.constant 2 : i32
      %dma_start3A_1710 = arith.constant 0 : i32
      %dma_start3A_1711 = tpu.memref_slice %arg8[%dma_start3A_1709, %dma_start3A_1710] : memref<4x100xi32, #tpu.memory_space<vmem>> -> memref<1x100xi32, #tpu.memory_space<vmem>>
      %dma_start3A_1712 = tpu.memref_squeeze %dma_start3A_1711 : memref<1x100xi32, #tpu.memory_space<vmem>> -> memref<100xi32, #tpu.memory_space<vmem>>
      %dma_start3A_1713 = arith.constant 0 : i32
      %dma_start3A_1714 = arith.constant 0 : i32
      %dma_start3A_1715 = tpu.memref_slice %arg14[%dma_start3A_1713, %dma_start3A_1714] : memref<256x16xf32, #tpu.memory_space<vmem_shared>> -> memref<256x16xf32, #tpu.memory_space<vmem_shared>>
      tpu.enqueue_indirect_dma source(%arg10 : memref<100x16xf32, #tpu.memory_space<vmem>>) target(%dma_start3A_1715 : memref<256x16xf32, #tpu.memory_space<vmem_shared>>) offsets(%dma_start3A_1712 : memref<100xi32, #tpu.memory_space<vmem>>) semaphore(%arg19 : memref<!tpu.dma_semaphore, #tpu.memory_space<semaphore_mem>>) {add = true}
      %dma_start3A_1716 = arith.constant 3 : i32
      %dma_start3A_1717 = arith.constant 300 : i32
      %dma_start3A_1718 = arith.constant 0 : i32
      %dma_start3A_1719 = tpu.memref_slice %arg6[%dma_start3A_1717, %dma_start3A_1718] : memref<400x128xf32, #tpu.memory_space<vmem>> -> memref<100x128xf32, #tpu.memory_space<vmem>>
      %dma_start3A_1720 = arith.constant 0 : i32
      %dma_start3A_1721 = tpu.memref_slice %arg8[%dma_start3A_1716, %dma_start3A_1720] : memref<4x100xi32, #tpu.memory_space<vmem>> -> memref<1x100xi32, #tpu.memory_space<vmem>>
      %dma_start3A_1722 = tpu.memref_squeeze %dma_start3A_1721 : memref<1x100xi32, #tpu.memory_space<vmem>> -> memref<100xi32, #tpu.memory_space<vmem>>
      %dma_start3A_1723 = arith.constant 0 : i32
      %dma_start3A_1724 = arith.constant 0 : i32
      %dma_start3A_1725 = tpu.memref_slice %arg13[%dma_start3A_1723, %dma_start3A_1724] : memref<256x128xf32, #tpu.memory_space<vmem_shared>> -> memref<256x128xf32, #tpu.memory_space<vmem_shared>>
      tpu.enqueue_indirect_dma source(%dma_start3A_1719 : memref<100x128xf32, #tpu.memory_space<vmem>>) target(%dma_start3A_1725 : memref<256x128xf32, #tpu.memory_space<vmem_shared>>) offsets(%dma_start3A_1722 : memref<100xi32, #tpu.memory_space<vmem>>) semaphore(%arg19 : memref<!tpu.dma_semaphore, #tpu.memory_space<semaphore_mem>>) {add = true}
      %dma_start3A_1726 = arith.constant 3 : i32
      %dma_start3A_1727 = arith.constant 0 : i32
      %dma_start3A_1728 = tpu.memref_slice %arg8[%dma_start3A_1726, %dma_start3A_1727] : memref<4x100xi32, #tpu.memory_space<vmem>> -> memref<1x100xi32, #tpu.memory_space<vmem>>
      %dma_start3A_1729 = tpu.memref_squeeze %dma_start3A_1728 : memref<1x100xi32, #tpu.memory_space<vmem>> -> memref<100xi32, #tpu.memory_space<vmem>>
      %dma_start3A_1730 = arith.constant 0 : i32
      %dma_start3A_1731 = arith.constant 0 : i32
      %dma_start3A_1732 = tpu.memref_slice %arg14[%dma_start3A_1730, %dma_start3A_1731] : memref<256x16xf32, #tpu.memory_space<vmem_shared>> -> memref<256x16xf32, #tpu.memory_space<vmem_shared>>
      tpu.enqueue_indirect_dma source(%arg10 : memref<100x16xf32, #tpu.memory_space<vmem>>) target(%dma_start3A_1732 : memref<256x16xf32, #tpu.memory_space<vmem_shared>>) offsets(%dma_start3A_1729 : memref<100xi32, #tpu.memory_space<vmem>>) semaphore(%arg19 : memref<!tpu.dma_semaphore, #tpu.memory_space<semaphore_mem>>) {add = true}
    } else {
    }
    %add3A_1523 = arith.constant 32 : i32
    %add3A_1524 = arith.addi %add3A, %add3A_1523 : i32
    %lt3A_1525 = arith.constant 250 : i32
    %lt3A_1526 = arith.cmpi slt, %add3A_1524, %lt3A_1525 : i32
    %convert_element_type3A_1527 = arith.extui %lt3A_1526 : i1 to i32
    %cond3A_1528 = arith.constant 0 : i32
    %cond3A_1529 = arith.cmpi ne, %convert_element_type3A_1527, %cond3A_1528 : i32
    scf.if %cond3A_1529 {
      %dma_wait3A = arith.constant 0 : i32
      %dma_wait3A_1652 = arith.constant 0 : i32
      %dma_wait3A_1653 = arith.constant 0 : i32
      %dma_wait3A_1654 = tpu.memref_slice %arg7[%dma_wait3A_1652, %dma_wait3A_1653] : memref<400x128xf32, #tpu.memory_space<vmem>> -> memref<100x128xf32, #tpu.memory_space<vmem>>
      %dma_wait3A_1655 = arith.constant 0 : i32
      %dma_wait3A_1656 = tpu.memref_slice %arg9[%dma_wait3A, %dma_wait3A_1655] : memref<4x100xi32, #tpu.memory_space<vmem>> -> memref<1x100xi32, #tpu.memory_space<vmem>>
      %dma_wait3A_1657 = tpu.memref_squeeze %dma_wait3A_1656 : memref<1x100xi32, #tpu.memory_space<vmem>> -> memref<100xi32, #tpu.memory_space<vmem>>
      %dma_wait3A_1658 = arith.constant 0 : i32
      %dma_wait3A_1659 = arith.constant 0 : i32
      %dma_wait3A_1660 = tpu.memref_slice %arg13[%dma_wait3A_1658, %dma_wait3A_1659] : memref<256x128xf32, #tpu.memory_space<vmem_shared>> -> memref<256x128xf32, #tpu.memory_space<vmem_shared>>
      tpu.wait_indirect_dma semaphore(%arg20 : memref<!tpu.dma_semaphore, #tpu.memory_space<semaphore_mem>>) src(%dma_wait3A_1654 : memref<100x128xf32, #tpu.memory_space<vmem>>) dst(%dma_wait3A_1660 : memref<256x128xf32, #tpu.memory_space<vmem_shared>>)
      %dma_wait3A_1661 = arith.constant 0 : i32
      %dma_wait3A_1662 = arith.constant 0 : i32
      %dma_wait3A_1663 = tpu.memref_slice %arg9[%dma_wait3A_1661, %dma_wait3A_1662] : memref<4x100xi32, #tpu.memory_space<vmem>> -> memref<1x100xi32, #tpu.memory_space<vmem>>
      %dma_wait3A_1664 = tpu.memref_squeeze %dma_wait3A_1663 : memref<1x100xi32, #tpu.memory_space<vmem>> -> memref<100xi32, #tpu.memory_space<vmem>>
      %dma_wait3A_1665 = arith.constant 0 : i32
      %dma_wait3A_1666 = arith.constant 0 : i32
      %dma_wait3A_1667 = tpu.memref_slice %arg14[%dma_wait3A_1665, %dma_wait3A_1666] : memref<256x16xf32, #tpu.memory_space<vmem_shared>> -> memref<256x16xf32, #tpu.memory_space<vmem_shared>>
      tpu.wait_indirect_dma semaphore(%arg20 : memref<!tpu.dma_semaphore, #tpu.memory_space<semaphore_mem>>) src(%arg10 : memref<100x16xf32, #tpu.memory_space<vmem>>) dst(%dma_wait3A_1667 : memref<256x16xf32, #tpu.memory_space<vmem_shared>>)
      %dma_wait3A_1668 = arith.constant 1 : i32
      %dma_wait3A_1669 = arith.constant 100 : i32
      %dma_wait3A_1670 = arith.constant 0 : i32
      %dma_wait3A_1671 = tpu.memref_slice %arg7[%dma_wait3A_1669, %dma_wait3A_1670] : memref<400x128xf32, #tpu.memory_space<vmem>> -> memref<100x128xf32, #tpu.memory_space<vmem>>
      %dma_wait3A_1672 = arith.constant 0 : i32
      %dma_wait3A_1673 = tpu.memref_slice %arg9[%dma_wait3A_1668, %dma_wait3A_1672] : memref<4x100xi32, #tpu.memory_space<vmem>> -> memref<1x100xi32, #tpu.memory_space<vmem>>
      %dma_wait3A_1674 = tpu.memref_squeeze %dma_wait3A_1673 : memref<1x100xi32, #tpu.memory_space<vmem>> -> memref<100xi32, #tpu.memory_space<vmem>>
      %dma_wait3A_1675 = arith.constant 0 : i32
      %dma_wait3A_1676 = arith.constant 0 : i32
      %dma_wait3A_1677 = tpu.memref_slice %arg13[%dma_wait3A_1675, %dma_wait3A_1676] : memref<256x128xf32, #tpu.memory_space<vmem_shared>> -> memref<256x128xf32, #tpu.memory_space<vmem_shared>>
      tpu.wait_indirect_dma semaphore(%arg20 : memref<!tpu.dma_semaphore, #tpu.memory_space<semaphore_mem>>) src(%dma_wait3A_1671 : memref<100x128xf32, #tpu.memory_space<vmem>>) dst(%dma_wait3A_1677 : memref<256x128xf32, #tpu.memory_space<vmem_shared>>)
      %dma_wait3A_1678 = arith.constant 1 : i32
      %dma_wait3A_1679 = arith.constant 0 : i32
      %dma_wait3A_1680 = tpu.memref_slice %arg9[%dma_wait3A_1678, %dma_wait3A_1679] : memref<4x100xi32, #tpu.memory_space<vmem>> -> memref<1x100xi32, #tpu.memory_space<vmem>>
      %dma_wait3A_1681 = tpu.memref_squeeze %dma_wait3A_1680 : memref<1x100xi32, #tpu.memory_space<vmem>> -> memref<100xi32, #tpu.memory_space<vmem>>
      %dma_wait3A_1682 = arith.constant 0 : i32
      %dma_wait3A_1683 = arith.constant 0 : i32
      %dma_wait3A_1684 = tpu.memref_slice %arg14[%dma_wait3A_1682, %dma_wait3A_1683] : memref<256x16xf32, #tpu.memory_space<vmem_shared>> -> memref<256x16xf32, #tpu.memory_space<vmem_shared>>
      tpu.wait_indirect_dma semaphore(%arg20 : memref<!tpu.dma_semaphore, #tpu.memory_space<semaphore_mem>>) src(%arg10 : memref<100x16xf32, #tpu.memory_space<vmem>>) dst(%dma_wait3A_1684 : memref<256x16xf32, #tpu.memory_space<vmem_shared>>)
      %dma_wait3A_1685 = arith.constant 2 : i32
      %dma_wait3A_1686 = arith.constant 200 : i32
      %dma_wait3A_1687 = arith.constant 0 : i32
      %dma_wait3A_1688 = tpu.memref_slice %arg7[%dma_wait3A_1686, %dma_wait3A_1687] : memref<400x128xf32, #tpu.memory_space<vmem>> -> memref<100x128xf32, #tpu.memory_space<vmem>>
      %dma_wait3A_1689 = arith.constant 0 : i32
      %dma_wait3A_1690 = tpu.memref_slice %arg9[%dma_wait3A_1685, %dma_wait3A_1689] : memref<4x100xi32, #tpu.memory_space<vmem>> -> memref<1x100xi32, #tpu.memory_space<vmem>>
      %dma_wait3A_1691 = tpu.memref_squeeze %dma_wait3A_1690 : memref<1x100xi32, #tpu.memory_space<vmem>> -> memref<100xi32, #tpu.memory_space<vmem>>
      %dma_wait3A_1692 = arith.constant 0 : i32
      %dma_wait3A_1693 = arith.constant 0 : i32
      %dma_wait3A_1694 = tpu.memref_slice %arg13[%dma_wait3A_1692, %dma_wait3A_1693] : memref<256x128xf32, #tpu.memory_space<vmem_shared>> -> memref<256x128xf32, #tpu.memory_space<vmem_shared>>
      tpu.wait_indirect_dma semaphore(%arg20 : memref<!tpu.dma_semaphore, #tpu.memory_space<semaphore_mem>>) src(%dma_wait3A_1688 : memref<100x128xf32, #tpu.memory_space<vmem>>) dst(%dma_wait3A_1694 : memref<256x128xf32, #tpu.memory_space<vmem_shared>>)
      %dma_wait3A_1695 = arith.constant 2 : i32
      %dma_wait3A_1696 = arith.constant 0 : i32
      %dma_wait3A_1697 = tpu.memref_slice %arg9[%dma_wait3A_1695, %dma_wait3A_1696] : memref<4x100xi32, #tpu.memory_space<vmem>> -> memref<1x100xi32, #tpu.memory_space<vmem>>
      %dma_wait3A_1698 = tpu.memref_squeeze %dma_wait3A_1697 : memref<1x100xi32, #tpu.memory_space<vmem>> -> memref<100xi32, #tpu.memory_space<vmem>>
      %dma_wait3A_1699 = arith.constant 0 : i32
      %dma_wait3A_1700 = arith.constant 0 : i32
      %dma_wait3A_1701 = tpu.memref_slice %arg14[%dma_wait3A_1699, %dma_wait3A_1700] : memref<256x16xf32, #tpu.memory_space<vmem_shared>> -> memref<256x16xf32, #tpu.memory_space<vmem_shared>>
      tpu.wait_indirect_dma semaphore(%arg20 : memref<!tpu.dma_semaphore, #tpu.memory_space<semaphore_mem>>) src(%arg10 : memref<100x16xf32, #tpu.memory_space<vmem>>) dst(%dma_wait3A_1701 : memref<256x16xf32, #tpu.memory_space<vmem_shared>>)
      %dma_wait3A_1702 = arith.constant 3 : i32
      %dma_wait3A_1703 = arith.constant 300 : i32
      %dma_wait3A_1704 = arith.constant 0 : i32
      %dma_wait3A_1705 = tpu.memref_slice %arg7[%dma_wait3A_1703, %dma_wait3A_1704] : memref<400x128xf32, #tpu.memory_space<vmem>> -> memref<100x128xf32, #tpu.memory_space<vmem>>
      %dma_wait3A_1706 = arith.constant 0 : i32
      %dma_wait3A_1707 = tpu.memref_slice %arg9[%dma_wait3A_1702, %dma_wait3A_1706] : memref<4x100xi32, #tpu.memory_space<vmem>> -> memref<1x100xi32, #tpu.memory_space<vmem>>
      %dma_wait3A_1708 = tpu.memref_squeeze %dma_wait3A_1707 : memref<1x100xi32, #tpu.memory_space<vmem>> -> memref<100xi32, #tpu.memory_space<vmem>>
      %dma_wait3A_1709 = arith.constant 0 : i32
      %dma_wait3A_1710 = arith.constant 0 : i32
      %dma_wait3A_1711 = tpu.memref_slice %arg13[%dma_wait3A_1709, %dma_wait3A_1710] : memref<256x128xf32, #tpu.memory_space<vmem_shared>> -> memref<256x128xf32, #tpu.memory_space<vmem_shared>>
      tpu.wait_indirect_dma semaphore(%arg20 : memref<!tpu.dma_semaphore, #tpu.memory_space<semaphore_mem>>) src(%dma_wait3A_1705 : memref<100x128xf32, #tpu.memory_space<vmem>>) dst(%dma_wait3A_1711 : memref<256x128xf32, #tpu.memory_space<vmem_shared>>)
      %dma_wait3A_1712 = arith.constant 3 : i32
      %dma_wait3A_1713 = arith.constant 0 : i32
      %dma_wait3A_1714 = tpu.memref_slice %arg9[%dma_wait3A_1712, %dma_wait3A_1713] : memref<4x100xi32, #tpu.memory_space<vmem>> -> memref<1x100xi32, #tpu.memory_space<vmem>>
      %dma_wait3A_1715 = tpu.memref_squeeze %dma_wait3A_1714 : memref<1x100xi32, #tpu.memory_space<vmem>> -> memref<100xi32, #tpu.memory_space<vmem>>
      %dma_wait3A_1716 = arith.constant 0 : i32
      %dma_wait3A_1717 = arith.constant 0 : i32
      %dma_wait3A_1718 = tpu.memref_slice %arg14[%dma_wait3A_1716, %dma_wait3A_1717] : memref<256x16xf32, #tpu.memory_space<vmem_shared>> -> memref<256x16xf32, #tpu.memory_space<vmem_shared>>
      tpu.wait_indirect_dma semaphore(%arg20 : memref<!tpu.dma_semaphore, #tpu.memory_space<semaphore_mem>>) src(%arg10 : memref<100x16xf32, #tpu.memory_space<vmem>>) dst(%dma_wait3A_1718 : memref<256x16xf32, #tpu.memory_space<vmem_shared>>)
    } else {
    }
    %add3A_1530 = arith.constant 96 : i32
    %add3A_1531 = arith.addi %add3A, %add3A_1530 : i32
    %lt3A_1532 = arith.constant 250 : i32
    %lt3A_1533 = arith.cmpi slt, %add3A_1531, %lt3A_1532 : i32
    %convert_element_type3A_1534 = arith.extui %lt3A_1533 : i1 to i32
    %cond3A_1535 = arith.constant 0 : i32
    %cond3A_1536 = arith.cmpi ne, %convert_element_type3A_1534, %cond3A_1535 : i32
    scf.if %cond3A_1536 {
      %add3A_1652 = arith.constant 96 : i32
      %add3A_1653 = arith.addi %add3A, %add3A_1652 : i32
      %mul3A_1654 = arith.constant 400 : i32
      %mul3A_1655 = arith.muli %add3A_1653, %mul3A_1654 : i32
      %dma_start3A_1656 = arith.constant 0 : i32
      %dma_start3A_1657 = tpu.memref_slice %arg2[%mul3A_1655, %dma_start3A_1656] : memref<100000x128xf32, #tpu.memory_space<hbm>> -> memref<400x128xf32, #tpu.memory_space<hbm>>
      %dma_start3A_1658 = arith.constant 0 : i32
      %dma_start3A_1659 = tpu.memref_slice %arg2[%mul3A_1655, %dma_start3A_1658] : memref<100000x128xf32, #tpu.memory_space<hbm>> -> memref<400x128xf32, #tpu.memory_space<hbm>>
      tpu.enqueue_dma source(%dma_start3A_1659 : memref<400x128xf32, #tpu.memory_space<hbm>>) target(%arg7 : memref<400x128xf32, #tpu.memory_space<vmem>>) target_semaphore(%arg16 : memref<!tpu.dma_semaphore, #tpu.memory_space<semaphore_mem>>)
      %mul3A_1660 = arith.constant 4 : i32
      %mul3A_1661 = arith.muli %add3A_1653, %mul3A_1660 : i32
      %dma_start3A_1662 = arith.constant 0 : i32
      %dma_start3A_1663 = tpu.memref_slice %arg3[%mul3A_1661, %dma_start3A_1662] : memref<1000x100xi32, #tpu.memory_space<hbm>> -> memref<4x100xi32, #tpu.memory_space<hbm>>
      %dma_start3A_1664 = arith.constant 0 : i32
      %dma_start3A_1665 = tpu.memref_slice %arg3[%mul3A_1661, %dma_start3A_1664] : memref<1000x100xi32, #tpu.memory_space<hbm>> -> memref<4x100xi32, #tpu.memory_space<hbm>>
      tpu.enqueue_dma source(%dma_start3A_1665 : memref<4x100xi32, #tpu.memory_space<hbm>>) target(%arg9 : memref<4x100xi32, #tpu.memory_space<vmem>>) target_semaphore(%arg18 : memref<!tpu.dma_semaphore, #tpu.memory_space<semaphore_mem>>)
    } else {
    }
    %add3A_1537 = arith.constant 96 : i32
    %add3A_1538 = arith.addi %add3A, %add3A_1537 : i32
    %lt3A_1539 = arith.constant 250 : i32
    %lt3A_1540 = arith.cmpi slt, %add3A_1538, %lt3A_1539 : i32
    %convert_element_type3A_1541 = arith.extui %lt3A_1540 : i1 to i32
    %cond3A_1542 = arith.constant 0 : i32
    %cond3A_1543 = arith.cmpi ne, %convert_element_type3A_1541, %cond3A_1542 : i32
    scf.if %cond3A_1543 {
      %add3A_1652 = arith.constant 96 : i32
      %add3A_1653 = arith.addi %add3A, %add3A_1652 : i32
      %mul3A_1654 = arith.constant 400 : i32
      %mul3A_1655 = arith.muli %add3A_1653, %mul3A_1654 : i32
      %dma_wait3A = arith.constant 0 : i32
      %dma_wait3A_1656 = tpu.memref_slice %arg2[%mul3A_1655, %dma_wait3A] : memref<100000x128xf32, #tpu.memory_space<hbm>> -> memref<400x128xf32, #tpu.memory_space<hbm>>
      %dma_wait3A_1657 = arith.constant 0 : i32
      %dma_wait3A_1658 = tpu.memref_slice %arg2[%mul3A_1655, %dma_wait3A_1657] : memref<100000x128xf32, #tpu.memory_space<hbm>> -> memref<400x128xf32, #tpu.memory_space<hbm>>
      tpu.wait_dma2 semaphore(%arg16 : memref<!tpu.dma_semaphore, #tpu.memory_space<semaphore_mem>>) src(%dma_wait3A_1658 : memref<400x128xf32, #tpu.memory_space<hbm>>) dst(%arg7 : memref<400x128xf32, #tpu.memory_space<vmem>>)
      %mul3A_1659 = arith.constant 4 : i32
      %mul3A_1660 = arith.muli %add3A_1653, %mul3A_1659 : i32
      %dma_wait3A_1661 = arith.constant 0 : i32
      %dma_wait3A_1662 = tpu.memref_slice %arg3[%mul3A_1660, %dma_wait3A_1661] : memref<1000x100xi32, #tpu.memory_space<hbm>> -> memref<4x100xi32, #tpu.memory_space<hbm>>
      %dma_wait3A_1663 = arith.constant 0 : i32
      %dma_wait3A_1664 = tpu.memref_slice %arg3[%mul3A_1660, %dma_wait3A_1663] : memref<1000x100xi32, #tpu.memory_space<hbm>> -> memref<4x100xi32, #tpu.memory_space<hbm>>
      tpu.wait_dma2 semaphore(%arg18 : memref<!tpu.dma_semaphore, #tpu.memory_space<semaphore_mem>>) src(%dma_wait3A_1664 : memref<4x100xi32, #tpu.memory_space<hbm>>) dst(%arg9 : memref<4x100xi32, #tpu.memory_space<vmem>>)
      %dma_start3A_1665 = arith.constant 0 : i32
      %dma_start3A_1666 = arith.constant 0 : i32
      %dma_start3A_1667 = arith.constant 0 : i32
      %dma_start3A_1668 = tpu.memref_slice %arg7[%dma_start3A_1666, %dma_start3A_1667] : memref<400x128xf32, #tpu.memory_space<vmem>> -> memref<100x128xf32, #tpu.memory_space<vmem>>
      %dma_start3A_1669 = arith.constant 0 : i32
      %dma_start3A_1670 = tpu.memref_slice %arg9[%dma_start3A_1665, %dma_start3A_1669] : memref<4x100xi32, #tpu.memory_space<vmem>> -> memref<1x100xi32, #tpu.memory_space<vmem>>
      %dma_start3A_1671 = tpu.memref_squeeze %dma_start3A_1670 : memref<1x100xi32, #tpu.memory_space<vmem>> -> memref<100xi32, #tpu.memory_space<vmem>>
      %dma_start3A_1672 = arith.constant 0 : i32
      %dma_start3A_1673 = arith.constant 0 : i32
      %dma_start3A_1674 = tpu.memref_slice %arg13[%dma_start3A_1672, %dma_start3A_1673] : memref<256x128xf32, #tpu.memory_space<vmem_shared>> -> memref<256x128xf32, #tpu.memory_space<vmem_shared>>
      tpu.enqueue_indirect_dma source(%dma_start3A_1668 : memref<100x128xf32, #tpu.memory_space<vmem>>) target(%dma_start3A_1674 : memref<256x128xf32, #tpu.memory_space<vmem_shared>>) offsets(%dma_start3A_1671 : memref<100xi32, #tpu.memory_space<vmem>>) semaphore(%arg20 : memref<!tpu.dma_semaphore, #tpu.memory_space<semaphore_mem>>) {add = true}
      %dma_start3A_1675 = arith.constant 0 : i32
      %dma_start3A_1676 = arith.constant 0 : i32
      %dma_start3A_1677 = tpu.memref_slice %arg9[%dma_start3A_1675, %dma_start3A_1676] : memref<4x100xi32, #tpu.memory_space<vmem>> -> memref<1x100xi32, #tpu.memory_space<vmem>>
      %dma_start3A_1678 = tpu.memref_squeeze %dma_start3A_1677 : memref<1x100xi32, #tpu.memory_space<vmem>> -> memref<100xi32, #tpu.memory_space<vmem>>
      %dma_start3A_1679 = arith.constant 0 : i32
      %dma_start3A_1680 = arith.constant 0 : i32
      %dma_start3A_1681 = tpu.memref_slice %arg14[%dma_start3A_1679, %dma_start3A_1680] : memref<256x16xf32, #tpu.memory_space<vmem_shared>> -> memref<256x16xf32, #tpu.memory_space<vmem_shared>>
      tpu.enqueue_indirect_dma source(%arg10 : memref<100x16xf32, #tpu.memory_space<vmem>>) target(%dma_start3A_1681 : memref<256x16xf32, #tpu.memory_space<vmem_shared>>) offsets(%dma_start3A_1678 : memref<100xi32, #tpu.memory_space<vmem>>) semaphore(%arg20 : memref<!tpu.dma_semaphore, #tpu.memory_space<semaphore_mem>>) {add = true}
      %dma_start3A_1682 = arith.constant 1 : i32
      %dma_start3A_1683 = arith.constant 100 : i32
      %dma_start3A_1684 = arith.constant 0 : i32
      %dma_start3A_1685 = tpu.memref_slice %arg7[%dma_start3A_1683, %dma_start3A_1684] : memref<400x128xf32, #tpu.memory_space<vmem>> -> memref<100x128xf32, #tpu.memory_space<vmem>>
      %dma_start3A_1686 = arith.constant 0 : i32
      %dma_start3A_1687 = tpu.memref_slice %arg9[%dma_start3A_1682, %dma_start3A_1686] : memref<4x100xi32, #tpu.memory_space<vmem>> -> memref<1x100xi32, #tpu.memory_space<vmem>>
      %dma_start3A_1688 = tpu.memref_squeeze %dma_start3A_1687 : memref<1x100xi32, #tpu.memory_space<vmem>> -> memref<100xi32, #tpu.memory_space<vmem>>
      %dma_start3A_1689 = arith.constant 0 : i32
      %dma_start3A_1690 = arith.constant 0 : i32
      %dma_start3A_1691 = tpu.memref_slice %arg13[%dma_start3A_1689, %dma_start3A_1690] : memref<256x128xf32, #tpu.memory_space<vmem_shared>> -> memref<256x128xf32, #tpu.memory_space<vmem_shared>>
      tpu.enqueue_indirect_dma source(%dma_start3A_1685 : memref<100x128xf32, #tpu.memory_space<vmem>>) target(%dma_start3A_1691 : memref<256x128xf32, #tpu.memory_space<vmem_shared>>) offsets(%dma_start3A_1688 : memref<100xi32, #tpu.memory_space<vmem>>) semaphore(%arg20 : memref<!tpu.dma_semaphore, #tpu.memory_space<semaphore_mem>>) {add = true}
      %dma_start3A_1692 = arith.constant 1 : i32
      %dma_start3A_1693 = arith.constant 0 : i32
      %dma_start3A_1694 = tpu.memref_slice %arg9[%dma_start3A_1692, %dma_start3A_1693] : memref<4x100xi32, #tpu.memory_space<vmem>> -> memref<1x100xi32, #tpu.memory_space<vmem>>
      %dma_start3A_1695 = tpu.memref_squeeze %dma_start3A_1694 : memref<1x100xi32, #tpu.memory_space<vmem>> -> memref<100xi32, #tpu.memory_space<vmem>>
      %dma_start3A_1696 = arith.constant 0 : i32
      %dma_start3A_1697 = arith.constant 0 : i32
      %dma_start3A_1698 = tpu.memref_slice %arg14[%dma_start3A_1696, %dma_start3A_1697] : memref<256x16xf32, #tpu.memory_space<vmem_shared>> -> memref<256x16xf32, #tpu.memory_space<vmem_shared>>
      tpu.enqueue_indirect_dma source(%arg10 : memref<100x16xf32, #tpu.memory_space<vmem>>) target(%dma_start3A_1698 : memref<256x16xf32, #tpu.memory_space<vmem_shared>>) offsets(%dma_start3A_1695 : memref<100xi32, #tpu.memory_space<vmem>>) semaphore(%arg20 : memref<!tpu.dma_semaphore, #tpu.memory_space<semaphore_mem>>) {add = true}
      %dma_start3A_1699 = arith.constant 2 : i32
      %dma_start3A_1700 = arith.constant 200 : i32
      %dma_start3A_1701 = arith.constant 0 : i32
      %dma_start3A_1702 = tpu.memref_slice %arg7[%dma_start3A_1700, %dma_start3A_1701] : memref<400x128xf32, #tpu.memory_space<vmem>> -> memref<100x128xf32, #tpu.memory_space<vmem>>
      %dma_start3A_1703 = arith.constant 0 : i32
      %dma_start3A_1704 = tpu.memref_slice %arg9[%dma_start3A_1699, %dma_start3A_1703] : memref<4x100xi32, #tpu.memory_space<vmem>> -> memref<1x100xi32, #tpu.memory_space<vmem>>
      %dma_start3A_1705 = tpu.memref_squeeze %dma_start3A_1704 : memref<1x100xi32, #tpu.memory_space<vmem>> -> memref<100xi32, #tpu.memory_space<vmem>>
      %dma_start3A_1706 = arith.constant 0 : i32
      %dma_start3A_1707 = arith.constant 0 : i32
      %dma_start3A_1708 = tpu.memref_slice %arg13[%dma_start3A_1706, %dma_start3A_1707] : memref<256x128xf32, #tpu.memory_space<vmem_shared>> -> memref<256x128xf32, #tpu.memory_space<vmem_shared>>
      tpu.enqueue_indirect_dma source(%dma_start3A_1702 : memref<100x128xf32, #tpu.memory_space<vmem>>) target(%dma_start3A_1708 : memref<256x128xf32, #tpu.memory_space<vmem_shared>>) offsets(%dma_start3A_1705 : memref<100xi32, #tpu.memory_space<vmem>>) semaphore(%arg20 : memref<!tpu.dma_semaphore, #tpu.memory_space<semaphore_mem>>) {add = true}
      %dma_start3A_1709 = arith.constant 2 : i32
      %dma_start3A_1710 = arith.constant 0 : i32
      %dma_start3A_1711 = tpu.memref_slice %arg9[%dma_start3A_1709, %dma_start3A_1710] : memref<4x100xi32, #tpu.memory_space<vmem>> -> memref<1x100xi32, #tpu.memory_space<vmem>>
      %dma_start3A_1712 = tpu.memref_squeeze %dma_start3A_1711 : memref<1x100xi32, #tpu.memory_space<vmem>> -> memref<100xi32, #tpu.memory_space<vmem>>
      %dma_start3A_1713 = arith.constant 0 : i32
      %dma_start3A_1714 = arith.constant 0 : i32
      %dma_start3A_1715 = tpu.memref_slice %arg14[%dma_start3A_1713, %dma_start3A_1714] : memref<256x16xf32, #tpu.memory_space<vmem_shared>> -> memref<256x16xf32, #tpu.memory_space<vmem_shared>>
      tpu.enqueue_indirect_dma source(%arg10 : memref<100x16xf32, #tpu.memory_space<vmem>>) target(%dma_start3A_1715 : memref<256x16xf32, #tpu.memory_space<vmem_shared>>) offsets(%dma_start3A_1712 : memref<100xi32, #tpu.memory_space<vmem>>) semaphore(%arg20 : memref<!tpu.dma_semaphore, #tpu.memory_space<semaphore_mem>>) {add = true}
      %dma_start3A_1716 = arith.constant 3 : i32
      %dma_start3A_1717 = arith.constant 300 : i32
      %dma_start3A_1718 = arith.constant 0 : i32
      %dma_start3A_1719 = tpu.memref_slice %arg7[%dma_start3A_1717, %dma_start3A_1718] : memref<400x128xf32, #tpu.memory_space<vmem>> -> memref<100x128xf32, #tpu.memory_space<vmem>>
      %dma_start3A_1720 = arith.constant 0 : i32
      %dma_start3A_1721 = tpu.memref_slice %arg9[%dma_start3A_1716, %dma_start3A_1720] : memref<4x100xi32, #tpu.memory_space<vmem>> -> memref<1x100xi32, #tpu.memory_space<vmem>>
      %dma_start3A_1722 = tpu.memref_squeeze %dma_start3A_1721 : memref<1x100xi32, #tpu.memory_space<vmem>> -> memref<100xi32, #tpu.memory_space<vmem>>
      %dma_start3A_1723 = arith.constant 0 : i32
      %dma_start3A_1724 = arith.constant 0 : i32
      %dma_start3A_1725 = tpu.memref_slice %arg13[%dma_start3A_1723, %dma_start3A_1724] : memref<256x128xf32, #tpu.memory_space<vmem_shared>> -> memref<256x128xf32, #tpu.memory_space<vmem_shared>>
      tpu.enqueue_indirect_dma source(%dma_start3A_1719 : memref<100x128xf32, #tpu.memory_space<vmem>>) target(%dma_start3A_1725 : memref<256x128xf32, #tpu.memory_space<vmem_shared>>) offsets(%dma_start3A_1722 : memref<100xi32, #tpu.memory_space<vmem>>) semaphore(%arg20 : memref<!tpu.dma_semaphore, #tpu.memory_space<semaphore_mem>>) {add = true}
      %dma_start3A_1726 = arith.constant 3 : i32
      %dma_start3A_1727 = arith.constant 0 : i32
      %dma_start3A_1728 = tpu.memref_slice %arg9[%dma_start3A_1726, %dma_start3A_1727] : memref<4x100xi32, #tpu.memory_space<vmem>> -> memref<1x100xi32, #tpu.memory_space<vmem>>
      %dma_start3A_1729 = tpu.memref_squeeze %dma_start3A_1728 : memref<1x100xi32, #tpu.memory_space<vmem>> -> memref<100xi32, #tpu.memory_space<vmem>>
      %dma_start3A_1730 = arith.constant 0 : i32
      %dma_start3A_1731 = arith.constant 0 : i32
      %dma_start3A_1732 = tpu.memref_slice %arg14[%dma_start3A_1730, %dma_start3A_1731] : memref<256x16xf32, #tpu.memory_space<vmem_shared>> -> memref<256x16xf32, #tpu.memory_space<vmem_shared>>
      tpu.enqueue_indirect_dma source(%arg10 : memref<100x16xf32, #tpu.memory_space<vmem>>) target(%dma_start3A_1732 : memref<256x16xf32, #tpu.memory_space<vmem_shared>>) offsets(%dma_start3A_1729 : memref<100xi32, #tpu.memory_space<vmem>>) semaphore(%arg20 : memref<!tpu.dma_semaphore, #tpu.memory_space<semaphore_mem>>) {add = true}
    } else {
    }
    %add3A_1544 = arith.constant 64 : i32
    %add3A_1545 = arith.addi %add3A, %add3A_1544 : i32
    %lt3A_1546 = arith.constant 250 : i32
    %lt3A_1547 = arith.cmpi slt, %add3A_1545, %lt3A_1546 : i32
    %convert_element_type3A_1548 = arith.extui %lt3A_1547 : i1 to i32
    %cond3A_1549 = arith.constant 0 : i32
    %cond3A_1550 = arith.cmpi ne, %convert_element_type3A_1548, %cond3A_1549 : i32
    scf.if %cond3A_1550 {
      %dma_wait3A = arith.constant 0 : i32
      %dma_wait3A_1652 = arith.constant 0 : i32
      %dma_wait3A_1653 = arith.constant 0 : i32
      %dma_wait3A_1654 = tpu.memref_slice %arg6[%dma_wait3A_1652, %dma_wait3A_1653] : memref<400x128xf32, #tpu.memory_space<vmem>> -> memref<100x128xf32, #tpu.memory_space<vmem>>
      %dma_wait3A_1655 = arith.constant 0 : i32
      %dma_wait3A_1656 = tpu.memref_slice %arg8[%dma_wait3A, %dma_wait3A_1655] : memref<4x100xi32, #tpu.memory_space<vmem>> -> memref<1x100xi32, #tpu.memory_space<vmem>>
      %dma_wait3A_1657 = tpu.memref_squeeze %dma_wait3A_1656 : memref<1x100xi32, #tpu.memory_space<vmem>> -> memref<100xi32, #tpu.memory_space<vmem>>
      %dma_wait3A_1658 = arith.constant 0 : i32
      %dma_wait3A_1659 = arith.constant 0 : i32
      %dma_wait3A_1660 = tpu.memref_slice %arg13[%dma_wait3A_1658, %dma_wait3A_1659] : memref<256x128xf32, #tpu.memory_space<vmem_shared>> -> memref<256x128xf32, #tpu.memory_space<vmem_shared>>
      tpu.wait_indirect_dma semaphore(%arg19 : memref<!tpu.dma_semaphore, #tpu.memory_space<semaphore_mem>>) src(%dma_wait3A_1654 : memref<100x128xf32, #tpu.memory_space<vmem>>) dst(%dma_wait3A_1660 : memref<256x128xf32, #tpu.memory_space<vmem_shared>>)
      %dma_wait3A_1661 = arith.constant 0 : i32
      %dma_wait3A_1662 = arith.constant 0 : i32
      %dma_wait3A_1663 = tpu.memref_slice %arg8[%dma_wait3A_1661, %dma_wait3A_1662] : memref<4x100xi32, #tpu.memory_space<vmem>> -> memref<1x100xi32, #tpu.memory_space<vmem>>
      %dma_wait3A_1664 = tpu.memref_squeeze %dma_wait3A_1663 : memref<1x100xi32, #tpu.memory_space<vmem>> -> memref<100xi32, #tpu.memory_space<vmem>>
      %dma_wait3A_1665 = arith.constant 0 : i32
      %dma_wait3A_1666 = arith.constant 0 : i32
      %dma_wait3A_1667 = tpu.memref_slice %arg14[%dma_wait3A_1665, %dma_wait3A_1666] : memref<256x16xf32, #tpu.memory_space<vmem_shared>> -> memref<256x16xf32, #tpu.memory_space<vmem_shared>>
      tpu.wait_indirect_dma semaphore(%arg19 : memref<!tpu.dma_semaphore, #tpu.memory_space<semaphore_mem>>) src(%arg10 : memref<100x16xf32, #tpu.memory_space<vmem>>) dst(%dma_wait3A_1667 : memref<256x16xf32, #tpu.memory_space<vmem_shared>>)
      %dma_wait3A_1668 = arith.constant 1 : i32
      %dma_wait3A_1669 = arith.constant 100 : i32
      %dma_wait3A_1670 = arith.constant 0 : i32
      %dma_wait3A_1671 = tpu.memref_slice %arg6[%dma_wait3A_1669, %dma_wait3A_1670] : memref<400x128xf32, #tpu.memory_space<vmem>> -> memref<100x128xf32, #tpu.memory_space<vmem>>
      %dma_wait3A_1672 = arith.constant 0 : i32
      %dma_wait3A_1673 = tpu.memref_slice %arg8[%dma_wait3A_1668, %dma_wait3A_1672] : memref<4x100xi32, #tpu.memory_space<vmem>> -> memref<1x100xi32, #tpu.memory_space<vmem>>
      %dma_wait3A_1674 = tpu.memref_squeeze %dma_wait3A_1673 : memref<1x100xi32, #tpu.memory_space<vmem>> -> memref<100xi32, #tpu.memory_space<vmem>>
      %dma_wait3A_1675 = arith.constant 0 : i32
      %dma_wait3A_1676 = arith.constant 0 : i32
      %dma_wait3A_1677 = tpu.memref_slice %arg13[%dma_wait3A_1675, %dma_wait3A_1676] : memref<256x128xf32, #tpu.memory_space<vmem_shared>> -> memref<256x128xf32, #tpu.memory_space<vmem_shared>>
      tpu.wait_indirect_dma semaphore(%arg19 : memref<!tpu.dma_semaphore, #tpu.memory_space<semaphore_mem>>) src(%dma_wait3A_1671 : memref<100x128xf32, #tpu.memory_space<vmem>>) dst(%dma_wait3A_1677 : memref<256x128xf32, #tpu.memory_space<vmem_shared>>)
      %dma_wait3A_1678 = arith.constant 1 : i32
      %dma_wait3A_1679 = arith.constant 0 : i32
      %dma_wait3A_1680 = tpu.memref_slice %arg8[%dma_wait3A_1678, %dma_wait3A_1679] : memref<4x100xi32, #tpu.memory_space<vmem>> -> memref<1x100xi32, #tpu.memory_space<vmem>>
      %dma_wait3A_1681 = tpu.memref_squeeze %dma_wait3A_1680 : memref<1x100xi32, #tpu.memory_space<vmem>> -> memref<100xi32, #tpu.memory_space<vmem>>
      %dma_wait3A_1682 = arith.constant 0 : i32
      %dma_wait3A_1683 = arith.constant 0 : i32
      %dma_wait3A_1684 = tpu.memref_slice %arg14[%dma_wait3A_1682, %dma_wait3A_1683] : memref<256x16xf32, #tpu.memory_space<vmem_shared>> -> memref<256x16xf32, #tpu.memory_space<vmem_shared>>
      tpu.wait_indirect_dma semaphore(%arg19 : memref<!tpu.dma_semaphore, #tpu.memory_space<semaphore_mem>>) src(%arg10 : memref<100x16xf32, #tpu.memory_space<vmem>>) dst(%dma_wait3A_1684 : memref<256x16xf32, #tpu.memory_space<vmem_shared>>)
      %dma_wait3A_1685 = arith.constant 2 : i32
      %dma_wait3A_1686 = arith.constant 200 : i32
      %dma_wait3A_1687 = arith.constant 0 : i32
      %dma_wait3A_1688 = tpu.memref_slice %arg6[%dma_wait3A_1686, %dma_wait3A_1687] : memref<400x128xf32, #tpu.memory_space<vmem>> -> memref<100x128xf32, #tpu.memory_space<vmem>>
      %dma_wait3A_1689 = arith.constant 0 : i32
      %dma_wait3A_1690 = tpu.memref_slice %arg8[%dma_wait3A_1685, %dma_wait3A_1689] : memref<4x100xi32, #tpu.memory_space<vmem>> -> memref<1x100xi32, #tpu.memory_space<vmem>>
      %dma_wait3A_1691 = tpu.memref_squeeze %dma_wait3A_1690 : memref<1x100xi32, #tpu.memory_space<vmem>> -> memref<100xi32, #tpu.memory_space<vmem>>
      %dma_wait3A_1692 = arith.constant 0 : i32
      %dma_wait3A_1693 = arith.constant 0 : i32
      %dma_wait3A_1694 = tpu.memref_slice %arg13[%dma_wait3A_1692, %dma_wait3A_1693] : memref<256x128xf32, #tpu.memory_space<vmem_shared>> -> memref<256x128xf32, #tpu.memory_space<vmem_shared>>
      tpu.wait_indirect_dma semaphore(%arg19 : memref<!tpu.dma_semaphore, #tpu.memory_space<semaphore_mem>>) src(%dma_wait3A_1688 : memref<100x128xf32, #tpu.memory_space<vmem>>) dst(%dma_wait3A_1694 : memref<256x128xf32, #tpu.memory_space<vmem_shared>>)
      %dma_wait3A_1695 = arith.constant 2 : i32
      %dma_wait3A_1696 = arith.constant 0 : i32
      %dma_wait3A_1697 = tpu.memref_slice %arg8[%dma_wait3A_1695, %dma_wait3A_1696] : memref<4x100xi32, #tpu.memory_space<vmem>> -> memref<1x100xi32, #tpu.memory_space<vmem>>
      %dma_wait3A_1698 = tpu.memref_squeeze %dma_wait3A_1697 : memref<1x100xi32, #tpu.memory_space<vmem>> -> memref<100xi32, #tpu.memory_space<vmem>>
      %dma_wait3A_1699 = arith.constant 0 : i32
      %dma_wait3A_1700 = arith.constant 0 : i32
      %dma_wait3A_1701 = tpu.memref_slice %arg14[%dma_wait3A_1699, %dma_wait3A_1700] : memref<256x16xf32, #tpu.memory_space<vmem_shared>> -> memref<256x16xf32, #tpu.memory_space<vmem_shared>>
      tpu.wait_indirect_dma semaphore(%arg19 : memref<!tpu.dma_semaphore, #tpu.memory_space<semaphore_mem>>) src(%arg10 : memref<100x16xf32, #tpu.memory_space<vmem>>) dst(%dma_wait3A_1701 : memref<256x16xf32, #tpu.memory_space<vmem_shared>>)
      %dma_wait3A_1702 = arith.constant 3 : i32
      %dma_wait3A_1703 = arith.constant 300 : i32
      %dma_wait3A_1704 = arith.constant 0 : i32
      %dma_wait3A_1705 = tpu.memref_slice %arg6[%dma_wait3A_1703, %dma_wait3A_1704] : memref<400x128xf32, #tpu.memory_space<vmem>> -> memref<100x128xf32, #tpu.memory_space<vmem>>
      %dma_wait3A_1706 = arith.constant 0 : i32
      %dma_wait3A_1707 = tpu.memref_slice %arg8[%dma_wait3A_1702, %dma_wait3A_1706] : memref<4x100xi32, #tpu.memory_space<vmem>> -> memref<1x100xi32, #tpu.memory_space<vmem>>
      %dma_wait3A_1708 = tpu.memref_squeeze %dma_wait3A_1707 : memref<1x100xi32, #tpu.memory_space<vmem>> -> memref<100xi32, #tpu.memory_space<vmem>>
      %dma_wait3A_1709 = arith.constant 0 : i32
      %dma_wait3A_1710 = arith.constant 0 : i32
      %dma_wait3A_1711 = tpu.memref_slice %arg13[%dma_wait3A_1709, %dma_wait3A_1710] : memref<256x128xf32, #tpu.memory_space<vmem_shared>> -> memref<256x128xf32, #tpu.memory_space<vmem_shared>>
      tpu.wait_indirect_dma semaphore(%arg19 : memref<!tpu.dma_semaphore, #tpu.memory_space<semaphore_mem>>) src(%dma_wait3A_1705 : memref<100x128xf32, #tpu.memory_space<vmem>>) dst(%dma_wait3A_1711 : memref<256x128xf32, #tpu.memory_space<vmem_shared>>)
      %dma_wait3A_1712 = arith.constant 3 : i32
      %dma_wait3A_1713 = arith.constant 0 : i32
      %dma_wait3A_1714 = tpu.memref_slice %arg8[%dma_wait3A_1712, %dma_wait3A_1713] : memref<4x100xi32, #tpu.memory_space<vmem>> -> memref<1x100xi32, #tpu.memory_space<vmem>>
      %dma_wait3A_1715 = tpu.memref_squeeze %dma_wait3A_1714 : memref<1x100xi32, #tpu.memory_space<vmem>> -> memref<100xi32, #tpu.memory_space<vmem>>
      %dma_wait3A_1716 = arith.constant 0 : i32
      %dma_wait3A_1717 = arith.constant 0 : i32
      %dma_wait3A_1718 = tpu.memref_slice %arg14[%dma_wait3A_1716, %dma_wait3A_1717] : memref<256x16xf32, #tpu.memory_space<vmem_shared>> -> memref<256x16xf32, #tpu.memory_space<vmem_shared>>
      tpu.wait_indirect_dma semaphore(%arg19 : memref<!tpu.dma_semaphore, #tpu.memory_space<semaphore_mem>>) src(%arg10 : memref<100x16xf32, #tpu.memory_space<vmem>>) dst(%dma_wait3A_1718 : memref<256x16xf32, #tpu.memory_space<vmem_shared>>)
    } else {
    }
    %add3A_1551 = arith.constant 128 : i32
    %add3A_1552 = arith.addi %add3A, %add3A_1551 : i32
    %lt3A_1553 = arith.constant 250 : i32
    %lt3A_1554 = arith.cmpi slt, %add3A_1552, %lt3A_1553 : i32
    %convert_element_type3A_1555 = arith.extui %lt3A_1554 : i1 to i32
    %cond3A_1556 = arith.constant 0 : i32
    %cond3A_1557 = arith.cmpi ne, %convert_element_type3A_1555, %cond3A_1556 : i32
    scf.if %cond3A_1557 {
      %add3A_1652 = arith.constant 128 : i32
      %add3A_1653 = arith.addi %add3A, %add3A_1652 : i32
      %mul3A_1654 = arith.constant 400 : i32
      %mul3A_1655 = arith.muli %add3A_1653, %mul3A_1654 : i32
      %dma_start3A_1656 = arith.constant 0 : i32
      %dma_start3A_1657 = tpu.memref_slice %arg2[%mul3A_1655, %dma_start3A_1656] : memref<100000x128xf32, #tpu.memory_space<hbm>> -> memref<400x128xf32, #tpu.memory_space<hbm>>
      %dma_start3A_1658 = arith.constant 0 : i32
      %dma_start3A_1659 = tpu.memref_slice %arg2[%mul3A_1655, %dma_start3A_1658] : memref<100000x128xf32, #tpu.memory_space<hbm>> -> memref<400x128xf32, #tpu.memory_space<hbm>>
      tpu.enqueue_dma source(%dma_start3A_1659 : memref<400x128xf32, #tpu.memory_space<hbm>>) target(%arg6 : memref<400x128xf32, #tpu.memory_space<vmem>>) target_semaphore(%arg15 : memref<!tpu.dma_semaphore, #tpu.memory_space<semaphore_mem>>)
      %mul3A_1660 = arith.constant 4 : i32
      %mul3A_1661 = arith.muli %add3A_1653, %mul3A_1660 : i32
      %dma_start3A_1662 = arith.constant 0 : i32
      %dma_start3A_1663 = tpu.memref_slice %arg3[%mul3A_1661, %dma_start3A_1662] : memref<1000x100xi32, #tpu.memory_space<hbm>> -> memref<4x100xi32, #tpu.memory_space<hbm>>
      %dma_start3A_1664 = arith.constant 0 : i32
      %dma_start3A_1665 = tpu.memref_slice %arg3[%mul3A_1661, %dma_start3A_1664] : memref<1000x100xi32, #tpu.memory_space<hbm>> -> memref<4x100xi32, #tpu.memory_space<hbm>>
      tpu.enqueue_dma source(%dma_start3A_1665 : memref<4x100xi32, #tpu.memory_space<hbm>>) target(%arg8 : memref<4x100xi32, #tpu.memory_space<vmem>>) target_semaphore(%arg17 : memref<!tpu.dma_semaphore, #tpu.memory_space<semaphore_mem>>)
    } else {
    }
    %add3A_1558 = arith.constant 128 : i32
    %add3A_1559 = arith.addi %add3A, %add3A_1558 : i32
    %lt3A_1560 = arith.constant 250 : i32
    %lt3A_1561 = arith.cmpi slt, %add3A_1559, %lt3A_1560 : i32
    %convert_element_type3A_1562 = arith.extui %lt3A_1561 : i1 to i32
    %cond3A_1563 = arith.constant 0 : i32
    %cond3A_1564 = arith.cmpi ne, %convert_element_type3A_1562, %cond3A_1563 : i32
    scf.if %cond3A_1564 {
      %add3A_1652 = arith.constant 128 : i32
      %add3A_1653 = arith.addi %add3A, %add3A_1652 : i32
      %mul3A_1654 = arith.constant 400 : i32
      %mul3A_1655 = arith.muli %add3A_1653, %mul3A_1654 : i32
      %dma_wait3A = arith.constant 0 : i32
      %dma_wait3A_1656 = tpu.memref_slice %arg2[%mul3A_1655, %dma_wait3A] : memref<100000x128xf32, #tpu.memory_space<hbm>> -> memref<400x128xf32, #tpu.memory_space<hbm>>
      %dma_wait3A_1657 = arith.constant 0 : i32
      %dma_wait3A_1658 = tpu.memref_slice %arg2[%mul3A_1655, %dma_wait3A_1657] : memref<100000x128xf32, #tpu.memory_space<hbm>> -> memref<400x128xf32, #tpu.memory_space<hbm>>
      tpu.wait_dma2 semaphore(%arg15 : memref<!tpu.dma_semaphore, #tpu.memory_space<semaphore_mem>>) src(%dma_wait3A_1658 : memref<400x128xf32, #tpu.memory_space<hbm>>) dst(%arg6 : memref<400x128xf32, #tpu.memory_space<vmem>>)
      %mul3A_1659 = arith.constant 4 : i32
      %mul3A_1660 = arith.muli %add3A_1653, %mul3A_1659 : i32
      %dma_wait3A_1661 = arith.constant 0 : i32
      %dma_wait3A_1662 = tpu.memref_slice %arg3[%mul3A_1660, %dma_wait3A_1661] : memref<1000x100xi32, #tpu.memory_space<hbm>> -> memref<4x100xi32, #tpu.memory_space<hbm>>
      %dma_wait3A_1663 = arith.constant 0 : i32
      %dma_wait3A_1664 = tpu.memref_slice %arg3[%mul3A_1660, %dma_wait3A_1663] : memref<1000x100xi32, #tpu.memory_space<hbm>> -> memref<4x100xi32, #tpu.memory_space<hbm>>
      tpu.wait_dma2 semaphore(%arg17 : memref<!tpu.dma_semaphore, #tpu.memory_space<semaphore_mem>>) src(%dma_wait3A_1664 : memref<4x100xi32, #tpu.memory_space<hbm>>) dst(%arg8 : memref<4x100xi32, #tpu.memory_space<vmem>>)
      %dma_start3A_1665 = arith.constant 0 : i32
      %dma_start3A_1666 = arith.constant 0 : i32
      %dma_start3A_1667 = arith.constant 0 : i32
      %dma_start3A_1668 = tpu.memref_slice %arg6[%dma_start3A_1666, %dma_start3A_1667] : memref<400x128xf32, #tpu.memory_space<vmem>> -> memref<100x128xf32, #tpu.memory_space<vmem>>
      %dma_start3A_1669 = arith.constant 0 : i32
      %dma_start3A_1670 = tpu.memref_slice %arg8[%dma_start3A_1665, %dma_start3A_1669] : memref<4x100xi32, #tpu.memory_space<vmem>> -> memref<1x100xi32, #tpu.memory_space<vmem>>
      %dma_start3A_1671 = tpu.memref_squeeze %dma_start3A_1670 : memref<1x100xi32, #tpu.memory_space<vmem>> -> memref<100xi32, #tpu.memory_space<vmem>>
      %dma_start3A_1672 = arith.constant 0 : i32
      %dma_start3A_1673 = arith.constant 0 : i32
      %dma_start3A_1674 = tpu.memref_slice %arg13[%dma_start3A_1672, %dma_start3A_1673] : memref<256x128xf32, #tpu.memory_space<vmem_shared>> -> memref<256x128xf32, #tpu.memory_space<vmem_shared>>
      tpu.enqueue_indirect_dma source(%dma_start3A_1668 : memref<100x128xf32, #tpu.memory_space<vmem>>) target(%dma_start3A_1674 : memref<256x128xf32, #tpu.memory_space<vmem_shared>>) offsets(%dma_start3A_1671 : memref<100xi32, #tpu.memory_space<vmem>>) semaphore(%arg19 : memref<!tpu.dma_semaphore, #tpu.memory_space<semaphore_mem>>) {add = true}
      %dma_start3A_1675 = arith.constant 0 : i32
      %dma_start3A_1676 = arith.constant 0 : i32
      %dma_start3A_1677 = tpu.memref_slice %arg8[%dma_start3A_1675, %dma_start3A_1676] : memref<4x100xi32, #tpu.memory_space<vmem>> -> memref<1x100xi32, #tpu.memory_space<vmem>>
      %dma_start3A_1678 = tpu.memref_squeeze %dma_start3A_1677 : memref<1x100xi32, #tpu.memory_space<vmem>> -> memref<100xi32, #tpu.memory_space<vmem>>
      %dma_start3A_1679 = arith.constant 0 : i32
      %dma_start3A_1680 = arith.constant 0 : i32
      %dma_start3A_1681 = tpu.memref_slice %arg14[%dma_start3A_1679, %dma_start3A_1680] : memref<256x16xf32, #tpu.memory_space<vmem_shared>> -> memref<256x16xf32, #tpu.memory_space<vmem_shared>>
      tpu.enqueue_indirect_dma source(%arg10 : memref<100x16xf32, #tpu.memory_space<vmem>>) target(%dma_start3A_1681 : memref<256x16xf32, #tpu.memory_space<vmem_shared>>) offsets(%dma_start3A_1678 : memref<100xi32, #tpu.memory_space<vmem>>) semaphore(%arg19 : memref<!tpu.dma_semaphore, #tpu.memory_space<semaphore_mem>>) {add = true}
      %dma_start3A_1682 = arith.constant 1 : i32
      %dma_start3A_1683 = arith.constant 100 : i32
      %dma_start3A_1684 = arith.constant 0 : i32
      %dma_start3A_1685 = tpu.memref_slice %arg6[%dma_start3A_1683, %dma_start3A_1684] : memref<400x128xf32, #tpu.memory_space<vmem>> -> memref<100x128xf32, #tpu.memory_space<vmem>>
      %dma_start3A_1686 = arith.constant 0 : i32
      %dma_start3A_1687 = tpu.memref_slice %arg8[%dma_start3A_1682, %dma_start3A_1686] : memref<4x100xi32, #tpu.memory_space<vmem>> -> memref<1x100xi32, #tpu.memory_space<vmem>>
      %dma_start3A_1688 = tpu.memref_squeeze %dma_start3A_1687 : memref<1x100xi32, #tpu.memory_space<vmem>> -> memref<100xi32, #tpu.memory_space<vmem>>
      %dma_start3A_1689 = arith.constant 0 : i32
      %dma_start3A_1690 = arith.constant 0 : i32
      %dma_start3A_1691 = tpu.memref_slice %arg13[%dma_start3A_1689, %dma_start3A_1690] : memref<256x128xf32, #tpu.memory_space<vmem_shared>> -> memref<256x128xf32, #tpu.memory_space<vmem_shared>>
      tpu.enqueue_indirect_dma source(%dma_start3A_1685 : memref<100x128xf32, #tpu.memory_space<vmem>>) target(%dma_start3A_1691 : memref<256x128xf32, #tpu.memory_space<vmem_shared>>) offsets(%dma_start3A_1688 : memref<100xi32, #tpu.memory_space<vmem>>) semaphore(%arg19 : memref<!tpu.dma_semaphore, #tpu.memory_space<semaphore_mem>>) {add = true}
      %dma_start3A_1692 = arith.constant 1 : i32
      %dma_start3A_1693 = arith.constant 0 : i32
      %dma_start3A_1694 = tpu.memref_slice %arg8[%dma_start3A_1692, %dma_start3A_1693] : memref<4x100xi32, #tpu.memory_space<vmem>> -> memref<1x100xi32, #tpu.memory_space<vmem>>
      %dma_start3A_1695 = tpu.memref_squeeze %dma_start3A_1694 : memref<1x100xi32, #tpu.memory_space<vmem>> -> memref<100xi32, #tpu.memory_space<vmem>>
      %dma_start3A_1696 = arith.constant 0 : i32
      %dma_start3A_1697 = arith.constant 0 : i32
      %dma_start3A_1698 = tpu.memref_slice %arg14[%dma_start3A_1696, %dma_start3A_1697] : memref<256x16xf32, #tpu.memory_space<vmem_shared>> -> memref<256x16xf32, #tpu.memory_space<vmem_shared>>
      tpu.enqueue_indirect_dma source(%arg10 : memref<100x16xf32, #tpu.memory_space<vmem>>) target(%dma_start3A_1698 : memref<256x16xf32, #tpu.memory_space<vmem_shared>>) offsets(%dma_start3A_1695 : memref<100xi32, #tpu.memory_space<vmem>>) semaphore(%arg19 : memref<!tpu.dma_semaphore, #tpu.memory_space<semaphore_mem>>) {add = true}
      %dma_start3A_1699 = arith.constant 2 : i32
      %dma_start3A_1700 = arith.constant 200 : i32
      %dma_start3A_1701 = arith.constant 0 : i32
      %dma_start3A_1702 = tpu.memref_slice %arg6[%dma_start3A_1700, %dma_start3A_1701] : memref<400x128xf32, #tpu.memory_space<vmem>> -> memref<100x128xf32, #tpu.memory_space<vmem>>
      %dma_start3A_1703 = arith.constant 0 : i32
      %dma_start3A_1704 = tpu.memref_slice %arg8[%dma_start3A_1699, %dma_start3A_1703] : memref<4x100xi32, #tpu.memory_space<vmem>> -> memref<1x100xi32, #tpu.memory_space<vmem>>
      %dma_start3A_1705 = tpu.memref_squeeze %dma_start3A_1704 : memref<1x100xi32, #tpu.memory_space<vmem>> -> memref<100xi32, #tpu.memory_space<vmem>>
      %dma_start3A_1706 = arith.constant 0 : i32
      %dma_start3A_1707 = arith.constant 0 : i32
      %dma_start3A_1708 = tpu.memref_slice %arg13[%dma_start3A_1706, %dma_start3A_1707] : memref<256x128xf32, #tpu.memory_space<vmem_shared>> -> memref<256x128xf32, #tpu.memory_space<vmem_shared>>
      tpu.enqueue_indirect_dma source(%dma_start3A_1702 : memref<100x128xf32, #tpu.memory_space<vmem>>) target(%dma_start3A_1708 : memref<256x128xf32, #tpu.memory_space<vmem_shared>>) offsets(%dma_start3A_1705 : memref<100xi32, #tpu.memory_space<vmem>>) semaphore(%arg19 : memref<!tpu.dma_semaphore, #tpu.memory_space<semaphore_mem>>) {add = true}
      %dma_start3A_1709 = arith.constant 2 : i32
      %dma_start3A_1710 = arith.constant 0 : i32
      %dma_start3A_1711 = tpu.memref_slice %arg8[%dma_start3A_1709, %dma_start3A_1710] : memref<4x100xi32, #tpu.memory_space<vmem>> -> memref<1x100xi32, #tpu.memory_space<vmem>>
      %dma_start3A_1712 = tpu.memref_squeeze %dma_start3A_1711 : memref<1x100xi32, #tpu.memory_space<vmem>> -> memref<100xi32, #tpu.memory_space<vmem>>
      %dma_start3A_1713 = arith.constant 0 : i32
      %dma_start3A_1714 = arith.constant 0 : i32
      %dma_start3A_1715 = tpu.memref_slice %arg14[%dma_start3A_1713, %dma_start3A_1714] : memref<256x16xf32, #tpu.memory_space<vmem_shared>> -> memref<256x16xf32, #tpu.memory_space<vmem_shared>>
      tpu.enqueue_indirect_dma source(%arg10 : memref<100x16xf32, #tpu.memory_space<vmem>>) target(%dma_start3A_1715 : memref<256x16xf32, #tpu.memory_space<vmem_shared>>) offsets(%dma_start3A_1712 : memref<100xi32, #tpu.memory_space<vmem>>) semaphore(%arg19 : memref<!tpu.dma_semaphore, #tpu.memory_space<semaphore_mem>>) {add = true}
      %dma_start3A_1716 = arith.constant 3 : i32
      %dma_start3A_1717 = arith.constant 300 : i32
      %dma_start3A_1718 = arith.constant 0 : i32
      %dma_start3A_1719 = tpu.memref_slice %arg6[%dma_start3A_1717, %dma_start3A_1718] : memref<400x128xf32, #tpu.memory_space<vmem>> -> memref<100x128xf32, #tpu.memory_space<vmem>>
      %dma_start3A_1720 = arith.constant 0 : i32
      %dma_start3A_1721 = tpu.memref_slice %arg8[%dma_start3A_1716, %dma_start3A_1720] : memref<4x100xi32, #tpu.memory_space<vmem>> -> memref<1x100xi32, #tpu.memory_space<vmem>>
      %dma_start3A_1722 = tpu.memref_squeeze %dma_start3A_1721 : memref<1x100xi32, #tpu.memory_space<vmem>> -> memref<100xi32, #tpu.memory_space<vmem>>
      %dma_start3A_1723 = arith.constant 0 : i32
      %dma_start3A_1724 = arith.constant 0 : i32
      %dma_start3A_1725 = tpu.memref_slice %arg13[%dma_start3A_1723, %dma_start3A_1724] : memref<256x128xf32, #tpu.memory_space<vmem_shared>> -> memref<256x128xf32, #tpu.memory_space<vmem_shared>>
      tpu.enqueue_indirect_dma source(%dma_start3A_1719 : memref<100x128xf32, #tpu.memory_space<vmem>>) target(%dma_start3A_1725 : memref<256x128xf32, #tpu.memory_space<vmem_shared>>) offsets(%dma_start3A_1722 : memref<100xi32, #tpu.memory_space<vmem>>) semaphore(%arg19 : memref<!tpu.dma_semaphore, #tpu.memory_space<semaphore_mem>>) {add = true}
      %dma_start3A_1726 = arith.constant 3 : i32
      %dma_start3A_1727 = arith.constant 0 : i32
      %dma_start3A_1728 = tpu.memref_slice %arg8[%dma_start3A_1726, %dma_start3A_1727] : memref<4x100xi32, #tpu.memory_space<vmem>> -> memref<1x100xi32, #tpu.memory_space<vmem>>
      %dma_start3A_1729 = tpu.memref_squeeze %dma_start3A_1728 : memref<1x100xi32, #tpu.memory_space<vmem>> -> memref<100xi32, #tpu.memory_space<vmem>>
      %dma_start3A_1730 = arith.constant 0 : i32
      %dma_start3A_1731 = arith.constant 0 : i32
      %dma_start3A_1732 = tpu.memref_slice %arg14[%dma_start3A_1730, %dma_start3A_1731] : memref<256x16xf32, #tpu.memory_space<vmem_shared>> -> memref<256x16xf32, #tpu.memory_space<vmem_shared>>
      tpu.enqueue_indirect_dma source(%arg10 : memref<100x16xf32, #tpu.memory_space<vmem>>) target(%dma_start3A_1732 : memref<256x16xf32, #tpu.memory_space<vmem_shared>>) offsets(%dma_start3A_1729 : memref<100xi32, #tpu.memory_space<vmem>>) semaphore(%arg19 : memref<!tpu.dma_semaphore, #tpu.memory_space<semaphore_mem>>) {add = true}
    } else {
    }
    %add3A_1565 = arith.constant 96 : i32
    %add3A_1566 = arith.addi %add3A, %add3A_1565 : i32
    %lt3A_1567 = arith.constant 250 : i32
    %lt3A_1568 = arith.cmpi slt, %add3A_1566, %lt3A_1567 : i32
    %convert_element_type3A_1569 = arith.extui %lt3A_1568 : i1 to i32
    %cond3A_1570 = arith.constant 0 : i32
    %cond3A_1571 = arith.cmpi ne, %convert_element_type3A_1569, %cond3A_1570 : i32
    scf.if %cond3A_1571 {
      %dma_wait3A = arith.constant 0 : i32
      %dma_wait3A_1652 = arith.constant 0 : i32
      %dma_wait3A_1653 = arith.constant 0 : i32
      %dma_wait3A_1654 = tpu.memref_slice %arg7[%dma_wait3A_1652, %dma_wait3A_1653] : memref<400x128xf32, #tpu.memory_space<vmem>> -> memref<100x128xf32, #tpu.memory_space<vmem>>
      %dma_wait3A_1655 = arith.constant 0 : i32
      %dma_wait3A_1656 = tpu.memref_slice %arg9[%dma_wait3A, %dma_wait3A_1655] : memref<4x100xi32, #tpu.memory_space<vmem>> -> memref<1x100xi32, #tpu.memory_space<vmem>>
      %dma_wait3A_1657 = tpu.memref_squeeze %dma_wait3A_1656 : memref<1x100xi32, #tpu.memory_space<vmem>> -> memref<100xi32, #tpu.memory_space<vmem>>
      %dma_wait3A_1658 = arith.constant 0 : i32
      %dma_wait3A_1659 = arith.constant 0 : i32
      %dma_wait3A_1660 = tpu.memref_slice %arg13[%dma_wait3A_1658, %dma_wait3A_1659] : memref<256x128xf32, #tpu.memory_space<vmem_shared>> -> memref<256x128xf32, #tpu.memory_space<vmem_shared>>
      tpu.wait_indirect_dma semaphore(%arg20 : memref<!tpu.dma_semaphore, #tpu.memory_space<semaphore_mem>>) src(%dma_wait3A_1654 : memref<100x128xf32, #tpu.memory_space<vmem>>) dst(%dma_wait3A_1660 : memref<256x128xf32, #tpu.memory_space<vmem_shared>>)
      %dma_wait3A_1661 = arith.constant 0 : i32
      %dma_wait3A_1662 = arith.constant 0 : i32
      %dma_wait3A_1663 = tpu.memref_slice %arg9[%dma_wait3A_1661, %dma_wait3A_1662] : memref<4x100xi32, #tpu.memory_space<vmem>> -> memref<1x100xi32, #tpu.memory_space<vmem>>
      %dma_wait3A_1664 = tpu.memref_squeeze %dma_wait3A_1663 : memref<1x100xi32, #tpu.memory_space<vmem>> -> memref<100xi32, #tpu.memory_space<vmem>>
      %dma_wait3A_1665 = arith.constant 0 : i32
      %dma_wait3A_1666 = arith.constant 0 : i32
      %dma_wait3A_1667 = tpu.memref_slice %arg14[%dma_wait3A_1665, %dma_wait3A_1666] : memref<256x16xf32, #tpu.memory_space<vmem_shared>> -> memref<256x16xf32, #tpu.memory_space<vmem_shared>>
      tpu.wait_indirect_dma semaphore(%arg20 : memref<!tpu.dma_semaphore, #tpu.memory_space<semaphore_mem>>) src(%arg10 : memref<100x16xf32, #tpu.memory_space<vmem>>) dst(%dma_wait3A_1667 : memref<256x16xf32, #tpu.memory_space<vmem_shared>>)
      %dma_wait3A_1668 = arith.constant 1 : i32
      %dma_wait3A_1669 = arith.constant 100 : i32
      %dma_wait3A_1670 = arith.constant 0 : i32
      %dma_wait3A_1671 = tpu.memref_slice %arg7[%dma_wait3A_1669, %dma_wait3A_1670] : memref<400x128xf32, #tpu.memory_space<vmem>> -> memref<100x128xf32, #tpu.memory_space<vmem>>
      %dma_wait3A_1672 = arith.constant 0 : i32
      %dma_wait3A_1673 = tpu.memref_slice %arg9[%dma_wait3A_1668, %dma_wait3A_1672] : memref<4x100xi32, #tpu.memory_space<vmem>> -> memref<1x100xi32, #tpu.memory_space<vmem>>
      %dma_wait3A_1674 = tpu.memref_squeeze %dma_wait3A_1673 : memref<1x100xi32, #tpu.memory_space<vmem>> -> memref<100xi32, #tpu.memory_space<vmem>>
      %dma_wait3A_1675 = arith.constant 0 : i32
      %dma_wait3A_1676 = arith.constant 0 : i32
      %dma_wait3A_1677 = tpu.memref_slice %arg13[%dma_wait3A_1675, %dma_wait3A_1676] : memref<256x128xf32, #tpu.memory_space<vmem_shared>> -> memref<256x128xf32, #tpu.memory_space<vmem_shared>>
      tpu.wait_indirect_dma semaphore(%arg20 : memref<!tpu.dma_semaphore, #tpu.memory_space<semaphore_mem>>) src(%dma_wait3A_1671 : memref<100x128xf32, #tpu.memory_space<vmem>>) dst(%dma_wait3A_1677 : memref<256x128xf32, #tpu.memory_space<vmem_shared>>)
      %dma_wait3A_1678 = arith.constant 1 : i32
      %dma_wait3A_1679 = arith.constant 0 : i32
      %dma_wait3A_1680 = tpu.memref_slice %arg9[%dma_wait3A_1678, %dma_wait3A_1679] : memref<4x100xi32, #tpu.memory_space<vmem>> -> memref<1x100xi32, #tpu.memory_space<vmem>>
      %dma_wait3A_1681 = tpu.memref_squeeze %dma_wait3A_1680 : memref<1x100xi32, #tpu.memory_space<vmem>> -> memref<100xi32, #tpu.memory_space<vmem>>
      %dma_wait3A_1682 = arith.constant 0 : i32
      %dma_wait3A_1683 = arith.constant 0 : i32
      %dma_wait3A_1684 = tpu.memref_slice %arg14[%dma_wait3A_1682, %dma_wait3A_1683] : memref<256x16xf32, #tpu.memory_space<vmem_shared>> -> memref<256x16xf32, #tpu.memory_space<vmem_shared>>
      tpu.wait_indirect_dma semaphore(%arg20 : memref<!tpu.dma_semaphore, #tpu.memory_space<semaphore_mem>>) src(%arg10 : memref<100x16xf32, #tpu.memory_space<vmem>>) dst(%dma_wait3A_1684 : memref<256x16xf32, #tpu.memory_space<vmem_shared>>)
      %dma_wait3A_1685 = arith.constant 2 : i32
      %dma_wait3A_1686 = arith.constant 200 : i32
      %dma_wait3A_1687 = arith.constant 0 : i32
      %dma_wait3A_1688 = tpu.memref_slice %arg7[%dma_wait3A_1686, %dma_wait3A_1687] : memref<400x128xf32, #tpu.memory_space<vmem>> -> memref<100x128xf32, #tpu.memory_space<vmem>>
      %dma_wait3A_1689 = arith.constant 0 : i32
      %dma_wait3A_1690 = tpu.memref_slice %arg9[%dma_wait3A_1685, %dma_wait3A_1689] : memref<4x100xi32, #tpu.memory_space<vmem>> -> memref<1x100xi32, #tpu.memory_space<vmem>>
      %dma_wait3A_1691 = tpu.memref_squeeze %dma_wait3A_1690 : memref<1x100xi32, #tpu.memory_space<vmem>> -> memref<100xi32, #tpu.memory_space<vmem>>
      %dma_wait3A_1692 = arith.constant 0 : i32
      %dma_wait3A_1693 = arith.constant 0 : i32
      %dma_wait3A_1694 = tpu.memref_slice %arg13[%dma_wait3A_1692, %dma_wait3A_1693] : memref<256x128xf32, #tpu.memory_space<vmem_shared>> -> memref<256x128xf32, #tpu.memory_space<vmem_shared>>
      tpu.wait_indirect_dma semaphore(%arg20 : memref<!tpu.dma_semaphore, #tpu.memory_space<semaphore_mem>>) src(%dma_wait3A_1688 : memref<100x128xf32, #tpu.memory_space<vmem>>) dst(%dma_wait3A_1694 : memref<256x128xf32, #tpu.memory_space<vmem_shared>>)
      %dma_wait3A_1695 = arith.constant 2 : i32
      %dma_wait3A_1696 = arith.constant 0 : i32
      %dma_wait3A_1697 = tpu.memref_slice %arg9[%dma_wait3A_1695, %dma_wait3A_1696] : memref<4x100xi32, #tpu.memory_space<vmem>> -> memref<1x100xi32, #tpu.memory_space<vmem>>
      %dma_wait3A_1698 = tpu.memref_squeeze %dma_wait3A_1697 : memref<1x100xi32, #tpu.memory_space<vmem>> -> memref<100xi32, #tpu.memory_space<vmem>>
      %dma_wait3A_1699 = arith.constant 0 : i32
      %dma_wait3A_1700 = arith.constant 0 : i32
      %dma_wait3A_1701 = tpu.memref_slice %arg14[%dma_wait3A_1699, %dma_wait3A_1700] : memref<256x16xf32, #tpu.memory_space<vmem_shared>> -> memref<256x16xf32, #tpu.memory_space<vmem_shared>>
      tpu.wait_indirect_dma semaphore(%arg20 : memref<!tpu.dma_semaphore, #tpu.memory_space<semaphore_mem>>) src(%arg10 : memref<100x16xf32, #tpu.memory_space<vmem>>) dst(%dma_wait3A_1701 : memref<256x16xf32, #tpu.memory_space<vmem_shared>>)
      %dma_wait3A_1702 = arith.constant 3 : i32
      %dma_wait3A_1703 = arith.constant 300 : i32
      %dma_wait3A_1704 = arith.constant 0 : i32
      %dma_wait3A_1705 = tpu.memref_slice %arg7[%dma_wait3A_1703, %dma_wait3A_1704] : memref<400x128xf32, #tpu.memory_space<vmem>> -> memref<100x128xf32, #tpu.memory_space<vmem>>
      %dma_wait3A_1706 = arith.constant 0 : i32
      %dma_wait3A_1707 = tpu.memref_slice %arg9[%dma_wait3A_1702, %dma_wait3A_1706] : memref<4x100xi32, #tpu.memory_space<vmem>> -> memref<1x100xi32, #tpu.memory_space<vmem>>
      %dma_wait3A_1708 = tpu.memref_squeeze %dma_wait3A_1707 : memref<1x100xi32, #tpu.memory_space<vmem>> -> memref<100xi32, #tpu.memory_space<vmem>>
      %dma_wait3A_1709 = arith.constant 0 : i32
      %dma_wait3A_1710 = arith.constant 0 : i32
      %dma_wait3A_1711 = tpu.memref_slice %arg13[%dma_wait3A_1709, %dma_wait3A_1710] : memref<256x128xf32, #tpu.memory_space<vmem_shared>> -> memref<256x128xf32, #tpu.memory_space<vmem_shared>>
      tpu.wait_indirect_dma semaphore(%arg20 : memref<!tpu.dma_semaphore, #tpu.memory_space<semaphore_mem>>) src(%dma_wait3A_1705 : memref<100x128xf32, #tpu.memory_space<vmem>>) dst(%dma_wait3A_1711 : memref<256x128xf32, #tpu.memory_space<vmem_shared>>)
      %dma_wait3A_1712 = arith.constant 3 : i32
      %dma_wait3A_1713 = arith.constant 0 : i32
      %dma_wait3A_1714 = tpu.memref_slice %arg9[%dma_wait3A_1712, %dma_wait3A_1713] : memref<4x100xi32, #tpu.memory_space<vmem>> -> memref<1x100xi32, #tpu.memory_space<vmem>>
      %dma_wait3A_1715 = tpu.memref_squeeze %dma_wait3A_1714 : memref<1x100xi32, #tpu.memory_space<vmem>> -> memref<100xi32, #tpu.memory_space<vmem>>
      %dma_wait3A_1716 = arith.constant 0 : i32
      %dma_wait3A_1717 = arith.constant 0 : i32
      %dma_wait3A_1718 = tpu.memref_slice %arg14[%dma_wait3A_1716, %dma_wait3A_1717] : memref<256x16xf32, #tpu.memory_space<vmem_shared>> -> memref<256x16xf32, #tpu.memory_space<vmem_shared>>
      tpu.wait_indirect_dma semaphore(%arg20 : memref<!tpu.dma_semaphore, #tpu.memory_space<semaphore_mem>>) src(%arg10 : memref<100x16xf32, #tpu.memory_space<vmem>>) dst(%dma_wait3A_1718 : memref<256x16xf32, #tpu.memory_space<vmem_shared>>)
    } else {
    }
    %add3A_1572 = arith.constant 160 : i32
    %add3A_1573 = arith.addi %add3A, %add3A_1572 : i32
    %lt3A_1574 = arith.constant 250 : i32
    %lt3A_1575 = arith.cmpi slt, %add3A_1573, %lt3A_1574 : i32
    %convert_element_type3A_1576 = arith.extui %lt3A_1575 : i1 to i32
    %cond3A_1577 = arith.constant 0 : i32
    %cond3A_1578 = arith.cmpi ne, %convert_element_type3A_1576, %cond3A_1577 : i32
    scf.if %cond3A_1578 {
      %add3A_1652 = arith.constant 160 : i32
      %add3A_1653 = arith.addi %add3A, %add3A_1652 : i32
      %mul3A_1654 = arith.constant 400 : i32
      %mul3A_1655 = arith.muli %add3A_1653, %mul3A_1654 : i32
      %dma_start3A_1656 = arith.constant 0 : i32
      %dma_start3A_1657 = tpu.memref_slice %arg2[%mul3A_1655, %dma_start3A_1656] : memref<100000x128xf32, #tpu.memory_space<hbm>> -> memref<400x128xf32, #tpu.memory_space<hbm>>
      %dma_start3A_1658 = arith.constant 0 : i32
      %dma_start3A_1659 = tpu.memref_slice %arg2[%mul3A_1655, %dma_start3A_1658] : memref<100000x128xf32, #tpu.memory_space<hbm>> -> memref<400x128xf32, #tpu.memory_space<hbm>>
      tpu.enqueue_dma source(%dma_start3A_1659 : memref<400x128xf32, #tpu.memory_space<hbm>>) target(%arg7 : memref<400x128xf32, #tpu.memory_space<vmem>>) target_semaphore(%arg16 : memref<!tpu.dma_semaphore, #tpu.memory_space<semaphore_mem>>)
      %mul3A_1660 = arith.constant 4 : i32
      %mul3A_1661 = arith.muli %add3A_1653, %mul3A_1660 : i32
      %dma_start3A_1662 = arith.constant 0 : i32
      %dma_start3A_1663 = tpu.memref_slice %arg3[%mul3A_1661, %dma_start3A_1662] : memref<1000x100xi32, #tpu.memory_space<hbm>> -> memref<4x100xi32, #tpu.memory_space<hbm>>
      %dma_start3A_1664 = arith.constant 0 : i32
      %dma_start3A_1665 = tpu.memref_slice %arg3[%mul3A_1661, %dma_start3A_1664] : memref<1000x100xi32, #tpu.memory_space<hbm>> -> memref<4x100xi32, #tpu.memory_space<hbm>>
      tpu.enqueue_dma source(%dma_start3A_1665 : memref<4x100xi32, #tpu.memory_space<hbm>>) target(%arg9 : memref<4x100xi32, #tpu.memory_space<vmem>>) target_semaphore(%arg18 : memref<!tpu.dma_semaphore, #tpu.memory_space<semaphore_mem>>)
    } else {
    }
    %add3A_1579 = arith.constant 160 : i32
    %add3A_1580 = arith.addi %add3A, %add3A_1579 : i32
    %lt3A_1581 = arith.constant 250 : i32
    %lt3A_1582 = arith.cmpi slt, %add3A_1580, %lt3A_1581 : i32
    %convert_element_type3A_1583 = arith.extui %lt3A_1582 : i1 to i32
    %cond3A_1584 = arith.constant 0 : i32
    %cond3A_1585 = arith.cmpi ne, %convert_element_type3A_1583, %cond3A_1584 : i32
    scf.if %cond3A_1585 {
      %add3A_1652 = arith.constant 160 : i32
      %add3A_1653 = arith.addi %add3A, %add3A_1652 : i32
      %mul3A_1654 = arith.constant 400 : i32
      %mul3A_1655 = arith.muli %add3A_1653, %mul3A_1654 : i32
      %dma_wait3A = arith.constant 0 : i32
      %dma_wait3A_1656 = tpu.memref_slice %arg2[%mul3A_1655, %dma_wait3A] : memref<100000x128xf32, #tpu.memory_space<hbm>> -> memref<400x128xf32, #tpu.memory_space<hbm>>
      %dma_wait3A_1657 = arith.constant 0 : i32
      %dma_wait3A_1658 = tpu.memref_slice %arg2[%mul3A_1655, %dma_wait3A_1657] : memref<100000x128xf32, #tpu.memory_space<hbm>> -> memref<400x128xf32, #tpu.memory_space<hbm>>
      tpu.wait_dma2 semaphore(%arg16 : memref<!tpu.dma_semaphore, #tpu.memory_space<semaphore_mem>>) src(%dma_wait3A_1658 : memref<400x128xf32, #tpu.memory_space<hbm>>) dst(%arg7 : memref<400x128xf32, #tpu.memory_space<vmem>>)
      %mul3A_1659 = arith.constant 4 : i32
      %mul3A_1660 = arith.muli %add3A_1653, %mul3A_1659 : i32
      %dma_wait3A_1661 = arith.constant 0 : i32
      %dma_wait3A_1662 = tpu.memref_slice %arg3[%mul3A_1660, %dma_wait3A_1661] : memref<1000x100xi32, #tpu.memory_space<hbm>> -> memref<4x100xi32, #tpu.memory_space<hbm>>
      %dma_wait3A_1663 = arith.constant 0 : i32
      %dma_wait3A_1664 = tpu.memref_slice %arg3[%mul3A_1660, %dma_wait3A_1663] : memref<1000x100xi32, #tpu.memory_space<hbm>> -> memref<4x100xi32, #tpu.memory_space<hbm>>
      tpu.wait_dma2 semaphore(%arg18 : memref<!tpu.dma_semaphore, #tpu.memory_space<semaphore_mem>>) src(%dma_wait3A_1664 : memref<4x100xi32, #tpu.memory_space<hbm>>) dst(%arg9 : memref<4x100xi32, #tpu.memory_space<vmem>>)
      %dma_start3A_1665 = arith.constant 0 : i32
      %dma_start3A_1666 = arith.constant 0 : i32
      %dma_start3A_1667 = arith.constant 0 : i32
      %dma_start3A_1668 = tpu.memref_slice %arg7[%dma_start3A_1666, %dma_start3A_1667] : memref<400x128xf32, #tpu.memory_space<vmem>> -> memref<100x128xf32, #tpu.memory_space<vmem>>
      %dma_start3A_1669 = arith.constant 0 : i32
      %dma_start3A_1670 = tpu.memref_slice %arg9[%dma_start3A_1665, %dma_start3A_1669] : memref<4x100xi32, #tpu.memory_space<vmem>> -> memref<1x100xi32, #tpu.memory_space<vmem>>
      %dma_start3A_1671 = tpu.memref_squeeze %dma_start3A_1670 : memref<1x100xi32, #tpu.memory_space<vmem>> -> memref<100xi32, #tpu.memory_space<vmem>>
      %dma_start3A_1672 = arith.constant 0 : i32
      %dma_start3A_1673 = arith.constant 0 : i32
      %dma_start3A_1674 = tpu.memref_slice %arg13[%dma_start3A_1672, %dma_start3A_1673] : memref<256x128xf32, #tpu.memory_space<vmem_shared>> -> memref<256x128xf32, #tpu.memory_space<vmem_shared>>
      tpu.enqueue_indirect_dma source(%dma_start3A_1668 : memref<100x128xf32, #tpu.memory_space<vmem>>) target(%dma_start3A_1674 : memref<256x128xf32, #tpu.memory_space<vmem_shared>>) offsets(%dma_start3A_1671 : memref<100xi32, #tpu.memory_space<vmem>>) semaphore(%arg20 : memref<!tpu.dma_semaphore, #tpu.memory_space<semaphore_mem>>) {add = true}
      %dma_start3A_1675 = arith.constant 0 : i32
      %dma_start3A_1676 = arith.constant 0 : i32
      %dma_start3A_1677 = tpu.memref_slice %arg9[%dma_start3A_1675, %dma_start3A_1676] : memref<4x100xi32, #tpu.memory_space<vmem>> -> memref<1x100xi32, #tpu.memory_space<vmem>>
      %dma_start3A_1678 = tpu.memref_squeeze %dma_start3A_1677 : memref<1x100xi32, #tpu.memory_space<vmem>> -> memref<100xi32, #tpu.memory_space<vmem>>
      %dma_start3A_1679 = arith.constant 0 : i32
      %dma_start3A_1680 = arith.constant 0 : i32
      %dma_start3A_1681 = tpu.memref_slice %arg14[%dma_start3A_1679, %dma_start3A_1680] : memref<256x16xf32, #tpu.memory_space<vmem_shared>> -> memref<256x16xf32, #tpu.memory_space<vmem_shared>>
      tpu.enqueue_indirect_dma source(%arg10 : memref<100x16xf32, #tpu.memory_space<vmem>>) target(%dma_start3A_1681 : memref<256x16xf32, #tpu.memory_space<vmem_shared>>) offsets(%dma_start3A_1678 : memref<100xi32, #tpu.memory_space<vmem>>) semaphore(%arg20 : memref<!tpu.dma_semaphore, #tpu.memory_space<semaphore_mem>>) {add = true}
      %dma_start3A_1682 = arith.constant 1 : i32
      %dma_start3A_1683 = arith.constant 100 : i32
      %dma_start3A_1684 = arith.constant 0 : i32
      %dma_start3A_1685 = tpu.memref_slice %arg7[%dma_start3A_1683, %dma_start3A_1684] : memref<400x128xf32, #tpu.memory_space<vmem>> -> memref<100x128xf32, #tpu.memory_space<vmem>>
      %dma_start3A_1686 = arith.constant 0 : i32
      %dma_start3A_1687 = tpu.memref_slice %arg9[%dma_start3A_1682, %dma_start3A_1686] : memref<4x100xi32, #tpu.memory_space<vmem>> -> memref<1x100xi32, #tpu.memory_space<vmem>>
      %dma_start3A_1688 = tpu.memref_squeeze %dma_start3A_1687 : memref<1x100xi32, #tpu.memory_space<vmem>> -> memref<100xi32, #tpu.memory_space<vmem>>
      %dma_start3A_1689 = arith.constant 0 : i32
      %dma_start3A_1690 = arith.constant 0 : i32
      %dma_start3A_1691 = tpu.memref_slice %arg13[%dma_start3A_1689, %dma_start3A_1690] : memref<256x128xf32, #tpu.memory_space<vmem_shared>> -> memref<256x128xf32, #tpu.memory_space<vmem_shared>>
      tpu.enqueue_indirect_dma source(%dma_start3A_1685 : memref<100x128xf32, #tpu.memory_space<vmem>>) target(%dma_start3A_1691 : memref<256x128xf32, #tpu.memory_space<vmem_shared>>) offsets(%dma_start3A_1688 : memref<100xi32, #tpu.memory_space<vmem>>) semaphore(%arg20 : memref<!tpu.dma_semaphore, #tpu.memory_space<semaphore_mem>>) {add = true}
      %dma_start3A_1692 = arith.constant 1 : i32
      %dma_start3A_1693 = arith.constant 0 : i32
      %dma_start3A_1694 = tpu.memref_slice %arg9[%dma_start3A_1692, %dma_start3A_1693] : memref<4x100xi32, #tpu.memory_space<vmem>> -> memref<1x100xi32, #tpu.memory_space<vmem>>
      %dma_start3A_1695 = tpu.memref_squeeze %dma_start3A_1694 : memref<1x100xi32, #tpu.memory_space<vmem>> -> memref<100xi32, #tpu.memory_space<vmem>>
      %dma_start3A_1696 = arith.constant 0 : i32
      %dma_start3A_1697 = arith.constant 0 : i32
      %dma_start3A_1698 = tpu.memref_slice %arg14[%dma_start3A_1696, %dma_start3A_1697] : memref<256x16xf32, #tpu.memory_space<vmem_shared>> -> memref<256x16xf32, #tpu.memory_space<vmem_shared>>
      tpu.enqueue_indirect_dma source(%arg10 : memref<100x16xf32, #tpu.memory_space<vmem>>) target(%dma_start3A_1698 : memref<256x16xf32, #tpu.memory_space<vmem_shared>>) offsets(%dma_start3A_1695 : memref<100xi32, #tpu.memory_space<vmem>>) semaphore(%arg20 : memref<!tpu.dma_semaphore, #tpu.memory_space<semaphore_mem>>) {add = true}
      %dma_start3A_1699 = arith.constant 2 : i32
      %dma_start3A_1700 = arith.constant 200 : i32
      %dma_start3A_1701 = arith.constant 0 : i32
      %dma_start3A_1702 = tpu.memref_slice %arg7[%dma_start3A_1700, %dma_start3A_1701] : memref<400x128xf32, #tpu.memory_space<vmem>> -> memref<100x128xf32, #tpu.memory_space<vmem>>
      %dma_start3A_1703 = arith.constant 0 : i32
      %dma_start3A_1704 = tpu.memref_slice %arg9[%dma_start3A_1699, %dma_start3A_1703] : memref<4x100xi32, #tpu.memory_space<vmem>> -> memref<1x100xi32, #tpu.memory_space<vmem>>
      %dma_start3A_1705 = tpu.memref_squeeze %dma_start3A_1704 : memref<1x100xi32, #tpu.memory_space<vmem>> -> memref<100xi32, #tpu.memory_space<vmem>>
      %dma_start3A_1706 = arith.constant 0 : i32
      %dma_start3A_1707 = arith.constant 0 : i32
      %dma_start3A_1708 = tpu.memref_slice %arg13[%dma_start3A_1706, %dma_start3A_1707] : memref<256x128xf32, #tpu.memory_space<vmem_shared>> -> memref<256x128xf32, #tpu.memory_space<vmem_shared>>
      tpu.enqueue_indirect_dma source(%dma_start3A_1702 : memref<100x128xf32, #tpu.memory_space<vmem>>) target(%dma_start3A_1708 : memref<256x128xf32, #tpu.memory_space<vmem_shared>>) offsets(%dma_start3A_1705 : memref<100xi32, #tpu.memory_space<vmem>>) semaphore(%arg20 : memref<!tpu.dma_semaphore, #tpu.memory_space<semaphore_mem>>) {add = true}
      %dma_start3A_1709 = arith.constant 2 : i32
      %dma_start3A_1710 = arith.constant 0 : i32
      %dma_start3A_1711 = tpu.memref_slice %arg9[%dma_start3A_1709, %dma_start3A_1710] : memref<4x100xi32, #tpu.memory_space<vmem>> -> memref<1x100xi32, #tpu.memory_space<vmem>>
      %dma_start3A_1712 = tpu.memref_squeeze %dma_start3A_1711 : memref<1x100xi32, #tpu.memory_space<vmem>> -> memref<100xi32, #tpu.memory_space<vmem>>
      %dma_start3A_1713 = arith.constant 0 : i32
      %dma_start3A_1714 = arith.constant 0 : i32
      %dma_start3A_1715 = tpu.memref_slice %arg14[%dma_start3A_1713, %dma_start3A_1714] : memref<256x16xf32, #tpu.memory_space<vmem_shared>> -> memref<256x16xf32, #tpu.memory_space<vmem_shared>>
      tpu.enqueue_indirect_dma source(%arg10 : memref<100x16xf32, #tpu.memory_space<vmem>>) target(%dma_start3A_1715 : memref<256x16xf32, #tpu.memory_space<vmem_shared>>) offsets(%dma_start3A_1712 : memref<100xi32, #tpu.memory_space<vmem>>) semaphore(%arg20 : memref<!tpu.dma_semaphore, #tpu.memory_space<semaphore_mem>>) {add = true}
      %dma_start3A_1716 = arith.constant 3 : i32
      %dma_start3A_1717 = arith.constant 300 : i32
      %dma_start3A_1718 = arith.constant 0 : i32
      %dma_start3A_1719 = tpu.memref_slice %arg7[%dma_start3A_1717, %dma_start3A_1718] : memref<400x128xf32, #tpu.memory_space<vmem>> -> memref<100x128xf32, #tpu.memory_space<vmem>>
      %dma_start3A_1720 = arith.constant 0 : i32
      %dma_start3A_1721 = tpu.memref_slice %arg9[%dma_start3A_1716, %dma_start3A_1720] : memref<4x100xi32, #tpu.memory_space<vmem>> -> memref<1x100xi32, #tpu.memory_space<vmem>>
      %dma_start3A_1722 = tpu.memref_squeeze %dma_start3A_1721 : memref<1x100xi32, #tpu.memory_space<vmem>> -> memref<100xi32, #tpu.memory_space<vmem>>
      %dma_start3A_1723 = arith.constant 0 : i32
      %dma_start3A_1724 = arith.constant 0 : i32
      %dma_start3A_1725 = tpu.memref_slice %arg13[%dma_start3A_1723, %dma_start3A_1724] : memref<256x128xf32, #tpu.memory_space<vmem_shared>> -> memref<256x128xf32, #tpu.memory_space<vmem_shared>>
      tpu.enqueue_indirect_dma source(%dma_start3A_1719 : memref<100x128xf32, #tpu.memory_space<vmem>>) target(%dma_start3A_1725 : memref<256x128xf32, #tpu.memory_space<vmem_shared>>) offsets(%dma_start3A_1722 : memref<100xi32, #tpu.memory_space<vmem>>) semaphore(%arg20 : memref<!tpu.dma_semaphore, #tpu.memory_space<semaphore_mem>>) {add = true}
      %dma_start3A_1726 = arith.constant 3 : i32
      %dma_start3A_1727 = arith.constant 0 : i32
      %dma_start3A_1728 = tpu.memref_slice %arg9[%dma_start3A_1726, %dma_start3A_1727] : memref<4x100xi32, #tpu.memory_space<vmem>> -> memref<1x100xi32, #tpu.memory_space<vmem>>
      %dma_start3A_1729 = tpu.memref_squeeze %dma_start3A_1728 : memref<1x100xi32, #tpu.memory_space<vmem>> -> memref<100xi32, #tpu.memory_space<vmem>>
      %dma_start3A_1730 = arith.constant 0 : i32
      %dma_start3A_1731 = arith.constant 0 : i32
      %dma_start3A_1732 = tpu.memref_slice %arg14[%dma_start3A_1730, %dma_start3A_1731] : memref<256x16xf32, #tpu.memory_space<vmem_shared>> -> memref<256x16xf32, #tpu.memory_space<vmem_shared>>
      tpu.enqueue_indirect_dma source(%arg10 : memref<100x16xf32, #tpu.memory_space<vmem>>) target(%dma_start3A_1732 : memref<256x16xf32, #tpu.memory_space<vmem_shared>>) offsets(%dma_start3A_1729 : memref<100xi32, #tpu.memory_space<vmem>>) semaphore(%arg20 : memref<!tpu.dma_semaphore, #tpu.memory_space<semaphore_mem>>) {add = true}
    } else {
    }
    %add3A_1586 = arith.constant 128 : i32
    %add3A_1587 = arith.addi %add3A, %add3A_1586 : i32
    %lt3A_1588 = arith.constant 250 : i32
    %lt3A_1589 = arith.cmpi slt, %add3A_1587, %lt3A_1588 : i32
    %convert_element_type3A_1590 = arith.extui %lt3A_1589 : i1 to i32
    %cond3A_1591 = arith.constant 0 : i32
    %cond3A_1592 = arith.cmpi ne, %convert_element_type3A_1590, %cond3A_1591 : i32
    scf.if %cond3A_1592 {
      %dma_wait3A = arith.constant 0 : i32
      %dma_wait3A_1652 = arith.constant 0 : i32
      %dma_wait3A_1653 = arith.constant 0 : i32
      %dma_wait3A_1654 = tpu.memref_slice %arg6[%dma_wait3A_1652, %dma_wait3A_1653] : memref<400x128xf32, #tpu.memory_space<vmem>> -> memref<100x128xf32, #tpu.memory_space<vmem>>
      %dma_wait3A_1655 = arith.constant 0 : i32
      %dma_wait3A_1656 = tpu.memref_slice %arg8[%dma_wait3A, %dma_wait3A_1655] : memref<4x100xi32, #tpu.memory_space<vmem>> -> memref<1x100xi32, #tpu.memory_space<vmem>>
      %dma_wait3A_1657 = tpu.memref_squeeze %dma_wait3A_1656 : memref<1x100xi32, #tpu.memory_space<vmem>> -> memref<100xi32, #tpu.memory_space<vmem>>
      %dma_wait3A_1658 = arith.constant 0 : i32
      %dma_wait3A_1659 = arith.constant 0 : i32
      %dma_wait3A_1660 = tpu.memref_slice %arg13[%dma_wait3A_1658, %dma_wait3A_1659] : memref<256x128xf32, #tpu.memory_space<vmem_shared>> -> memref<256x128xf32, #tpu.memory_space<vmem_shared>>
      tpu.wait_indirect_dma semaphore(%arg19 : memref<!tpu.dma_semaphore, #tpu.memory_space<semaphore_mem>>) src(%dma_wait3A_1654 : memref<100x128xf32, #tpu.memory_space<vmem>>) dst(%dma_wait3A_1660 : memref<256x128xf32, #tpu.memory_space<vmem_shared>>)
      %dma_wait3A_1661 = arith.constant 0 : i32
      %dma_wait3A_1662 = arith.constant 0 : i32
      %dma_wait3A_1663 = tpu.memref_slice %arg8[%dma_wait3A_1661, %dma_wait3A_1662] : memref<4x100xi32, #tpu.memory_space<vmem>> -> memref<1x100xi32, #tpu.memory_space<vmem>>
      %dma_wait3A_1664 = tpu.memref_squeeze %dma_wait3A_1663 : memref<1x100xi32, #tpu.memory_space<vmem>> -> memref<100xi32, #tpu.memory_space<vmem>>
      %dma_wait3A_1665 = arith.constant 0 : i32
      %dma_wait3A_1666 = arith.constant 0 : i32
      %dma_wait3A_1667 = tpu.memref_slice %arg14[%dma_wait3A_1665, %dma_wait3A_1666] : memref<256x16xf32, #tpu.memory_space<vmem_shared>> -> memref<256x16xf32, #tpu.memory_space<vmem_shared>>
      tpu.wait_indirect_dma semaphore(%arg19 : memref<!tpu.dma_semaphore, #tpu.memory_space<semaphore_mem>>) src(%arg10 : memref<100x16xf32, #tpu.memory_space<vmem>>) dst(%dma_wait3A_1667 : memref<256x16xf32, #tpu.memory_space<vmem_shared>>)
      %dma_wait3A_1668 = arith.constant 1 : i32
      %dma_wait3A_1669 = arith.constant 100 : i32
      %dma_wait3A_1670 = arith.constant 0 : i32
      %dma_wait3A_1671 = tpu.memref_slice %arg6[%dma_wait3A_1669, %dma_wait3A_1670] : memref<400x128xf32, #tpu.memory_space<vmem>> -> memref<100x128xf32, #tpu.memory_space<vmem>>
      %dma_wait3A_1672 = arith.constant 0 : i32
      %dma_wait3A_1673 = tpu.memref_slice %arg8[%dma_wait3A_1668, %dma_wait3A_1672] : memref<4x100xi32, #tpu.memory_space<vmem>> -> memref<1x100xi32, #tpu.memory_space<vmem>>
      %dma_wait3A_1674 = tpu.memref_squeeze %dma_wait3A_1673 : memref<1x100xi32, #tpu.memory_space<vmem>> -> memref<100xi32, #tpu.memory_space<vmem>>
      %dma_wait3A_1675 = arith.constant 0 : i32
      %dma_wait3A_1676 = arith.constant 0 : i32
      %dma_wait3A_1677 = tpu.memref_slice %arg13[%dma_wait3A_1675, %dma_wait3A_1676] : memref<256x128xf32, #tpu.memory_space<vmem_shared>> -> memref<256x128xf32, #tpu.memory_space<vmem_shared>>
      tpu.wait_indirect_dma semaphore(%arg19 : memref<!tpu.dma_semaphore, #tpu.memory_space<semaphore_mem>>) src(%dma_wait3A_1671 : memref<100x128xf32, #tpu.memory_space<vmem>>) dst(%dma_wait3A_1677 : memref<256x128xf32, #tpu.memory_space<vmem_shared>>)
      %dma_wait3A_1678 = arith.constant 1 : i32
      %dma_wait3A_1679 = arith.constant 0 : i32
      %dma_wait3A_1680 = tpu.memref_slice %arg8[%dma_wait3A_1678, %dma_wait3A_1679] : memref<4x100xi32, #tpu.memory_space<vmem>> -> memref<1x100xi32, #tpu.memory_space<vmem>>
      %dma_wait3A_1681 = tpu.memref_squeeze %dma_wait3A_1680 : memref<1x100xi32, #tpu.memory_space<vmem>> -> memref<100xi32, #tpu.memory_space<vmem>>
      %dma_wait3A_1682 = arith.constant 0 : i32
      %dma_wait3A_1683 = arith.constant 0 : i32
      %dma_wait3A_1684 = tpu.memref_slice %arg14[%dma_wait3A_1682, %dma_wait3A_1683] : memref<256x16xf32, #tpu.memory_space<vmem_shared>> -> memref<256x16xf32, #tpu.memory_space<vmem_shared>>
      tpu.wait_indirect_dma semaphore(%arg19 : memref<!tpu.dma_semaphore, #tpu.memory_space<semaphore_mem>>) src(%arg10 : memref<100x16xf32, #tpu.memory_space<vmem>>) dst(%dma_wait3A_1684 : memref<256x16xf32, #tpu.memory_space<vmem_shared>>)
      %dma_wait3A_1685 = arith.constant 2 : i32
      %dma_wait3A_1686 = arith.constant 200 : i32
      %dma_wait3A_1687 = arith.constant 0 : i32
      %dma_wait3A_1688 = tpu.memref_slice %arg6[%dma_wait3A_1686, %dma_wait3A_1687] : memref<400x128xf32, #tpu.memory_space<vmem>> -> memref<100x128xf32, #tpu.memory_space<vmem>>
      %dma_wait3A_1689 = arith.constant 0 : i32
      %dma_wait3A_1690 = tpu.memref_slice %arg8[%dma_wait3A_1685, %dma_wait3A_1689] : memref<4x100xi32, #tpu.memory_space<vmem>> -> memref<1x100xi32, #tpu.memory_space<vmem>>
      %dma_wait3A_1691 = tpu.memref_squeeze %dma_wait3A_1690 : memref<1x100xi32, #tpu.memory_space<vmem>> -> memref<100xi32, #tpu.memory_space<vmem>>
      %dma_wait3A_1692 = arith.constant 0 : i32
      %dma_wait3A_1693 = arith.constant 0 : i32
      %dma_wait3A_1694 = tpu.memref_slice %arg13[%dma_wait3A_1692, %dma_wait3A_1693] : memref<256x128xf32, #tpu.memory_space<vmem_shared>> -> memref<256x128xf32, #tpu.memory_space<vmem_shared>>
      tpu.wait_indirect_dma semaphore(%arg19 : memref<!tpu.dma_semaphore, #tpu.memory_space<semaphore_mem>>) src(%dma_wait3A_1688 : memref<100x128xf32, #tpu.memory_space<vmem>>) dst(%dma_wait3A_1694 : memref<256x128xf32, #tpu.memory_space<vmem_shared>>)
      %dma_wait3A_1695 = arith.constant 2 : i32
      %dma_wait3A_1696 = arith.constant 0 : i32
      %dma_wait3A_1697 = tpu.memref_slice %arg8[%dma_wait3A_1695, %dma_wait3A_1696] : memref<4x100xi32, #tpu.memory_space<vmem>> -> memref<1x100xi32, #tpu.memory_space<vmem>>
      %dma_wait3A_1698 = tpu.memref_squeeze %dma_wait3A_1697 : memref<1x100xi32, #tpu.memory_space<vmem>> -> memref<100xi32, #tpu.memory_space<vmem>>
      %dma_wait3A_1699 = arith.constant 0 : i32
      %dma_wait3A_1700 = arith.constant 0 : i32
      %dma_wait3A_1701 = tpu.memref_slice %arg14[%dma_wait3A_1699, %dma_wait3A_1700] : memref<256x16xf32, #tpu.memory_space<vmem_shared>> -> memref<256x16xf32, #tpu.memory_space<vmem_shared>>
      tpu.wait_indirect_dma semaphore(%arg19 : memref<!tpu.dma_semaphore, #tpu.memory_space<semaphore_mem>>) src(%arg10 : memref<100x16xf32, #tpu.memory_space<vmem>>) dst(%dma_wait3A_1701 : memref<256x16xf32, #tpu.memory_space<vmem_shared>>)
      %dma_wait3A_1702 = arith.constant 3 : i32
      %dma_wait3A_1703 = arith.constant 300 : i32
      %dma_wait3A_1704 = arith.constant 0 : i32
      %dma_wait3A_1705 = tpu.memref_slice %arg6[%dma_wait3A_1703, %dma_wait3A_1704] : memref<400x128xf32, #tpu.memory_space<vmem>> -> memref<100x128xf32, #tpu.memory_space<vmem>>
      %dma_wait3A_1706 = arith.constant 0 : i32
      %dma_wait3A_1707 = tpu.memref_slice %arg8[%dma_wait3A_1702, %dma_wait3A_1706] : memref<4x100xi32, #tpu.memory_space<vmem>> -> memref<1x100xi32, #tpu.memory_space<vmem>>
      %dma_wait3A_1708 = tpu.memref_squeeze %dma_wait3A_1707 : memref<1x100xi32, #tpu.memory_space<vmem>> -> memref<100xi32, #tpu.memory_space<vmem>>
      %dma_wait3A_1709 = arith.constant 0 : i32
      %dma_wait3A_1710 = arith.constant 0 : i32
      %dma_wait3A_1711 = tpu.memref_slice %arg13[%dma_wait3A_1709, %dma_wait3A_1710] : memref<256x128xf32, #tpu.memory_space<vmem_shared>> -> memref<256x128xf32, #tpu.memory_space<vmem_shared>>
      tpu.wait_indirect_dma semaphore(%arg19 : memref<!tpu.dma_semaphore, #tpu.memory_space<semaphore_mem>>) src(%dma_wait3A_1705 : memref<100x128xf32, #tpu.memory_space<vmem>>) dst(%dma_wait3A_1711 : memref<256x128xf32, #tpu.memory_space<vmem_shared>>)
      %dma_wait3A_1712 = arith.constant 3 : i32
      %dma_wait3A_1713 = arith.constant 0 : i32
      %dma_wait3A_1714 = tpu.memref_slice %arg8[%dma_wait3A_1712, %dma_wait3A_1713] : memref<4x100xi32, #tpu.memory_space<vmem>> -> memref<1x100xi32, #tpu.memory_space<vmem>>
      %dma_wait3A_1715 = tpu.memref_squeeze %dma_wait3A_1714 : memref<1x100xi32, #tpu.memory_space<vmem>> -> memref<100xi32, #tpu.memory_space<vmem>>
      %dma_wait3A_1716 = arith.constant 0 : i32
      %dma_wait3A_1717 = arith.constant 0 : i32
      %dma_wait3A_1718 = tpu.memref_slice %arg14[%dma_wait3A_1716, %dma_wait3A_1717] : memref<256x16xf32, #tpu.memory_space<vmem_shared>> -> memref<256x16xf32, #tpu.memory_space<vmem_shared>>
      tpu.wait_indirect_dma semaphore(%arg19 : memref<!tpu.dma_semaphore, #tpu.memory_space<semaphore_mem>>) src(%arg10 : memref<100x16xf32, #tpu.memory_space<vmem>>) dst(%dma_wait3A_1718 : memref<256x16xf32, #tpu.memory_space<vmem_shared>>)
    } else {
    }
    %add3A_1593 = arith.constant 192 : i32
    %add3A_1594 = arith.addi %add3A, %add3A_1593 : i32
    %lt3A_1595 = arith.constant 250 : i32
    %lt3A_1596 = arith.cmpi slt, %add3A_1594, %lt3A_1595 : i32
    %convert_element_type3A_1597 = arith.extui %lt3A_1596 : i1 to i32
    %cond3A_1598 = arith.constant 0 : i32
    %cond3A_1599 = arith.cmpi ne, %convert_element_type3A_1597, %cond3A_1598 : i32
    scf.if %cond3A_1599 {
      %add3A_1652 = arith.constant 192 : i32
      %add3A_1653 = arith.addi %add3A, %add3A_1652 : i32
      %mul3A_1654 = arith.constant 400 : i32
      %mul3A_1655 = arith.muli %add3A_1653, %mul3A_1654 : i32
      %dma_start3A_1656 = arith.constant 0 : i32
      %dma_start3A_1657 = tpu.memref_slice %arg2[%mul3A_1655, %dma_start3A_1656] : memref<100000x128xf32, #tpu.memory_space<hbm>> -> memref<400x128xf32, #tpu.memory_space<hbm>>
      %dma_start3A_1658 = arith.constant 0 : i32
      %dma_start3A_1659 = tpu.memref_slice %arg2[%mul3A_1655, %dma_start3A_1658] : memref<100000x128xf32, #tpu.memory_space<hbm>> -> memref<400x128xf32, #tpu.memory_space<hbm>>
      tpu.enqueue_dma source(%dma_start3A_1659 : memref<400x128xf32, #tpu.memory_space<hbm>>) target(%arg6 : memref<400x128xf32, #tpu.memory_space<vmem>>) target_semaphore(%arg15 : memref<!tpu.dma_semaphore, #tpu.memory_space<semaphore_mem>>)
      %mul3A_1660 = arith.constant 4 : i32
      %mul3A_1661 = arith.muli %add3A_1653, %mul3A_1660 : i32
      %dma_start3A_1662 = arith.constant 0 : i32
      %dma_start3A_1663 = tpu.memref_slice %arg3[%mul3A_1661, %dma_start3A_1662] : memref<1000x100xi32, #tpu.memory_space<hbm>> -> memref<4x100xi32, #tpu.memory_space<hbm>>
      %dma_start3A_1664 = arith.constant 0 : i32
      %dma_start3A_1665 = tpu.memref_slice %arg3[%mul3A_1661, %dma_start3A_1664] : memref<1000x100xi32, #tpu.memory_space<hbm>> -> memref<4x100xi32, #tpu.memory_space<hbm>>
      tpu.enqueue_dma source(%dma_start3A_1665 : memref<4x100xi32, #tpu.memory_space<hbm>>) target(%arg8 : memref<4x100xi32, #tpu.memory_space<vmem>>) target_semaphore(%arg17 : memref<!tpu.dma_semaphore, #tpu.memory_space<semaphore_mem>>)
    } else {
    }
    %add3A_1600 = arith.constant 192 : i32
    %add3A_1601 = arith.addi %add3A, %add3A_1600 : i32
    %lt3A_1602 = arith.constant 250 : i32
    %lt3A_1603 = arith.cmpi slt, %add3A_1601, %lt3A_1602 : i32
    %convert_element_type3A_1604 = arith.extui %lt3A_1603 : i1 to i32
    %cond3A_1605 = arith.constant 0 : i32
    %cond3A_1606 = arith.cmpi ne, %convert_element_type3A_1604, %cond3A_1605 : i32
    scf.if %cond3A_1606 {
      %add3A_1652 = arith.constant 192 : i32
      %add3A_1653 = arith.addi %add3A, %add3A_1652 : i32
      %mul3A_1654 = arith.constant 400 : i32
      %mul3A_1655 = arith.muli %add3A_1653, %mul3A_1654 : i32
      %dma_wait3A = arith.constant 0 : i32
      %dma_wait3A_1656 = tpu.memref_slice %arg2[%mul3A_1655, %dma_wait3A] : memref<100000x128xf32, #tpu.memory_space<hbm>> -> memref<400x128xf32, #tpu.memory_space<hbm>>
      %dma_wait3A_1657 = arith.constant 0 : i32
      %dma_wait3A_1658 = tpu.memref_slice %arg2[%mul3A_1655, %dma_wait3A_1657] : memref<100000x128xf32, #tpu.memory_space<hbm>> -> memref<400x128xf32, #tpu.memory_space<hbm>>
      tpu.wait_dma2 semaphore(%arg15 : memref<!tpu.dma_semaphore, #tpu.memory_space<semaphore_mem>>) src(%dma_wait3A_1658 : memref<400x128xf32, #tpu.memory_space<hbm>>) dst(%arg6 : memref<400x128xf32, #tpu.memory_space<vmem>>)
      %mul3A_1659 = arith.constant 4 : i32
      %mul3A_1660 = arith.muli %add3A_1653, %mul3A_1659 : i32
      %dma_wait3A_1661 = arith.constant 0 : i32
      %dma_wait3A_1662 = tpu.memref_slice %arg3[%mul3A_1660, %dma_wait3A_1661] : memref<1000x100xi32, #tpu.memory_space<hbm>> -> memref<4x100xi32, #tpu.memory_space<hbm>>
      %dma_wait3A_1663 = arith.constant 0 : i32
      %dma_wait3A_1664 = tpu.memref_slice %arg3[%mul3A_1660, %dma_wait3A_1663] : memref<1000x100xi32, #tpu.memory_space<hbm>> -> memref<4x100xi32, #tpu.memory_space<hbm>>
      tpu.wait_dma2 semaphore(%arg17 : memref<!tpu.dma_semaphore, #tpu.memory_space<semaphore_mem>>) src(%dma_wait3A_1664 : memref<4x100xi32, #tpu.memory_space<hbm>>) dst(%arg8 : memref<4x100xi32, #tpu.memory_space<vmem>>)
      %dma_start3A_1665 = arith.constant 0 : i32
      %dma_start3A_1666 = arith.constant 0 : i32
      %dma_start3A_1667 = arith.constant 0 : i32
      %dma_start3A_1668 = tpu.memref_slice %arg6[%dma_start3A_1666, %dma_start3A_1667] : memref<400x128xf32, #tpu.memory_space<vmem>> -> memref<100x128xf32, #tpu.memory_space<vmem>>
      %dma_start3A_1669 = arith.constant 0 : i32
      %dma_start3A_1670 = tpu.memref_slice %arg8[%dma_start3A_1665, %dma_start3A_1669] : memref<4x100xi32, #tpu.memory_space<vmem>> -> memref<1x100xi32, #tpu.memory_space<vmem>>
      %dma_start3A_1671 = tpu.memref_squeeze %dma_start3A_1670 : memref<1x100xi32, #tpu.memory_space<vmem>> -> memref<100xi32, #tpu.memory_space<vmem>>
      %dma_start3A_1672 = arith.constant 0 : i32
      %dma_start3A_1673 = arith.constant 0 : i32
      %dma_start3A_1674 = tpu.memref_slice %arg13[%dma_start3A_1672, %dma_start3A_1673] : memref<256x128xf32, #tpu.memory_space<vmem_shared>> -> memref<256x128xf32, #tpu.memory_space<vmem_shared>>
      tpu.enqueue_indirect_dma source(%dma_start3A_1668 : memref<100x128xf32, #tpu.memory_space<vmem>>) target(%dma_start3A_1674 : memref<256x128xf32, #tpu.memory_space<vmem_shared>>) offsets(%dma_start3A_1671 : memref<100xi32, #tpu.memory_space<vmem>>) semaphore(%arg19 : memref<!tpu.dma_semaphore, #tpu.memory_space<semaphore_mem>>) {add = true}
      %dma_start3A_1675 = arith.constant 0 : i32
      %dma_start3A_1676 = arith.constant 0 : i32
      %dma_start3A_1677 = tpu.memref_slice %arg8[%dma_start3A_1675, %dma_start3A_1676] : memref<4x100xi32, #tpu.memory_space<vmem>> -> memref<1x100xi32, #tpu.memory_space<vmem>>
      %dma_start3A_1678 = tpu.memref_squeeze %dma_start3A_1677 : memref<1x100xi32, #tpu.memory_space<vmem>> -> memref<100xi32, #tpu.memory_space<vmem>>
      %dma_start3A_1679 = arith.constant 0 : i32
      %dma_start3A_1680 = arith.constant 0 : i32
      %dma_start3A_1681 = tpu.memref_slice %arg14[%dma_start3A_1679, %dma_start3A_1680] : memref<256x16xf32, #tpu.memory_space<vmem_shared>> -> memref<256x16xf32, #tpu.memory_space<vmem_shared>>
      tpu.enqueue_indirect_dma source(%arg10 : memref<100x16xf32, #tpu.memory_space<vmem>>) target(%dma_start3A_1681 : memref<256x16xf32, #tpu.memory_space<vmem_shared>>) offsets(%dma_start3A_1678 : memref<100xi32, #tpu.memory_space<vmem>>) semaphore(%arg19 : memref<!tpu.dma_semaphore, #tpu.memory_space<semaphore_mem>>) {add = true}
      %dma_start3A_1682 = arith.constant 1 : i32
      %dma_start3A_1683 = arith.constant 100 : i32
      %dma_start3A_1684 = arith.constant 0 : i32
      %dma_start3A_1685 = tpu.memref_slice %arg6[%dma_start3A_1683, %dma_start3A_1684] : memref<400x128xf32, #tpu.memory_space<vmem>> -> memref<100x128xf32, #tpu.memory_space<vmem>>
      %dma_start3A_1686 = arith.constant 0 : i32
      %dma_start3A_1687 = tpu.memref_slice %arg8[%dma_start3A_1682, %dma_start3A_1686] : memref<4x100xi32, #tpu.memory_space<vmem>> -> memref<1x100xi32, #tpu.memory_space<vmem>>
      %dma_start3A_1688 = tpu.memref_squeeze %dma_start3A_1687 : memref<1x100xi32, #tpu.memory_space<vmem>> -> memref<100xi32, #tpu.memory_space<vmem>>
      %dma_start3A_1689 = arith.constant 0 : i32
      %dma_start3A_1690 = arith.constant 0 : i32
      %dma_start3A_1691 = tpu.memref_slice %arg13[%dma_start3A_1689, %dma_start3A_1690] : memref<256x128xf32, #tpu.memory_space<vmem_shared>> -> memref<256x128xf32, #tpu.memory_space<vmem_shared>>
      tpu.enqueue_indirect_dma source(%dma_start3A_1685 : memref<100x128xf32, #tpu.memory_space<vmem>>) target(%dma_start3A_1691 : memref<256x128xf32, #tpu.memory_space<vmem_shared>>) offsets(%dma_start3A_1688 : memref<100xi32, #tpu.memory_space<vmem>>) semaphore(%arg19 : memref<!tpu.dma_semaphore, #tpu.memory_space<semaphore_mem>>) {add = true}
      %dma_start3A_1692 = arith.constant 1 : i32
      %dma_start3A_1693 = arith.constant 0 : i32
      %dma_start3A_1694 = tpu.memref_slice %arg8[%dma_start3A_1692, %dma_start3A_1693] : memref<4x100xi32, #tpu.memory_space<vmem>> -> memref<1x100xi32, #tpu.memory_space<vmem>>
      %dma_start3A_1695 = tpu.memref_squeeze %dma_start3A_1694 : memref<1x100xi32, #tpu.memory_space<vmem>> -> memref<100xi32, #tpu.memory_space<vmem>>
      %dma_start3A_1696 = arith.constant 0 : i32
      %dma_start3A_1697 = arith.constant 0 : i32
      %dma_start3A_1698 = tpu.memref_slice %arg14[%dma_start3A_1696, %dma_start3A_1697] : memref<256x16xf32, #tpu.memory_space<vmem_shared>> -> memref<256x16xf32, #tpu.memory_space<vmem_shared>>
      tpu.enqueue_indirect_dma source(%arg10 : memref<100x16xf32, #tpu.memory_space<vmem>>) target(%dma_start3A_1698 : memref<256x16xf32, #tpu.memory_space<vmem_shared>>) offsets(%dma_start3A_1695 : memref<100xi32, #tpu.memory_space<vmem>>) semaphore(%arg19 : memref<!tpu.dma_semaphore, #tpu.memory_space<semaphore_mem>>) {add = true}
      %dma_start3A_1699 = arith.constant 2 : i32
      %dma_start3A_1700 = arith.constant 200 : i32
      %dma_start3A_1701 = arith.constant 0 : i32
      %dma_start3A_1702 = tpu.memref_slice %arg6[%dma_start3A_1700, %dma_start3A_1701] : memref<400x128xf32, #tpu.memory_space<vmem>> -> memref<100x128xf32, #tpu.memory_space<vmem>>
      %dma_start3A_1703 = arith.constant 0 : i32
      %dma_start3A_1704 = tpu.memref_slice %arg8[%dma_start3A_1699, %dma_start3A_1703] : memref<4x100xi32, #tpu.memory_space<vmem>> -> memref<1x100xi32, #tpu.memory_space<vmem>>
      %dma_start3A_1705 = tpu.memref_squeeze %dma_start3A_1704 : memref<1x100xi32, #tpu.memory_space<vmem>> -> memref<100xi32, #tpu.memory_space<vmem>>
      %dma_start3A_1706 = arith.constant 0 : i32
      %dma_start3A_1707 = arith.constant 0 : i32
      %dma_start3A_1708 = tpu.memref_slice %arg13[%dma_start3A_1706, %dma_start3A_1707] : memref<256x128xf32, #tpu.memory_space<vmem_shared>> -> memref<256x128xf32, #tpu.memory_space<vmem_shared>>
      tpu.enqueue_indirect_dma source(%dma_start3A_1702 : memref<100x128xf32, #tpu.memory_space<vmem>>) target(%dma_start3A_1708 : memref<256x128xf32, #tpu.memory_space<vmem_shared>>) offsets(%dma_start3A_1705 : memref<100xi32, #tpu.memory_space<vmem>>) semaphore(%arg19 : memref<!tpu.dma_semaphore, #tpu.memory_space<semaphore_mem>>) {add = true}
      %dma_start3A_1709 = arith.constant 2 : i32
      %dma_start3A_1710 = arith.constant 0 : i32
      %dma_start3A_1711 = tpu.memref_slice %arg8[%dma_start3A_1709, %dma_start3A_1710] : memref<4x100xi32, #tpu.memory_space<vmem>> -> memref<1x100xi32, #tpu.memory_space<vmem>>
      %dma_start3A_1712 = tpu.memref_squeeze %dma_start3A_1711 : memref<1x100xi32, #tpu.memory_space<vmem>> -> memref<100xi32, #tpu.memory_space<vmem>>
      %dma_start3A_1713 = arith.constant 0 : i32
      %dma_start3A_1714 = arith.constant 0 : i32
      %dma_start3A_1715 = tpu.memref_slice %arg14[%dma_start3A_1713, %dma_start3A_1714] : memref<256x16xf32, #tpu.memory_space<vmem_shared>> -> memref<256x16xf32, #tpu.memory_space<vmem_shared>>
      tpu.enqueue_indirect_dma source(%arg10 : memref<100x16xf32, #tpu.memory_space<vmem>>) target(%dma_start3A_1715 : memref<256x16xf32, #tpu.memory_space<vmem_shared>>) offsets(%dma_start3A_1712 : memref<100xi32, #tpu.memory_space<vmem>>) semaphore(%arg19 : memref<!tpu.dma_semaphore, #tpu.memory_space<semaphore_mem>>) {add = true}
      %dma_start3A_1716 = arith.constant 3 : i32
      %dma_start3A_1717 = arith.constant 300 : i32
      %dma_start3A_1718 = arith.constant 0 : i32
      %dma_start3A_1719 = tpu.memref_slice %arg6[%dma_start3A_1717, %dma_start3A_1718] : memref<400x128xf32, #tpu.memory_space<vmem>> -> memref<100x128xf32, #tpu.memory_space<vmem>>
      %dma_start3A_1720 = arith.constant 0 : i32
      %dma_start3A_1721 = tpu.memref_slice %arg8[%dma_start3A_1716, %dma_start3A_1720] : memref<4x100xi32, #tpu.memory_space<vmem>> -> memref<1x100xi32, #tpu.memory_space<vmem>>
      %dma_start3A_1722 = tpu.memref_squeeze %dma_start3A_1721 : memref<1x100xi32, #tpu.memory_space<vmem>> -> memref<100xi32, #tpu.memory_space<vmem>>
      %dma_start3A_1723 = arith.constant 0 : i32
      %dma_start3A_1724 = arith.constant 0 : i32
      %dma_start3A_1725 = tpu.memref_slice %arg13[%dma_start3A_1723, %dma_start3A_1724] : memref<256x128xf32, #tpu.memory_space<vmem_shared>> -> memref<256x128xf32, #tpu.memory_space<vmem_shared>>
      tpu.enqueue_indirect_dma source(%dma_start3A_1719 : memref<100x128xf32, #tpu.memory_space<vmem>>) target(%dma_start3A_1725 : memref<256x128xf32, #tpu.memory_space<vmem_shared>>) offsets(%dma_start3A_1722 : memref<100xi32, #tpu.memory_space<vmem>>) semaphore(%arg19 : memref<!tpu.dma_semaphore, #tpu.memory_space<semaphore_mem>>) {add = true}
      %dma_start3A_1726 = arith.constant 3 : i32
      %dma_start3A_1727 = arith.constant 0 : i32
      %dma_start3A_1728 = tpu.memref_slice %arg8[%dma_start3A_1726, %dma_start3A_1727] : memref<4x100xi32, #tpu.memory_space<vmem>> -> memref<1x100xi32, #tpu.memory_space<vmem>>
      %dma_start3A_1729 = tpu.memref_squeeze %dma_start3A_1728 : memref<1x100xi32, #tpu.memory_space<vmem>> -> memref<100xi32, #tpu.memory_space<vmem>>
      %dma_start3A_1730 = arith.constant 0 : i32
      %dma_start3A_1731 = arith.constant 0 : i32
      %dma_start3A_1732 = tpu.memref_slice %arg14[%dma_start3A_1730, %dma_start3A_1731] : memref<256x16xf32, #tpu.memory_space<vmem_shared>> -> memref<256x16xf32, #tpu.memory_space<vmem_shared>>
      tpu.enqueue_indirect_dma source(%arg10 : memref<100x16xf32, #tpu.memory_space<vmem>>) target(%dma_start3A_1732 : memref<256x16xf32, #tpu.memory_space<vmem_shared>>) offsets(%dma_start3A_1729 : memref<100xi32, #tpu.memory_space<vmem>>) semaphore(%arg19 : memref<!tpu.dma_semaphore, #tpu.memory_space<semaphore_mem>>) {add = true}
    } else {
    }
    %add3A_1607 = arith.constant 160 : i32
    %add3A_1608 = arith.addi %add3A, %add3A_1607 : i32
    %lt3A_1609 = arith.constant 250 : i32
    %lt3A_1610 = arith.cmpi slt, %add3A_1608, %lt3A_1609 : i32
    %convert_element_type3A_1611 = arith.extui %lt3A_1610 : i1 to i32
    %cond3A_1612 = arith.constant 0 : i32
    %cond3A_1613 = arith.cmpi ne, %convert_element_type3A_1611, %cond3A_1612 : i32
    scf.if %cond3A_1613 {
      %dma_wait3A = arith.constant 0 : i32
      %dma_wait3A_1652 = arith.constant 0 : i32
      %dma_wait3A_1653 = arith.constant 0 : i32
      %dma_wait3A_1654 = tpu.memref_slice %arg7[%dma_wait3A_1652, %dma_wait3A_1653] : memref<400x128xf32, #tpu.memory_space<vmem>> -> memref<100x128xf32, #tpu.memory_space<vmem>>
      %dma_wait3A_1655 = arith.constant 0 : i32
      %dma_wait3A_1656 = tpu.memref_slice %arg9[%dma_wait3A, %dma_wait3A_1655] : memref<4x100xi32, #tpu.memory_space<vmem>> -> memref<1x100xi32, #tpu.memory_space<vmem>>
      %dma_wait3A_1657 = tpu.memref_squeeze %dma_wait3A_1656 : memref<1x100xi32, #tpu.memory_space<vmem>> -> memref<100xi32, #tpu.memory_space<vmem>>
      %dma_wait3A_1658 = arith.constant 0 : i32
      %dma_wait3A_1659 = arith.constant 0 : i32
      %dma_wait3A_1660 = tpu.memref_slice %arg13[%dma_wait3A_1658, %dma_wait3A_1659] : memref<256x128xf32, #tpu.memory_space<vmem_shared>> -> memref<256x128xf32, #tpu.memory_space<vmem_shared>>
      tpu.wait_indirect_dma semaphore(%arg20 : memref<!tpu.dma_semaphore, #tpu.memory_space<semaphore_mem>>) src(%dma_wait3A_1654 : memref<100x128xf32, #tpu.memory_space<vmem>>) dst(%dma_wait3A_1660 : memref<256x128xf32, #tpu.memory_space<vmem_shared>>)
      %dma_wait3A_1661 = arith.constant 0 : i32
      %dma_wait3A_1662 = arith.constant 0 : i32
      %dma_wait3A_1663 = tpu.memref_slice %arg9[%dma_wait3A_1661, %dma_wait3A_1662] : memref<4x100xi32, #tpu.memory_space<vmem>> -> memref<1x100xi32, #tpu.memory_space<vmem>>
      %dma_wait3A_1664 = tpu.memref_squeeze %dma_wait3A_1663 : memref<1x100xi32, #tpu.memory_space<vmem>> -> memref<100xi32, #tpu.memory_space<vmem>>
      %dma_wait3A_1665 = arith.constant 0 : i32
      %dma_wait3A_1666 = arith.constant 0 : i32
      %dma_wait3A_1667 = tpu.memref_slice %arg14[%dma_wait3A_1665, %dma_wait3A_1666] : memref<256x16xf32, #tpu.memory_space<vmem_shared>> -> memref<256x16xf32, #tpu.memory_space<vmem_shared>>
      tpu.wait_indirect_dma semaphore(%arg20 : memref<!tpu.dma_semaphore, #tpu.memory_space<semaphore_mem>>) src(%arg10 : memref<100x16xf32, #tpu.memory_space<vmem>>) dst(%dma_wait3A_1667 : memref<256x16xf32, #tpu.memory_space<vmem_shared>>)
      %dma_wait3A_1668 = arith.constant 1 : i32
      %dma_wait3A_1669 = arith.constant 100 : i32
      %dma_wait3A_1670 = arith.constant 0 : i32
      %dma_wait3A_1671 = tpu.memref_slice %arg7[%dma_wait3A_1669, %dma_wait3A_1670] : memref<400x128xf32, #tpu.memory_space<vmem>> -> memref<100x128xf32, #tpu.memory_space<vmem>>
      %dma_wait3A_1672 = arith.constant 0 : i32
      %dma_wait3A_1673 = tpu.memref_slice %arg9[%dma_wait3A_1668, %dma_wait3A_1672] : memref<4x100xi32, #tpu.memory_space<vmem>> -> memref<1x100xi32, #tpu.memory_space<vmem>>
      %dma_wait3A_1674 = tpu.memref_squeeze %dma_wait3A_1673 : memref<1x100xi32, #tpu.memory_space<vmem>> -> memref<100xi32, #tpu.memory_space<vmem>>
      %dma_wait3A_1675 = arith.constant 0 : i32
      %dma_wait3A_1676 = arith.constant 0 : i32
      %dma_wait3A_1677 = tpu.memref_slice %arg13[%dma_wait3A_1675, %dma_wait3A_1676] : memref<256x128xf32, #tpu.memory_space<vmem_shared>> -> memref<256x128xf32, #tpu.memory_space<vmem_shared>>
      tpu.wait_indirect_dma semaphore(%arg20 : memref<!tpu.dma_semaphore, #tpu.memory_space<semaphore_mem>>) src(%dma_wait3A_1671 : memref<100x128xf32, #tpu.memory_space<vmem>>) dst(%dma_wait3A_1677 : memref<256x128xf32, #tpu.memory_space<vmem_shared>>)
      %dma_wait3A_1678 = arith.constant 1 : i32
      %dma_wait3A_1679 = arith.constant 0 : i32
      %dma_wait3A_1680 = tpu.memref_slice %arg9[%dma_wait3A_1678, %dma_wait3A_1679] : memref<4x100xi32, #tpu.memory_space<vmem>> -> memref<1x100xi32, #tpu.memory_space<vmem>>
      %dma_wait3A_1681 = tpu.memref_squeeze %dma_wait3A_1680 : memref<1x100xi32, #tpu.memory_space<vmem>> -> memref<100xi32, #tpu.memory_space<vmem>>
      %dma_wait3A_1682 = arith.constant 0 : i32
      %dma_wait3A_1683 = arith.constant 0 : i32
      %dma_wait3A_1684 = tpu.memref_slice %arg14[%dma_wait3A_1682, %dma_wait3A_1683] : memref<256x16xf32, #tpu.memory_space<vmem_shared>> -> memref<256x16xf32, #tpu.memory_space<vmem_shared>>
      tpu.wait_indirect_dma semaphore(%arg20 : memref<!tpu.dma_semaphore, #tpu.memory_space<semaphore_mem>>) src(%arg10 : memref<100x16xf32, #tpu.memory_space<vmem>>) dst(%dma_wait3A_1684 : memref<256x16xf32, #tpu.memory_space<vmem_shared>>)
      %dma_wait3A_1685 = arith.constant 2 : i32
      %dma_wait3A_1686 = arith.constant 200 : i32
      %dma_wait3A_1687 = arith.constant 0 : i32
      %dma_wait3A_1688 = tpu.memref_slice %arg7[%dma_wait3A_1686, %dma_wait3A_1687] : memref<400x128xf32, #tpu.memory_space<vmem>> -> memref<100x128xf32, #tpu.memory_space<vmem>>
      %dma_wait3A_1689 = arith.constant 0 : i32
      %dma_wait3A_1690 = tpu.memref_slice %arg9[%dma_wait3A_1685, %dma_wait3A_1689] : memref<4x100xi32, #tpu.memory_space<vmem>> -> memref<1x100xi32, #tpu.memory_space<vmem>>
      %dma_wait3A_1691 = tpu.memref_squeeze %dma_wait3A_1690 : memref<1x100xi32, #tpu.memory_space<vmem>> -> memref<100xi32, #tpu.memory_space<vmem>>
      %dma_wait3A_1692 = arith.constant 0 : i32
      %dma_wait3A_1693 = arith.constant 0 : i32
      %dma_wait3A_1694 = tpu.memref_slice %arg13[%dma_wait3A_1692, %dma_wait3A_1693] : memref<256x128xf32, #tpu.memory_space<vmem_shared>> -> memref<256x128xf32, #tpu.memory_space<vmem_shared>>
      tpu.wait_indirect_dma semaphore(%arg20 : memref<!tpu.dma_semaphore, #tpu.memory_space<semaphore_mem>>) src(%dma_wait3A_1688 : memref<100x128xf32, #tpu.memory_space<vmem>>) dst(%dma_wait3A_1694 : memref<256x128xf32, #tpu.memory_space<vmem_shared>>)
      %dma_wait3A_1695 = arith.constant 2 : i32
      %dma_wait3A_1696 = arith.constant 0 : i32
      %dma_wait3A_1697 = tpu.memref_slice %arg9[%dma_wait3A_1695, %dma_wait3A_1696] : memref<4x100xi32, #tpu.memory_space<vmem>> -> memref<1x100xi32, #tpu.memory_space<vmem>>
      %dma_wait3A_1698 = tpu.memref_squeeze %dma_wait3A_1697 : memref<1x100xi32, #tpu.memory_space<vmem>> -> memref<100xi32, #tpu.memory_space<vmem>>
      %dma_wait3A_1699 = arith.constant 0 : i32
      %dma_wait3A_1700 = arith.constant 0 : i32
      %dma_wait3A_1701 = tpu.memref_slice %arg14[%dma_wait3A_1699, %dma_wait3A_1700] : memref<256x16xf32, #tpu.memory_space<vmem_shared>> -> memref<256x16xf32, #tpu.memory_space<vmem_shared>>
      tpu.wait_indirect_dma semaphore(%arg20 : memref<!tpu.dma_semaphore, #tpu.memory_space<semaphore_mem>>) src(%arg10 : memref<100x16xf32, #tpu.memory_space<vmem>>) dst(%dma_wait3A_1701 : memref<256x16xf32, #tpu.memory_space<vmem_shared>>)
      %dma_wait3A_1702 = arith.constant 3 : i32
      %dma_wait3A_1703 = arith.constant 300 : i32
      %dma_wait3A_1704 = arith.constant 0 : i32
      %dma_wait3A_1705 = tpu.memref_slice %arg7[%dma_wait3A_1703, %dma_wait3A_1704] : memref<400x128xf32, #tpu.memory_space<vmem>> -> memref<100x128xf32, #tpu.memory_space<vmem>>
      %dma_wait3A_1706 = arith.constant 0 : i32
      %dma_wait3A_1707 = tpu.memref_slice %arg9[%dma_wait3A_1702, %dma_wait3A_1706] : memref<4x100xi32, #tpu.memory_space<vmem>> -> memref<1x100xi32, #tpu.memory_space<vmem>>
      %dma_wait3A_1708 = tpu.memref_squeeze %dma_wait3A_1707 : memref<1x100xi32, #tpu.memory_space<vmem>> -> memref<100xi32, #tpu.memory_space<vmem>>
      %dma_wait3A_1709 = arith.constant 0 : i32
      %dma_wait3A_1710 = arith.constant 0 : i32
      %dma_wait3A_1711 = tpu.memref_slice %arg13[%dma_wait3A_1709, %dma_wait3A_1710] : memref<256x128xf32, #tpu.memory_space<vmem_shared>> -> memref<256x128xf32, #tpu.memory_space<vmem_shared>>
      tpu.wait_indirect_dma semaphore(%arg20 : memref<!tpu.dma_semaphore, #tpu.memory_space<semaphore_mem>>) src(%dma_wait3A_1705 : memref<100x128xf32, #tpu.memory_space<vmem>>) dst(%dma_wait3A_1711 : memref<256x128xf32, #tpu.memory_space<vmem_shared>>)
      %dma_wait3A_1712 = arith.constant 3 : i32
      %dma_wait3A_1713 = arith.constant 0 : i32
      %dma_wait3A_1714 = tpu.memref_slice %arg9[%dma_wait3A_1712, %dma_wait3A_1713] : memref<4x100xi32, #tpu.memory_space<vmem>> -> memref<1x100xi32, #tpu.memory_space<vmem>>
      %dma_wait3A_1715 = tpu.memref_squeeze %dma_wait3A_1714 : memref<1x100xi32, #tpu.memory_space<vmem>> -> memref<100xi32, #tpu.memory_space<vmem>>
      %dma_wait3A_1716 = arith.constant 0 : i32
      %dma_wait3A_1717 = arith.constant 0 : i32
      %dma_wait3A_1718 = tpu.memref_slice %arg14[%dma_wait3A_1716, %dma_wait3A_1717] : memref<256x16xf32, #tpu.memory_space<vmem_shared>> -> memref<256x16xf32, #tpu.memory_space<vmem_shared>>
      tpu.wait_indirect_dma semaphore(%arg20 : memref<!tpu.dma_semaphore, #tpu.memory_space<semaphore_mem>>) src(%arg10 : memref<100x16xf32, #tpu.memory_space<vmem>>) dst(%dma_wait3A_1718 : memref<256x16xf32, #tpu.memory_space<vmem_shared>>)
    } else {
    }
    %add3A_1614 = arith.constant 224 : i32
    %add3A_1615 = arith.addi %add3A, %add3A_1614 : i32
    %lt3A_1616 = arith.constant 250 : i32
    %lt3A_1617 = arith.cmpi slt, %add3A_1615, %lt3A_1616 : i32
    %convert_element_type3A_1618 = arith.extui %lt3A_1617 : i1 to i32
    %cond3A_1619 = arith.constant 0 : i32
    %cond3A_1620 = arith.cmpi ne, %convert_element_type3A_1618, %cond3A_1619 : i32
    scf.if %cond3A_1620 {
      %add3A_1652 = arith.constant 224 : i32
      %add3A_1653 = arith.addi %add3A, %add3A_1652 : i32
      %mul3A_1654 = arith.constant 400 : i32
      %mul3A_1655 = arith.muli %add3A_1653, %mul3A_1654 : i32
      %dma_start3A_1656 = arith.constant 0 : i32
      %dma_start3A_1657 = tpu.memref_slice %arg2[%mul3A_1655, %dma_start3A_1656] : memref<100000x128xf32, #tpu.memory_space<hbm>> -> memref<400x128xf32, #tpu.memory_space<hbm>>
      %dma_start3A_1658 = arith.constant 0 : i32
      %dma_start3A_1659 = tpu.memref_slice %arg2[%mul3A_1655, %dma_start3A_1658] : memref<100000x128xf32, #tpu.memory_space<hbm>> -> memref<400x128xf32, #tpu.memory_space<hbm>>
      tpu.enqueue_dma source(%dma_start3A_1659 : memref<400x128xf32, #tpu.memory_space<hbm>>) target(%arg7 : memref<400x128xf32, #tpu.memory_space<vmem>>) target_semaphore(%arg16 : memref<!tpu.dma_semaphore, #tpu.memory_space<semaphore_mem>>)
      %mul3A_1660 = arith.constant 4 : i32
      %mul3A_1661 = arith.muli %add3A_1653, %mul3A_1660 : i32
      %dma_start3A_1662 = arith.constant 0 : i32
      %dma_start3A_1663 = tpu.memref_slice %arg3[%mul3A_1661, %dma_start3A_1662] : memref<1000x100xi32, #tpu.memory_space<hbm>> -> memref<4x100xi32, #tpu.memory_space<hbm>>
      %dma_start3A_1664 = arith.constant 0 : i32
      %dma_start3A_1665 = tpu.memref_slice %arg3[%mul3A_1661, %dma_start3A_1664] : memref<1000x100xi32, #tpu.memory_space<hbm>> -> memref<4x100xi32, #tpu.memory_space<hbm>>
      tpu.enqueue_dma source(%dma_start3A_1665 : memref<4x100xi32, #tpu.memory_space<hbm>>) target(%arg9 : memref<4x100xi32, #tpu.memory_space<vmem>>) target_semaphore(%arg18 : memref<!tpu.dma_semaphore, #tpu.memory_space<semaphore_mem>>)
    } else {
    }
    %add3A_1621 = arith.constant 224 : i32
    %add3A_1622 = arith.addi %add3A, %add3A_1621 : i32
    %lt3A_1623 = arith.constant 250 : i32
    %lt3A_1624 = arith.cmpi slt, %add3A_1622, %lt3A_1623 : i32
    %convert_element_type3A_1625 = arith.extui %lt3A_1624 : i1 to i32
    %cond3A_1626 = arith.constant 0 : i32
    %cond3A_1627 = arith.cmpi ne, %convert_element_type3A_1625, %cond3A_1626 : i32
    scf.if %cond3A_1627 {
      %add3A_1652 = arith.constant 224 : i32
      %add3A_1653 = arith.addi %add3A, %add3A_1652 : i32
      %mul3A_1654 = arith.constant 400 : i32
      %mul3A_1655 = arith.muli %add3A_1653, %mul3A_1654 : i32
      %dma_wait3A = arith.constant 0 : i32
      %dma_wait3A_1656 = tpu.memref_slice %arg2[%mul3A_1655, %dma_wait3A] : memref<100000x128xf32, #tpu.memory_space<hbm>> -> memref<400x128xf32, #tpu.memory_space<hbm>>
      %dma_wait3A_1657 = arith.constant 0 : i32
      %dma_wait3A_1658 = tpu.memref_slice %arg2[%mul3A_1655, %dma_wait3A_1657] : memref<100000x128xf32, #tpu.memory_space<hbm>> -> memref<400x128xf32, #tpu.memory_space<hbm>>
      tpu.wait_dma2 semaphore(%arg16 : memref<!tpu.dma_semaphore, #tpu.memory_space<semaphore_mem>>) src(%dma_wait3A_1658 : memref<400x128xf32, #tpu.memory_space<hbm>>) dst(%arg7 : memref<400x128xf32, #tpu.memory_space<vmem>>)
      %mul3A_1659 = arith.constant 4 : i32
      %mul3A_1660 = arith.muli %add3A_1653, %mul3A_1659 : i32
      %dma_wait3A_1661 = arith.constant 0 : i32
      %dma_wait3A_1662 = tpu.memref_slice %arg3[%mul3A_1660, %dma_wait3A_1661] : memref<1000x100xi32, #tpu.memory_space<hbm>> -> memref<4x100xi32, #tpu.memory_space<hbm>>
      %dma_wait3A_1663 = arith.constant 0 : i32
      %dma_wait3A_1664 = tpu.memref_slice %arg3[%mul3A_1660, %dma_wait3A_1663] : memref<1000x100xi32, #tpu.memory_space<hbm>> -> memref<4x100xi32, #tpu.memory_space<hbm>>
      tpu.wait_dma2 semaphore(%arg18 : memref<!tpu.dma_semaphore, #tpu.memory_space<semaphore_mem>>) src(%dma_wait3A_1664 : memref<4x100xi32, #tpu.memory_space<hbm>>) dst(%arg9 : memref<4x100xi32, #tpu.memory_space<vmem>>)
      %dma_start3A_1665 = arith.constant 0 : i32
      %dma_start3A_1666 = arith.constant 0 : i32
      %dma_start3A_1667 = arith.constant 0 : i32
      %dma_start3A_1668 = tpu.memref_slice %arg7[%dma_start3A_1666, %dma_start3A_1667] : memref<400x128xf32, #tpu.memory_space<vmem>> -> memref<100x128xf32, #tpu.memory_space<vmem>>
      %dma_start3A_1669 = arith.constant 0 : i32
      %dma_start3A_1670 = tpu.memref_slice %arg9[%dma_start3A_1665, %dma_start3A_1669] : memref<4x100xi32, #tpu.memory_space<vmem>> -> memref<1x100xi32, #tpu.memory_space<vmem>>
      %dma_start3A_1671 = tpu.memref_squeeze %dma_start3A_1670 : memref<1x100xi32, #tpu.memory_space<vmem>> -> memref<100xi32, #tpu.memory_space<vmem>>
      %dma_start3A_1672 = arith.constant 0 : i32
      %dma_start3A_1673 = arith.constant 0 : i32
      %dma_start3A_1674 = tpu.memref_slice %arg13[%dma_start3A_1672, %dma_start3A_1673] : memref<256x128xf32, #tpu.memory_space<vmem_shared>> -> memref<256x128xf32, #tpu.memory_space<vmem_shared>>
      tpu.enqueue_indirect_dma source(%dma_start3A_1668 : memref<100x128xf32, #tpu.memory_space<vmem>>) target(%dma_start3A_1674 : memref<256x128xf32, #tpu.memory_space<vmem_shared>>) offsets(%dma_start3A_1671 : memref<100xi32, #tpu.memory_space<vmem>>) semaphore(%arg20 : memref<!tpu.dma_semaphore, #tpu.memory_space<semaphore_mem>>) {add = true}
      %dma_start3A_1675 = arith.constant 0 : i32
      %dma_start3A_1676 = arith.constant 0 : i32
      %dma_start3A_1677 = tpu.memref_slice %arg9[%dma_start3A_1675, %dma_start3A_1676] : memref<4x100xi32, #tpu.memory_space<vmem>> -> memref<1x100xi32, #tpu.memory_space<vmem>>
      %dma_start3A_1678 = tpu.memref_squeeze %dma_start3A_1677 : memref<1x100xi32, #tpu.memory_space<vmem>> -> memref<100xi32, #tpu.memory_space<vmem>>
      %dma_start3A_1679 = arith.constant 0 : i32
      %dma_start3A_1680 = arith.constant 0 : i32
      %dma_start3A_1681 = tpu.memref_slice %arg14[%dma_start3A_1679, %dma_start3A_1680] : memref<256x16xf32, #tpu.memory_space<vmem_shared>> -> memref<256x16xf32, #tpu.memory_space<vmem_shared>>
      tpu.enqueue_indirect_dma source(%arg10 : memref<100x16xf32, #tpu.memory_space<vmem>>) target(%dma_start3A_1681 : memref<256x16xf32, #tpu.memory_space<vmem_shared>>) offsets(%dma_start3A_1678 : memref<100xi32, #tpu.memory_space<vmem>>) semaphore(%arg20 : memref<!tpu.dma_semaphore, #tpu.memory_space<semaphore_mem>>) {add = true}
      %dma_start3A_1682 = arith.constant 1 : i32
      %dma_start3A_1683 = arith.constant 100 : i32
      %dma_start3A_1684 = arith.constant 0 : i32
      %dma_start3A_1685 = tpu.memref_slice %arg7[%dma_start3A_1683, %dma_start3A_1684] : memref<400x128xf32, #tpu.memory_space<vmem>> -> memref<100x128xf32, #tpu.memory_space<vmem>>
      %dma_start3A_1686 = arith.constant 0 : i32
      %dma_start3A_1687 = tpu.memref_slice %arg9[%dma_start3A_1682, %dma_start3A_1686] : memref<4x100xi32, #tpu.memory_space<vmem>> -> memref<1x100xi32, #tpu.memory_space<vmem>>
      %dma_start3A_1688 = tpu.memref_squeeze %dma_start3A_1687 : memref<1x100xi32, #tpu.memory_space<vmem>> -> memref<100xi32, #tpu.memory_space<vmem>>
      %dma_start3A_1689 = arith.constant 0 : i32
      %dma_start3A_1690 = arith.constant 0 : i32
      %dma_start3A_1691 = tpu.memref_slice %arg13[%dma_start3A_1689, %dma_start3A_1690] : memref<256x128xf32, #tpu.memory_space<vmem_shared>> -> memref<256x128xf32, #tpu.memory_space<vmem_shared>>
      tpu.enqueue_indirect_dma source(%dma_start3A_1685 : memref<100x128xf32, #tpu.memory_space<vmem>>) target(%dma_start3A_1691 : memref<256x128xf32, #tpu.memory_space<vmem_shared>>) offsets(%dma_start3A_1688 : memref<100xi32, #tpu.memory_space<vmem>>) semaphore(%arg20 : memref<!tpu.dma_semaphore, #tpu.memory_space<semaphore_mem>>) {add = true}
      %dma_start3A_1692 = arith.constant 1 : i32
      %dma_start3A_1693 = arith.constant 0 : i32
      %dma_start3A_1694 = tpu.memref_slice %arg9[%dma_start3A_1692, %dma_start3A_1693] : memref<4x100xi32, #tpu.memory_space<vmem>> -> memref<1x100xi32, #tpu.memory_space<vmem>>
      %dma_start3A_1695 = tpu.memref_squeeze %dma_start3A_1694 : memref<1x100xi32, #tpu.memory_space<vmem>> -> memref<100xi32, #tpu.memory_space<vmem>>
      %dma_start3A_1696 = arith.constant 0 : i32
      %dma_start3A_1697 = arith.constant 0 : i32
      %dma_start3A_1698 = tpu.memref_slice %arg14[%dma_start3A_1696, %dma_start3A_1697] : memref<256x16xf32, #tpu.memory_space<vmem_shared>> -> memref<256x16xf32, #tpu.memory_space<vmem_shared>>
      tpu.enqueue_indirect_dma source(%arg10 : memref<100x16xf32, #tpu.memory_space<vmem>>) target(%dma_start3A_1698 : memref<256x16xf32, #tpu.memory_space<vmem_shared>>) offsets(%dma_start3A_1695 : memref<100xi32, #tpu.memory_space<vmem>>) semaphore(%arg20 : memref<!tpu.dma_semaphore, #tpu.memory_space<semaphore_mem>>) {add = true}
      %dma_start3A_1699 = arith.constant 2 : i32
      %dma_start3A_1700 = arith.constant 200 : i32
      %dma_start3A_1701 = arith.constant 0 : i32
      %dma_start3A_1702 = tpu.memref_slice %arg7[%dma_start3A_1700, %dma_start3A_1701] : memref<400x128xf32, #tpu.memory_space<vmem>> -> memref<100x128xf32, #tpu.memory_space<vmem>>
      %dma_start3A_1703 = arith.constant 0 : i32
      %dma_start3A_1704 = tpu.memref_slice %arg9[%dma_start3A_1699, %dma_start3A_1703] : memref<4x100xi32, #tpu.memory_space<vmem>> -> memref<1x100xi32, #tpu.memory_space<vmem>>
      %dma_start3A_1705 = tpu.memref_squeeze %dma_start3A_1704 : memref<1x100xi32, #tpu.memory_space<vmem>> -> memref<100xi32, #tpu.memory_space<vmem>>
      %dma_start3A_1706 = arith.constant 0 : i32
      %dma_start3A_1707 = arith.constant 0 : i32
      %dma_start3A_1708 = tpu.memref_slice %arg13[%dma_start3A_1706, %dma_start3A_1707] : memref<256x128xf32, #tpu.memory_space<vmem_shared>> -> memref<256x128xf32, #tpu.memory_space<vmem_shared>>
      tpu.enqueue_indirect_dma source(%dma_start3A_1702 : memref<100x128xf32, #tpu.memory_space<vmem>>) target(%dma_start3A_1708 : memref<256x128xf32, #tpu.memory_space<vmem_shared>>) offsets(%dma_start3A_1705 : memref<100xi32, #tpu.memory_space<vmem>>) semaphore(%arg20 : memref<!tpu.dma_semaphore, #tpu.memory_space<semaphore_mem>>) {add = true}
      %dma_start3A_1709 = arith.constant 2 : i32
      %dma_start3A_1710 = arith.constant 0 : i32
      %dma_start3A_1711 = tpu.memref_slice %arg9[%dma_start3A_1709, %dma_start3A_1710] : memref<4x100xi32, #tpu.memory_space<vmem>> -> memref<1x100xi32, #tpu.memory_space<vmem>>
      %dma_start3A_1712 = tpu.memref_squeeze %dma_start3A_1711 : memref<1x100xi32, #tpu.memory_space<vmem>> -> memref<100xi32, #tpu.memory_space<vmem>>
      %dma_start3A_1713 = arith.constant 0 : i32
      %dma_start3A_1714 = arith.constant 0 : i32
      %dma_start3A_1715 = tpu.memref_slice %arg14[%dma_start3A_1713, %dma_start3A_1714] : memref<256x16xf32, #tpu.memory_space<vmem_shared>> -> memref<256x16xf32, #tpu.memory_space<vmem_shared>>
      tpu.enqueue_indirect_dma source(%arg10 : memref<100x16xf32, #tpu.memory_space<vmem>>) target(%dma_start3A_1715 : memref<256x16xf32, #tpu.memory_space<vmem_shared>>) offsets(%dma_start3A_1712 : memref<100xi32, #tpu.memory_space<vmem>>) semaphore(%arg20 : memref<!tpu.dma_semaphore, #tpu.memory_space<semaphore_mem>>) {add = true}
      %dma_start3A_1716 = arith.constant 3 : i32
      %dma_start3A_1717 = arith.constant 300 : i32
      %dma_start3A_1718 = arith.constant 0 : i32
      %dma_start3A_1719 = tpu.memref_slice %arg7[%dma_start3A_1717, %dma_start3A_1718] : memref<400x128xf32, #tpu.memory_space<vmem>> -> memref<100x128xf32, #tpu.memory_space<vmem>>
      %dma_start3A_1720 = arith.constant 0 : i32
      %dma_start3A_1721 = tpu.memref_slice %arg9[%dma_start3A_1716, %dma_start3A_1720] : memref<4x100xi32, #tpu.memory_space<vmem>> -> memref<1x100xi32, #tpu.memory_space<vmem>>
      %dma_start3A_1722 = tpu.memref_squeeze %dma_start3A_1721 : memref<1x100xi32, #tpu.memory_space<vmem>> -> memref<100xi32, #tpu.memory_space<vmem>>
      %dma_start3A_1723 = arith.constant 0 : i32
      %dma_start3A_1724 = arith.constant 0 : i32
      %dma_start3A_1725 = tpu.memref_slice %arg13[%dma_start3A_1723, %dma_start3A_1724] : memref<256x128xf32, #tpu.memory_space<vmem_shared>> -> memref<256x128xf32, #tpu.memory_space<vmem_shared>>
      tpu.enqueue_indirect_dma source(%dma_start3A_1719 : memref<100x128xf32, #tpu.memory_space<vmem>>) target(%dma_start3A_1725 : memref<256x128xf32, #tpu.memory_space<vmem_shared>>) offsets(%dma_start3A_1722 : memref<100xi32, #tpu.memory_space<vmem>>) semaphore(%arg20 : memref<!tpu.dma_semaphore, #tpu.memory_space<semaphore_mem>>) {add = true}
      %dma_start3A_1726 = arith.constant 3 : i32
      %dma_start3A_1727 = arith.constant 0 : i32
      %dma_start3A_1728 = tpu.memref_slice %arg9[%dma_start3A_1726, %dma_start3A_1727] : memref<4x100xi32, #tpu.memory_space<vmem>> -> memref<1x100xi32, #tpu.memory_space<vmem>>
      %dma_start3A_1729 = tpu.memref_squeeze %dma_start3A_1728 : memref<1x100xi32, #tpu.memory_space<vmem>> -> memref<100xi32, #tpu.memory_space<vmem>>
      %dma_start3A_1730 = arith.constant 0 : i32
      %dma_start3A_1731 = arith.constant 0 : i32
      %dma_start3A_1732 = tpu.memref_slice %arg14[%dma_start3A_1730, %dma_start3A_1731] : memref<256x16xf32, #tpu.memory_space<vmem_shared>> -> memref<256x16xf32, #tpu.memory_space<vmem_shared>>
      tpu.enqueue_indirect_dma source(%arg10 : memref<100x16xf32, #tpu.memory_space<vmem>>) target(%dma_start3A_1732 : memref<256x16xf32, #tpu.memory_space<vmem_shared>>) offsets(%dma_start3A_1729 : memref<100xi32, #tpu.memory_space<vmem>>) semaphore(%arg20 : memref<!tpu.dma_semaphore, #tpu.memory_space<semaphore_mem>>) {add = true}
    } else {
    }
    %add3A_1628 = arith.constant 192 : i32
    %add3A_1629 = arith.addi %add3A, %add3A_1628 : i32
    %lt3A_1630 = arith.constant 250 : i32
    %lt3A_1631 = arith.cmpi slt, %add3A_1629, %lt3A_1630 : i32
    %convert_element_type3A_1632 = arith.extui %lt3A_1631 : i1 to i32
    %cond3A_1633 = arith.constant 0 : i32
    %cond3A_1634 = arith.cmpi ne, %convert_element_type3A_1632, %cond3A_1633 : i32
    scf.if %cond3A_1634 {
      %dma_wait3A = arith.constant 0 : i32
      %dma_wait3A_1652 = arith.constant 0 : i32
      %dma_wait3A_1653 = arith.constant 0 : i32
      %dma_wait3A_1654 = tpu.memref_slice %arg6[%dma_wait3A_1652, %dma_wait3A_1653] : memref<400x128xf32, #tpu.memory_space<vmem>> -> memref<100x128xf32, #tpu.memory_space<vmem>>
      %dma_wait3A_1655 = arith.constant 0 : i32
      %dma_wait3A_1656 = tpu.memref_slice %arg8[%dma_wait3A, %dma_wait3A_1655] : memref<4x100xi32, #tpu.memory_space<vmem>> -> memref<1x100xi32, #tpu.memory_space<vmem>>
      %dma_wait3A_1657 = tpu.memref_squeeze %dma_wait3A_1656 : memref<1x100xi32, #tpu.memory_space<vmem>> -> memref<100xi32, #tpu.memory_space<vmem>>
      %dma_wait3A_1658 = arith.constant 0 : i32
      %dma_wait3A_1659 = arith.constant 0 : i32
      %dma_wait3A_1660 = tpu.memref_slice %arg13[%dma_wait3A_1658, %dma_wait3A_1659] : memref<256x128xf32, #tpu.memory_space<vmem_shared>> -> memref<256x128xf32, #tpu.memory_space<vmem_shared>>
      tpu.wait_indirect_dma semaphore(%arg19 : memref<!tpu.dma_semaphore, #tpu.memory_space<semaphore_mem>>) src(%dma_wait3A_1654 : memref<100x128xf32, #tpu.memory_space<vmem>>) dst(%dma_wait3A_1660 : memref<256x128xf32, #tpu.memory_space<vmem_shared>>)
      %dma_wait3A_1661 = arith.constant 0 : i32
      %dma_wait3A_1662 = arith.constant 0 : i32
      %dma_wait3A_1663 = tpu.memref_slice %arg8[%dma_wait3A_1661, %dma_wait3A_1662] : memref<4x100xi32, #tpu.memory_space<vmem>> -> memref<1x100xi32, #tpu.memory_space<vmem>>
      %dma_wait3A_1664 = tpu.memref_squeeze %dma_wait3A_1663 : memref<1x100xi32, #tpu.memory_space<vmem>> -> memref<100xi32, #tpu.memory_space<vmem>>
      %dma_wait3A_1665 = arith.constant 0 : i32
      %dma_wait3A_1666 = arith.constant 0 : i32
      %dma_wait3A_1667 = tpu.memref_slice %arg14[%dma_wait3A_1665, %dma_wait3A_1666] : memref<256x16xf32, #tpu.memory_space<vmem_shared>> -> memref<256x16xf32, #tpu.memory_space<vmem_shared>>
      tpu.wait_indirect_dma semaphore(%arg19 : memref<!tpu.dma_semaphore, #tpu.memory_space<semaphore_mem>>) src(%arg10 : memref<100x16xf32, #tpu.memory_space<vmem>>) dst(%dma_wait3A_1667 : memref<256x16xf32, #tpu.memory_space<vmem_shared>>)
      %dma_wait3A_1668 = arith.constant 1 : i32
      %dma_wait3A_1669 = arith.constant 100 : i32
      %dma_wait3A_1670 = arith.constant 0 : i32
      %dma_wait3A_1671 = tpu.memref_slice %arg6[%dma_wait3A_1669, %dma_wait3A_1670] : memref<400x128xf32, #tpu.memory_space<vmem>> -> memref<100x128xf32, #tpu.memory_space<vmem>>
      %dma_wait3A_1672 = arith.constant 0 : i32
      %dma_wait3A_1673 = tpu.memref_slice %arg8[%dma_wait3A_1668, %dma_wait3A_1672] : memref<4x100xi32, #tpu.memory_space<vmem>> -> memref<1x100xi32, #tpu.memory_space<vmem>>
      %dma_wait3A_1674 = tpu.memref_squeeze %dma_wait3A_1673 : memref<1x100xi32, #tpu.memory_space<vmem>> -> memref<100xi32, #tpu.memory_space<vmem>>
      %dma_wait3A_1675 = arith.constant 0 : i32
      %dma_wait3A_1676 = arith.constant 0 : i32
      %dma_wait3A_1677 = tpu.memref_slice %arg13[%dma_wait3A_1675, %dma_wait3A_1676] : memref<256x128xf32, #tpu.memory_space<vmem_shared>> -> memref<256x128xf32, #tpu.memory_space<vmem_shared>>
      tpu.wait_indirect_dma semaphore(%arg19 : memref<!tpu.dma_semaphore, #tpu.memory_space<semaphore_mem>>) src(%dma_wait3A_1671 : memref<100x128xf32, #tpu.memory_space<vmem>>) dst(%dma_wait3A_1677 : memref<256x128xf32, #tpu.memory_space<vmem_shared>>)
      %dma_wait3A_1678 = arith.constant 1 : i32
      %dma_wait3A_1679 = arith.constant 0 : i32
      %dma_wait3A_1680 = tpu.memref_slice %arg8[%dma_wait3A_1678, %dma_wait3A_1679] : memref<4x100xi32, #tpu.memory_space<vmem>> -> memref<1x100xi32, #tpu.memory_space<vmem>>
      %dma_wait3A_1681 = tpu.memref_squeeze %dma_wait3A_1680 : memref<1x100xi32, #tpu.memory_space<vmem>> -> memref<100xi32, #tpu.memory_space<vmem>>
      %dma_wait3A_1682 = arith.constant 0 : i32
      %dma_wait3A_1683 = arith.constant 0 : i32
      %dma_wait3A_1684 = tpu.memref_slice %arg14[%dma_wait3A_1682, %dma_wait3A_1683] : memref<256x16xf32, #tpu.memory_space<vmem_shared>> -> memref<256x16xf32, #tpu.memory_space<vmem_shared>>
      tpu.wait_indirect_dma semaphore(%arg19 : memref<!tpu.dma_semaphore, #tpu.memory_space<semaphore_mem>>) src(%arg10 : memref<100x16xf32, #tpu.memory_space<vmem>>) dst(%dma_wait3A_1684 : memref<256x16xf32, #tpu.memory_space<vmem_shared>>)
      %dma_wait3A_1685 = arith.constant 2 : i32
      %dma_wait3A_1686 = arith.constant 200 : i32
      %dma_wait3A_1687 = arith.constant 0 : i32
      %dma_wait3A_1688 = tpu.memref_slice %arg6[%dma_wait3A_1686, %dma_wait3A_1687] : memref<400x128xf32, #tpu.memory_space<vmem>> -> memref<100x128xf32, #tpu.memory_space<vmem>>
      %dma_wait3A_1689 = arith.constant 0 : i32
      %dma_wait3A_1690 = tpu.memref_slice %arg8[%dma_wait3A_1685, %dma_wait3A_1689] : memref<4x100xi32, #tpu.memory_space<vmem>> -> memref<1x100xi32, #tpu.memory_space<vmem>>
      %dma_wait3A_1691 = tpu.memref_squeeze %dma_wait3A_1690 : memref<1x100xi32, #tpu.memory_space<vmem>> -> memref<100xi32, #tpu.memory_space<vmem>>
      %dma_wait3A_1692 = arith.constant 0 : i32
      %dma_wait3A_1693 = arith.constant 0 : i32
      %dma_wait3A_1694 = tpu.memref_slice %arg13[%dma_wait3A_1692, %dma_wait3A_1693] : memref<256x128xf32, #tpu.memory_space<vmem_shared>> -> memref<256x128xf32, #tpu.memory_space<vmem_shared>>
      tpu.wait_indirect_dma semaphore(%arg19 : memref<!tpu.dma_semaphore, #tpu.memory_space<semaphore_mem>>) src(%dma_wait3A_1688 : memref<100x128xf32, #tpu.memory_space<vmem>>) dst(%dma_wait3A_1694 : memref<256x128xf32, #tpu.memory_space<vmem_shared>>)
      %dma_wait3A_1695 = arith.constant 2 : i32
      %dma_wait3A_1696 = arith.constant 0 : i32
      %dma_wait3A_1697 = tpu.memref_slice %arg8[%dma_wait3A_1695, %dma_wait3A_1696] : memref<4x100xi32, #tpu.memory_space<vmem>> -> memref<1x100xi32, #tpu.memory_space<vmem>>
      %dma_wait3A_1698 = tpu.memref_squeeze %dma_wait3A_1697 : memref<1x100xi32, #tpu.memory_space<vmem>> -> memref<100xi32, #tpu.memory_space<vmem>>
      %dma_wait3A_1699 = arith.constant 0 : i32
      %dma_wait3A_1700 = arith.constant 0 : i32
      %dma_wait3A_1701 = tpu.memref_slice %arg14[%dma_wait3A_1699, %dma_wait3A_1700] : memref<256x16xf32, #tpu.memory_space<vmem_shared>> -> memref<256x16xf32, #tpu.memory_space<vmem_shared>>
      tpu.wait_indirect_dma semaphore(%arg19 : memref<!tpu.dma_semaphore, #tpu.memory_space<semaphore_mem>>) src(%arg10 : memref<100x16xf32, #tpu.memory_space<vmem>>) dst(%dma_wait3A_1701 : memref<256x16xf32, #tpu.memory_space<vmem_shared>>)
      %dma_wait3A_1702 = arith.constant 3 : i32
      %dma_wait3A_1703 = arith.constant 300 : i32
      %dma_wait3A_1704 = arith.constant 0 : i32
      %dma_wait3A_1705 = tpu.memref_slice %arg6[%dma_wait3A_1703, %dma_wait3A_1704] : memref<400x128xf32, #tpu.memory_space<vmem>> -> memref<100x128xf32, #tpu.memory_space<vmem>>
      %dma_wait3A_1706 = arith.constant 0 : i32
      %dma_wait3A_1707 = tpu.memref_slice %arg8[%dma_wait3A_1702, %dma_wait3A_1706] : memref<4x100xi32, #tpu.memory_space<vmem>> -> memref<1x100xi32, #tpu.memory_space<vmem>>
      %dma_wait3A_1708 = tpu.memref_squeeze %dma_wait3A_1707 : memref<1x100xi32, #tpu.memory_space<vmem>> -> memref<100xi32, #tpu.memory_space<vmem>>
      %dma_wait3A_1709 = arith.constant 0 : i32
      %dma_wait3A_1710 = arith.constant 0 : i32
      %dma_wait3A_1711 = tpu.memref_slice %arg13[%dma_wait3A_1709, %dma_wait3A_1710] : memref<256x128xf32, #tpu.memory_space<vmem_shared>> -> memref<256x128xf32, #tpu.memory_space<vmem_shared>>
      tpu.wait_indirect_dma semaphore(%arg19 : memref<!tpu.dma_semaphore, #tpu.memory_space<semaphore_mem>>) src(%dma_wait3A_1705 : memref<100x128xf32, #tpu.memory_space<vmem>>) dst(%dma_wait3A_1711 : memref<256x128xf32, #tpu.memory_space<vmem_shared>>)
      %dma_wait3A_1712 = arith.constant 3 : i32
      %dma_wait3A_1713 = arith.constant 0 : i32
      %dma_wait3A_1714 = tpu.memref_slice %arg8[%dma_wait3A_1712, %dma_wait3A_1713] : memref<4x100xi32, #tpu.memory_space<vmem>> -> memref<1x100xi32, #tpu.memory_space<vmem>>
      %dma_wait3A_1715 = tpu.memref_squeeze %dma_wait3A_1714 : memref<1x100xi32, #tpu.memory_space<vmem>> -> memref<100xi32, #tpu.memory_space<vmem>>
      %dma_wait3A_1716 = arith.constant 0 : i32
      %dma_wait3A_1717 = arith.constant 0 : i32
      %dma_wait3A_1718 = tpu.memref_slice %arg14[%dma_wait3A_1716, %dma_wait3A_1717] : memref<256x16xf32, #tpu.memory_space<vmem_shared>> -> memref<256x16xf32, #tpu.memory_space<vmem_shared>>
      tpu.wait_indirect_dma semaphore(%arg19 : memref<!tpu.dma_semaphore, #tpu.memory_space<semaphore_mem>>) src(%arg10 : memref<100x16xf32, #tpu.memory_space<vmem>>) dst(%dma_wait3A_1718 : memref<256x16xf32, #tpu.memory_space<vmem_shared>>)
    } else {
    }
    %add3A_1635 = arith.constant 224 : i32
    %add3A_1636 = arith.addi %add3A, %add3A_1635 : i32
    %lt3A_1637 = arith.constant 250 : i32
    %lt3A_1638 = arith.cmpi slt, %add3A_1636, %lt3A_1637 : i32
    %convert_element_type3A_1639 = arith.extui %lt3A_1638 : i1 to i32
    %cond3A_1640 = arith.constant 0 : i32
    %cond3A_1641 = arith.cmpi ne, %convert_element_type3A_1639, %cond3A_1640 : i32
    scf.if %cond3A_1641 {
      %dma_wait3A = arith.constant 0 : i32
      %dma_wait3A_1652 = arith.constant 0 : i32
      %dma_wait3A_1653 = arith.constant 0 : i32
      %dma_wait3A_1654 = tpu.memref_slice %arg7[%dma_wait3A_1652, %dma_wait3A_1653] : memref<400x128xf32, #tpu.memory_space<vmem>> -> memref<100x128xf32, #tpu.memory_space<vmem>>
      %dma_wait3A_1655 = arith.constant 0 : i32
      %dma_wait3A_1656 = tpu.memref_slice %arg9[%dma_wait3A, %dma_wait3A_1655] : memref<4x100xi32, #tpu.memory_space<vmem>> -> memref<1x100xi32, #tpu.memory_space<vmem>>
      %dma_wait3A_1657 = tpu.memref_squeeze %dma_wait3A_1656 : memref<1x100xi32, #tpu.memory_space<vmem>> -> memref<100xi32, #tpu.memory_space<vmem>>
      %dma_wait3A_1658 = arith.constant 0 : i32
      %dma_wait3A_1659 = arith.constant 0 : i32
      %dma_wait3A_1660 = tpu.memref_slice %arg13[%dma_wait3A_1658, %dma_wait3A_1659] : memref<256x128xf32, #tpu.memory_space<vmem_shared>> -> memref<256x128xf32, #tpu.memory_space<vmem_shared>>
      tpu.wait_indirect_dma semaphore(%arg20 : memref<!tpu.dma_semaphore, #tpu.memory_space<semaphore_mem>>) src(%dma_wait3A_1654 : memref<100x128xf32, #tpu.memory_space<vmem>>) dst(%dma_wait3A_1660 : memref<256x128xf32, #tpu.memory_space<vmem_shared>>)
      %dma_wait3A_1661 = arith.constant 0 : i32
      %dma_wait3A_1662 = arith.constant 0 : i32
      %dma_wait3A_1663 = tpu.memref_slice %arg9[%dma_wait3A_1661, %dma_wait3A_1662] : memref<4x100xi32, #tpu.memory_space<vmem>> -> memref<1x100xi32, #tpu.memory_space<vmem>>
      %dma_wait3A_1664 = tpu.memref_squeeze %dma_wait3A_1663 : memref<1x100xi32, #tpu.memory_space<vmem>> -> memref<100xi32, #tpu.memory_space<vmem>>
      %dma_wait3A_1665 = arith.constant 0 : i32
      %dma_wait3A_1666 = arith.constant 0 : i32
      %dma_wait3A_1667 = tpu.memref_slice %arg14[%dma_wait3A_1665, %dma_wait3A_1666] : memref<256x16xf32, #tpu.memory_space<vmem_shared>> -> memref<256x16xf32, #tpu.memory_space<vmem_shared>>
      tpu.wait_indirect_dma semaphore(%arg20 : memref<!tpu.dma_semaphore, #tpu.memory_space<semaphore_mem>>) src(%arg10 : memref<100x16xf32, #tpu.memory_space<vmem>>) dst(%dma_wait3A_1667 : memref<256x16xf32, #tpu.memory_space<vmem_shared>>)
      %dma_wait3A_1668 = arith.constant 1 : i32
      %dma_wait3A_1669 = arith.constant 100 : i32
      %dma_wait3A_1670 = arith.constant 0 : i32
      %dma_wait3A_1671 = tpu.memref_slice %arg7[%dma_wait3A_1669, %dma_wait3A_1670] : memref<400x128xf32, #tpu.memory_space<vmem>> -> memref<100x128xf32, #tpu.memory_space<vmem>>
      %dma_wait3A_1672 = arith.constant 0 : i32
      %dma_wait3A_1673 = tpu.memref_slice %arg9[%dma_wait3A_1668, %dma_wait3A_1672] : memref<4x100xi32, #tpu.memory_space<vmem>> -> memref<1x100xi32, #tpu.memory_space<vmem>>
      %dma_wait3A_1674 = tpu.memref_squeeze %dma_wait3A_1673 : memref<1x100xi32, #tpu.memory_space<vmem>> -> memref<100xi32, #tpu.memory_space<vmem>>
      %dma_wait3A_1675 = arith.constant 0 : i32
      %dma_wait3A_1676 = arith.constant 0 : i32
      %dma_wait3A_1677 = tpu.memref_slice %arg13[%dma_wait3A_1675, %dma_wait3A_1676] : memref<256x128xf32, #tpu.memory_space<vmem_shared>> -> memref<256x128xf32, #tpu.memory_space<vmem_shared>>
      tpu.wait_indirect_dma semaphore(%arg20 : memref<!tpu.dma_semaphore, #tpu.memory_space<semaphore_mem>>) src(%dma_wait3A_1671 : memref<100x128xf32, #tpu.memory_space<vmem>>) dst(%dma_wait3A_1677 : memref<256x128xf32, #tpu.memory_space<vmem_shared>>)
      %dma_wait3A_1678 = arith.constant 1 : i32
      %dma_wait3A_1679 = arith.constant 0 : i32
      %dma_wait3A_1680 = tpu.memref_slice %arg9[%dma_wait3A_1678, %dma_wait3A_1679] : memref<4x100xi32, #tpu.memory_space<vmem>> -> memref<1x100xi32, #tpu.memory_space<vmem>>
      %dma_wait3A_1681 = tpu.memref_squeeze %dma_wait3A_1680 : memref<1x100xi32, #tpu.memory_space<vmem>> -> memref<100xi32, #tpu.memory_space<vmem>>
      %dma_wait3A_1682 = arith.constant 0 : i32
      %dma_wait3A_1683 = arith.constant 0 : i32
      %dma_wait3A_1684 = tpu.memref_slice %arg14[%dma_wait3A_1682, %dma_wait3A_1683] : memref<256x16xf32, #tpu.memory_space<vmem_shared>> -> memref<256x16xf32, #tpu.memory_space<vmem_shared>>
      tpu.wait_indirect_dma semaphore(%arg20 : memref<!tpu.dma_semaphore, #tpu.memory_space<semaphore_mem>>) src(%arg10 : memref<100x16xf32, #tpu.memory_space<vmem>>) dst(%dma_wait3A_1684 : memref<256x16xf32, #tpu.memory_space<vmem_shared>>)
      %dma_wait3A_1685 = arith.constant 2 : i32
      %dma_wait3A_1686 = arith.constant 200 : i32
      %dma_wait3A_1687 = arith.constant 0 : i32
      %dma_wait3A_1688 = tpu.memref_slice %arg7[%dma_wait3A_1686, %dma_wait3A_1687] : memref<400x128xf32, #tpu.memory_space<vmem>> -> memref<100x128xf32, #tpu.memory_space<vmem>>
      %dma_wait3A_1689 = arith.constant 0 : i32
      %dma_wait3A_1690 = tpu.memref_slice %arg9[%dma_wait3A_1685, %dma_wait3A_1689] : memref<4x100xi32, #tpu.memory_space<vmem>> -> memref<1x100xi32, #tpu.memory_space<vmem>>
      %dma_wait3A_1691 = tpu.memref_squeeze %dma_wait3A_1690 : memref<1x100xi32, #tpu.memory_space<vmem>> -> memref<100xi32, #tpu.memory_space<vmem>>
      %dma_wait3A_1692 = arith.constant 0 : i32
      %dma_wait3A_1693 = arith.constant 0 : i32
      %dma_wait3A_1694 = tpu.memref_slice %arg13[%dma_wait3A_1692, %dma_wait3A_1693] : memref<256x128xf32, #tpu.memory_space<vmem_shared>> -> memref<256x128xf32, #tpu.memory_space<vmem_shared>>
      tpu.wait_indirect_dma semaphore(%arg20 : memref<!tpu.dma_semaphore, #tpu.memory_space<semaphore_mem>>) src(%dma_wait3A_1688 : memref<100x128xf32, #tpu.memory_space<vmem>>) dst(%dma_wait3A_1694 : memref<256x128xf32, #tpu.memory_space<vmem_shared>>)
      %dma_wait3A_1695 = arith.constant 2 : i32
      %dma_wait3A_1696 = arith.constant 0 : i32
      %dma_wait3A_1697 = tpu.memref_slice %arg9[%dma_wait3A_1695, %dma_wait3A_1696] : memref<4x100xi32, #tpu.memory_space<vmem>> -> memref<1x100xi32, #tpu.memory_space<vmem>>
      %dma_wait3A_1698 = tpu.memref_squeeze %dma_wait3A_1697 : memref<1x100xi32, #tpu.memory_space<vmem>> -> memref<100xi32, #tpu.memory_space<vmem>>
      %dma_wait3A_1699 = arith.constant 0 : i32
      %dma_wait3A_1700 = arith.constant 0 : i32
      %dma_wait3A_1701 = tpu.memref_slice %arg14[%dma_wait3A_1699, %dma_wait3A_1700] : memref<256x16xf32, #tpu.memory_space<vmem_shared>> -> memref<256x16xf32, #tpu.memory_space<vmem_shared>>
      tpu.wait_indirect_dma semaphore(%arg20 : memref<!tpu.dma_semaphore, #tpu.memory_space<semaphore_mem>>) src(%arg10 : memref<100x16xf32, #tpu.memory_space<vmem>>) dst(%dma_wait3A_1701 : memref<256x16xf32, #tpu.memory_space<vmem_shared>>)
      %dma_wait3A_1702 = arith.constant 3 : i32
      %dma_wait3A_1703 = arith.constant 300 : i32
      %dma_wait3A_1704 = arith.constant 0 : i32
      %dma_wait3A_1705 = tpu.memref_slice %arg7[%dma_wait3A_1703, %dma_wait3A_1704] : memref<400x128xf32, #tpu.memory_space<vmem>> -> memref<100x128xf32, #tpu.memory_space<vmem>>
      %dma_wait3A_1706 = arith.constant 0 : i32
      %dma_wait3A_1707 = tpu.memref_slice %arg9[%dma_wait3A_1702, %dma_wait3A_1706] : memref<4x100xi32, #tpu.memory_space<vmem>> -> memref<1x100xi32, #tpu.memory_space<vmem>>
      %dma_wait3A_1708 = tpu.memref_squeeze %dma_wait3A_1707 : memref<1x100xi32, #tpu.memory_space<vmem>> -> memref<100xi32, #tpu.memory_space<vmem>>
      %dma_wait3A_1709 = arith.constant 0 : i32
      %dma_wait3A_1710 = arith.constant 0 : i32
      %dma_wait3A_1711 = tpu.memref_slice %arg13[%dma_wait3A_1709, %dma_wait3A_1710] : memref<256x128xf32, #tpu.memory_space<vmem_shared>> -> memref<256x128xf32, #tpu.memory_space<vmem_shared>>
      tpu.wait_indirect_dma semaphore(%arg20 : memref<!tpu.dma_semaphore, #tpu.memory_space<semaphore_mem>>) src(%dma_wait3A_1705 : memref<100x128xf32, #tpu.memory_space<vmem>>) dst(%dma_wait3A_1711 : memref<256x128xf32, #tpu.memory_space<vmem_shared>>)
      %dma_wait3A_1712 = arith.constant 3 : i32
      %dma_wait3A_1713 = arith.constant 0 : i32
      %dma_wait3A_1714 = tpu.memref_slice %arg9[%dma_wait3A_1712, %dma_wait3A_1713] : memref<4x100xi32, #tpu.memory_space<vmem>> -> memref<1x100xi32, #tpu.memory_space<vmem>>
      %dma_wait3A_1715 = tpu.memref_squeeze %dma_wait3A_1714 : memref<1x100xi32, #tpu.memory_space<vmem>> -> memref<100xi32, #tpu.memory_space<vmem>>
      %dma_wait3A_1716 = arith.constant 0 : i32
      %dma_wait3A_1717 = arith.constant 0 : i32
      %dma_wait3A_1718 = tpu.memref_slice %arg14[%dma_wait3A_1716, %dma_wait3A_1717] : memref<256x16xf32, #tpu.memory_space<vmem_shared>> -> memref<256x16xf32, #tpu.memory_space<vmem_shared>>
      tpu.wait_indirect_dma semaphore(%arg20 : memref<!tpu.dma_semaphore, #tpu.memory_space<semaphore_mem>>) src(%arg10 : memref<100x16xf32, #tpu.memory_space<vmem>>) dst(%dma_wait3A_1718 : memref<256x16xf32, #tpu.memory_space<vmem_shared>>)
    } else {
    }
    %barrier3A_1642 = arith.constant 0 : index
    tpu.barrier barrier_id(%barrier3A_1642)
    %mul3A_1643 = arith.constant 256 : i32
    %mul3A_1644 = arith.muli %arg0, %mul3A_1643 : i32
    %mul3A_1645 = arith.constant 16 : i32
    %mul3A_1646 = arith.muli %arg1, %mul3A_1645 : i32
    %add3A_1647 = arith.addi %mul3A_1644, %mul3A_1646 : i32
    %mul3A_1648 = arith.constant 16 : i32
    %mul3A_1649 = arith.muli %arg1, %mul3A_1648 : i32
    "tpu.region"() ({
      %run_scoped3A = tpu.sem_alloc : memref<!tpu.dma_semaphore, #tpu.memory_space<semaphore_mem>>
      %dma_start3A_1652 = arith.constant 0 : i32
      %dma_start3A_1653 = tpu.memref_slice %arg13[%mul3A_1649, %dma_start3A_1652] : memref<256x128xf32, #tpu.memory_space<vmem_shared>> -> memref<16x128xf32, #tpu.memory_space<vmem_shared>>
      %dma_start3A_1654 = arith.constant 0 : i32
      %dma_start3A_1655 = tpu.memref_slice %arg13[%mul3A_1649, %dma_start3A_1654] : memref<256x128xf32, #tpu.memory_space<vmem_shared>> -> memref<16x128xf32, #tpu.memory_space<vmem_shared>>
      tpu.enqueue_dma source(%dma_start3A_1655 : memref<16x128xf32, #tpu.memory_space<vmem_shared>>) target(%arg11 : memref<16x128xf32, #tpu.memory_space<vmem>>) target_semaphore(%run_scoped3A : memref<!tpu.dma_semaphore, #tpu.memory_space<semaphore_mem>>)
      %dma_wait3A = arith.constant 0 : i32
      %dma_wait3A_1656 = tpu.memref_slice %arg13[%mul3A_1649, %dma_wait3A] : memref<256x128xf32, #tpu.memory_space<vmem_shared>> -> memref<16x128xf32, #tpu.memory_space<vmem_shared>>
      %dma_wait3A_1657 = arith.constant 0 : i32
      %dma_wait3A_1658 = tpu.memref_slice %arg13[%mul3A_1649, %dma_wait3A_1657] : memref<256x128xf32, #tpu.memory_space<vmem_shared>> -> memref<16x128xf32, #tpu.memory_space<vmem_shared>>
      tpu.wait_dma2 semaphore(%run_scoped3A : memref<!tpu.dma_semaphore, #tpu.memory_space<semaphore_mem>>) src(%dma_wait3A_1658 : memref<16x128xf32, #tpu.memory_space<vmem_shared>>) dst(%arg11 : memref<16x128xf32, #tpu.memory_space<vmem>>)
      tpu.yield
    }) : () -> ()
    "tpu.region"() ({
      %run_scoped3A = tpu.sem_alloc : memref<!tpu.dma_semaphore, #tpu.memory_space<semaphore_mem>>
      %dma_start3A_1652 = arith.constant 0 : i32
      %dma_start3A_1653 = tpu.memref_slice %arg4[%add3A_1647, %dma_start3A_1652] : memref<512x128xf32, #tpu.memory_space<hbm>> -> memref<16x128xf32, #tpu.memory_space<hbm>>
      %dma_start3A_1654 = arith.constant 0 : i32
      %dma_start3A_1655 = tpu.memref_slice %arg4[%add3A_1647, %dma_start3A_1654] : memref<512x128xf32, #tpu.memory_space<hbm>> -> memref<16x128xf32, #tpu.memory_space<hbm>>
      tpu.enqueue_dma source(%arg11 : memref<16x128xf32, #tpu.memory_space<vmem>>) target(%dma_start3A_1655 : memref<16x128xf32, #tpu.memory_space<hbm>>) target_semaphore(%run_scoped3A : memref<!tpu.dma_semaphore, #tpu.memory_space<semaphore_mem>>)
      %dma_wait3A = arith.constant 0 : i32
      %dma_wait3A_1656 = tpu.memref_slice %arg4[%add3A_1647, %dma_wait3A] : memref<512x128xf32, #tpu.memory_space<hbm>> -> memref<16x128xf32, #tpu.memory_space<hbm>>
      %dma_wait3A_1657 = arith.constant 0 : i32
      %dma_wait3A_1658 = tpu.memref_slice %arg4[%add3A_1647, %dma_wait3A_1657] : memref<512x128xf32, #tpu.memory_space<hbm>> -> memref<16x128xf32, #tpu.memory_space<hbm>>
      tpu.wait_dma2 semaphore(%run_scoped3A : memref<!tpu.dma_semaphore, #tpu.memory_space<semaphore_mem>>) src(%arg11 : memref<16x128xf32, #tpu.memory_space<vmem>>) dst(%dma_wait3A_1658 : memref<16x128xf32, #tpu.memory_space<hbm>>)
      tpu.yield
    }) : () -> ()
    %mul3A_1650 = arith.constant 16 : i32
    %mul3A_1651 = arith.muli %arg1, %mul3A_1650 : i32
    "tpu.region"() ({
      %run_scoped3A = tpu.sem_alloc : memref<!tpu.dma_semaphore, #tpu.memory_space<semaphore_mem>>
      %dma_start3A_1652 = arith.constant 0 : i32
      %dma_start3A_1653 = tpu.memref_slice %arg14[%mul3A_1651, %dma_start3A_1652] : memref<256x16xf32, #tpu.memory_space<vmem_shared>> -> memref<16x16xf32, #tpu.memory_space<vmem_shared>>
      %dma_start3A_1654 = arith.constant 0 : i32
      %dma_start3A_1655 = tpu.memref_slice %arg14[%mul3A_1651, %dma_start3A_1654] : memref<256x16xf32, #tpu.memory_space<vmem_shared>> -> memref<16x16xf32, #tpu.memory_space<vmem_shared>>
      tpu.enqueue_dma source(%dma_start3A_1655 : memref<16x16xf32, #tpu.memory_space<vmem_shared>>) target(%arg12 : memref<16x16xf32, #tpu.memory_space<vmem>>) target_semaphore(%run_scoped3A : memref<!tpu.dma_semaphore, #tpu.memory_space<semaphore_mem>>)
      %dma_wait3A = arith.constant 0 : i32
      %dma_wait3A_1656 = tpu.memref_slice %arg14[%mul3A_1651, %dma_wait3A] : memref<256x16xf32, #tpu.memory_space<vmem_shared>> -> memref<16x16xf32, #tpu.memory_space<vmem_shared>>
      %dma_wait3A_1657 = arith.constant 0 : i32
      %dma_wait3A_1658 = tpu.memref_slice %arg14[%mul3A_1651, %dma_wait3A_1657] : memref<256x16xf32, #tpu.memory_space<vmem_shared>> -> memref<16x16xf32, #tpu.memory_space<vmem_shared>>
      tpu.wait_dma2 semaphore(%run_scoped3A : memref<!tpu.dma_semaphore, #tpu.memory_space<semaphore_mem>>) src(%dma_wait3A_1658 : memref<16x16xf32, #tpu.memory_space<vmem_shared>>) dst(%arg12 : memref<16x16xf32, #tpu.memory_space<vmem>>)
      tpu.yield
    }) : () -> ()
    "tpu.region"() ({
      %run_scoped3A = tpu.sem_alloc : memref<!tpu.dma_semaphore, #tpu.memory_space<semaphore_mem>>
      %dma_start3A_1652 = arith.constant 0 : i32
      %dma_start3A_1653 = tpu.memref_slice %arg5[%add3A_1647, %dma_start3A_1652] : memref<512x16xf32, #tpu.memory_space<hbm>> -> memref<16x16xf32, #tpu.memory_space<hbm>>
      %dma_start3A_1654 = arith.constant 0 : i32
      %dma_start3A_1655 = tpu.memref_slice %arg5[%add3A_1647, %dma_start3A_1654] : memref<512x16xf32, #tpu.memory_space<hbm>> -> memref<16x16xf32, #tpu.memory_space<hbm>>
      tpu.enqueue_dma source(%arg12 : memref<16x16xf32, #tpu.memory_space<vmem>>) target(%dma_start3A_1655 : memref<16x16xf32, #tpu.memory_space<hbm>>) target_semaphore(%run_scoped3A : memref<!tpu.dma_semaphore, #tpu.memory_space<semaphore_mem>>)
      %dma_wait3A = arith.constant 0 : i32
      %dma_wait3A_1656 = tpu.memref_slice %arg5[%add3A_1647, %dma_wait3A] : memref<512x16xf32, #tpu.memory_space<hbm>> -> memref<16x16xf32, #tpu.memory_space<hbm>>
      %dma_wait3A_1657 = arith.constant 0 : i32
      %dma_wait3A_1658 = tpu.memref_slice %arg5[%add3A_1647, %dma_wait3A_1657] : memref<512x16xf32, #tpu.memory_space<hbm>> -> memref<16x16xf32, #tpu.memory_space<hbm>>
      tpu.wait_dma2 semaphore(%run_scoped3A : memref<!tpu.dma_semaphore, #tpu.memory_space<semaphore_mem>>) src(%arg12 : memref<16x16xf32, #tpu.memory_space<vmem>>) dst(%dma_wait3A_1658 : memref<16x16xf32, #tpu.memory_space<hbm>>)
      tpu.yield
    }) : () -> ()
    return
  }
}

module attributes {stable_mosaic.version = 14 : i64} {
  func.func @body(%arg0: memref<512x128xf32, #tpu.memory_space<vmem>>, %arg1: memref<512x16xf32, #tpu.memory_space<vmem>>, %arg2: memref<256x16xf32, #tpu.memory_space<vmem>>, %arg3: memref<144x128xf32, #tpu.memory_space<vmem>>, %arg4: memref<1x128xf32, #tpu.memory_space<vmem>>, %arg5: memref<128x32xf32, #tpu.memory_space<vmem>>, %arg6: memref<1x32xf32, #tpu.memory_space<vmem>>, %arg7: memref<256x32xf32, #tpu.memory_space<vmem>>) attributes {dimension_semantics = [], scalar_prefetch = 0 : i64, scratch_operands = 0 : i64, tpu.core_type = #tpu.core_type<tc>} {
    %get3A = arith.constant 0 : index
    %get3A_0 = arith.constant 0 : index
    %get3A_1 = vector.load %arg0[%get3A, %get3A_0] : memref<512x128xf32, #tpu.memory_space<vmem>>, vector<256x128xf32>
    %get3A_2 = arith.constant 256 : index
    %get3A_3 = arith.constant 0 : index
    %get3A_4 = vector.load %arg0[%get3A_2, %get3A_3] : memref<512x128xf32, #tpu.memory_space<vmem>>, vector<256x128xf32>
    %add3A = arith.addf %get3A_1, %get3A_4 : vector<256x128xf32>
    %get3A_5 = arith.constant 0 : index
    %get3A_6 = arith.constant 0 : index
    %get3A_7 = vector.load %arg1[%get3A_5, %get3A_6] : memref<512x16xf32, #tpu.memory_space<vmem>>, vector<256x1xf32>
    %get3A_8 = arith.constant 256 : index
    %get3A_9 = arith.constant 0 : index
    %get3A_10 = vector.load %arg1[%get3A_8, %get3A_9] : memref<512x16xf32, #tpu.memory_space<vmem>>, vector<256x1xf32>
    %add3A_11 = arith.addf %get3A_7, %get3A_10 : vector<256x1xf32>
    %max3A = arith.constant 1.000000e+00 : f32
    %max3A_12 = vector.broadcast %max3A : f32 to vector<256x1xf32>
    %max3A_13 = arith.maximumf %add3A_11, %max3A_12 : vector<256x1xf32>
    %div3A = vector.broadcast %max3A_13 : vector<256x1xf32> to vector<256x128xf32>
    %div3A_14 = arith.divf %add3A, %div3A : vector<256x128xf32>
    %get3A_15 = arith.constant 0 : index
    %get3A_16 = arith.constant 0 : index
    %get3A_17 = vector.load %arg2[%get3A_15, %get3A_16] : memref<256x16xf32, #tpu.memory_space<vmem>>, vector<256x16xf32>
    %get3A_18 = arith.constant 0 : index
    %get3A_19 = arith.constant 0 : index
    %get3A_20 = vector.load %arg3[%get3A_18, %get3A_19] : memref<144x128xf32, #tpu.memory_space<vmem>>, vector<16x128xf32>
    %dot_general3A = arith.constant dense<0.000000e+00> : vector<256x128xf32>
    %dot_general3A_21 = tpu.matmul %get3A_17, %get3A_20, %dot_general3A {dimension_numbers = #tpu.dot_dimension_numbers<[1], [0], [0], [1], [0, 0, 1, 1], [], []>, transpose_lhs_hint = false} : vector<256x16xf32>, vector<16x128xf32>, vector<256x128xf32> -> vector<256x128xf32>
    %get3A_22 = arith.constant 16 : index
    %get3A_23 = arith.constant 0 : index
    %get3A_24 = vector.load %arg3[%get3A_22, %get3A_23] : memref<144x128xf32, #tpu.memory_space<vmem>>, vector<128x128xf32>
    %dot_general3A_25 = arith.constant dense<0.000000e+00> : vector<256x128xf32>
    %dot_general3A_26 = tpu.matmul %div3A_14, %get3A_24, %dot_general3A_25 {dimension_numbers = #tpu.dot_dimension_numbers<[1], [0], [0], [1], [0, 0, 1, 1], [], []>, transpose_lhs_hint = false} : vector<256x128xf32>, vector<128x128xf32>, vector<256x128xf32> -> vector<256x128xf32>
    %add3A_27 = arith.addf %dot_general3A_21, %dot_general3A_26 : vector<256x128xf32>
    %get3A_28 = arith.constant 0 : index
    %get3A_29 = arith.constant 0 : index
    %get3A_30 = vector.load %arg4[%get3A_28, %get3A_29] : memref<1x128xf32, #tpu.memory_space<vmem>>, vector<1x128xf32>
    %add3A_31 = vector.broadcast %get3A_30 : vector<1x128xf32> to vector<256x128xf32>
    %add3A_32 = arith.addf %add3A_27, %add3A_31 : vector<256x128xf32>
    %max3A_33 = arith.constant 0.000000e+00 : f32
    %max3A_34 = vector.broadcast %max3A_33 : f32 to vector<256x128xf32>
    %max3A_35 = arith.maximumf %add3A_32, %max3A_34 : vector<256x128xf32>
    %get3A_36 = arith.constant 0 : index
    %get3A_37 = arith.constant 0 : index
    %get3A_38 = vector.load %arg5[%get3A_36, %get3A_37] : memref<128x32xf32, #tpu.memory_space<vmem>>, vector<128x32xf32>
    %dot_general3A_39 = arith.constant dense<0.000000e+00> : vector<256x32xf32>
    %dot_general3A_40 = tpu.matmul %max3A_35, %get3A_38, %dot_general3A_39 {dimension_numbers = #tpu.dot_dimension_numbers<[1], [0], [0], [1], [0, 0, 1, 1], [], []>, transpose_lhs_hint = false} : vector<256x128xf32>, vector<128x32xf32>, vector<256x32xf32> -> vector<256x32xf32>
    %get3A_41 = arith.constant 0 : index
    %get3A_42 = arith.constant 0 : index
    %get3A_43 = vector.load %arg6[%get3A_41, %get3A_42] : memref<1x32xf32, #tpu.memory_space<vmem>>, vector<1x32xf32>
    %add3A_44 = vector.broadcast %get3A_43 : vector<1x32xf32> to vector<256x32xf32>
    %add3A_45 = arith.addf %dot_general3A_40, %add3A_44 : vector<256x32xf32>
    %swap3A = arith.constant 0 : index
    %swap3A_46 = arith.constant 0 : index
    %swap3A_47 = vector.load %arg7[%swap3A, %swap3A_46] : memref<256x32xf32, #tpu.memory_space<vmem>>, vector<256x32xf32>
    tpu.vector_store %arg7[%swap3A, %swap3A_46], %add3A_45 {strides = array<i32>} : memref<256x32xf32, #tpu.memory_space<vmem>>, vector<256x32xf32>,
    return
  }
}

</mosaic_0001>

<sc_bundles>
// kernel: kernel.4.cloned.1.call-start
scs
__scs_entry_jumppad:
0x0: {  	(pc) =	sbr.rel $0x88, $3  }
0x1: {  	(tag) =	ssettag $0x0;
	lr =	simm.s32 $0x1  }
0x2: {  	[smem:$0x3F9A] =	sst lr;
	_ =	strace $0xD0000000  }
0x3: {  	_ = 	snop  }
0x4: {  	_ = 	snop  }
0x5: {  	_ = 	snop  }
0x6: {  	_ = 	snop  }
0x7: {  	_ = 	snop  }
__scs_overlays_trampoline_lowered:
0x8: {  	[smem:$0x3FA9] =	sst s0  }
0x9: {  	[smem:$0x3FAA] =	sst s1  }
0xa: {  	[smem:$0x3FAB] =	sst s2  }
0xb: {  	[smem:$0x3FAC] =	sst s3  }
0xc: {  	[smem:$0x3FAD] =	sst s4  }
0xd: {  	[smem:$0x3FAE] =	sst s5  }
0xe: {  	[smem:$0x3FAF] =	sst s6  }
0xf: {  	[smem:$0x3FB0] =	sst s7  }
0x10: {  	[smem:$0x3FB1] =	sst s8  }
0x11: {  	[smem:$0x3FB2] =	sst s9;
	s0 =	simm.s32 @!p0 $0x0  }
0x12: {  	s1 =	sld [smem:$0x3F98];
	s0 =	simm.s32 @p0 $0x1  }
0x13: {  	[smem:$0x3FB3] =	sst s0;
	s0 =	simm.s32 @!p1 $0x0  }
0x14: {  	s2 =	sld [smem:$0x3F97];
	s0 =	simm.s32 @p1 $0x1  }
0x15: {  	[smem:$0x3FB4] =	sst s0;
	s0 =	simm.s32 @!p2 $0x0  }
0x16: {  	s3 =	sld [smem:$0x3FDB];
	s0 =	simm.s32 @p2 $0x1  }
0x17: {  	s4 =	simm.s32 $0x1BF5;
	[smem:$0x3FB6] =	sst s0  }
0x18: {  	s0 =	sld [smem:$0x3F99];
	_ =	swait.ge [sflag:s4], $0x0  }
0x19: {  	s7 =	sld [smem:$0x3F9A]  }
0x1a: {  	s8 =	sadd.s32 $0xFFFFE003, lr  }
0x1b: {  	s9 =	sadd.s32 $0xFFFFFEF7, lr;
	s5 =	simm.s32 $0xFFFFFFFF;
	p2 =	slt.u32 s8, $0xFFFFF086  }
0x1c: {  	p1 =	slt.u32 s9, $0xF7A;
	s5 =	simm.s32 @!p2 $0x0  }
0x1d: {  	s5 =	simm.s32 @p1 $0x1;
	p0 =	seq.s32 s7, s2  }
0x1e: {  	s7 =	smul.u32 @!p0 $0xF7A, s2;
	p2 =	seq.s32 @!p0 s5, $0x0  }
0x1f: {  	s9 =	smul.u32 $0xF7A, s1;
	s8 =	simm.s32 @!p0 $0x1BF5;
	p2 =	por !p2, p0  }
0x20: {  	[sflag:s8] =	ssyncset.s32 @!p0 $0xFFFFF086;
	s6 =	sadd.s32 @!p0 s3, s7;
	s7 =	simm.s32 @!p0 $0x108  }
0x21: {  	s3 =	sadd.s32 s3, s9;
	s6 =	sadd.s32 @!p0 $0x88, s6;
	s7 =	simm.s32 @p2 $0x1082  }
0x22: {  	[simem:s7], [sflag:s8] =	dma.local @!p0 [hbm:s6], $0xF7A  }
0x23: {  	s9 =	sor.u32 $0xD0000000, s2;
	s6 =	simm.s32 $0x108;
	_ =	swait.ge @!p0 [sflag:s8], $0x0  }
0x24: {  	s3 =	sadd.s32 $0x88, s3;
	s6 =	simm.s32 @!p1 $0x1082;
	[sflag:s4] =	ssyncset.s32 $0xFFFFF086  }
0x25: {  	[simem:s6], [sflag:s4] =	dma.local [hbm:s3], $0xF7A  }
0x26: {  	[smem:$0x3F9A] =	sst s1;
	(tag) =	ssettag s2;
	_ =	strace s9  }
0x27: {  	s1 =	sld [smem:$0x3FAA]  }
0x28: {  	s2 =	sld [smem:$0x3FAB]  }
0x29: {  	s4 =	sld [smem:$0x3FAD]  }
0x2a: {  	p0 =	seq.s32 s5, $0x0;
	s5 =	sld [smem:$0x3FAE]  }
0x2b: {  	s6 =	sld [smem:$0x3FAF]  }
0x2c: {  	s7 =	sld [smem:$0x3FB0]  }
0x2d: {  	s3 =	simm.s32 $0x108;
	s8 =	sld [smem:$0x3FB1]  }
0x2e: {  	s3 =	simm.s32 @!p0 $0x1082;
	s9 =	sld [smem:$0x3FB2]  }
0x2f: {  	lr =	sadd.s32 s0, s3;
	s0 =	sld [smem:$0x3FA9]  }
0x30: {  	s3 =	sld [smem:$0x3FAC]  }
0x31: {  	[smem:$0x3FB5] =	sst s10  }
0x32: {  	s10 =	sld [smem:$0x3FB3];
	_ =	sdelay $0x3  }
0x33: {  	p0 =	seq.s32 s10, $0x1;
	s10 =	sld [smem:$0x3FB5];
	_ =	sdelay $0x3  }
0x34: {  	[smem:$0x3FB5] =	sst s10  }
0x35: {  	s10 =	sld [smem:$0x3FB4];
	_ =	sdelay $0x3  }
0x36: {  	p1 =	seq.s32 s10, $0x1;
	s10 =	sld [smem:$0x3FB5];
	_ =	sdelay $0x3  }
0x37: {  	[smem:$0x3FB5] =	sst s10  }
0x38: {  	s10 =	sld [smem:$0x3FB6]  }
0x39: {  	_ = 	snop;
	(pc) =	sbr.ind lr, $3  }
0x3a: {  	_ = 	snop  }
0x3b: {  	_ = 	snop  }
0x3c: {  	p2 =	seq.s32 s10, $0x1;
	s10 =	sld [smem:$0x3FB5]  }
0x3d: {  	_ =	shalt  }
0x3e: {  	_ =	shalt  }
0x3f: {  	_ =	shalt  }
0x40: {  	_ =	shalt  }
0x41: {  	_ =	shalt  }
0x42: {  	_ =	shalt  }
0x43: {  	_ =	shalt  }
0x44: {  	_ =	shalt  }
0x45: {  	_ =	shalt  }
0x46: {  	_ =	shalt  }
0x47: {  	_ =	shalt  }
0x48: {  	_ =	shalt  }
0x49: {  	_ =	shalt  }
0x4a: {  	_ =	shalt  }
0x4b: {  	_ =	shalt  }
0x4c: {  	_ =	shalt  }
0x4d: {  	_ =	shalt  }
0x4e: {  	_ =	shalt  }
0x4f: {  	_ =	shalt  }
0x50: {  	_ =	shalt  }
0x51: {  	_ =	shalt  }
0x52: {  	_ =	shalt  }
0x53: {  	_ =	shalt  }
0x54: {  	_ =	shalt  }
0x55: {  	_ =	shalt  }
0x56: {  	_ =	shalt  }
0x57: {  	_ =	shalt  }
0x58: {  	_ =	shalt  }
0x59: {  	_ =	shalt  }
0x5a: {  	_ =	shalt  }
0x5b: {  	_ =	shalt  }
0x5c: {  	_ =	shalt  }
0x5d: {  	_ =	shalt  }
0x5e: {  	_ =	shalt  }
0x5f: {  	_ =	shalt  }
0x60: {  	_ =	shalt  }
0x61: {  	_ =	shalt  }
0x62: {  	_ =	shalt  }
0x63: {  	_ =	shalt  }
0x64: {  	_ =	shalt  }
0x65: {  	_ =	shalt  }
0x66: {  	_ =	shalt  }
0x67: {  	_ =	shalt  }
0x68: {  	_ =	shalt  }
0x69: {  	_ =	shalt  }
0x6a: {  	_ =	shalt  }
0x6b: {  	_ =	shalt  }
0x6c: {  	_ =	shalt  }
0x6d: {  	_ =	shalt  }
0x6e: {  	_ =	shalt  }
0x6f: {  	_ =	shalt  }
0x70: {  	_ =	shalt  }
0x71: {  	_ =	shalt  }
0x72: {  	_ =	shalt  }
0x73: {  	_ =	shalt  }
0x74: {  	_ =	shalt  }
0x75: {  	_ =	shalt  }
0x76: {  	_ =	shalt  }
0x77: {  	_ =	shalt  }
0x78: {  	_ =	shalt  }
0x79: {  	_ =	shalt  }
0x7a: {  	_ =	shalt  }
0x7b: {  	_ =	shalt  }
0x7c: {  	_ =	shalt  }
0x7d: {  	_ =	shalt  }
0x7e: {  	_ =	shalt  }
0x7f: {  	_ =	shalt  }
0x80: {  	_ =	shalt  }
0x81: {  	_ =	shalt  }
0x82: {  	_ =	shalt  }
0x83: {  	_ =	shalt  }
0x84: {  	_ =	shalt  }
0x85: {  	_ =	shalt  }
0x86: {  	_ =	shalt  }
0x87: {  	_ =	shalt  }
.Lfunc_end0:
.L_simem_size_0:
called_computation_lowered:
.L_overlay_start_0:
0x88: {  	s2 =	sld [smem:$0x3FD9]  }
0x89: {  	s3 =	sld [smem:$0x3FFE];
	_ =	sdelay $0x1  }
0x8a: {  	s1 =	srdreg.scid  }
0x8b: {  	s0 =	sand.u32 $0x1, s1  }
0x8c: {  	s17 =	sshll.u32 s0, $0xA;
	s2 =	sadd.s32 s3, s2  }
0x8d: {  	s2 =	sadd.s32 s2, s17  }
0x8e: {  	[smem:$0x3FC1] =	sst s2  }
0x8f: {  	_ = 	snop  }
0x90: {  	s2 =	sld [smem:$0x3FC9]  }
0x91: {  	s18 =	sld [smem:$0x3FD0];
	(tm) =	ssettm $0x1  }
0x92: {  	s4 =	sld [smem:$0x3FFB];
	_ =	sdelay $0x3  }
0x93: {  	_ =	strace s4  }
0x94: {  	s4 =	sld [smem:$0x3FFC];
	_ =	sdelay $0x3  }
0x95: {  	_ =	strace s4  }
0x96: {  	s4 =	sld [smem:$0x3FFD];
	_ =	sdelay $0x3  }
0x97: {  	_ =	strace s4  }
0x98: {  	_ =	strace $0x8FFFFFFF  }
0x99: {  	s19 =	sld [smem:$0x3FDB];
	_ =	sdelay $0x1  }
0x9a: {  	s5 =	simm.s32 $_scs_section_size  }
0x9b: {  	s6 =	simm.s32 $_size__tile_overlayer_lowered;
	s7 =	simm.s32 $_tile_overlayer_lowered  }
0x9c: {  	s22 =	simm.s32 $0x1BFF;
	s21 =	sshll.u32 s7, $0x1;
	s4 =	sadd.s32 s5, s19  }
0x9d: {  	s8 =	simm.s32 $0x0;
	s20 =	sshll.u32 s6, $0x1;
	s6 =	sadd.s32 s21, s4  }
0x9e: {  	[timem:s8], [sflag:s22] =	dma.local [hbm:s6], s20  }
0x9f: {  	_ =	swait.ge [sflag:s22], s20  }
0xa0: {  	s5 =	ssub.s32 $0x0, s20;
	[sflag:s22] =	ssyncset.done $0x0  }
0xa1: {  	[sflag:s22] =	ssyncadd.s32 s5;
	_ =	sdelay $0x1  }
0xa2: {  	s23 =	simm.s32 $0x1B8B  }
0xa3: {  	_ =	swait.ge [sflag:s23], $0x1  }
0xa4: {  	[sflag:s23] =	ssyncset.done $0x0  }
0xa5: {  	s25 =	simm.s32 $0x1B8E;
	s24 =	sld [smem:$0x3FFE];
	[sflag:s23] =	ssyncadd.s32 $0xFFFFFFFF  }
0xa6: {  	s26 =	simm.s32 $execute0_lowered;
	[smem:$0x3FD2] =	sst s25  }
0xa7: {  	s6 =	sshll.u32 s26, $0x1;
	_ =	strace $0x80000046;
	[dreg:$0x1] =	wrdreg $0xFFFFFFFF  }
0xa8: {  	s28 =	simm.s32 $_size_execute0_lowered;
	s4 =	sadd.s32 s4, s6;
	[dreg:$0x0] =	wrdreg $0x0  }
0xa9: {  	s6 =	sshll.u32 s28, $0x1;
	[dreg:$0x2] =	wrdreg s4  }
0xaa: {  	[dreg:$0x3] =	wrdreg s6  }
0xab: {  	[dreg:$0x4] =	wrdreg $0xC0  }
0xac: {  	_ =	task [dreg:s8], $0x5FFFF  }
0xad: {  	[dreg:$0x1] =	wrdreg $0xFFFFFFFF  }
0xae: {  	[dreg:$0x0] =	wrdreg $0x60  }
0xaf: {  	[dreg:$0x2] =	wrdreg s2  }
0xb0: {  	[dreg:$0x3] =	wrdreg s24  }
0xb1: {  	[dreg:$0x4] =	wrdreg s18  }
0xb2: {  	[dreg:$0x5] =	wrdreg $0x1A2800  }
0xb3: {  	[dreg:$0x6] =	wrdreg $0x1AA800  }
0xb4: {  	[dreg:$0x7] =	wrdreg $0x9  }
0xb5: {  	_ =	task.clear_ibuf [dreg:s8], $0x8FFFF;
	_ =	strace $0x90000046  }
0xb6: {  	s29 =	simm.s32 $0x9;
	_ =	strace $0x80000048  }
0xb7: {  	_ =	swait.ge [sflag:s29], $0x1  }
0xb8: {  	[sflag:s29] =	ssyncadd.s32 $0xFFFFFFFF  }
0xb9: {  	_ =	strace $0x90000048  }
0xba: {  	_ =	sfence  }
0xbb: {  	s30 =	sld [smem:$0x0];
	_ =	sdelay $0x2  }
0xbc: {  	s31 =	sshll.u32 s1, $0xD;
	s1 =	sshrl.u32 s1, $0x2  }
0xbd: {  	s3 =	sand.u32 $0x4000, s31;
	s1 =	sadd.s32 s1, s30  }
0xbe: {  	s0 =	sor.u32 s3, s0;
	s1 =	sshll.u32 s1, $0x11  }
0xbf: {  	s0 =	sor.u32 s1, s0  }
0xc0: {  	s0 =	sadd.s32 $0x8F2B, s0  }
0xc1: {  	[sflag:s0] =	ssyncadd.remote.s32 $0x1  }
0xc2: {  	_ =	sfence.sel $0xFFFF  }
0xc3: {  	[dreg:$0x0] =	wrdreg $0xFFFFFFFF;
	(pc) =	sbr.abs _section_cstart, $3  }
0xc4: {  	[dreg:$0x1] =	wrdreg $0xFFFFFFFF  }
0xc5: {  	_ =	task.clear_ibuf [dreg:s8], $0x2FFFF;
	_ =	strace $0x9FFFFFFF  }
0xc6: {  	(tm) =	ssettm $0x7FFFFFFF  }
0xc7: {  	_ =	shalt  }
tec
execute0_lowered:
.L_overlay_start_1:
0x0: {  	(tag) =	ssettag $0x1  }
0x1: {  	s2 =	rddreg [dreg:$0x0]  }
0x2: {  	s5 =	rddreg [dreg:$0x1]  }
0x3: {  	s0 =	rddreg [dreg:$0x2]  }
0x4: {  	s1 =	rddreg [dreg:$0x3]  }
0x5: {  	s3 =	rddreg [dreg:$0x4];
	s4 =	simm.s32 $0x0  }
0x6: {  	s6 =	srdreg.scid;
	s15 =	stileid.u32;
	s29 =	simm.s32 $0x19208  }
0x7: {  	s31 =	simm.s32 $0x19270;
	s7 =	sand.u32 $0x1, s6;
	s25 =	sshll.u32 s15, $0x1  }
0x8: {  	[smem:$0x7FF] =	sst s4;
	s6 =	sadd.s32 $0x1400, s5;
	s8 =	sor.u32 s7, s25  }
0x9: {  	s9 =	sshll.u32 s15, $0x4;
	p0 =	sgt.u32 s15, $0xC;
	s10 =	smul.u32 $0x1900, s8  }
0xa: {  	_ =	strace $0x80000047;
	s12 =	smul.u32 $0x34, s8;
	s13 =	sor.u32 $0x20, s8  }
0xb: {  	s11 =	sshll.u32 s7, $0x8;
	s7 =	ssub.s32 $0x2, s7;
	s26 =	smul.u32 $0x1900, s13  }
0xc: {  	s9 =	sor.u32 s9, s11;
	s19 =	sor.u32 $0x60, s8;
	s30 =	smul.u32 $0x34, s13  }
0xd: {  	s25 =	sor.u32 $0xA0, s8;
	s13 =	sor.u32 $0x40, s8;
	s20 =	smul.u32 $0x1900, s19  }
0xe: {  	s17 =	sshll.u32 s9, $0x4;
	s10 =	sadd.s32 s2, s10;
	s16 =	smul.u32 $0x1900, s13  }
0xf: {  	s28 =	sadd.s32 s6, s12;
	s12 =	smul.u32 $0x34, s19;
	[dreg:$0x6] =	wrdreg s10  }
0x10: {  	[dreg:$0x7] =	wrdreg s28;
	s11 =	sadd.s32 s2, s26;
	s14 =	sadd.s32 s6, s30  }
0x11: {  	s10 =	sadd.s32 s2, s20;
	s28 =	smul.u32 $0x1900, s25;
	[dreg:$0x8] =	wrdreg s11  }
0x12: {  	[dreg:$0x9] =	wrdreg s14;
	s11 =	smul.u32 $0x34, s13;
	s14 =	sor.u32 $0x80, s8  }
0x13: {  	s30 =	sshrl.u32 s7, $0x1;
	s18 =	sadd.s32 s2, s16;
	s21 =	smul.u32 $0x1900, s14  }
0x14: {  	[dreg:$0xc] =	wrdreg s10;
	s16 =	sor.u32 $0xC0, s8;
	s23 =	smul.u32 $0x34, s14  }
0x15: {  	s22 =	sadd.s32 s6, s12;
	s13 =	sadd.s32 s17, s5;
	s17 =	smul.u32 $0x1900, s16  }
0x16: {  	s7 =	ssub.s32 s7, s30;
	s8 =	sor.u32 $0xE0, s8;
	s19 =	smul.u32 $0x34, s16  }
0x17: {  	s12 =	simm.s32 $0x1;
	[dreg:$0xa] =	wrdreg s18;
	s20 =	smul.u32 $0x1900, s8  }
0x18: {  	[dreg:$0xd] =	wrdreg s22;
	s14 =	sadd.s32 s2, s28;
	s8 =	smul.u32 $0x34, s8  }
0x19: {  	s22 =	sshll.u32 s15, $0xB;
	s28 =	sshll.u32 s15, $0x8;
	s7 =	smax.u32 s7, $0x1  }
0x1a: {  	s15 =	simm.s32 $0x19340;
	s11 =	sadd.s32 s6, s11;
	[dreg:$0x10] =	wrdreg s14  }
0x1b: {  	s16 =	simm.s32 $0x12C00;
	s30 =	sadd.s32 s28, s3;
	[dreg:$0xb] =	wrdreg s11  }
0x1c: {  	s14 =	simm.s32 $0x64;
	s24 =	sadd.s32 s2, s21;
	[dreg:$0x19] =	wrdreg s30  }
0x1d: {  	s26 =	sadd.s32 s6, s23;
	s11 =	smul.u32 $0x34, s25;
	[dreg:$0xe] =	wrdreg s24  }
0x1e: {  	s5 =	sadd.s32 s2, s17;
	s21 =	sadd.s32 s6, s19;
	[dreg:$0xf] =	wrdreg s26  }
0x1f: {  	s2 =	sadd.s32 s2, s20;
	s23 =	sadd.s32 s22, s1;
	[dreg:$0x12] =	wrdreg s5  }
0x20: {  	s25 =	sadd.s32 $0x4800, s13;
	s17 =	simm.s32 $0x19000;
	[dreg:$0x13] =	wrdreg s21  }
0x21: {  	s13 =	simm.s32 $0x3;
	s20 =	simm.s32 $0x190D0;
	[dreg:$0x18] =	wrdreg s23  }
0x22: {  	s22 =	simm.s32 $0x9600;
	s19 =	simm.s32 $0x192D8;
	[dreg:$0x14] =	wrdreg s2  }
0x23: {  	s24 =	sadd.s32 s6, s8;
	s26 =	sshll.u32 s9, $0x1;
	[dreg:$0x16] =	wrdreg s25  }
0x24: {  	s9 =	simm.s32 $0x7;
	s2 =	simm.s32 $0x5;
	s8 =	simm.s32 $0x6  }
0x25: {  	s23 =	simm.s32 $0x19138;
	s25 =	simm.s32 $0x2;
	s21 =	simm.s32 $0xFA00  }
0x26: {  	s18 =	sadd.s32 s6, s11;
	[dreg:$0x15] =	wrdreg s24;
	s0 =	sadd.s32 s0, s26  }
0x27: {  	s26 =	simm.s32 $0xC800;
	s24 =	simm.s32 $0x191A0;
	[dreg:$0x11] =	wrdreg s18  }
0x28: {  	v0 =	vimm.f32 $0.0e+00;
	v1 =	vimm.f32 $1.000000000e+00;
	s11 =	simm.s32 $0x4;
	[dreg:$0x17] =	wrdreg s0;
	s18 =	simm.s32 $0x19068  }
.LBB2_1:
0x29: {  	[tilespmem:$0x19980] =	vst v0  }
0x2a: {  	[tilespmem:$0x19990] =	vst v0  }
0x2b: {  	[tilespmem:$0x199A0] =	vst v0  }
0x2c: {  	[tilespmem:$0x199B0] =	vst v0  }
0x2d: {  	[tilespmem:$0x199C0] =	vst v0  }
0x2e: {  	[tilespmem:$0x199D0] =	vst v0  }
0x2f: {  	[tilespmem:$0x199E0] =	vst v0  }
0x30: {  	[tilespmem:$0x199F0] =	vst v0  }
0x31: {  	[tilespmem:$0x1A180] =	vst v0  }
0x32: {  	[tilespmem:$0x19A00] =	vst v0  }
0x33: {  	[tilespmem:$0x19A10] =	vst v0  }
0x34: {  	[tilespmem:$0x19A20] =	vst v0  }
0x35: {  	[tilespmem:$0x19A30] =	vst v0  }
0x36: {  	[tilespmem:$0x19A40] =	vst v0  }
0x37: {  	[tilespmem:$0x19A50] =	vst v0  }
0x38: {  	[tilespmem:$0x19A60] =	vst v0  }
0x39: {  	[tilespmem:$0x19A70] =	vst v0  }
0x3a: {  	[tilespmem:$0x1A190] =	vst v0  }
0x3b: {  	[tilespmem:$0x19A80] =	vst v0  }
0x3c: {  	[tilespmem:$0x19A90] =	vst v0  }
0x3d: {  	[tilespmem:$0x19AA0] =	vst v0  }
0x3e: {  	[tilespmem:$0x19AB0] =	vst v0  }
0x3f: {  	[tilespmem:$0x19AC0] =	vst v0  }
0x40: {  	[tilespmem:$0x19AD0] =	vst v0  }
0x41: {  	[tilespmem:$0x19AE0] =	vst v0  }
0x42: {  	[tilespmem:$0x19AF0] =	vst v0  }
0x43: {  	[tilespmem:$0x1A1A0] =	vst v0  }
0x44: {  	[tilespmem:$0x19B00] =	vst v0  }
0x45: {  	[tilespmem:$0x19B10] =	vst v0  }
0x46: {  	[tilespmem:$0x19B20] =	vst v0  }
0x47: {  	[tilespmem:$0x19B30] =	vst v0  }
0x48: {  	[tilespmem:$0x19B40] =	vst v0  }
0x49: {  	[tilespmem:$0x19B50] =	vst v0  }
0x4a: {  	[tilespmem:$0x19B60] =	vst v0  }
0x4b: {  	[tilespmem:$0x19B70] =	vst v0  }
0x4c: {  	[tilespmem:$0x1A1B0] =	vst v0  }
0x4d: {  	[tilespmem:$0x19B80] =	vst v0  }
0x4e: {  	[tilespmem:$0x19B90] =	vst v0  }
0x4f: {  	[tilespmem:$0x19BA0] =	vst v0  }
0x50: {  	[tilespmem:$0x19BB0] =	vst v0  }
0x51: {  	[tilespmem:$0x19BC0] =	vst v0  }
0x52: {  	[tilespmem:$0x19BD0] =	vst v0  }
0x53: {  	[tilespmem:$0x19BE0] =	vst v0  }
0x54: {  	[tilespmem:$0x19BF0] =	vst v0  }
0x55: {  	[tilespmem:$0x1A1C0] =	vst v0  }
0x56: {  	[tilespmem:$0x19C00] =	vst v0  }
0x57: {  	[tilespmem:$0x19C10] =	vst v0  }
0x58: {  	[tilespmem:$0x19C20] =	vst v0  }
0x59: {  	[tilespmem:$0x19C30] =	vst v0  }
0x5a: {  	[tilespmem:$0x19C40] =	vst v0  }
0x5b: {  	[tilespmem:$0x19C50] =	vst v0  }
0x5c: {  	[tilespmem:$0x19C60] =	vst v0  }
0x5d: {  	[tilespmem:$0x19C70] =	vst v0  }
0x5e: {  	[tilespmem:$0x1A1D0] =	vst v0  }
0x5f: {  	[tilespmem:$0x19C80] =	vst v0  }
0x60: {  	[tilespmem:$0x19C90] =	vst v0  }
0x61: {  	[tilespmem:$0x19CA0] =	vst v0  }
0x62: {  	[tilespmem:$0x19CB0] =	vst v0  }
0x63: {  	[tilespmem:$0x19CC0] =	vst v0  }
0x64: {  	[tilespmem:$0x19CD0] =	vst v0  }
0x65: {  	[tilespmem:$0x19CE0] =	vst v0  }
0x66: {  	[tilespmem:$0x19CF0] =	vst v0  }
0x67: {  	[tilespmem:$0x1A1E0] =	vst v0  }
0x68: {  	[tilespmem:$0x19D00] =	vst v0  }
0x69: {  	[tilespmem:$0x19D10] =	vst v0  }
0x6a: {  	[tilespmem:$0x19D20] =	vst v0  }
0x6b: {  	[tilespmem:$0x19D30] =	vst v0  }
0x6c: {  	[tilespmem:$0x19D40] =	vst v0  }
0x6d: {  	[tilespmem:$0x19D50] =	vst v0  }
0x6e: {  	[tilespmem:$0x19D60] =	vst v0  }
0x6f: {  	[tilespmem:$0x19D70] =	vst v0  }
0x70: {  	[tilespmem:$0x1A1F0] =	vst v0  }
0x71: {  	[tilespmem:$0x19D80] =	vst v0  }
0x72: {  	[tilespmem:$0x19D90] =	vst v0  }
0x73: {  	[tilespmem:$0x19DA0] =	vst v0  }
0x74: {  	[tilespmem:$0x19DB0] =	vst v0  }
0x75: {  	[tilespmem:$0x19DC0] =	vst v0  }
0x76: {  	[tilespmem:$0x19DD0] =	vst v0  }
0x77: {  	[tilespmem:$0x19DE0] =	vst v0  }
0x78: {  	[tilespmem:$0x19DF0] =	vst v0  }
0x79: {  	[tilespmem:$0x1A200] =	vst v0  }
0x7a: {  	[tilespmem:$0x19E00] =	vst v0  }
0x7b: {  	[tilespmem:$0x19E10] =	vst v0  }
0x7c: {  	[tilespmem:$0x19E20] =	vst v0  }
0x7d: {  	[tilespmem:$0x19E30] =	vst v0  }
0x7e: {  	[tilespmem:$0x19E40] =	vst v0  }
0x7f: {  	[tilespmem:$0x19E50] =	vst v0  }
0x80: {  	[tilespmem:$0x19E60] =	vst v0  }
0x81: {  	[tilespmem:$0x19E70] =	vst v0  }
0x82: {  	[tilespmem:$0x1A210] =	vst v0  }
0x83: {  	[tilespmem:$0x19E80] =	vst v0  }
0x84: {  	[tilespmem:$0x19E90] =	vst v0  }
0x85: {  	[tilespmem:$0x19EA0] =	vst v0  }
0x86: {  	[tilespmem:$0x19EB0] =	vst v0  }
0x87: {  	[tilespmem:$0x19EC0] =	vst v0  }
0x88: {  	[tilespmem:$0x19ED0] =	vst v0  }
0x89: {  	[tilespmem:$0x19EE0] =	vst v0  }
0x8a: {  	[tilespmem:$0x19EF0] =	vst v0  }
0x8b: {  	[tilespmem:$0x1A220] =	vst v0  }
0x8c: {  	[tilespmem:$0x19F00] =	vst v0  }
0x8d: {  	[tilespmem:$0x19F10] =	vst v0  }
0x8e: {  	[tilespmem:$0x19F20] =	vst v0  }
0x8f: {  	[tilespmem:$0x19F30] =	vst v0  }
0x90: {  	[tilespmem:$0x19F40] =	vst v0  }
0x91: {  	[tilespmem:$0x19F50] =	vst v0  }
0x92: {  	[tilespmem:$0x19F60] =	vst v0  }
0x93: {  	[tilespmem:$0x19F70] =	vst v0  }
0x94: {  	[tilespmem:$0x1A230] =	vst v0  }
0x95: {  	[tilespmem:$0x19F80] =	vst v0  }
0x96: {  	[tilespmem:$0x19F90] =	vst v0  }
0x97: {  	[tilespmem:$0x19FA0] =	vst v0  }
0x98: {  	[tilespmem:$0x19FB0] =	vst v0  }
0x99: {  	[tilespmem:$0x19FC0] =	vst v0  }
0x9a: {  	[tilespmem:$0x19FD0] =	vst v0  }
0x9b: {  	[tilespmem:$0x19FE0] =	vst v0  }
0x9c: {  	[tilespmem:$0x19FF0] =	vst v0  }
0x9d: {  	[tilespmem:$0x1A240] =	vst v0  }
0x9e: {  	[tilespmem:$0x1A000] =	vst v0  }
0x9f: {  	[tilespmem:$0x1A010] =	vst v0  }
0xa0: {  	[tilespmem:$0x1A020] =	vst v0  }
0xa1: {  	[tilespmem:$0x1A030] =	vst v0  }
0xa2: {  	[tilespmem:$0x1A040] =	vst v0  }
0xa3: {  	[tilespmem:$0x1A050] =	vst v0  }
0xa4: {  	[tilespmem:$0x1A060] =	vst v0  }
0xa5: {  	[tilespmem:$0x1A070] =	vst v0  }
0xa6: {  	[tilespmem:$0x1A250] =	vst v0  }
0xa7: {  	[tilespmem:$0x1A080] =	vst v0  }
0xa8: {  	[tilespmem:$0x1A090] =	vst v0  }
0xa9: {  	[tilespmem:$0x1A0A0] =	vst v0  }
0xaa: {  	[tilespmem:$0x1A0B0] =	vst v0  }
0xab: {  	[tilespmem:$0x1A0C0] =	vst v0  }
0xac: {  	[tilespmem:$0x1A0D0] =	vst v0  }
0xad: {  	[tilespmem:$0x1A0E0] =	vst v0  }
0xae: {  	[tilespmem:$0x1A0F0] =	vst v0  }
0xaf: {  	[tilespmem:$0x1A260] =	vst v0  }
0xb0: {  	[tilespmem:$0x1A100] =	vst v0  }
0xb1: {  	[tilespmem:$0x1A110] =	vst v0  }
0xb2: {  	[tilespmem:$0x1A120] =	vst v0  }
0xb3: {  	[tilespmem:$0x1A130] =	vst v0  }
0xb4: {  	[tilespmem:$0x1A140] =	vst v0  }
0xb5: {  	[tilespmem:$0x1A150] =	vst v0  }
0xb6: {  	[tilespmem:$0x1A160] =	vst v0  }
0xb7: {  	[tilespmem:$0x1A170] =	vst v0  }
0xb8: {  	[tilespmem:$0x1A270] =	vst v0  }
0xb9: {  	[tilespmem:$0x19340] =	vst v1  }
0xba: {  	[tilespmem:$0x19350] =	vst v1  }
0xbb: {  	[tilespmem:$0x19360] =	vst v1  }
0xbc: {  	[tilespmem:$0x19370] =	vst v1  }
0xbd: {  	[tilespmem:$0x19380] =	vst v1  }
0xbe: {  	[tilespmem:$0x19390] =	vst v1  }
0xbf: {  	[tilespmem:$0x193A0] =	vst v1  }
0xc0: {  	[tilespmem:$0x193B0] =	vst v1  }
0xc1: {  	[tilespmem:$0x193C0] =	vst v1  }
0xc2: {  	[tilespmem:$0x193D0] =	vst v1  }
0xc3: {  	[tilespmem:$0x193E0] =	vst v1  }
0xc4: {  	[tilespmem:$0x193F0] =	vst v1  }
0xc5: {  	[tilespmem:$0x19400] =	vst v1  }
0xc6: {  	[tilespmem:$0x19410] =	vst v1  }
0xc7: {  	[tilespmem:$0x19420] =	vst v1  }
0xc8: {  	[tilespmem:$0x19430] =	vst v1  }
0xc9: {  	[tilespmem:$0x19440] =	vst v1  }
0xca: {  	[tilespmem:$0x19450] =	vst v1  }
0xcb: {  	[tilespmem:$0x19460] =	vst v1  }
0xcc: {  	[tilespmem:$0x19470] =	vst v1  }
0xcd: {  	[tilespmem:$0x19480] =	vst v1  }
0xce: {  	[tilespmem:$0x19490] =	vst v1  }
0xcf: {  	[tilespmem:$0x194A0] =	vst v1  }
0xd0: {  	[tilespmem:$0x194B0] =	vst v1  }
0xd1: {  	[tilespmem:$0x194C0] =	vst v1  }
0xd2: {  	[tilespmem:$0x194D0] =	vst v1  }
0xd3: {  	[tilespmem:$0x194E0] =	vst v1  }
0xd4: {  	[tilespmem:$0x194F0] =	vst v1  }
0xd5: {  	[tilespmem:$0x19500] =	vst v1  }
0xd6: {  	[tilespmem:$0x19510] =	vst v1  }
0xd7: {  	[tilespmem:$0x19520] =	vst v1  }
0xd8: {  	[tilespmem:$0x19530] =	vst v1  }
0xd9: {  	[tilespmem:$0x19540] =	vst v1  }
0xda: {  	[tilespmem:$0x19550] =	vst v1  }
0xdb: {  	[tilespmem:$0x19560] =	vst v1  }
0xdc: {  	[tilespmem:$0x19570] =	vst v1  }
0xdd: {  	[tilespmem:$0x19580] =	vst v1  }
0xde: {  	[tilespmem:$0x19590] =	vst v1  }
0xdf: {  	[tilespmem:$0x195A0] =	vst v1  }
0xe0: {  	[tilespmem:$0x195B0] =	vst v1  }
0xe1: {  	[tilespmem:$0x195C0] =	vst v1  }
0xe2: {  	[tilespmem:$0x195D0] =	vst v1  }
0xe3: {  	[tilespmem:$0x195E0] =	vst v1  }
0xe4: {  	[tilespmem:$0x195F0] =	vst v1  }
0xe5: {  	[tilespmem:$0x19600] =	vst v1  }
0xe6: {  	[tilespmem:$0x19610] =	vst v1  }
0xe7: {  	[tilespmem:$0x19620] =	vst v1  }
0xe8: {  	[tilespmem:$0x19630] =	vst v1  }
0xe9: {  	[tilespmem:$0x19640] =	vst v1  }
0xea: {  	[tilespmem:$0x19650] =	vst v1  }
0xeb: {  	[tilespmem:$0x19660] =	vst v1  }
0xec: {  	[tilespmem:$0x19670] =	vst v1  }
0xed: {  	[tilespmem:$0x19680] =	vst v1  }
0xee: {  	[tilespmem:$0x19690] =	vst v1  }
0xef: {  	[tilespmem:$0x196A0] =	vst v1  }
0xf0: {  	[tilespmem:$0x196B0] =	vst v1  }
0xf1: {  	[tilespmem:$0x196C0] =	vst v1  }
0xf2: {  	[tilespmem:$0x196D0] =	vst v1  }
0xf3: {  	[tilespmem:$0x196E0] =	vst v1  }
0xf4: {  	[tilespmem:$0x196F0] =	vst v1  }
0xf5: {  	[tilespmem:$0x19700] =	vst v1  }
0xf6: {  	[tilespmem:$0x19710] =	vst v1  }
0xf7: {  	[tilespmem:$0x19720] =	vst v1  }
0xf8: {  	[tilespmem:$0x19730] =	vst v1  }
0xf9: {  	[tilespmem:$0x19740] =	vst v1  }
0xfa: {  	[tilespmem:$0x19750] =	vst v1  }
0xfb: {  	[tilespmem:$0x19760] =	vst v1  }
0xfc: {  	[tilespmem:$0x19770] =	vst v1  }
0xfd: {  	[tilespmem:$0x19780] =	vst v1  }
0xfe: {  	[tilespmem:$0x19790] =	vst v1  }
0xff: {  	[tilespmem:$0x197A0] =	vst v1  }
0x100: {  	[tilespmem:$0x197B0] =	vst v1  }
0x101: {  	[tilespmem:$0x197C0] =	vst v1  }
0x102: {  	[tilespmem:$0x197D0] =	vst v1  }
0x103: {  	[tilespmem:$0x197E0] =	vst v1  }
0x104: {  	[tilespmem:$0x197F0] =	vst v1  }
0x105: {  	[tilespmem:$0x19800] =	vst v1  }
0x106: {  	[tilespmem:$0x19810] =	vst v1  }
0x107: {  	[tilespmem:$0x19820] =	vst v1  }
0x108: {  	[tilespmem:$0x19830] =	vst v1  }
0x109: {  	[tilespmem:$0x19840] =	vst v1  }
0x10a: {  	[tilespmem:$0x19850] =	vst v1  }
0x10b: {  	[tilespmem:$0x19860] =	vst v1  }
0x10c: {  	[tilespmem:$0x19870] =	vst v1  }
0x10d: {  	[tilespmem:$0x19880] =	vst v1  }
0x10e: {  	[tilespmem:$0x19890] =	vst v1  }
0x10f: {  	[tilespmem:$0x198A0] =	vst v1  }
0x110: {  	[tilespmem:$0x198B0] =	vst v1  }
0x111: {  	[tilespmem:$0x198C0] =	vst v1  }
0x112: {  	[tilespmem:$0x198D0] =	vst v1  }
0x113: {  	[tilespmem:$0x198E0] =	vst v1  }
0x114: {  	[tilespmem:$0x198F0] =	vst v1  }
0x115: {  	[tilespmem:$0x19900] =	vst v1  }
0x116: {  	[tilespmem:$0x19910] =	vst v1  }
0x117: {  	[tilespmem:$0x19920] =	vst v1  }
0x118: {  	[tilespmem:$0x19930] =	vst v1  }
0x119: {  	[tilespmem:$0x19940] =	vst v1  }
0x11a: {  	[tilespmem:$0x19950] =	vst v1  }
0x11b: {  	[tilespmem:$0x19960] =	vst v1  }
0x11c: {  	[tilespmem:$0x19970] =	vst v1;
	s0 =	simm.s32 $0x19980;
	s6 =	rddreg [dreg:$0x18]  }
0x11d: {  	[spmem:s6] =	stream.linear.scatter [tilespmem:s0], [sflag:$0x7], $0x800, $0x38;
	[tilespmem:$0x1AB80] =	vst v63  }
0x11e: {  	_ =	swait.ge [sflag:s9], $0x800  }
0x11f: {  	[sflag:s9] =	ssyncset.done $0x0  }
0x120: {  	s30 =	simm.s32 $0x1A180;
	s5 =	rddreg [dreg:$0x19];
	[sflag:s9] =	ssyncadd.s32 $0xFFFFF800  }
0x121: {  	[spmem:s5] =	stream.linear.scatter [tilespmem:s30], [sflag:$0x7], $0x100, $0x38;
	[tilespmem:$0x1AB80] =	vst v63  }
0x122: {  	_ =	swait.ge [sflag:s9], $0x100  }
0x123: {  	[sflag:s9] =	ssyncset.done $0x0  }
0x124: {  	[sflag:s9] =	ssyncadd.s32 $0xFFFFFF00  }
0x125: {  	[bflag:$0x0] =	sbarrier.arrive $0xFFFF  }
0x126: {  	s10 =	rddreg [dreg:$0x6]  }
0x127: {  	[tilespmem:s4], [sflag:$0x1] =	stream.linear.gather [hbm4b:s10+s4], $0xC800, $0x38;
	[tilespmem:$0x1AB80] =	vst v63  }
0x128: {  	s28 =	rddreg [dreg:$0x7]  }
0x129: {  	[tilespmem:s17], [sflag:$0x3] =	stream.linear.gather [hbm4b:s28+s4], $0x1A0, $0x38;
	[tilespmem:$0x1AB80] =	vst v63  }
0x12a: {  	_ =	swait.ge [sflag:s12], $0xC800  }
0x12b: {  	[sflag:s12] =	ssyncset.done $0x0  }
0x12c: {  	[sflag:s12] =	ssyncadd.s32 $0xFFFF3800  }
0x12d: {  	_ =	swait.ge [sflag:s13], $0x1A0  }
0x12e: {  	[sflag:s13] =	ssyncset.done $0x0  }
0x12f: {  	[sflag:s13] =	ssyncadd.s32 $0xFFFFFE60  }
0x130: {  	[spmem:s1] =	stream.indirect.scatter.add.f32 [tilespmem:s4], [sflag:$0x5], $0x80, s17, s14, $0xb8;
	[tilespmem:$0x1AB80] =	vst v63  }
0x131: {  	_ = 	snop  }
0x132: {  	[spmem:s3] =	stream.indirect.scatter.add.f32 [tilespmem:s15], [sflag:$0x5], $0x10, s17, s14, $0xb8;
	[tilespmem:$0x1AB80] =	vst v63  }
0x133: {  	s0 =	simm.s32 $0x3200  }
0x134: {  	[spmem:s1] =	stream.indirect.scatter.add.f32 [tilespmem:s0], [sflag:$0x5], $0x80, s18, s14, $0xb8;
	[tilespmem:$0x1AB80] =	vst v63  }
0x135: {  	_ = 	snop  }
0x136: {  	[spmem:s3] =	stream.indirect.scatter.add.f32 [tilespmem:s15], [sflag:$0x5], $0x10, s18, s14, $0xb8;
	[tilespmem:$0x1AB80] =	vst v63  }
0x137: {  	s30 =	simm.s32 $0x6400  }
0x138: {  	[spmem:s1] =	stream.indirect.scatter.add.f32 [tilespmem:s30], [sflag:$0x5], $0x80, s20, s14, $0xb8;
	[tilespmem:$0x1AB80] =	vst v63  }
0x139: {  	_ = 	snop  }
0x13a: {  	[spmem:s3] =	stream.indirect.scatter.add.f32 [tilespmem:s15], [sflag:$0x5], $0x10, s20, s14, $0xb8;
	[tilespmem:$0x1AB80] =	vst v63  }
0x13b: {  	_ = 	snop  }
0x13c: {  	[spmem:s1] =	stream.indirect.scatter.add.f32 [tilespmem:s22], [sflag:$0x5], $0x80, s23, s14, $0xb8;
	[tilespmem:$0x1AB80] =	vst v63  }
0x13d: {  	_ = 	snop  }
0x13e: {  	[spmem:s3] =	stream.indirect.scatter.add.f32 [tilespmem:s15], [sflag:$0x5], $0x10, s23, s14, $0xb8;
	[tilespmem:$0x1AB80] =	vst v63  }
0x13f: {  	s10 =	rddreg [dreg:$0x8]  }
0x140: {  	[tilespmem:s26], [sflag:$0x2] =	stream.linear.gather [hbm4b:s10+s4], $0xC800, $0x38;
	[tilespmem:$0x1AB80] =	vst v63  }
0x141: {  	s5 =	rddreg [dreg:$0x9]  }
0x142: {  	[tilespmem:s24], [sflag:$0x4] =	stream.linear.gather [hbm4b:s5+s4], $0x1A0, $0x38;
	[tilespmem:$0x1AB80] =	vst v63  }
0x143: {  	_ =	swait.ge [sflag:s25], $0xC800  }
0x144: {  	[sflag:s25] =	ssyncset.done $0x0  }
0x145: {  	[sflag:s25] =	ssyncadd.s32 $0xFFFF3800  }
0x146: {  	_ =	swait.ge [sflag:s11], $0x1A0  }
0x147: {  	[sflag:s11] =	ssyncset.done $0x0  }
0x148: {  	[sflag:s11] =	ssyncadd.s32 $0xFFFFFE60  }
0x149: {  	[spmem:s1] =	stream.indirect.scatter.add.f32 [tilespmem:s26], [sflag:$0x6], $0x80, s24, s14, $0xb8;
	[tilespmem:$0x1AB80] =	vst v63  }
0x14a: {  	_ = 	snop  }
0x14b: {  	[spmem:s3] =	stream.indirect.scatter.add.f32 [tilespmem:s15], [sflag:$0x6], $0x10, s24, s14, $0xb8;
	[tilespmem:$0x1AB80] =	vst v63  }
0x14c: {  	_ = 	snop  }
0x14d: {  	[spmem:s1] =	stream.indirect.scatter.add.f32 [tilespmem:s21], [sflag:$0x6], $0x80, s29, s14, $0xb8;
	[tilespmem:$0x1AB80] =	vst v63  }
0x14e: {  	_ = 	snop  }
0x14f: {  	[spmem:s3] =	stream.indirect.scatter.add.f32 [tilespmem:s15], [sflag:$0x6], $0x10, s29, s14, $0xb8;
	[tilespmem:$0x1AB80] =	vst v63  }
0x150: {  	_ = 	snop  }
0x151: {  	[spmem:s1] =	stream.indirect.scatter.add.f32 [tilespmem:s16], [sflag:$0x6], $0x80, s31, s14, $0xb8;
	[tilespmem:$0x1AB80] =	vst v63  }
0x152: {  	_ = 	snop  }
0x153: {  	[spmem:s3] =	stream.indirect.scatter.add.f32 [tilespmem:s15], [sflag:$0x6], $0x10, s31, s14, $0xb8;
	[tilespmem:$0x1AB80] =	vst v63  }
0x154: {  	s5 =	simm.s32 $0x15E00  }
0x155: {  	[spmem:s1] =	stream.indirect.scatter.add.f32 [tilespmem:s5], [sflag:$0x6], $0x80, s19, s14, $0xb8;
	[tilespmem:$0x1AB80] =	vst v63  }
0x156: {  	_ = 	snop  }
0x157: {  	[spmem:s3] =	stream.indirect.scatter.add.f32 [tilespmem:s15], [sflag:$0x6], $0x10, s19, s14, $0xb8;
	[tilespmem:$0x1AB80] =	vst v63  }
0x158: {  	_ =	swait.ge [sflag:s2], $0x3200  }
0x159: {  	[sflag:s2] =	ssyncset.done $0x0  }
0x15a: {  	[sflag:s2] =	ssyncadd.s32 $0xFFFFCE00  }
0x15b: {  	_ =	swait.ge [sflag:s2], $0x640  }
0x15c: {  	[sflag:s2] =	ssyncset.done $0x0  }
0x15d: {  	[sflag:s2] =	ssyncadd.s32 $0xFFFFF9C0  }
0x15e: {  	_ =	swait.ge [sflag:s2], $0x3200  }
0x15f: {  	[sflag:s2] =	ssyncset.done $0x0  }
0x160: {  	[sflag:s2] =	ssyncadd.s32 $0xFFFFCE00  }
0x161: {  	_ =	swait.ge [sflag:s2], $0x640  }
0x162: {  	[sflag:s2] =	ssyncset.done $0x0  }
0x163: {  	[sflag:s2] =	ssyncadd.s32 $0xFFFFF9C0  }
0x164: {  	_ =	swait.ge [sflag:s2], $0x3200  }
0x165: {  	[sflag:s2] =	ssyncset.done $0x0  }
0x166: {  	[sflag:s2] =	ssyncadd.s32 $0xFFFFCE00  }
0x167: {  	_ =	swait.ge [sflag:s2], $0x640  }
0x168: {  	[sflag:s2] =	ssyncset.done $0x0  }
0x169: {  	[sflag:s2] =	ssyncadd.s32 $0xFFFFF9C0  }
0x16a: {  	_ =	swait.ge [sflag:s2], $0x3200  }
0x16b: {  	[sflag:s2] =	ssyncset.done $0x0  }
0x16c: {  	[sflag:s2] =	ssyncadd.s32 $0xFFFFCE00  }
0x16d: {  	_ =	swait.ge [sflag:s2], $0x640  }
0x16e: {  	[sflag:s2] =	ssyncset.done $0x0  }
0x16f: {  	s10 =	rddreg [dreg:$0xa];
	[sflag:s2] =	ssyncadd.s32 $0xFFFFF9C0  }
0x170: {  	[tilespmem:s4], [sflag:$0x1] =	stream.linear.gather [hbm4b:s10+s4], $0xC800, $0x38;
	[tilespmem:$0x1AB80] =	vst v63  }
0x171: {  	s28 =	rddreg [dreg:$0xb]  }
0x172: {  	[tilespmem:s17], [sflag:$0x3] =	stream.linear.gather [hbm4b:s28+s4], $0x1A0, $0x38;
	[tilespmem:$0x1AB80] =	vst v63  }
0x173: {  	_ =	swait.ge [sflag:s12], $0xC800  }
0x174: {  	[sflag:s12] =	ssyncset.done $0x0  }
0x175: {  	[sflag:s12] =	ssyncadd.s32 $0xFFFF3800  }
0x176: {  	_ =	swait.ge [sflag:s13], $0x1A0  }
0x177: {  	[sflag:s13] =	ssyncset.done $0x0  }
0x178: {  	[sflag:s13] =	ssyncadd.s32 $0xFFFFFE60  }
0x179: {  	[spmem:s1] =	stream.indirect.scatter.add.f32 [tilespmem:s4], [sflag:$0x5], $0x80, s17, s14, $0xb8;
	[tilespmem:$0x1AB80] =	vst v63  }
0x17a: {  	_ = 	snop  }
0x17b: {  	[spmem:s3] =	stream.indirect.scatter.add.f32 [tilespmem:s15], [sflag:$0x5], $0x10, s17, s14, $0xb8;
	[tilespmem:$0x1AB80] =	vst v63  }
0x17c: {  	_ = 	snop  }
0x17d: {  	[spmem:s1] =	stream.indirect.scatter.add.f32 [tilespmem:s0], [sflag:$0x5], $0x80, s18, s14, $0xb8;
	[tilespmem:$0x1AB80] =	vst v63  }
0x17e: {  	_ = 	snop  }
0x17f: {  	[spmem:s3] =	stream.indirect.scatter.add.f32 [tilespmem:s15], [sflag:$0x5], $0x10, s18, s14, $0xb8;
	[tilespmem:$0x1AB80] =	vst v63  }
0x180: {  	_ = 	snop  }
0x181: {  	[spmem:s1] =	stream.indirect.scatter.add.f32 [tilespmem:s30], [sflag:$0x5], $0x80, s20, s14, $0xb8;
	[tilespmem:$0x1AB80] =	vst v63  }
0x182: {  	_ = 	snop  }
0x183: {  	[spmem:s3] =	stream.indirect.scatter.add.f32 [tilespmem:s15], [sflag:$0x5], $0x10, s20, s14, $0xb8;
	[tilespmem:$0x1AB80] =	vst v63  }
0x184: {  	_ = 	snop  }
0x185: {  	[spmem:s1] =	stream.indirect.scatter.add.f32 [tilespmem:s22], [sflag:$0x5], $0x80, s23, s14, $0xb8;
	[tilespmem:$0x1AB80] =	vst v63  }
0x186: {  	_ = 	snop  }
0x187: {  	[spmem:s3] =	stream.indirect.scatter.add.f32 [tilespmem:s15], [sflag:$0x5], $0x10, s23, s14, $0xb8;
	[tilespmem:$0x1AB80] =	vst v63  }
0x188: {  	_ =	swait.ge [sflag:s8], $0x3200  }
0x189: {  	[sflag:s8] =	ssyncset.done $0x0  }
0x18a: {  	[sflag:s8] =	ssyncadd.s32 $0xFFFFCE00  }
0x18b: {  	_ =	swait.ge [sflag:s8], $0x640  }
0x18c: {  	[sflag:s8] =	ssyncset.done $0x0  }
0x18d: {  	[sflag:s8] =	ssyncadd.s32 $0xFFFFF9C0  }
0x18e: {  	_ =	swait.ge [sflag:s8], $0x3200  }
0x18f: {  	[sflag:s8] =	ssyncset.done $0x0  }
0x190: {  	[sflag:s8] =	ssyncadd.s32 $0xFFFFCE00  }
0x191: {  	_ =	swait.ge [sflag:s8], $0x640  }
0x192: {  	[sflag:s8] =	ssyncset.done $0x0  }
0x193: {  	[sflag:s8] =	ssyncadd.s32 $0xFFFFF9C0  }
0x194: {  	_ =	swait.ge [sflag:s8], $0x3200  }
0x195: {  	[sflag:s8] =	ssyncset.done $0x0  }
0x196: {  	[sflag:s8] =	ssyncadd.s32 $0xFFFFCE00  }
0x197: {  	_ =	swait.ge [sflag:s8], $0x640  }
0x198: {  	[sflag:s8] =	ssyncset.done $0x0  }
0x199: {  	[sflag:s8] =	ssyncadd.s32 $0xFFFFF9C0  }
0x19a: {  	_ =	swait.ge [sflag:s8], $0x3200  }
0x19b: {  	[sflag:s8] =	ssyncset.done $0x0  }
0x19c: {  	[sflag:s8] =	ssyncadd.s32 $0xFFFFCE00  }
0x19d: {  	_ =	swait.ge [sflag:s8], $0x640  }
0x19e: {  	[sflag:s8] =	ssyncset.done $0x0  }
0x19f: {  	s10 =	rddreg [dreg:$0xc];
	[sflag:s8] =	ssyncadd.s32 $0xFFFFF9C0  }
0x1a0: {  	[tilespmem:s26], [sflag:$0x2] =	stream.linear.gather [hbm4b:s10+s4], $0xC800, $0x38;
	[tilespmem:$0x1AB80] =	vst v63  }
0x1a1: {  	s28 =	rddreg [dreg:$0xd]  }
0x1a2: {  	[tilespmem:s24], [sflag:$0x4] =	stream.linear.gather [hbm4b:s28+s4], $0x1A0, $0x38;
	[tilespmem:$0x1AB80] =	vst v63  }
0x1a3: {  	_ =	swait.ge [sflag:s25], $0xC800  }
0x1a4: {  	[sflag:s25] =	ssyncset.done $0x0  }
0x1a5: {  	[sflag:s25] =	ssyncadd.s32 $0xFFFF3800  }
0x1a6: {  	_ =	swait.ge [sflag:s11], $0x1A0  }
0x1a7: {  	[sflag:s11] =	ssyncset.done $0x0  }
0x1a8: {  	[sflag:s11] =	ssyncadd.s32 $0xFFFFFE60  }
0x1a9: {  	[spmem:s1] =	stream.indirect.scatter.add.f32 [tilespmem:s26], [sflag:$0x6], $0x80, s24, s14, $0xb8;
	[tilespmem:$0x1AB80] =	vst v63  }
0x1aa: {  	_ = 	snop  }
0x1ab: {  	[spmem:s3] =	stream.indirect.scatter.add.f32 [tilespmem:s15], [sflag:$0x6], $0x10, s24, s14, $0xb8;
	[tilespmem:$0x1AB80] =	vst v63  }
0x1ac: {  	_ = 	snop  }
0x1ad: {  	[spmem:s1] =	stream.indirect.scatter.add.f32 [tilespmem:s21], [sflag:$0x6], $0x80, s29, s14, $0xb8;
	[tilespmem:$0x1AB80] =	vst v63  }
0x1ae: {  	_ = 	snop  }
0x1af: {  	[spmem:s3] =	stream.indirect.scatter.add.f32 [tilespmem:s15], [sflag:$0x6], $0x10, s29, s14, $0xb8;
	[tilespmem:$0x1AB80] =	vst v63  }
0x1b0: {  	_ = 	snop  }
0x1b1: {  	[spmem:s1] =	stream.indirect.scatter.add.f32 [tilespmem:s16], [sflag:$0x6], $0x80, s31, s14, $0xb8;
	[tilespmem:$0x1AB80] =	vst v63  }
0x1b2: {  	_ = 	snop  }
0x1b3: {  	[spmem:s3] =	stream.indirect.scatter.add.f32 [tilespmem:s15], [sflag:$0x6], $0x10, s31, s14, $0xb8;
	[tilespmem:$0x1AB80] =	vst v63  }
0x1b4: {  	_ = 	snop  }
0x1b5: {  	[spmem:s1] =	stream.indirect.scatter.add.f32 [tilespmem:s5], [sflag:$0x6], $0x80, s19, s14, $0xb8;
	[tilespmem:$0x1AB80] =	vst v63  }
0x1b6: {  	_ = 	snop  }
0x1b7: {  	[spmem:s3] =	stream.indirect.scatter.add.f32 [tilespmem:s15], [sflag:$0x6], $0x10, s19, s14, $0xb8;
	[tilespmem:$0x1AB80] =	vst v63  }
0x1b8: {  	_ =	swait.ge [sflag:s2], $0x3200  }
0x1b9: {  	[sflag:s2] =	ssyncset.done $0x0  }
0x1ba: {  	[sflag:s2] =	ssyncadd.s32 $0xFFFFCE00  }
0x1bb: {  	_ =	swait.ge [sflag:s2], $0x640  }
0x1bc: {  	[sflag:s2] =	ssyncset.done $0x0  }
0x1bd: {  	[sflag:s2] =	ssyncadd.s32 $0xFFFFF9C0  }
0x1be: {  	_ =	swait.ge [sflag:s2], $0x3200  }
0x1bf: {  	[sflag:s2] =	ssyncset.done $0x0  }
0x1c0: {  	[sflag:s2] =	ssyncadd.s32 $0xFFFFCE00  }
0x1c1: {  	_ =	swait.ge [sflag:s2], $0x640  }
0x1c2: {  	[sflag:s2] =	ssyncset.done $0x0  }
0x1c3: {  	[sflag:s2] =	ssyncadd.s32 $0xFFFFF9C0  }
0x1c4: {  	_ =	swait.ge [sflag:s2], $0x3200  }
0x1c5: {  	[sflag:s2] =	ssyncset.done $0x0  }
0x1c6: {  	[sflag:s2] =	ssyncadd.s32 $0xFFFFCE00  }
0x1c7: {  	_ =	swait.ge [sflag:s2], $0x640  }
0x1c8: {  	[sflag:s2] =	ssyncset.done $0x0  }
0x1c9: {  	[sflag:s2] =	ssyncadd.s32 $0xFFFFF9C0  }
0x1ca: {  	_ =	swait.ge [sflag:s2], $0x3200  }
0x1cb: {  	[sflag:s2] =	ssyncset.done $0x0  }
0x1cc: {  	[sflag:s2] =	ssyncadd.s32 $0xFFFFCE00  }
0x1cd: {  	_ =	swait.ge [sflag:s2], $0x640  }
0x1ce: {  	[sflag:s2] =	ssyncset.done $0x0  }
0x1cf: {  	s10 =	rddreg [dreg:$0xe];
	[sflag:s2] =	ssyncadd.s32 $0xFFFFF9C0  }
0x1d0: {  	[tilespmem:s4], [sflag:$0x1] =	stream.linear.gather [hbm4b:s10+s4], $0xC800, $0x38;
	[tilespmem:$0x1AB80] =	vst v63  }
0x1d1: {  	s28 =	rddreg [dreg:$0xf]  }
0x1d2: {  	[tilespmem:s17], [sflag:$0x3] =	stream.linear.gather [hbm4b:s28+s4], $0x1A0, $0x38;
	[tilespmem:$0x1AB80] =	vst v63  }
0x1d3: {  	_ =	swait.ge [sflag:s12], $0xC800  }
0x1d4: {  	[sflag:s12] =	ssyncset.done $0x0  }
0x1d5: {  	[sflag:s12] =	ssyncadd.s32 $0xFFFF3800  }
0x1d6: {  	_ =	swait.ge [sflag:s13], $0x1A0  }
0x1d7: {  	[sflag:s13] =	ssyncset.done $0x0  }
0x1d8: {  	[sflag:s13] =	ssyncadd.s32 $0xFFFFFE60  }
0x1d9: {  	[spmem:s1] =	stream.indirect.scatter.add.f32 [tilespmem:s4], [sflag:$0x5], $0x80, s17, s14, $0xb8;
	[tilespmem:$0x1AB80] =	vst v63  }
0x1da: {  	_ = 	snop  }
0x1db: {  	[spmem:s3] =	stream.indirect.scatter.add.f32 [tilespmem:s15], [sflag:$0x5], $0x10, s17, s14, $0xb8;
	[tilespmem:$0x1AB80] =	vst v63  }
0x1dc: {  	_ = 	snop  }
0x1dd: {  	[spmem:s1] =	stream.indirect.scatter.add.f32 [tilespmem:s0], [sflag:$0x5], $0x80, s18, s14, $0xb8;
	[tilespmem:$0x1AB80] =	vst v63  }
0x1de: {  	_ = 	snop  }
0x1df: {  	[spmem:s3] =	stream.indirect.scatter.add.f32 [tilespmem:s15], [sflag:$0x5], $0x10, s18, s14, $0xb8;
	[tilespmem:$0x1AB80] =	vst v63  }
0x1e0: {  	_ = 	snop  }
0x1e1: {  	[spmem:s1] =	stream.indirect.scatter.add.f32 [tilespmem:s30], [sflag:$0x5], $0x80, s20, s14, $0xb8;
	[tilespmem:$0x1AB80] =	vst v63  }
0x1e2: {  	_ = 	snop  }
0x1e3: {  	[spmem:s3] =	stream.indirect.scatter.add.f32 [tilespmem:s15], [sflag:$0x5], $0x10, s20, s14, $0xb8;
	[tilespmem:$0x1AB80] =	vst v63  }
0x1e4: {  	_ = 	snop  }
0x1e5: {  	[spmem:s1] =	stream.indirect.scatter.add.f32 [tilespmem:s22], [sflag:$0x5], $0x80, s23, s14, $0xb8;
	[tilespmem:$0x1AB80] =	vst v63  }
0x1e6: {  	_ = 	snop  }
0x1e7: {  	[spmem:s3] =	stream.indirect.scatter.add.f32 [tilespmem:s15], [sflag:$0x5], $0x10, s23, s14, $0xb8;
	[tilespmem:$0x1AB80] =	vst v63  }
0x1e8: {  	_ =	swait.ge [sflag:s8], $0x3200  }
0x1e9: {  	[sflag:s8] =	ssyncset.done $0x0  }
0x1ea: {  	[sflag:s8] =	ssyncadd.s32 $0xFFFFCE00  }
0x1eb: {  	_ =	swait.ge [sflag:s8], $0x640  }
0x1ec: {  	[sflag:s8] =	ssyncset.done $0x0  }
0x1ed: {  	[sflag:s8] =	ssyncadd.s32 $0xFFFFF9C0  }
0x1ee: {  	_ =	swait.ge [sflag:s8], $0x3200  }
0x1ef: {  	[sflag:s8] =	ssyncset.done $0x0  }
0x1f0: {  	[sflag:s8] =	ssyncadd.s32 $0xFFFFCE00  }
0x1f1: {  	_ =	swait.ge [sflag:s8], $0x640  }
0x1f2: {  	[sflag:s8] =	ssyncset.done $0x0  }
0x1f3: {  	[sflag:s8] =	ssyncadd.s32 $0xFFFFF9C0  }
0x1f4: {  	_ =	swait.ge [sflag:s8], $0x3200  }
0x1f5: {  	[sflag:s8] =	ssyncset.done $0x0  }
0x1f6: {  	[sflag:s8] =	ssyncadd.s32 $0xFFFFCE00  }
0x1f7: {  	_ =	swait.ge [sflag:s8], $0x640  }
0x1f8: {  	[sflag:s8] =	ssyncset.done $0x0  }
0x1f9: {  	[sflag:s8] =	ssyncadd.s32 $0xFFFFF9C0  }
0x1fa: {  	_ =	swait.ge [sflag:s8], $0x3200  }
0x1fb: {  	[sflag:s8] =	ssyncset.done $0x0  }
0x1fc: {  	[sflag:s8] =	ssyncadd.s32 $0xFFFFCE00  }
0x1fd: {  	_ =	swait.ge [sflag:s8], $0x640  }
0x1fe: {  	[sflag:s8] =	ssyncset.done $0x0  }
0x1ff: {  	s10 =	rddreg [dreg:$0x10];
	[sflag:s8] =	ssyncadd.s32 $0xFFFFF9C0  }
0x200: {  	[tilespmem:s26], [sflag:$0x2] =	stream.linear.gather [hbm4b:s10+s4], $0xC800, $0x38;
	[tilespmem:$0x1AB80] =	vst v63  }
0x201: {  	s28 =	rddreg [dreg:$0x11]  }
0x202: {  	[tilespmem:s24], [sflag:$0x4] =	stream.linear.gather [hbm4b:s28+s4], $0x1A0, $0x38;
	[tilespmem:$0x1AB80] =	vst v63  }
0x203: {  	_ =	swait.ge [sflag:s25], $0xC800  }
0x204: {  	[sflag:s25] =	ssyncset.done $0x0  }
0x205: {  	[sflag:s25] =	ssyncadd.s32 $0xFFFF3800  }
0x206: {  	_ =	swait.ge [sflag:s11], $0x1A0  }
0x207: {  	[sflag:s11] =	ssyncset.done $0x0  }
0x208: {  	[sflag:s11] =	ssyncadd.s32 $0xFFFFFE60  }
0x209: {  	[spmem:s1] =	stream.indirect.scatter.add.f32 [tilespmem:s26], [sflag:$0x6], $0x80, s24, s14, $0xb8;
	[tilespmem:$0x1AB80] =	vst v63  }
0x20a: {  	_ = 	snop  }
0x20b: {  	[spmem:s3] =	stream.indirect.scatter.add.f32 [tilespmem:s15], [sflag:$0x6], $0x10, s24, s14, $0xb8;
	[tilespmem:$0x1AB80] =	vst v63  }
0x20c: {  	_ = 	snop  }
0x20d: {  	[spmem:s1] =	stream.indirect.scatter.add.f32 [tilespmem:s21], [sflag:$0x6], $0x80, s29, s14, $0xb8;
	[tilespmem:$0x1AB80] =	vst v63  }
0x20e: {  	_ = 	snop  }
0x20f: {  	[spmem:s3] =	stream.indirect.scatter.add.f32 [tilespmem:s15], [sflag:$0x6], $0x10, s29, s14, $0xb8;
	[tilespmem:$0x1AB80] =	vst v63  }
0x210: {  	_ = 	snop  }
0x211: {  	[spmem:s1] =	stream.indirect.scatter.add.f32 [tilespmem:s16], [sflag:$0x6], $0x80, s31, s14, $0xb8;
	[tilespmem:$0x1AB80] =	vst v63  }
0x212: {  	_ = 	snop  }
0x213: {  	[spmem:s3] =	stream.indirect.scatter.add.f32 [tilespmem:s15], [sflag:$0x6], $0x10, s31, s14, $0xb8;
	[tilespmem:$0x1AB80] =	vst v63  }
0x214: {  	_ = 	snop  }
0x215: {  	[spmem:s1] =	stream.indirect.scatter.add.f32 [tilespmem:s5], [sflag:$0x6], $0x80, s19, s14, $0xb8;
	[tilespmem:$0x1AB80] =	vst v63  }
0x216: {  	_ = 	snop  }
0x217: {  	[spmem:s3] =	stream.indirect.scatter.add.f32 [tilespmem:s15], [sflag:$0x6], $0x10, s19, s14, $0xb8;
	[tilespmem:$0x1AB80] =	vst v63  }
0x218: {  	_ =	swait.ge [sflag:s2], $0x3200  }
0x219: {  	[sflag:s2] =	ssyncset.done $0x0  }
0x21a: {  	[sflag:s2] =	ssyncadd.s32 $0xFFFFCE00  }
0x21b: {  	_ =	swait.ge [sflag:s2], $0x640  }
0x21c: {  	[sflag:s2] =	ssyncset.done $0x0  }
0x21d: {  	[sflag:s2] =	ssyncadd.s32 $0xFFFFF9C0  }
0x21e: {  	_ =	swait.ge [sflag:s2], $0x3200  }
0x21f: {  	[sflag:s2] =	ssyncset.done $0x0  }
0x220: {  	[sflag:s2] =	ssyncadd.s32 $0xFFFFCE00  }
0x221: {  	_ =	swait.ge [sflag:s2], $0x640  }
0x222: {  	[sflag:s2] =	ssyncset.done $0x0  }
0x223: {  	[sflag:s2] =	ssyncadd.s32 $0xFFFFF9C0  }
0x224: {  	_ =	swait.ge [sflag:s2], $0x3200  }
0x225: {  	[sflag:s2] =	ssyncset.done $0x0  }
0x226: {  	[sflag:s2] =	ssyncadd.s32 $0xFFFFCE00  }
0x227: {  	_ =	swait.ge [sflag:s2], $0x640  }
0x228: {  	[sflag:s2] =	ssyncset.done $0x0  }
0x229: {  	[sflag:s2] =	ssyncadd.s32 $0xFFFFF9C0  }
0x22a: {  	_ =	swait.ge [sflag:s2], $0x3200  }
0x22b: {  	[sflag:s2] =	ssyncset.done $0x0  }
0x22c: {  	[sflag:s2] =	ssyncadd.s32 $0xFFFFCE00  }
0x22d: {  	_ =	swait.ge [sflag:s2], $0x640  }
0x22e: {  	[sflag:s2] =	ssyncset.done $0x0  }
0x22f: {  	s10 =	rddreg [dreg:$0x12];
	[sflag:s2] =	ssyncadd.s32 $0xFFFFF9C0  }
0x230: {  	[tilespmem:s4], [sflag:$0x1] =	stream.linear.gather [hbm4b:s10+s4], $0xC800, $0x38;
	[tilespmem:$0x1AB80] =	vst v63  }
0x231: {  	s5 =	rddreg [dreg:$0x13]  }
0x232: {  	[tilespmem:s17], [sflag:$0x3] =	stream.linear.gather [hbm4b:s5+s4], $0x1A0, $0x38;
	[tilespmem:$0x1AB80] =	vst v63  }
0x233: {  	_ =	swait.ge [sflag:s12], $0xC800  }
0x234: {  	[sflag:s12] =	ssyncset.done $0x0  }
0x235: {  	[sflag:s12] =	ssyncadd.s32 $0xFFFF3800  }
0x236: {  	_ =	swait.ge [sflag:s13], $0x1A0  }
0x237: {  	[sflag:s13] =	ssyncset.done $0x0  }
0x238: {  	[sflag:s13] =	ssyncadd.s32 $0xFFFFFE60  }
0x239: {  	[spmem:s1] =	stream.indirect.scatter.add.f32 [tilespmem:s4], [sflag:$0x5], $0x80, s17, s14, $0xb8;
	[tilespmem:$0x1AB80] =	vst v63  }
0x23a: {  	_ = 	snop  }
0x23b: {  	[spmem:s3] =	stream.indirect.scatter.add.f32 [tilespmem:s15], [sflag:$0x5], $0x10, s17, s14, $0xb8;
	[tilespmem:$0x1AB80] =	vst v63  }
0x23c: {  	_ = 	snop  }
0x23d: {  	[spmem:s1] =	stream.indirect.scatter.add.f32 [tilespmem:s0], [sflag:$0x5], $0x80, s18, s14, $0xb8;
	[tilespmem:$0x1AB80] =	vst v63  }
0x23e: {  	_ = 	snop  }
0x23f: {  	[spmem:s3] =	stream.indirect.scatter.add.f32 [tilespmem:s15], [sflag:$0x5], $0x10, s18, s14, $0xb8;
	[tilespmem:$0x1AB80] =	vst v63  }
0x240: {  	_ = 	snop  }
0x241: {  	[spmem:s1] =	stream.indirect.scatter.add.f32 [tilespmem:s30], [sflag:$0x5], $0x80, s20, s14, $0xb8;
	[tilespmem:$0x1AB80] =	vst v63  }
0x242: {  	_ = 	snop  }
0x243: {  	[spmem:s3] =	stream.indirect.scatter.add.f32 [tilespmem:s15], [sflag:$0x5], $0x10, s20, s14, $0xb8;
	[tilespmem:$0x1AB80] =	vst v63  }
0x244: {  	_ = 	snop  }
0x245: {  	[spmem:s1] =	stream.indirect.scatter.add.f32 [tilespmem:s22], [sflag:$0x5], $0x80, s23, s14, $0xb8;
	[tilespmem:$0x1AB80] =	vst v63  }
0x246: {  	_ = 	snop  }
0x247: {  	[spmem:s3] =	stream.indirect.scatter.add.f32 [tilespmem:s15], [sflag:$0x5], $0x10, s23, s14, $0xb8;
	[tilespmem:$0x1AB80] =	vst v63  }
0x248: {  	_ =	swait.ge [sflag:s8], $0x3200  }
0x249: {  	[sflag:s8] =	ssyncset.done $0x0  }
0x24a: {  	[sflag:s8] =	ssyncadd.s32 $0xFFFFCE00  }
0x24b: {  	_ =	swait.ge [sflag:s8], $0x640  }
0x24c: {  	[sflag:s8] =	ssyncset.done $0x0  }
0x24d: {  	[sflag:s8] =	ssyncadd.s32 $0xFFFFF9C0  }
0x24e: {  	_ =	swait.ge [sflag:s8], $0x3200  }
0x24f: {  	[sflag:s8] =	ssyncset.done $0x0  }
0x250: {  	[sflag:s8] =	ssyncadd.s32 $0xFFFFCE00  }
0x251: {  	_ =	swait.ge [sflag:s8], $0x640  }
0x252: {  	[sflag:s8] =	ssyncset.done $0x0  }
0x253: {  	[sflag:s8] =	ssyncadd.s32 $0xFFFFF9C0  }
0x254: {  	_ =	swait.ge [sflag:s8], $0x3200  }
0x255: {  	[sflag:s8] =	ssyncset.done $0x0  }
0x256: {  	[sflag:s8] =	ssyncadd.s32 $0xFFFFCE00  }
0x257: {  	_ =	swait.ge [sflag:s8], $0x640  }
0x258: {  	[sflag:s8] =	ssyncset.done $0x0  }
0x259: {  	[sflag:s8] =	ssyncadd.s32 $0xFFFFF9C0  }
0x25a: {  	_ =	swait.ge [sflag:s8], $0x3200  }
0x25b: {  	[sflag:s8] =	ssyncset.done $0x0  }
0x25c: {  	[sflag:s8] =	ssyncadd.s32 $0xFFFFCE00  }
0x25d: {  	_ =	swait.ge [sflag:s8], $0x640  }
0x25e: {  	s28 =	simm.s32 @!p0 $0x0;
	[sflag:s8] =	ssyncset.done $0x0  }
0x25f: {  	s30 =	simm.s32 @!p0 $0xC800;
	s10 =	rddreg [dreg:$0x14];
	[sflag:s8] =	ssyncadd.s32 $0xFFFFF9C0  }
0x260: {  	[tilespmem:s30], [sflag:$0x2] =	stream.linear.gather @!p0 [hbm4b:s10+s28], $0xC800, $0x38;
	[tilespmem:$0x1AB80] =	vst v63  }
0x261: {  	s0 =	rddreg [dreg:$0x15];
	s10 =	simm.s32 @!p0 $0x191A0  }
0x262: {  	[tilespmem:s10], [sflag:$0x4] =	stream.linear.gather @!p0 [hbm4b:s0+s28], $0x1A0, $0x38;
	[tilespmem:$0x1AB80] =	vst v63  }
0x263: {  	s0 =	simm.s32 @!p0 $0x2  }
0x264: {  	_ =	swait.ge @!p0 [sflag:s0], $0xC800  }
0x265: {  	[sflag:s0] =	ssyncset.done @!p0 $0x0  }
0x266: {  	[sflag:s0] =	ssyncadd.s32 @!p0 $0xFFFF3800;
	s0 =	simm.s32 @!p0 $0x4  }
0x267: {  	_ =	swait.ge @!p0 [sflag:s0], $0x1A0  }
0x268: {  	[sflag:s0] =	ssyncset.done @!p0 $0x0  }
0x269: {  	[sflag:s0] =	ssyncadd.s32 @!p0 $0xFFFFFE60;
	s0 =	simm.s32 @!p0 $0x64  }
0x26a: {  	[spmem:s1] =	stream.indirect.scatter.add.f32 @!p0 [tilespmem:s30], [sflag:$0x6], $0x80, s10, s0, $0xb8;
	[tilespmem:$0x1AB80] =	vst v63  }
0x26b: {  	s28 =	simm.s32 @!p0 $0x19340  }
0x26c: {  	[spmem:s3] =	stream.indirect.scatter.add.f32 @!p0 [tilespmem:s28], [sflag:$0x6], $0x10, s10, s0, $0xb8;
	[tilespmem:$0x1AB80] =	vst v63  }
0x26d: {  	s30 =	simm.s32 @!p0 $0xFA00;
	s10 =	simm.s32 @!p0 $0x19208  }
0x26e: {  	[spmem:s1] =	stream.indirect.scatter.add.f32 @!p0 [tilespmem:s30], [sflag:$0x6], $0x80, s10, s0, $0xb8;
	[tilespmem:$0x1AB80] =	vst v63  }
0x26f: {  	_ = 	snop  }
0x270: {  	[spmem:s3] =	stream.indirect.scatter.add.f32 @!p0 [tilespmem:s28], [sflag:$0x6], $0x10, s10, s0, $0xb8;
	[tilespmem:$0x1AB80] =	vst v63  }
0x271: {  	s30 =	simm.s32 @!p0 $0x12C00;
	s10 =	simm.s32 @!p0 $0x19270  }
0x272: {  	[spmem:s1] =	stream.indirect.scatter.add.f32 @!p0 [tilespmem:s30], [sflag:$0x6], $0x80, s10, s0, $0xb8;
	[tilespmem:$0x1AB80] =	vst v63  }
0x273: {  	_ = 	snop  }
0x274: {  	[spmem:s3] =	stream.indirect.scatter.add.f32 @!p0 [tilespmem:s28], [sflag:$0x6], $0x10, s10, s0, $0xb8;
	[tilespmem:$0x1AB80] =	vst v63  }
0x275: {  	s30 =	simm.s32 @!p0 $0x15E00;
	s10 =	simm.s32 @!p0 $0x192D8  }
0x276: {  	[spmem:s1] =	stream.indirect.scatter.add.f32 @!p0 [tilespmem:s30], [sflag:$0x6], $0x80, s10, s0, $0xb8;
	[tilespmem:$0x1AB80] =	vst v63  }
0x277: {  	_ = 	snop  }
0x278: {  	[spmem:s3] =	stream.indirect.scatter.add.f32 @!p0 [tilespmem:s28], [sflag:$0x6], $0x10, s10, s0, $0xb8;
	[tilespmem:$0x1AB80] =	vst v63  }
0x279: {  	_ =	swait.ge [sflag:s2], $0x3200  }
0x27a: {  	[sflag:s2] =	ssyncset.done $0x0  }
0x27b: {  	[sflag:s2] =	ssyncadd.s32 $0xFFFFCE00  }
0x27c: {  	_ =	swait.ge [sflag:s2], $0x640  }
0x27d: {  	[sflag:s2] =	ssyncset.done $0x0  }
0x27e: {  	[sflag:s2] =	ssyncadd.s32 $0xFFFFF9C0  }
0x27f: {  	_ =	swait.ge [sflag:s2], $0x3200  }
0x280: {  	[sflag:s2] =	ssyncset.done $0x0  }
0x281: {  	[sflag:s2] =	ssyncadd.s32 $0xFFFFCE00  }
0x282: {  	_ =	swait.ge [sflag:s2], $0x640  }
0x283: {  	[sflag:s2] =	ssyncset.done $0x0  }
0x284: {  	[sflag:s2] =	ssyncadd.s32 $0xFFFFF9C0  }
0x285: {  	_ =	swait.ge [sflag:s2], $0x3200  }
0x286: {  	[sflag:s2] =	ssyncset.done $0x0  }
0x287: {  	[sflag:s2] =	ssyncadd.s32 $0xFFFFCE00  }
0x288: {  	_ =	swait.ge [sflag:s2], $0x640  }
0x289: {  	[sflag:s2] =	ssyncset.done $0x0  }
0x28a: {  	[sflag:s2] =	ssyncadd.s32 $0xFFFFF9C0  }
0x28b: {  	_ =	swait.ge [sflag:s2], $0x3200  }
0x28c: {  	[sflag:s2] =	ssyncset.done $0x0  }
0x28d: {  	[sflag:s2] =	ssyncadd.s32 $0xFFFFCE00  }
0x28e: {  	_ =	swait.ge [sflag:s2], $0x640  }
0x28f: {  	[sflag:s2] =	ssyncset.done $0x0  }
0x290: {  	s0 =	simm.s32 @!p0 $0x6;
	[sflag:s2] =	ssyncadd.s32 $0xFFFFF9C0  }
0x291: {  	_ =	swait.ge @!p0 [sflag:s0], $0x3200  }
0x292: {  	[sflag:s0] =	ssyncset.done @!p0 $0x0  }
0x293: {  	[sflag:s0] =	ssyncadd.s32 @!p0 $0xFFFFCE00  }
0x294: {  	_ =	swait.ge @!p0 [sflag:s0], $0x640  }
0x295: {  	[sflag:s0] =	ssyncset.done @!p0 $0x0  }
0x296: {  	[sflag:s0] =	ssyncadd.s32 @!p0 $0xFFFFF9C0  }
0x297: {  	_ =	swait.ge @!p0 [sflag:s0], $0x3200  }
0x298: {  	[sflag:s0] =	ssyncset.done @!p0 $0x0  }
0x299: {  	[sflag:s0] =	ssyncadd.s32 @!p0 $0xFFFFCE00  }
0x29a: {  	_ =	swait.ge @!p0 [sflag:s0], $0x640  }
0x29b: {  	[sflag:s0] =	ssyncset.done @!p0 $0x0  }
0x29c: {  	[sflag:s0] =	ssyncadd.s32 @!p0 $0xFFFFF9C0  }
0x29d: {  	_ =	swait.ge @!p0 [sflag:s0], $0x3200  }
0x29e: {  	[sflag:s0] =	ssyncset.done @!p0 $0x0  }
0x29f: {  	[sflag:s0] =	ssyncadd.s32 @!p0 $0xFFFFCE00  }
0x2a0: {  	_ =	swait.ge @!p0 [sflag:s0], $0x640  }
0x2a1: {  	[sflag:s0] =	ssyncset.done @!p0 $0x0  }
0x2a2: {  	[sflag:s0] =	ssyncadd.s32 @!p0 $0xFFFFF9C0  }
0x2a3: {  	_ =	swait.ge @!p0 [sflag:s0], $0x3200  }
0x2a4: {  	[sflag:s0] =	ssyncset.done @!p0 $0x0  }
0x2a5: {  	[sflag:s0] =	ssyncadd.s32 @!p0 $0xFFFFCE00  }
0x2a6: {  	_ =	swait.ge @!p0 [sflag:s0], $0x640  }
0x2a7: {  	[sflag:s0] =	ssyncset.done @!p0 $0x0  }
0x2a8: {  	[sflag:s0] =	ssyncadd.s32 @!p0 $0xFFFFF9C0  }
0x2a9: {  	s0 =	simm.s32 $0x19980;
	[bflag:$0x0] =	sbarrier.arrive $0xFFFF  }
0x2aa: {  	[tilespmem:s0], [sflag:$0x7] =	stream.linear.gather [spmem:s6], $0x800, $0x38;
	[tilespmem:$0x1AB80] =	vst v63  }
0x2ab: {  	_ =	swait.ge [sflag:s9], $0x800  }
0x2ac: {  	[sflag:s9] =	ssyncset.done $0x0  }
0x2ad: {  	s6 =	rddreg [dreg:$0x16];
	[sflag:s9] =	ssyncadd.s32 $0xFFFFF800  }
0x2ae: {  	[hbm4b:s6+s4] =	stream.linear.scatter [tilespmem:s0], [sflag:$0x7], $0x800, $0x38;
	[tilespmem:$0x1AB80] =	vst v63  }
0x2af: {  	_ =	swait.ge [sflag:s9], $0x800  }
0x2b0: {  	[sflag:s9] =	ssyncset.done $0x0  }
0x2b1: {  	s10 =	simm.s32 $0x1A180;
	s28 =	rddreg [dreg:$0x19];
	[sflag:s9] =	ssyncadd.s32 $0xFFFFF800  }
0x2b2: {  	[tilespmem:s10], [sflag:$0x7] =	stream.linear.gather [spmem:s28], $0x100, $0x38;
	[tilespmem:$0x1AB80] =	vst v63  }
0x2b3: {  	s7 =	sadd.s32 $0xFFFFFFFF, s7;
	_ =	swait.ge [sflag:s9], $0x100  }
0x2b4: {  	p1 =	sne.s32 s7, $0x0;
	[sflag:s9] =	ssyncset.done $0x0  }
.Ltmp0:
0x2b5: {  	s30 =	rddreg [dreg:$0x17];
	[sflag:s9] =	ssyncadd.s32 $0xFFFFFF00;
	(pc) =	sbr.rel @p1 .LBB2_1-.Ltmp0, $4  }
0x2b6: {  	[hbm4b:s30+s4] =	stream.linear.scatter [tilespmem:s10], [sflag:$0x7], $0x100, $0x38;
	[tilespmem:$0x1AB80] =	vst v63  }
0x2b7: {  	_ =	swait.ge [sflag:s9], $0x100  }
0x2b8: {  	[sflag:s9] =	ssyncset.done $0x0  }
0x2b9: {  	[sflag:s9] =	ssyncadd.s32 $0xFFFFFF00  }
0x2ba: {  	_ =	sfence.sel $0x180000  }
0x2bb: {  	[bflag:$0x0] =	sbarrier.arrive $0xFFFF  }
0x2bc: {  	_ =	strace $0x90000047  }
0x2bd: {  	s0 =	stileid.u32;
	[bflag:$0x2] =	sbarrier.arrive $0xFFFF  }
0x2be: {  	p0 =	sne.s32 s0, $0x0;
	s0 =	rddreg [dreg:$0x5]  }
0x2bf: {  	s0 =	sadd.s32 @!p0 $0x100000, s0  }
0x2c0: {  	[sflag:s0] =	ssyncadd.tile.s32 @!p0 $0x1;
	_ =	shalt  }
.Lfunc_end2:
_tile_overlayer_lowered:
.L_overlay_start_2:
0x2c1: {  	(tag) =	ssettag $0x2  }
0x2c2: {  	s0 =	rddreg [dreg:$0x0];
	s2 =	stileid.u32  }
0x2c3: {  	s1 =	rddreg [dreg:$0x1];
	p0 =	sne.s32 s2, $0x0  }
0x2c4: {  	s3 =	rddreg [dreg:$0x2];
	[bflag:$0x3] =	sbarrier.arrive $0xFFFF;
	s2 =	simm.s32 @!p0 $0x1C07  }
0x2c5: {  	[timem:s3], [sflag:s2] =	dma.local @!p0 [hbm:s0], s1  }
0x2c6: {  	s0 =	simm.s32 @!p0 $0x7  }
0x2c7: {  	_ =	swait.ge @!p0 [sflag:s0], s1  }
0x2c8: {  	s1 =	ssub.s32 @!p0 $0x0, s1;
	[sflag:s0] =	ssyncset.done @!p0 $0x0  }
0x2c9: {  	[sflag:s0] =	ssyncadd.s32 @!p0 s1  }
0x2ca: {  	[bflag:$0x3] =	sbarrier.arrive $0xFFFF  }
0x2cb: {  	_ =	shalt  }

</sc_bundles>
